<compile_context>
chip_gen: v7x
topology: tpu7x:2x2x1
jax: 0.10.2.dev20260603
libtpu: 0.0.44.dev20260713+nightly
codegen_flags: <defaults>
</compile_context>

<pallas_src>
import functools

import jax
import jax.numpy as jnp
from jax import lax
from jax.experimental import pallas as pl
from jax.experimental.pallas import tpu as pltpu
from jax.experimental.pallas import tpu_sc as plsc

NEG = 0.01
NC = 2
NS = 16
BN = 400
K = 128



def _sc_degree(col, n_nodes):
    e = col.shape[0]
    epc = e // NC
    ept = epc // NS
    nch = ept // K
    tail = ept - nch * K
    strip = (-(-n_nodes // NS) + 7) // 8 * 8
    mesh = plsc.VectorSubcoreMesh(core_axis_name="c", subcore_axis_name="s",
                                  num_cores=NC, num_subcores=NS)

    assert nch % 2 == 0 and nch >= 4

    @functools.partial(
        pl.kernel,
        out_type=jax.ShapeDtypeStruct((NC * n_nodes, 128), jnp.float32),
        mesh=mesh,
        scratch_types=[
            pltpu.VMEM((K,), jnp.int32), pltpu.VMEM((K,), jnp.int32),
            pltpu.VMEM((tail,), jnp.int32),
            pltpu.VMEM((K, 128), jnp.float32),
            pltpu.MemorySpace.VMEM_SHARED((n_nodes, 128), jnp.float32),
            pltpu.SemaphoreType.DMA, pltpu.SemaphoreType.DMA,
            pltpu.SemaphoreType.DMA, pltpu.SemaphoreType.DMA,
            pltpu.SemaphoreType.DMA,
        ],
    )
    def deg_kernel(col_hbm, ones_hbm, z_hbm, out_hbm,
                   cidx0, cidx1, cidx_t, ones_v, acc,
                   cs0, cs1, ss0, ss1, sem_t):
        c = lax.axis_index("c")
        s = lax.axis_index("s")
        cidx = (cidx0, cidx1)
        cs = (cs0, cs1)
        ss = (ss0, ss1)
        ro = jnp.minimum(s * strip, n_nodes - strip)
        base0 = c * epc + s * ept

        def start_idx(k, b):
            pltpu.async_copy(col_hbm.at[pl.ds(base0 + k * K, K)], cidx[b], cs[b])

        def start_scatter(b):
            pltpu.make_async_copy(col_hbm.at[pl.ds(base0, K)], cidx[b], cs[b]).wait()
            pltpu.async_copy(ones_v, acc.at[cidx[b]], ss[b], add=True)

        def wait_scatter(b):
            pltpu.make_async_copy(ones_v, acc.at[cidx[b]], ss[b]).wait()

        start_idx(0, 0)
        start_idx(1, 1)
        pltpu.sync_copy(z_hbm.at[pl.ds(ro, strip)], acc.at[pl.ds(ro, strip)])
        pltpu.sync_copy(ones_hbm, ones_v)
        plsc.subcore_barrier()

        def pair(k2, carry):
            k = 2 * k2
            start_scatter(0)
            start_scatter(1)
            wait_scatter(0)
            start_idx(k + 2, 0)
            wait_scatter(1)
            start_idx(k + 3, 1)
            return carry

        lax.fori_loop(0, nch // 2 - 1, pair, 0)
        start_scatter(0)
        start_scatter(1)
        if tail:
            b = base0 + nch * K
            pltpu.sync_copy(col_hbm.at[pl.ds(b, tail)], cidx_t)
            pltpu.async_copy(ones_v.at[pl.ds(0, tail)], acc.at[cidx_t], sem_t,
                             add=True)
            pltpu.make_async_copy(ones_v.at[pl.ds(0, tail)], acc.at[cidx_t],
                                  sem_t).wait()
        wait_scatter(0)
        wait_scatter(1)
        plsc.subcore_barrier()
        pltpu.sync_copy(acc.at[pl.ds(ro, strip)],
                        out_hbm.at[pl.ds(c * n_nodes + ro, strip)])

    ones = jnp.ones((K, 128), jnp.float32)
    zeros = jnp.zeros((n_nodes, 128), jnp.float32)
    return deg_kernel(col, ones, zeros)


def _sc_aggregate(hp2, rowcat, col, n_nodes):
    KA = 64
    e = rowcat.shape[0] // 2
    ept = e // NS
    nch = ept // KA
    tail = ept - nch * KA
    strip = (-(-n_nodes // NS) + 7) // 8 * 8
    mesh = plsc.VectorSubcoreMesh(core_axis_name="c", subcore_axis_name="s",
                                  num_cores=NC, num_subcores=NS)

    NB = 4
    assert nch % NB == 0 and nch >= 2 * NB

    @functools.partial(
        pl.kernel,
        out_type=jax.ShapeDtypeStruct((NC * n_nodes, 128), jnp.float32),
        mesh=mesh,
        scratch_types=(
            [pltpu.VMEM((KA,), jnp.int32)] * NB
            + [pltpu.VMEM((KA,), jnp.int32)] * NB
            + [pltpu.VMEM((KA, 128), jnp.float32)] * NB
            + ([pltpu.VMEM((tail,), jnp.int32),
                pltpu.VMEM((tail,), jnp.int32),
                pltpu.VMEM((tail, 128), jnp.float32)] if tail else [])
            + [pltpu.MemorySpace.VMEM_SHARED((n_nodes, 128), jnp.float32)]
            + [pltpu.SemaphoreType.DMA] * (4 * NB + 1)
        ),
    )
    def agg_kernel(row_hbm, col_hbm, h_hbm, z_hbm, out_hbm, *bufs):
        ridx = bufs[0:NB]
        cidx = bufs[NB:2 * NB]
        rows = bufs[2 * NB:3 * NB]
        nt = 3 if tail else 0
        if tail:
            ridx_t, cidx_t, rows_t = bufs[3 * NB:3 * NB + 3]
        acc = bufs[3 * NB + nt]
        sems = bufs[3 * NB + nt + 1:]
        rs = sems[0:NB]
        cs = sems[NB:2 * NB]
        gs = sems[2 * NB:3 * NB]
        ss = sems[3 * NB:4 * NB]
        sem_t = sems[4 * NB]
        c = lax.axis_index("c")
        s = lax.axis_index("s")
        ro = jnp.minimum(s * strip, n_nodes - strip)
        base0 = s * ept
        rbase0 = c * e + base0

        def start_row_idx(k, b):
            pltpu.async_copy(row_hbm.at[pl.ds(rbase0 + k * KA, KA)], ridx[b], rs[b])

        def start_col_idx(k, b):
            pltpu.async_copy(col_hbm.at[pl.ds(base0 + k * KA, KA)], cidx[b], cs[b])

        def start_gather(b):
            pltpu.make_async_copy(row_hbm.at[pl.ds(rbase0, KA)], ridx[b], rs[b]).wait()
            pltpu.async_copy(h_hbm.at[ridx[b]], rows[b], gs[b])

        def start_scatter(b):
            pltpu.make_async_copy(h_hbm.at[ridx[b]], rows[b], gs[b]).wait()
            pltpu.make_async_copy(col_hbm.at[pl.ds(base0, KA)], cidx[b], cs[b]).wait()
            pltpu.async_copy(rows[b], acc.at[cidx[b]], ss[b], add=True)

        def wait_scatter(b):
            pltpu.make_async_copy(rows[b], acc.at[cidx[b]], ss[b]).wait()

        for b in range(NB):
            start_row_idx(b, b)
            start_col_idx(b, b)
        start_gather(0)
        pltpu.sync_copy(z_hbm.at[pl.ds(ro, strip)], acc.at[pl.ds(ro, strip)])
        for b in range(1, NB):
            start_gather(b)
        plsc.subcore_barrier()

        def group(kg, carry):
            k = NB * kg
            for b in range(NB):
                start_scatter(b)
                start_row_idx(k + NB + b, b)
            for b in range(NB):
                wait_scatter(b)
                start_col_idx(k + NB + b, b)
                start_gather(b)
            return carry

        lax.fori_loop(0, nch // NB - 1, group, 0)
        for b in range(NB):
            start_scatter(b)
        if tail:
            b = base0 + nch * KA
            pltpu.sync_copy(row_hbm.at[pl.ds(rbase0 + nch * KA, tail)], ridx_t)
            pltpu.async_copy(h_hbm.at[ridx_t], rows_t, sem_t).wait()
            pltpu.sync_copy(col_hbm.at[pl.ds(b, tail)], cidx_t)
            pltpu.async_copy(rows_t, acc.at[cidx_t], sem_t, add=True)
            pltpu.make_async_copy(rows_t, acc.at[cidx_t], sem_t).wait()
        for b in range(NB):
            wait_scatter(b)
        plsc.subcore_barrier()
        pltpu.sync_copy(acc.at[pl.ds(ro, strip)],
                        out_hbm.at[pl.ds(c * n_nodes + ro, strip)])

    zeros = jnp.zeros((n_nodes, 128), jnp.float32)
    return agg_kernel(rowcat, col, hp2, zeros)



def _mm_raw_body(x_ref, w_ref, h_ref):
    h_ref[...] = jnp.dot(x_ref[...], w_ref[...],
                         preferred_element_type=jnp.float32)


def _tc_mm_raw(x, w1, n_nodes):
    f_in = x.shape[1]
    return pl.pallas_call(
        _mm_raw_body,
        grid=(n_nodes // BN,),
        in_specs=[
            pl.BlockSpec((BN, f_in), lambda i: (i, 0)),
            pl.BlockSpec((f_in, 256), lambda i: (0, 0)),
        ],
        out_specs=pl.BlockSpec((BN, 256), lambda i: (i, 0)),
        out_shape=jax.ShapeDtypeStruct((n_nodes, 256), jnp.float32),
    )(x, w1)


def _scale_body(h_ref, dp_ref, hp_ref, dis_ref):
    dp = dp_ref[0, :, 0:1] + dp_ref[1, :, 0:1] + 1.0
    dis = lax.rsqrt(dp)
    hp = h_ref[...] * dis
    hp_ref[0] = hp[:, :128]
    hp_ref[1] = hp[:, 128:]
    dis_ref[...] = dis


def _tc_scale(h1, degpad, n_nodes):
    return pl.pallas_call(
        _scale_body,
        grid=(n_nodes // BN,),
        in_specs=[
            pl.BlockSpec((BN, 256), lambda i: (i, 0)),
            pl.BlockSpec((2, BN, 128), lambda i: (0, i, 0)),
        ],
        out_specs=[
            pl.BlockSpec((2, BN, 128), lambda i: (0, i, 0)),
            pl.BlockSpec((BN, 1), lambda i: (i, 0)),
        ],
        out_shape=[
            jax.ShapeDtypeStruct((2, n_nodes, 128), jnp.float32),
            jax.ShapeDtypeStruct((n_nodes, 1), jnp.float32),
        ],
    )(h1, degpad)


def _actmm_body(s_ref, hp_ref, dis_ref, b_ref, w_ref, o_ref):
    dis = dis_ref[...]
    t = jnp.concatenate([s_ref[0] + hp_ref[0], s_ref[1] + hp_ref[1]], axis=1)
    pre = t * dis + b_ref[...]
    a = jnp.where(pre >= 0, pre, NEG * pre)
    h = jnp.dot(a, w_ref[...], preferred_element_type=jnp.float32)
    hp = h * dis
    o_ref[0] = hp[:, :128]
    o_ref[1] = hp[:, 128:]


def _tc_actmm(s3, hp, dis, b, w, n_nodes):
    return pl.pallas_call(
        _actmm_body,
        grid=(n_nodes // BN,),
        in_specs=[
            pl.BlockSpec((2, BN, 128), lambda i: (0, i, 0)),
            pl.BlockSpec((2, BN, 128), lambda i: (0, i, 0)),
            pl.BlockSpec((BN, 1), lambda i: (i, 0)),
            pl.BlockSpec((1, 256), lambda i: (0, 0)),
            pl.BlockSpec((256, 256), lambda i: (0, 0)),
        ],
        out_specs=pl.BlockSpec((2, BN, 128), lambda i: (0, i, 0)),
        out_shape=jax.ShapeDtypeStruct((2, n_nodes, 128), jnp.float32),
    )(s3, hp, dis, b, w)


def _final_body(s_ref, hp_ref, dis_ref, b_ref, bt_ref,
                fw1_ref, fb1_ref, fw2_ref, fb2_ref, o_ref, sums, cnts):
    i = pl.program_id(0)

    @pl.when(i == 0)
    def _init():
        sums[...] = jnp.zeros_like(sums)
        cnts[...] = jnp.zeros_like(cnts)

    dis = dis_ref[...]
    t = jnp.concatenate([s_ref[0] + hp_ref[0], s_ref[1] + hp_ref[1]], axis=1)
    out3 = t * dis + b_ref[...]
    gi = lax.broadcasted_iota(jnp.int32, (BN, 64), 1)
    oh = (gi == bt_ref[...]).astype(jnp.float32)
    sums[...] += lax.dot_general(oh, out3, (((0,), (0,)), ((), ())),
                                 preferred_element_type=jnp.float32)
    cnts[...] += lax.dot_general(oh, jnp.ones((BN, 128), jnp.float32),
                                 (((0,), (0,)), ((), ())),
                                 preferred_element_type=jnp.float32)

    @pl.when(i == pl.num_programs(0) - 1)
    def _fin():
        cnt = jnp.concatenate([cnts[...], cnts[...]], axis=1)
        emb = sums[...] / jnp.maximum(cnt, 1.0)
        e1 = jnp.dot(emb, fw1_ref[...], preferred_element_type=jnp.float32)
        e1 = e1 + fb1_ref[...]
        e1 = jnp.where(e1 >= 0, e1, NEG * e1)
        out = jnp.dot(e1, fw2_ref[...], preferred_element_type=jnp.float32)
        o_ref[...] = out + fb2_ref[...]


def _tc_final(s3, hp, dis, b, batch2, fw1, fb1, fw2, fb2, n_nodes, n_cls):
    return pl.pallas_call(
        _final_body,
        grid=(n_nodes // BN,),
        in_specs=[
            pl.BlockSpec((2, BN, 128), lambda i: (0, i, 0)),
            pl.BlockSpec((2, BN, 128), lambda i: (0, i, 0)),
            pl.BlockSpec((BN, 1), lambda i: (i, 0)),
            pl.BlockSpec((1, 256), lambda i: (0, 0)),
            pl.BlockSpec((BN, 1), lambda i: (i, 0)),
            pl.BlockSpec((256, 256), lambda i: (0, 0)),
            pl.BlockSpec((1, 256), lambda i: (0, 0)),
            pl.BlockSpec((256, n_cls), lambda i: (0, 0)),
            pl.BlockSpec((1, n_cls), lambda i: (0, 0)),
        ],
        out_specs=pl.BlockSpec((64, n_cls), lambda i: (0, 0)),
        out_shape=jax.ShapeDtypeStruct((64, n_cls), jnp.float32),
        scratch_shapes=[
            pltpu.VMEM((64, 256), jnp.float32),
            pltpu.VMEM((64, 128), jnp.float32),
        ],
        compiler_params=pltpu.CompilerParams(
            dimension_semantics=("arbitrary",)),
    )(s3, hp, dis, b, batch2, fw1, fb1, fw2, fb2)



def kernel(x, edge_index, batch, W1, b1, W2, b2, W3, b3, FW1, Fb1, FW2, Fb2):
    n = x.shape[0]
    row = edge_index[0]
    col = edge_index[1]
    rowcat = jnp.concatenate([row, row + n])
    batch2 = batch.reshape(n, 1)
    b1r = b1.reshape(1, -1)
    b2r = b2.reshape(1, -1)
    b3r = b3.reshape(1, -1)
    fb1r = Fb1.reshape(1, -1)
    fb2r = Fb2.reshape(1, -1)

    degpad = _sc_degree(col, n).reshape(2, n, 128)
    h1 = _tc_mm_raw(x, W1, n)
    hp1, dis = _tc_scale(h1, degpad, n)
    s1 = _sc_aggregate(hp1.reshape(2 * n, 128), rowcat, col, n).reshape(2, n, 128)
    hp2 = _tc_actmm(s1, hp1, dis, b1r, W2, n)
    s2 = _sc_aggregate(hp2.reshape(2 * n, 128), rowcat, col, n).reshape(2, n, 128)
    hp3 = _tc_actmm(s2, hp2, dis, b2r, W3, n)
    s3 = _sc_aggregate(hp3.reshape(2 * n, 128), rowcat, col, n).reshape(2, n, 128)
    return _tc_final(s3, hp3, dis, b3r, batch2, FW1, fb1r, FW2, fb2r,
                     n, FW2.shape[1])

# --- scband reference (transcript-rebuilt; emitter-appended) ---
"""Pipeline reference for scband-gnn-20718922236285 (READ-ONLY COPY).

The authoritative reference and input builder live on the scoring server;
editing this copy changes nothing except your own understanding.
"""

import jax, jax.numpy as jnp
import numpy as np

N = 10000
E = 320000
F_IN = 128
H = 256
C = 128
G = 64
NEG_SLOPE = 0.01


def setup_inputs(seed: int = 0) -> dict:
    key = jax.random.key(seed)
    ks = jax.random.split(key, 16)
    x = jax.random.normal(ks[0], (N, F_IN), dtype=jnp.float32)
    edge_index = jax.random.randint(ks[1], (2, E), 0, N, dtype=jnp.int32)
    batch = jnp.sort(jax.random.randint(ks[2], (N,), 0, G, dtype=jnp.int32))
    def lin(k, fan_in, fan_out):
        bound = 1.0 / np.sqrt(fan_in)
        kw, kb = jax.random.split(k)
        W = jax.random.uniform(kw, (fan_in, fan_out), jnp.float32, -bound, bound)
        b = jax.random.uniform(kb, (fan_out,), jnp.float32, -bound, bound)
        return W, b
    W1, b1 = lin(ks[3], F_IN, H)
    W2, b2 = lin(ks[4], H, H)
    W3, b3 = lin(ks[5], H, H)
    FW1, Fb1 = lin(ks[6], H, H)
    FW2, Fb2 = lin(ks[7], H, C)
    return {"x": x, "edge_index": edge_index, "batch": batch,
            "W1": W1, "b1": b1, "W2": W2, "b2": b2, "W3": W3, "b3": b3,
            "FW1": FW1, "Fb1": Fb1, "FW2": FW2, "Fb2": Fb2}


def _gcn_layer(x, W, b, row, col):
    # GCNConv (normalize=True, add_self_loops=True already applied to row/col)
    h = x @ W
    deg = jnp.zeros((N,), dtype=h.dtype).at[col].add(1.0)
    dis = jnp.where(deg > 0, jax.lax.rsqrt(jnp.maximum(deg, 1e-12)), 0.0)
    norm = dis[row] * dis[col]
    msg = h[row] * norm[:, None]
    out = jnp.zeros((N, h.shape[1]), dtype=h.dtype).at[col].add(msg)
    return out + b


def reference(x, edge_index, batch, W1, b1, W2, b2, W3, b3, FW1, Fb1, FW2, Fb2):
    loops = jnp.arange(N, dtype=edge_index.dtype)
    row = jnp.concatenate([edge_index[0], loops])
    col = jnp.concatenate([edge_index[1], loops])
    h = jax.nn.leaky_relu(_gcn_layer(x, W1, b1, row, col), NEG_SLOPE)
    h = jax.nn.leaky_relu(_gcn_layer(h, W2, b2, row, col), NEG_SLOPE)
    h = _gcn_layer(h, W3, b3, row, col)
    # global_mean_pool over batch segment ids
    sums = jax.ops.segment_sum(h, batch, num_segments=G)
    cnts = jax.ops.segment_sum(jnp.ones((N, 1), dtype=h.dtype), batch, num_segments=G)
    emb = sums / jnp.maximum(cnts, 1.0)
    emb = jax.nn.leaky_relu(emb @ FW1 + Fb1, NEG_SLOPE)
    # dropout is identity in eval mode
    return emb @ FW2 + Fb2

if __name__ == "__main__":
    import jax
    _d = setup_inputs()
    print(jax.jit(kernel)(*tuple(_d.values())))

</pallas_src>

<mosaic_0001>
#map = affine_map<(d0, d1) -> (0)>
#map1 = affine_map<(d0, d1) -> (0, 0)>
module attributes {stable_mosaic.version = 14 : i64} {
  func.func @agg_kernel(%arg0: i32, %arg1: i32, %arg2: memref<640000xi32, #tpu.memory_space<hbm>>, %arg3: memref<320000xi32, #tpu.memory_space<hbm>>, %arg4: memref<20000x128xf32, #tpu.memory_space<hbm>>, %arg5: memref<10000x128xf32, #tpu.memory_space<hbm>>, %arg6: memref<20000x128xf32, #tpu.memory_space<hbm>>, %arg7: memref<64xi32, #tpu.memory_space<vmem>>, %arg8: memref<64xi32, #tpu.memory_space<vmem>>, %arg9: memref<64xi32, #tpu.memory_space<vmem>>, %arg10: memref<64xi32, #tpu.memory_space<vmem>>, %arg11: memref<64xi32, #tpu.memory_space<vmem>>, %arg12: memref<64xi32, #tpu.memory_space<vmem>>, %arg13: memref<64xi32, #tpu.memory_space<vmem>>, %arg14: memref<64xi32, #tpu.memory_space<vmem>>, %arg15: memref<64x128xf32, #tpu.memory_space<vmem>>, %arg16: memref<64x128xf32, #tpu.memory_space<vmem>>, %arg17: memref<64x128xf32, #tpu.memory_space<vmem>>, %arg18: memref<64x128xf32, #tpu.memory_space<vmem>>, %arg19: memref<32xi32, #tpu.memory_space<vmem>>, %arg20: memref<32xi32, #tpu.memory_space<vmem>>, %arg21: memref<32x128xf32, #tpu.memory_space<vmem>>, %arg22: memref<10000x128xf32, #tpu.memory_space<vmem_shared>>, %arg23: memref<!tpu.dma_semaphore, #tpu.memory_space<semaphore_mem>>, %arg24: memref<!tpu.dma_semaphore, #tpu.memory_space<semaphore_mem>>, %arg25: memref<!tpu.dma_semaphore, #tpu.memory_space<semaphore_mem>>, %arg26: memref<!tpu.dma_semaphore, #tpu.memory_space<semaphore_mem>>, %arg27: memref<!tpu.dma_semaphore, #tpu.memory_space<semaphore_mem>>, %arg28: memref<!tpu.dma_semaphore, #tpu.memory_space<semaphore_mem>>, %arg29: memref<!tpu.dma_semaphore, #tpu.memory_space<semaphore_mem>>, %arg30: memref<!tpu.dma_semaphore, #tpu.memory_space<semaphore_mem>>, %arg31: memref<!tpu.dma_semaphore, #tpu.memory_space<semaphore_mem>>, %arg32: memref<!tpu.dma_semaphore, #tpu.memory_space<semaphore_mem>>, %arg33: memref<!tpu.dma_semaphore, #tpu.memory_space<semaphore_mem>>, %arg34: memref<!tpu.dma_semaphore, #tpu.memory_space<semaphore_mem>>, %arg35: memref<!tpu.dma_semaphore, #tpu.memory_space<semaphore_mem>>, %arg36: memref<!tpu.dma_semaphore, #tpu.memory_space<semaphore_mem>>, %arg37: memref<!tpu.dma_semaphore, #tpu.memory_space<semaphore_mem>>, %arg38: memref<!tpu.dma_semaphore, #tpu.memory_space<semaphore_mem>>, %arg39: memref<!tpu.dma_semaphore, #tpu.memory_space<semaphore_mem>>) attributes {dimension_semantics = [#tpu.dimension_semantics<core_parallel>, #tpu.dimension_semantics<subcore_parallel>], iteration_bounds = array<i64: 2, 16>, scalar_prefetch = 0 : i64, scratch_operands = 33 : i64, tpu.core_type = #tpu.core_type<sc_vector_subcore>, window_params = [{transform_indices = #map}, {transform_indices = #map}, {transform_indices = #map1}, {transform_indices = #map1}, {transform_indices = #map1}]} {
    %mul3A = arith.constant 632 : i32
    %mul3A_0 = arith.muli %arg1, %mul3A : i32
    %min3A = arith.constant 9368 : i32
    %min3A_1 = arith.minsi %mul3A_0, %min3A : i32
    %mul3A_2 = arith.constant 20000 : i32
    %mul3A_3 = arith.muli %arg1, %mul3A_2 : i32
    %mul3A_4 = arith.constant 320000 : i32
    %mul3A_5 = arith.muli %arg0, %mul3A_4 : i32
    %add3A = arith.addi %mul3A_5, %mul3A_3 : i32
    %add3A_6 = arith.constant 0 : i32
    %add3A_7 = arith.addi %add3A, %add3A_6 : i32
    %dma_start3A = tpu.memref_slice %arg2[%add3A_7] : memref<640000xi32, #tpu.memory_space<hbm>> -> memref<64xi32, #tpu.memory_space<hbm>>
    %dma_start3A_8 = tpu.memref_slice %arg2[%add3A_7] : memref<640000xi32, #tpu.memory_space<hbm>> -> memref<64xi32, #tpu.memory_space<hbm>>
    tpu.enqueue_dma source(%dma_start3A_8 : memref<64xi32, #tpu.memory_space<hbm>>) target(%arg7 : memref<64xi32, #tpu.memory_space<vmem>>) target_semaphore(%arg23 : memref<!tpu.dma_semaphore, #tpu.memory_space<semaphore_mem>>)
    %add3A_9 = arith.constant 0 : i32
    %add3A_10 = arith.addi %mul3A_3, %add3A_9 : i32
    %dma_start3A_11 = tpu.memref_slice %arg3[%add3A_10] : memref<320000xi32, #tpu.memory_space<hbm>> -> memref<64xi32, #tpu.memory_space<hbm>>
    %dma_start3A_12 = tpu.memref_slice %arg3[%add3A_10] : memref<320000xi32, #tpu.memory_space<hbm>> -> memref<64xi32, #tpu.memory_space<hbm>>
    tpu.enqueue_dma source(%dma_start3A_12 : memref<64xi32, #tpu.memory_space<hbm>>) target(%arg11 : memref<64xi32, #tpu.memory_space<vmem>>) target_semaphore(%arg27 : memref<!tpu.dma_semaphore, #tpu.memory_space<semaphore_mem>>)
    %add3A_13 = arith.constant 64 : i32
    %add3A_14 = arith.addi %add3A, %add3A_13 : i32
    %dma_start3A_15 = tpu.memref_slice %arg2[%add3A_14] : memref<640000xi32, #tpu.memory_space<hbm>> -> memref<64xi32, #tpu.memory_space<hbm>>
    %dma_start3A_16 = tpu.memref_slice %arg2[%add3A_14] : memref<640000xi32, #tpu.memory_space<hbm>> -> memref<64xi32, #tpu.memory_space<hbm>>
    tpu.enqueue_dma source(%dma_start3A_16 : memref<64xi32, #tpu.memory_space<hbm>>) target(%arg8 : memref<64xi32, #tpu.memory_space<vmem>>) target_semaphore(%arg24 : memref<!tpu.dma_semaphore, #tpu.memory_space<semaphore_mem>>)
    %add3A_17 = arith.constant 64 : i32
    %add3A_18 = arith.addi %mul3A_3, %add3A_17 : i32
    %dma_start3A_19 = tpu.memref_slice %arg3[%add3A_18] : memref<320000xi32, #tpu.memory_space<hbm>> -> memref<64xi32, #tpu.memory_space<hbm>>
    %dma_start3A_20 = tpu.memref_slice %arg3[%add3A_18] : memref<320000xi32, #tpu.memory_space<hbm>> -> memref<64xi32, #tpu.memory_space<hbm>>
    tpu.enqueue_dma source(%dma_start3A_20 : memref<64xi32, #tpu.memory_space<hbm>>) target(%arg12 : memref<64xi32, #tpu.memory_space<vmem>>) target_semaphore(%arg28 : memref<!tpu.dma_semaphore, #tpu.memory_space<semaphore_mem>>)
    %add3A_21 = arith.constant 128 : i32
    %add3A_22 = arith.addi %add3A, %add3A_21 : i32
    %dma_start3A_23 = tpu.memref_slice %arg2[%add3A_22] : memref<640000xi32, #tpu.memory_space<hbm>> -> memref<64xi32, #tpu.memory_space<hbm>>
    %dma_start3A_24 = tpu.memref_slice %arg2[%add3A_22] : memref<640000xi32, #tpu.memory_space<hbm>> -> memref<64xi32, #tpu.memory_space<hbm>>
    tpu.enqueue_dma source(%dma_start3A_24 : memref<64xi32, #tpu.memory_space<hbm>>) target(%arg9 : memref<64xi32, #tpu.memory_space<vmem>>) target_semaphore(%arg25 : memref<!tpu.dma_semaphore, #tpu.memory_space<semaphore_mem>>)
    %add3A_25 = arith.constant 128 : i32
    %add3A_26 = arith.addi %mul3A_3, %add3A_25 : i32
    %dma_start3A_27 = tpu.memref_slice %arg3[%add3A_26] : memref<320000xi32, #tpu.memory_space<hbm>> -> memref<64xi32, #tpu.memory_space<hbm>>
    %dma_start3A_28 = tpu.memref_slice %arg3[%add3A_26] : memref<320000xi32, #tpu.memory_space<hbm>> -> memref<64xi32, #tpu.memory_space<hbm>>
    tpu.enqueue_dma source(%dma_start3A_28 : memref<64xi32, #tpu.memory_space<hbm>>) target(%arg13 : memref<64xi32, #tpu.memory_space<vmem>>) target_semaphore(%arg29 : memref<!tpu.dma_semaphore, #tpu.memory_space<semaphore_mem>>)
    %add3A_29 = arith.constant 192 : i32
    %add3A_30 = arith.addi %add3A, %add3A_29 : i32
    %dma_start3A_31 = tpu.memref_slice %arg2[%add3A_30] : memref<640000xi32, #tpu.memory_space<hbm>> -> memref<64xi32, #tpu.memory_space<hbm>>
    %dma_start3A_32 = tpu.memref_slice %arg2[%add3A_30] : memref<640000xi32, #tpu.memory_space<hbm>> -> memref<64xi32, #tpu.memory_space<hbm>>
    tpu.enqueue_dma source(%dma_start3A_32 : memref<64xi32, #tpu.memory_space<hbm>>) target(%arg10 : memref<64xi32, #tpu.memory_space<vmem>>) target_semaphore(%arg26 : memref<!tpu.dma_semaphore, #tpu.memory_space<semaphore_mem>>)
    %add3A_33 = arith.constant 192 : i32
    %add3A_34 = arith.addi %mul3A_3, %add3A_33 : i32
    %dma_start3A_35 = tpu.memref_slice %arg3[%add3A_34] : memref<320000xi32, #tpu.memory_space<hbm>> -> memref<64xi32, #tpu.memory_space<hbm>>
    %dma_start3A_36 = tpu.memref_slice %arg3[%add3A_34] : memref<320000xi32, #tpu.memory_space<hbm>> -> memref<64xi32, #tpu.memory_space<hbm>>
    tpu.enqueue_dma source(%dma_start3A_36 : memref<64xi32, #tpu.memory_space<hbm>>) target(%arg14 : memref<64xi32, #tpu.memory_space<vmem>>) target_semaphore(%arg30 : memref<!tpu.dma_semaphore, #tpu.memory_space<semaphore_mem>>)
    %dma_wait3A = tpu.memref_slice %arg2[%add3A] : memref<640000xi32, #tpu.memory_space<hbm>> -> memref<64xi32, #tpu.memory_space<hbm>>
    %dma_wait3A_37 = tpu.memref_slice %arg2[%add3A] : memref<640000xi32, #tpu.memory_space<hbm>> -> memref<64xi32, #tpu.memory_space<hbm>>
    tpu.wait_dma2 semaphore(%arg23 : memref<!tpu.dma_semaphore, #tpu.memory_space<semaphore_mem>>) src(%dma_wait3A_37 : memref<64xi32, #tpu.memory_space<hbm>>) dst(%arg7 : memref<64xi32, #tpu.memory_space<vmem>>)
    %dma_start3A_38 = arith.constant 0 : i32
    %dma_start3A_39 = arith.constant 0 : i32
    %dma_start3A_40 = tpu.memref_slice %arg4[%dma_start3A_38, %dma_start3A_39] : memref<20000x128xf32, #tpu.memory_space<hbm>> -> memref<20000x128xf32, #tpu.memory_space<hbm>>
    tpu.enqueue_indirect_dma source(%dma_start3A_40 : memref<20000x128xf32, #tpu.memory_space<hbm>>) target(%arg15 : memref<64x128xf32, #tpu.memory_space<vmem>>) offsets(%arg7 : memref<64xi32, #tpu.memory_space<vmem>>) semaphore(%arg31 : memref<!tpu.dma_semaphore, #tpu.memory_space<semaphore_mem>>)
    "tpu.region"() ({
      %run_scoped3A = tpu.sem_alloc : memref<!tpu.dma_semaphore, #tpu.memory_space<semaphore_mem>>
      %dma_start3A_125 = arith.constant 0 : i32
      %dma_start3A_126 = tpu.memref_slice %arg22[%min3A_1, %dma_start3A_125] : memref<10000x128xf32, #tpu.memory_space<vmem_shared>> -> memref<632x128xf32, #tpu.memory_space<vmem_shared>>
      %dma_start3A_127 = arith.constant 0 : i32
      %dma_start3A_128 = tpu.memref_slice %arg5[%min3A_1, %dma_start3A_127] : memref<10000x128xf32, #tpu.memory_space<hbm>> -> memref<632x128xf32, #tpu.memory_space<hbm>>
      tpu.enqueue_dma source(%dma_start3A_128 : memref<632x128xf32, #tpu.memory_space<hbm>>) target(%dma_start3A_126 : memref<632x128xf32, #tpu.memory_space<vmem_shared>>) target_semaphore(%run_scoped3A : memref<!tpu.dma_semaphore, #tpu.memory_space<semaphore_mem>>)
      %dma_wait3A_129 = arith.constant 0 : i32
      %dma_wait3A_130 = tpu.memref_slice %arg22[%min3A_1, %dma_wait3A_129] : memref<10000x128xf32, #tpu.memory_space<vmem_shared>> -> memref<632x128xf32, #tpu.memory_space<vmem_shared>>
      %dma_wait3A_131 = arith.constant 0 : i32
      %dma_wait3A_132 = tpu.memref_slice %arg5[%min3A_1, %dma_wait3A_131] : memref<10000x128xf32, #tpu.memory_space<hbm>> -> memref<632x128xf32, #tpu.memory_space<hbm>>
      tpu.wait_dma2 semaphore(%run_scoped3A : memref<!tpu.dma_semaphore, #tpu.memory_space<semaphore_mem>>) src(%dma_wait3A_132 : memref<632x128xf32, #tpu.memory_space<hbm>>) dst(%dma_wait3A_130 : memref<632x128xf32, #tpu.memory_space<vmem_shared>>)
      tpu.yield
    }) : () -> ()
    %dma_wait3A_41 = tpu.memref_slice %arg2[%add3A] : memref<640000xi32, #tpu.memory_space<hbm>> -> memref<64xi32, #tpu.memory_space<hbm>>
    %dma_wait3A_42 = tpu.memref_slice %arg2[%add3A] : memref<640000xi32, #tpu.memory_space<hbm>> -> memref<64xi32, #tpu.memory_space<hbm>>
    tpu.wait_dma2 semaphore(%arg24 : memref<!tpu.dma_semaphore, #tpu.memory_space<semaphore_mem>>) src(%dma_wait3A_42 : memref<64xi32, #tpu.memory_space<hbm>>) dst(%arg8 : memref<64xi32, #tpu.memory_space<vmem>>)
    %dma_start3A_43 = arith.constant 0 : i32
    %dma_start3A_44 = arith.constant 0 : i32
    %dma_start3A_45 = tpu.memref_slice %arg4[%dma_start3A_43, %dma_start3A_44] : memref<20000x128xf32, #tpu.memory_space<hbm>> -> memref<20000x128xf32, #tpu.memory_space<hbm>>
    tpu.enqueue_indirect_dma source(%dma_start3A_45 : memref<20000x128xf32, #tpu.memory_space<hbm>>) target(%arg16 : memref<64x128xf32, #tpu.memory_space<vmem>>) offsets(%arg8 : memref<64xi32, #tpu.memory_space<vmem>>) semaphore(%arg32 : memref<!tpu.dma_semaphore, #tpu.memory_space<semaphore_mem>>)
    %dma_wait3A_46 = tpu.memref_slice %arg2[%add3A] : memref<640000xi32, #tpu.memory_space<hbm>> -> memref<64xi32, #tpu.memory_space<hbm>>
    %dma_wait3A_47 = tpu.memref_slice %arg2[%add3A] : memref<640000xi32, #tpu.memory_space<hbm>> -> memref<64xi32, #tpu.memory_space<hbm>>
    tpu.wait_dma2 semaphore(%arg25 : memref<!tpu.dma_semaphore, #tpu.memory_space<semaphore_mem>>) src(%dma_wait3A_47 : memref<64xi32, #tpu.memory_space<hbm>>) dst(%arg9 : memref<64xi32, #tpu.memory_space<vmem>>)
    %dma_start3A_48 = arith.constant 0 : i32
    %dma_start3A_49 = arith.constant 0 : i32
    %dma_start3A_50 = tpu.memref_slice %arg4[%dma_start3A_48, %dma_start3A_49] : memref<20000x128xf32, #tpu.memory_space<hbm>> -> memref<20000x128xf32, #tpu.memory_space<hbm>>
    tpu.enqueue_indirect_dma source(%dma_start3A_50 : memref<20000x128xf32, #tpu.memory_space<hbm>>) target(%arg17 : memref<64x128xf32, #tpu.memory_space<vmem>>) offsets(%arg9 : memref<64xi32, #tpu.memory_space<vmem>>) semaphore(%arg33 : memref<!tpu.dma_semaphore, #tpu.memory_space<semaphore_mem>>)
    %dma_wait3A_51 = tpu.memref_slice %arg2[%add3A] : memref<640000xi32, #tpu.memory_space<hbm>> -> memref<64xi32, #tpu.memory_space<hbm>>
    %dma_wait3A_52 = tpu.memref_slice %arg2[%add3A] : memref<640000xi32, #tpu.memory_space<hbm>> -> memref<64xi32, #tpu.memory_space<hbm>>
    tpu.wait_dma2 semaphore(%arg26 : memref<!tpu.dma_semaphore, #tpu.memory_space<semaphore_mem>>) src(%dma_wait3A_52 : memref<64xi32, #tpu.memory_space<hbm>>) dst(%arg10 : memref<64xi32, #tpu.memory_space<vmem>>)
    %dma_start3A_53 = arith.constant 0 : i32
    %dma_start3A_54 = arith.constant 0 : i32
    %dma_start3A_55 = tpu.memref_slice %arg4[%dma_start3A_53, %dma_start3A_54] : memref<20000x128xf32, #tpu.memory_space<hbm>> -> memref<20000x128xf32, #tpu.memory_space<hbm>>
    tpu.enqueue_indirect_dma source(%dma_start3A_55 : memref<20000x128xf32, #tpu.memory_space<hbm>>) target(%arg18 : memref<64x128xf32, #tpu.memory_space<vmem>>) offsets(%arg10 : memref<64xi32, #tpu.memory_space<vmem>>) semaphore(%arg34 : memref<!tpu.dma_semaphore, #tpu.memory_space<semaphore_mem>>)
    %barrier3A = arith.constant 0 : index
    tpu.barrier barrier_id(%barrier3A)
    %scan3A = arith.constant 0 : i32
    %scan3A_56 = arith.constant 0 : i32
    %scan3A_57 = arith.constant 77 : i32
    %scan3A_58 = arith.addi %scan3A_56, %scan3A_57 : i32
    %scan3A_59 = arith.constant 1 : i32
    scf.for %scan3A_125 = %scan3A_56 to %scan3A_58 step %scan3A_59  : i32 {
      %mul3A_126 = arith.constant 4 : i32
      %mul3A_127 = arith.muli %mul3A_126, %scan3A_125 : i32
      %dma_wait3A_128 = arith.constant 0 : i32
      %dma_wait3A_129 = arith.constant 0 : i32
      %dma_wait3A_130 = tpu.memref_slice %arg4[%dma_wait3A_128, %dma_wait3A_129] : memref<20000x128xf32, #tpu.memory_space<hbm>> -> memref<20000x128xf32, #tpu.memory_space<hbm>>
      tpu.wait_indirect_dma semaphore(%arg31 : memref<!tpu.dma_semaphore, #tpu.memory_space<semaphore_mem>>) src(%dma_wait3A_130 : memref<20000x128xf32, #tpu.memory_space<hbm>>) dst(%arg15 : memref<64x128xf32, #tpu.memory_space<vmem>>)
      %dma_wait3A_131 = tpu.memref_slice %arg3[%mul3A_3] : memref<320000xi32, #tpu.memory_space<hbm>> -> memref<64xi32, #tpu.memory_space<hbm>>
      %dma_wait3A_132 = tpu.memref_slice %arg3[%mul3A_3] : memref<320000xi32, #tpu.memory_space<hbm>> -> memref<64xi32, #tpu.memory_space<hbm>>
      tpu.wait_dma2 semaphore(%arg27 : memref<!tpu.dma_semaphore, #tpu.memory_space<semaphore_mem>>) src(%dma_wait3A_132 : memref<64xi32, #tpu.memory_space<hbm>>) dst(%arg11 : memref<64xi32, #tpu.memory_space<vmem>>)
      %dma_start3A_133 = arith.constant 0 : i32
      %dma_start3A_134 = arith.constant 0 : i32
      %dma_start3A_135 = tpu.memref_slice %arg22[%dma_start3A_133, %dma_start3A_134] : memref<10000x128xf32, #tpu.memory_space<vmem_shared>> -> memref<10000x128xf32, #tpu.memory_space<vmem_shared>>
      tpu.enqueue_indirect_dma source(%arg15 : memref<64x128xf32, #tpu.memory_space<vmem>>) target(%dma_start3A_135 : memref<10000x128xf32, #tpu.memory_space<vmem_shared>>) offsets(%arg11 : memref<64xi32, #tpu.memory_space<vmem>>) semaphore(%arg35 : memref<!tpu.dma_semaphore, #tpu.memory_space<semaphore_mem>>) {add = true}
      %add3A_136 = arith.constant 4 : i32
      %add3A_137 = arith.addi %mul3A_127, %add3A_136 : i32
      %add3A_138 = arith.constant 0 : i32
      %add3A_139 = arith.addi %add3A_137, %add3A_138 : i32
      %mul3A_140 = arith.constant 64 : i32
      %mul3A_141 = arith.muli %add3A_139, %mul3A_140 : i32
      %add3A_142 = arith.addi %add3A, %mul3A_141 : i32
      %dma_start3A_143 = tpu.memref_slice %arg2[%add3A_142] : memref<640000xi32, #tpu.memory_space<hbm>> -> memref<64xi32, #tpu.memory_space<hbm>>
      %dma_start3A_144 = tpu.memref_slice %arg2[%add3A_142] : memref<640000xi32, #tpu.memory_space<hbm>> -> memref<64xi32, #tpu.memory_space<hbm>>
      tpu.enqueue_dma source(%dma_start3A_144 : memref<64xi32, #tpu.memory_space<hbm>>) target(%arg7 : memref<64xi32, #tpu.memory_space<vmem>>) target_semaphore(%arg23 : memref<!tpu.dma_semaphore, #tpu.memory_space<semaphore_mem>>)
      %dma_wait3A_145 = arith.constant 0 : i32
      %dma_wait3A_146 = arith.constant 0 : i32
      %dma_wait3A_147 = tpu.memref_slice %arg4[%dma_wait3A_145, %dma_wait3A_146] : memref<20000x128xf32, #tpu.memory_space<hbm>> -> memref<20000x128xf32, #tpu.memory_space<hbm>>
      tpu.wait_indirect_dma semaphore(%arg32 : memref<!tpu.dma_semaphore, #tpu.memory_space<semaphore_mem>>) src(%dma_wait3A_147 : memref<20000x128xf32, #tpu.memory_space<hbm>>) dst(%arg16 : memref<64x128xf32, #tpu.memory_space<vmem>>)
      %dma_wait3A_148 = tpu.memref_slice %arg3[%mul3A_3] : memref<320000xi32, #tpu.memory_space<hbm>> -> memref<64xi32, #tpu.memory_space<hbm>>
      %dma_wait3A_149 = tpu.memref_slice %arg3[%mul3A_3] : memref<320000xi32, #tpu.memory_space<hbm>> -> memref<64xi32, #tpu.memory_space<hbm>>
      tpu.wait_dma2 semaphore(%arg28 : memref<!tpu.dma_semaphore, #tpu.memory_space<semaphore_mem>>) src(%dma_wait3A_149 : memref<64xi32, #tpu.memory_space<hbm>>) dst(%arg12 : memref<64xi32, #tpu.memory_space<vmem>>)
      %dma_start3A_150 = arith.constant 0 : i32
      %dma_start3A_151 = arith.constant 0 : i32
      %dma_start3A_152 = tpu.memref_slice %arg22[%dma_start3A_150, %dma_start3A_151] : memref<10000x128xf32, #tpu.memory_space<vmem_shared>> -> memref<10000x128xf32, #tpu.memory_space<vmem_shared>>
      tpu.enqueue_indirect_dma source(%arg16 : memref<64x128xf32, #tpu.memory_space<vmem>>) target(%dma_start3A_152 : memref<10000x128xf32, #tpu.memory_space<vmem_shared>>) offsets(%arg12 : memref<64xi32, #tpu.memory_space<vmem>>) semaphore(%arg36 : memref<!tpu.dma_semaphore, #tpu.memory_space<semaphore_mem>>) {add = true}
      %add3A_153 = arith.constant 4 : i32
      %add3A_154 = arith.addi %mul3A_127, %add3A_153 : i32
      %add3A_155 = arith.constant 1 : i32
      %add3A_156 = arith.addi %add3A_154, %add3A_155 : i32
      %mul3A_157 = arith.constant 64 : i32
      %mul3A_158 = arith.muli %add3A_156, %mul3A_157 : i32
      %add3A_159 = arith.addi %add3A, %mul3A_158 : i32
      %dma_start3A_160 = tpu.memref_slice %arg2[%add3A_159] : memref<640000xi32, #tpu.memory_space<hbm>> -> memref<64xi32, #tpu.memory_space<hbm>>
      %dma_start3A_161 = tpu.memref_slice %arg2[%add3A_159] : memref<640000xi32, #tpu.memory_space<hbm>> -> memref<64xi32, #tpu.memory_space<hbm>>
      tpu.enqueue_dma source(%dma_start3A_161 : memref<64xi32, #tpu.memory_space<hbm>>) target(%arg8 : memref<64xi32, #tpu.memory_space<vmem>>) target_semaphore(%arg24 : memref<!tpu.dma_semaphore, #tpu.memory_space<semaphore_mem>>)
      %dma_wait3A_162 = arith.constant 0 : i32
      %dma_wait3A_163 = arith.constant 0 : i32
      %dma_wait3A_164 = tpu.memref_slice %arg4[%dma_wait3A_162, %dma_wait3A_163] : memref<20000x128xf32, #tpu.memory_space<hbm>> -> memref<20000x128xf32, #tpu.memory_space<hbm>>
      tpu.wait_indirect_dma semaphore(%arg33 : memref<!tpu.dma_semaphore, #tpu.memory_space<semaphore_mem>>) src(%dma_wait3A_164 : memref<20000x128xf32, #tpu.memory_space<hbm>>) dst(%arg17 : memref<64x128xf32, #tpu.memory_space<vmem>>)
      %dma_wait3A_165 = tpu.memref_slice %arg3[%mul3A_3] : memref<320000xi32, #tpu.memory_space<hbm>> -> memref<64xi32, #tpu.memory_space<hbm>>
      %dma_wait3A_166 = tpu.memref_slice %arg3[%mul3A_3] : memref<320000xi32, #tpu.memory_space<hbm>> -> memref<64xi32, #tpu.memory_space<hbm>>
      tpu.wait_dma2 semaphore(%arg29 : memref<!tpu.dma_semaphore, #tpu.memory_space<semaphore_mem>>) src(%dma_wait3A_166 : memref<64xi32, #tpu.memory_space<hbm>>) dst(%arg13 : memref<64xi32, #tpu.memory_space<vmem>>)
      %dma_start3A_167 = arith.constant 0 : i32
      %dma_start3A_168 = arith.constant 0 : i32
      %dma_start3A_169 = tpu.memref_slice %arg22[%dma_start3A_167, %dma_start3A_168] : memref<10000x128xf32, #tpu.memory_space<vmem_shared>> -> memref<10000x128xf32, #tpu.memory_space<vmem_shared>>
      tpu.enqueue_indirect_dma source(%arg17 : memref<64x128xf32, #tpu.memory_space<vmem>>) target(%dma_start3A_169 : memref<10000x128xf32, #tpu.memory_space<vmem_shared>>) offsets(%arg13 : memref<64xi32, #tpu.memory_space<vmem>>) semaphore(%arg37 : memref<!tpu.dma_semaphore, #tpu.memory_space<semaphore_mem>>) {add = true}
      %add3A_170 = arith.constant 4 : i32
      %add3A_171 = arith.addi %mul3A_127, %add3A_170 : i32
      %add3A_172 = arith.constant 2 : i32
      %add3A_173 = arith.addi %add3A_171, %add3A_172 : i32
      %mul3A_174 = arith.constant 64 : i32
      %mul3A_175 = arith.muli %add3A_173, %mul3A_174 : i32
      %add3A_176 = arith.addi %add3A, %mul3A_175 : i32
      %dma_start3A_177 = tpu.memref_slice %arg2[%add3A_176] : memref<640000xi32, #tpu.memory_space<hbm>> -> memref<64xi32, #tpu.memory_space<hbm>>
      %dma_start3A_178 = tpu.memref_slice %arg2[%add3A_176] : memref<640000xi32, #tpu.memory_space<hbm>> -> memref<64xi32, #tpu.memory_space<hbm>>
      tpu.enqueue_dma source(%dma_start3A_178 : memref<64xi32, #tpu.memory_space<hbm>>) target(%arg9 : memref<64xi32, #tpu.memory_space<vmem>>) target_semaphore(%arg25 : memref<!tpu.dma_semaphore, #tpu.memory_space<semaphore_mem>>)
      %dma_wait3A_179 = arith.constant 0 : i32
      %dma_wait3A_180 = arith.constant 0 : i32
      %dma_wait3A_181 = tpu.memref_slice %arg4[%dma_wait3A_179, %dma_wait3A_180] : memref<20000x128xf32, #tpu.memory_space<hbm>> -> memref<20000x128xf32, #tpu.memory_space<hbm>>
      tpu.wait_indirect_dma semaphore(%arg34 : memref<!tpu.dma_semaphore, #tpu.memory_space<semaphore_mem>>) src(%dma_wait3A_181 : memref<20000x128xf32, #tpu.memory_space<hbm>>) dst(%arg18 : memref<64x128xf32, #tpu.memory_space<vmem>>)
      %dma_wait3A_182 = tpu.memref_slice %arg3[%mul3A_3] : memref<320000xi32, #tpu.memory_space<hbm>> -> memref<64xi32, #tpu.memory_space<hbm>>
      %dma_wait3A_183 = tpu.memref_slice %arg3[%mul3A_3] : memref<320000xi32, #tpu.memory_space<hbm>> -> memref<64xi32, #tpu.memory_space<hbm>>
      tpu.wait_dma2 semaphore(%arg30 : memref<!tpu.dma_semaphore, #tpu.memory_space<semaphore_mem>>) src(%dma_wait3A_183 : memref<64xi32, #tpu.memory_space<hbm>>) dst(%arg14 : memref<64xi32, #tpu.memory_space<vmem>>)
      %dma_start3A_184 = arith.constant 0 : i32
      %dma_start3A_185 = arith.constant 0 : i32
      %dma_start3A_186 = tpu.memref_slice %arg22[%dma_start3A_184, %dma_start3A_185] : memref<10000x128xf32, #tpu.memory_space<vmem_shared>> -> memref<10000x128xf32, #tpu.memory_space<vmem_shared>>
      tpu.enqueue_indirect_dma source(%arg18 : memref<64x128xf32, #tpu.memory_space<vmem>>) target(%dma_start3A_186 : memref<10000x128xf32, #tpu.memory_space<vmem_shared>>) offsets(%arg14 : memref<64xi32, #tpu.memory_space<vmem>>) semaphore(%arg38 : memref<!tpu.dma_semaphore, #tpu.memory_space<semaphore_mem>>) {add = true}
      %add3A_187 = arith.constant 4 : i32
      %add3A_188 = arith.addi %mul3A_127, %add3A_187 : i32
      %add3A_189 = arith.constant 3 : i32
      %add3A_190 = arith.addi %add3A_188, %add3A_189 : i32
      %mul3A_191 = arith.constant 64 : i32
      %mul3A_192 = arith.muli %add3A_190, %mul3A_191 : i32
      %add3A_193 = arith.addi %add3A, %mul3A_192 : i32
      %dma_start3A_194 = tpu.memref_slice %arg2[%add3A_193] : memref<640000xi32, #tpu.memory_space<hbm>> -> memref<64xi32, #tpu.memory_space<hbm>>
      %dma_start3A_195 = tpu.memref_slice %arg2[%add3A_193] : memref<640000xi32, #tpu.memory_space<hbm>> -> memref<64xi32, #tpu.memory_space<hbm>>
      tpu.enqueue_dma source(%dma_start3A_195 : memref<64xi32, #tpu.memory_space<hbm>>) target(%arg10 : memref<64xi32, #tpu.memory_space<vmem>>) target_semaphore(%arg26 : memref<!tpu.dma_semaphore, #tpu.memory_space<semaphore_mem>>)
      %dma_wait3A_196 = arith.constant 0 : i32
      %dma_wait3A_197 = arith.constant 0 : i32
      %dma_wait3A_198 = tpu.memref_slice %arg22[%dma_wait3A_196, %dma_wait3A_197] : memref<10000x128xf32, #tpu.memory_space<vmem_shared>> -> memref<10000x128xf32, #tpu.memory_space<vmem_shared>>
      tpu.wait_indirect_dma semaphore(%arg35 : memref<!tpu.dma_semaphore, #tpu.memory_space<semaphore_mem>>) src(%arg15 : memref<64x128xf32, #tpu.memory_space<vmem>>) dst(%dma_wait3A_198 : memref<10000x128xf32, #tpu.memory_space<vmem_shared>>)
      %add3A_199 = arith.constant 4 : i32
      %add3A_200 = arith.addi %mul3A_127, %add3A_199 : i32
      %add3A_201 = arith.constant 0 : i32
      %add3A_202 = arith.addi %add3A_200, %add3A_201 : i32
      %mul3A_203 = arith.constant 64 : i32
      %mul3A_204 = arith.muli %add3A_202, %mul3A_203 : i32
      %add3A_205 = arith.addi %mul3A_3, %mul3A_204 : i32
      %dma_start3A_206 = tpu.memref_slice %arg3[%add3A_205] : memref<320000xi32, #tpu.memory_space<hbm>> -> memref<64xi32, #tpu.memory_space<hbm>>
      %dma_start3A_207 = tpu.memref_slice %arg3[%add3A_205] : memref<320000xi32, #tpu.memory_space<hbm>> -> memref<64xi32, #tpu.memory_space<hbm>>
      tpu.enqueue_dma source(%dma_start3A_207 : memref<64xi32, #tpu.memory_space<hbm>>) target(%arg11 : memref<64xi32, #tpu.memory_space<vmem>>) target_semaphore(%arg27 : memref<!tpu.dma_semaphore, #tpu.memory_space<semaphore_mem>>)
      %dma_wait3A_208 = tpu.memref_slice %arg2[%add3A] : memref<640000xi32, #tpu.memory_space<hbm>> -> memref<64xi32, #tpu.memory_space<hbm>>
      %dma_wait3A_209 = tpu.memref_slice %arg2[%add3A] : memref<640000xi32, #tpu.memory_space<hbm>> -> memref<64xi32, #tpu.memory_space<hbm>>
      tpu.wait_dma2 semaphore(%arg23 : memref<!tpu.dma_semaphore, #tpu.memory_space<semaphore_mem>>) src(%dma_wait3A_209 : memref<64xi32, #tpu.memory_space<hbm>>) dst(%arg7 : memref<64xi32, #tpu.memory_space<vmem>>)
      %dma_start3A_210 = arith.constant 0 : i32
      %dma_start3A_211 = arith.constant 0 : i32
      %dma_start3A_212 = tpu.memref_slice %arg4[%dma_start3A_210, %dma_start3A_211] : memref<20000x128xf32, #tpu.memory_space<hbm>> -> memref<20000x128xf32, #tpu.memory_space<hbm>>
      tpu.enqueue_indirect_dma source(%dma_start3A_212 : memref<20000x128xf32, #tpu.memory_space<hbm>>) target(%arg15 : memref<64x128xf32, #tpu.memory_space<vmem>>) offsets(%arg7 : memref<64xi32, #tpu.memory_space<vmem>>) semaphore(%arg31 : memref<!tpu.dma_semaphore, #tpu.memory_space<semaphore_mem>>)
      %dma_wait3A_213 = arith.constant 0 : i32
      %dma_wait3A_214 = arith.constant 0 : i32
      %dma_wait3A_215 = tpu.memref_slice %arg22[%dma_wait3A_213, %dma_wait3A_214] : memref<10000x128xf32, #tpu.memory_space<vmem_shared>> -> memref<10000x128xf32, #tpu.memory_space<vmem_shared>>
      tpu.wait_indirect_dma semaphore(%arg36 : memref<!tpu.dma_semaphore, #tpu.memory_space<semaphore_mem>>) src(%arg16 : memref<64x128xf32, #tpu.memory_space<vmem>>) dst(%dma_wait3A_215 : memref<10000x128xf32, #tpu.memory_space<vmem_shared>>)
      %add3A_216 = arith.constant 4 : i32
      %add3A_217 = arith.addi %mul3A_127, %add3A_216 : i32
      %add3A_218 = arith.constant 1 : i32
      %add3A_219 = arith.addi %add3A_217, %add3A_218 : i32
      %mul3A_220 = arith.constant 64 : i32
      %mul3A_221 = arith.muli %add3A_219, %mul3A_220 : i32
      %add3A_222 = arith.addi %mul3A_3, %mul3A_221 : i32
      %dma_start3A_223 = tpu.memref_slice %arg3[%add3A_222] : memref<320000xi32, #tpu.memory_space<hbm>> -> memref<64xi32, #tpu.memory_space<hbm>>
      %dma_start3A_224 = tpu.memref_slice %arg3[%add3A_222] : memref<320000xi32, #tpu.memory_space<hbm>> -> memref<64xi32, #tpu.memory_space<hbm>>
      tpu.enqueue_dma source(%dma_start3A_224 : memref<64xi32, #tpu.memory_space<hbm>>) target(%arg12 : memref<64xi32, #tpu.memory_space<vmem>>) target_semaphore(%arg28 : memref<!tpu.dma_semaphore, #tpu.memory_space<semaphore_mem>>)
      %dma_wait3A_225 = tpu.memref_slice %arg2[%add3A] : memref<640000xi32, #tpu.memory_space<hbm>> -> memref<64xi32, #tpu.memory_space<hbm>>
      %dma_wait3A_226 = tpu.memref_slice %arg2[%add3A] : memref<640000xi32, #tpu.memory_space<hbm>> -> memref<64xi32, #tpu.memory_space<hbm>>
      tpu.wait_dma2 semaphore(%arg24 : memref<!tpu.dma_semaphore, #tpu.memory_space<semaphore_mem>>) src(%dma_wait3A_226 : memref<64xi32, #tpu.memory_space<hbm>>) dst(%arg8 : memref<64xi32, #tpu.memory_space<vmem>>)
      %dma_start3A_227 = arith.constant 0 : i32
      %dma_start3A_228 = arith.constant 0 : i32
      %dma_start3A_229 = tpu.memref_slice %arg4[%dma_start3A_227, %dma_start3A_228] : memref<20000x128xf32, #tpu.memory_space<hbm>> -> memref<20000x128xf32, #tpu.memory_space<hbm>>
      tpu.enqueue_indirect_dma source(%dma_start3A_229 : memref<20000x128xf32, #tpu.memory_space<hbm>>) target(%arg16 : memref<64x128xf32, #tpu.memory_space<vmem>>) offsets(%arg8 : memref<64xi32, #tpu.memory_space<vmem>>) semaphore(%arg32 : memref<!tpu.dma_semaphore, #tpu.memory_space<semaphore_mem>>)
      %dma_wait3A_230 = arith.constant 0 : i32
      %dma_wait3A_231 = arith.constant 0 : i32
      %dma_wait3A_232 = tpu.memref_slice %arg22[%dma_wait3A_230, %dma_wait3A_231] : memref<10000x128xf32, #tpu.memory_space<vmem_shared>> -> memref<10000x128xf32, #tpu.memory_space<vmem_shared>>
      tpu.wait_indirect_dma semaphore(%arg37 : memref<!tpu.dma_semaphore, #tpu.memory_space<semaphore_mem>>) src(%arg17 : memref<64x128xf32, #tpu.memory_space<vmem>>) dst(%dma_wait3A_232 : memref<10000x128xf32, #tpu.memory_space<vmem_shared>>)
      %add3A_233 = arith.constant 4 : i32
      %add3A_234 = arith.addi %mul3A_127, %add3A_233 : i32
      %add3A_235 = arith.constant 2 : i32
      %add3A_236 = arith.addi %add3A_234, %add3A_235 : i32
      %mul3A_237 = arith.constant 64 : i32
      %mul3A_238 = arith.muli %add3A_236, %mul3A_237 : i32
      %add3A_239 = arith.addi %mul3A_3, %mul3A_238 : i32
      %dma_start3A_240 = tpu.memref_slice %arg3[%add3A_239] : memref<320000xi32, #tpu.memory_space<hbm>> -> memref<64xi32, #tpu.memory_space<hbm>>
      %dma_start3A_241 = tpu.memref_slice %arg3[%add3A_239] : memref<320000xi32, #tpu.memory_space<hbm>> -> memref<64xi32, #tpu.memory_space<hbm>>
      tpu.enqueue_dma source(%dma_start3A_241 : memref<64xi32, #tpu.memory_space<hbm>>) target(%arg13 : memref<64xi32, #tpu.memory_space<vmem>>) target_semaphore(%arg29 : memref<!tpu.dma_semaphore, #tpu.memory_space<semaphore_mem>>)
      %dma_wait3A_242 = tpu.memref_slice %arg2[%add3A] : memref<640000xi32, #tpu.memory_space<hbm>> -> memref<64xi32, #tpu.memory_space<hbm>>
      %dma_wait3A_243 = tpu.memref_slice %arg2[%add3A] : memref<640000xi32, #tpu.memory_space<hbm>> -> memref<64xi32, #tpu.memory_space<hbm>>
      tpu.wait_dma2 semaphore(%arg25 : memref<!tpu.dma_semaphore, #tpu.memory_space<semaphore_mem>>) src(%dma_wait3A_243 : memref<64xi32, #tpu.memory_space<hbm>>) dst(%arg9 : memref<64xi32, #tpu.memory_space<vmem>>)
      %dma_start3A_244 = arith.constant 0 : i32
      %dma_start3A_245 = arith.constant 0 : i32
      %dma_start3A_246 = tpu.memref_slice %arg4[%dma_start3A_244, %dma_start3A_245] : memref<20000x128xf32, #tpu.memory_space<hbm>> -> memref<20000x128xf32, #tpu.memory_space<hbm>>
      tpu.enqueue_indirect_dma source(%dma_start3A_246 : memref<20000x128xf32, #tpu.memory_space<hbm>>) target(%arg17 : memref<64x128xf32, #tpu.memory_space<vmem>>) offsets(%arg9 : memref<64xi32, #tpu.memory_space<vmem>>) semaphore(%arg33 : memref<!tpu.dma_semaphore, #tpu.memory_space<semaphore_mem>>)
      %dma_wait3A_247 = arith.constant 0 : i32
      %dma_wait3A_248 = arith.constant 0 : i32
      %dma_wait3A_249 = tpu.memref_slice %arg22[%dma_wait3A_247, %dma_wait3A_248] : memref<10000x128xf32, #tpu.memory_space<vmem_shared>> -> memref<10000x128xf32, #tpu.memory_space<vmem_shared>>
      tpu.wait_indirect_dma semaphore(%arg38 : memref<!tpu.dma_semaphore, #tpu.memory_space<semaphore_mem>>) src(%arg18 : memref<64x128xf32, #tpu.memory_space<vmem>>) dst(%dma_wait3A_249 : memref<10000x128xf32, #tpu.memory_space<vmem_shared>>)
      %add3A_250 = arith.constant 4 : i32
      %add3A_251 = arith.addi %mul3A_127, %add3A_250 : i32
      %add3A_252 = arith.constant 3 : i32
      %add3A_253 = arith.addi %add3A_251, %add3A_252 : i32
      %mul3A_254 = arith.constant 64 : i32
      %mul3A_255 = arith.muli %add3A_253, %mul3A_254 : i32
      %add3A_256 = arith.addi %mul3A_3, %mul3A_255 : i32
      %dma_start3A_257 = tpu.memref_slice %arg3[%add3A_256] : memref<320000xi32, #tpu.memory_space<hbm>> -> memref<64xi32, #tpu.memory_space<hbm>>
      %dma_start3A_258 = tpu.memref_slice %arg3[%add3A_256] : memref<320000xi32, #tpu.memory_space<hbm>> -> memref<64xi32, #tpu.memory_space<hbm>>
      tpu.enqueue_dma source(%dma_start3A_258 : memref<64xi32, #tpu.memory_space<hbm>>) target(%arg14 : memref<64xi32, #tpu.memory_space<vmem>>) target_semaphore(%arg30 : memref<!tpu.dma_semaphore, #tpu.memory_space<semaphore_mem>>)
      %dma_wait3A_259 = tpu.memref_slice %arg2[%add3A] : memref<640000xi32, #tpu.memory_space<hbm>> -> memref<64xi32, #tpu.memory_space<hbm>>
      %dma_wait3A_260 = tpu.memref_slice %arg2[%add3A] : memref<640000xi32, #tpu.memory_space<hbm>> -> memref<64xi32, #tpu.memory_space<hbm>>
      tpu.wait_dma2 semaphore(%arg26 : memref<!tpu.dma_semaphore, #tpu.memory_space<semaphore_mem>>) src(%dma_wait3A_260 : memref<64xi32, #tpu.memory_space<hbm>>) dst(%arg10 : memref<64xi32, #tpu.memory_space<vmem>>)
      %dma_start3A_261 = arith.constant 0 : i32
      %dma_start3A_262 = arith.constant 0 : i32
      %dma_start3A_263 = tpu.memref_slice %arg4[%dma_start3A_261, %dma_start3A_262] : memref<20000x128xf32, #tpu.memory_space<hbm>> -> memref<20000x128xf32, #tpu.memory_space<hbm>>
      tpu.enqueue_indirect_dma source(%dma_start3A_263 : memref<20000x128xf32, #tpu.memory_space<hbm>>) target(%arg18 : memref<64x128xf32, #tpu.memory_space<vmem>>) offsets(%arg10 : memref<64xi32, #tpu.memory_space<vmem>>) semaphore(%arg34 : memref<!tpu.dma_semaphore, #tpu.memory_space<semaphore_mem>>)
    }
    %scan3A_60 = arith.constant 77 : i32
    %dma_wait3A_61 = arith.constant 0 : i32
    %dma_wait3A_62 = arith.constant 0 : i32
    %dma_wait3A_63 = tpu.memref_slice %arg4[%dma_wait3A_61, %dma_wait3A_62] : memref<20000x128xf32, #tpu.memory_space<hbm>> -> memref<20000x128xf32, #tpu.memory_space<hbm>>
    tpu.wait_indirect_dma semaphore(%arg31 : memref<!tpu.dma_semaphore, #tpu.memory_space<semaphore_mem>>) src(%dma_wait3A_63 : memref<20000x128xf32, #tpu.memory_space<hbm>>) dst(%arg15 : memref<64x128xf32, #tpu.memory_space<vmem>>)
    %dma_wait3A_64 = tpu.memref_slice %arg3[%mul3A_3] : memref<320000xi32, #tpu.memory_space<hbm>> -> memref<64xi32, #tpu.memory_space<hbm>>
    %dma_wait3A_65 = tpu.memref_slice %arg3[%mul3A_3] : memref<320000xi32, #tpu.memory_space<hbm>> -> memref<64xi32, #tpu.memory_space<hbm>>
    tpu.wait_dma2 semaphore(%arg27 : memref<!tpu.dma_semaphore, #tpu.memory_space<semaphore_mem>>) src(%dma_wait3A_65 : memref<64xi32, #tpu.memory_space<hbm>>) dst(%arg11 : memref<64xi32, #tpu.memory_space<vmem>>)
    %dma_start3A_66 = arith.constant 0 : i32
    %dma_start3A_67 = arith.constant 0 : i32
    %dma_start3A_68 = tpu.memref_slice %arg22[%dma_start3A_66, %dma_start3A_67] : memref<10000x128xf32, #tpu.memory_space<vmem_shared>> -> memref<10000x128xf32, #tpu.memory_space<vmem_shared>>
    tpu.enqueue_indirect_dma source(%arg15 : memref<64x128xf32, #tpu.memory_space<vmem>>) target(%dma_start3A_68 : memref<10000x128xf32, #tpu.memory_space<vmem_shared>>) offsets(%arg11 : memref<64xi32, #tpu.memory_space<vmem>>) semaphore(%arg35 : memref<!tpu.dma_semaphore, #tpu.memory_space<semaphore_mem>>) {add = true}
    %dma_wait3A_69 = arith.constant 0 : i32
    %dma_wait3A_70 = arith.constant 0 : i32
    %dma_wait3A_71 = tpu.memref_slice %arg4[%dma_wait3A_69, %dma_wait3A_70] : memref<20000x128xf32, #tpu.memory_space<hbm>> -> memref<20000x128xf32, #tpu.memory_space<hbm>>
    tpu.wait_indirect_dma semaphore(%arg32 : memref<!tpu.dma_semaphore, #tpu.memory_space<semaphore_mem>>) src(%dma_wait3A_71 : memref<20000x128xf32, #tpu.memory_space<hbm>>) dst(%arg16 : memref<64x128xf32, #tpu.memory_space<vmem>>)
    %dma_wait3A_72 = tpu.memref_slice %arg3[%mul3A_3] : memref<320000xi32, #tpu.memory_space<hbm>> -> memref<64xi32, #tpu.memory_space<hbm>>
    %dma_wait3A_73 = tpu.memref_slice %arg3[%mul3A_3] : memref<320000xi32, #tpu.memory_space<hbm>> -> memref<64xi32, #tpu.memory_space<hbm>>
    tpu.wait_dma2 semaphore(%arg28 : memref<!tpu.dma_semaphore, #tpu.memory_space<semaphore_mem>>) src(%dma_wait3A_73 : memref<64xi32, #tpu.memory_space<hbm>>) dst(%arg12 : memref<64xi32, #tpu.memory_space<vmem>>)
    %dma_start3A_74 = arith.constant 0 : i32
    %dma_start3A_75 = arith.constant 0 : i32
    %dma_start3A_76 = tpu.memref_slice %arg22[%dma_start3A_74, %dma_start3A_75] : memref<10000x128xf32, #tpu.memory_space<vmem_shared>> -> memref<10000x128xf32, #tpu.memory_space<vmem_shared>>
    tpu.enqueue_indirect_dma source(%arg16 : memref<64x128xf32, #tpu.memory_space<vmem>>) target(%dma_start3A_76 : memref<10000x128xf32, #tpu.memory_space<vmem_shared>>) offsets(%arg12 : memref<64xi32, #tpu.memory_space<vmem>>) semaphore(%arg36 : memref<!tpu.dma_semaphore, #tpu.memory_space<semaphore_mem>>) {add = true}
    %dma_wait3A_77 = arith.constant 0 : i32
    %dma_wait3A_78 = arith.constant 0 : i32
    %dma_wait3A_79 = tpu.memref_slice %arg4[%dma_wait3A_77, %dma_wait3A_78] : memref<20000x128xf32, #tpu.memory_space<hbm>> -> memref<20000x128xf32, #tpu.memory_space<hbm>>
    tpu.wait_indirect_dma semaphore(%arg33 : memref<!tpu.dma_semaphore, #tpu.memory_space<semaphore_mem>>) src(%dma_wait3A_79 : memref<20000x128xf32, #tpu.memory_space<hbm>>) dst(%arg17 : memref<64x128xf32, #tpu.memory_space<vmem>>)
    %dma_wait3A_80 = tpu.memref_slice %arg3[%mul3A_3] : memref<320000xi32, #tpu.memory_space<hbm>> -> memref<64xi32, #tpu.memory_space<hbm>>
    %dma_wait3A_81 = tpu.memref_slice %arg3[%mul3A_3] : memref<320000xi32, #tpu.memory_space<hbm>> -> memref<64xi32, #tpu.memory_space<hbm>>
    tpu.wait_dma2 semaphore(%arg29 : memref<!tpu.dma_semaphore, #tpu.memory_space<semaphore_mem>>) src(%dma_wait3A_81 : memref<64xi32, #tpu.memory_space<hbm>>) dst(%arg13 : memref<64xi32, #tpu.memory_space<vmem>>)
    %dma_start3A_82 = arith.constant 0 : i32
    %dma_start3A_83 = arith.constant 0 : i32
    %dma_start3A_84 = tpu.memref_slice %arg22[%dma_start3A_82, %dma_start3A_83] : memref<10000x128xf32, #tpu.memory_space<vmem_shared>> -> memref<10000x128xf32, #tpu.memory_space<vmem_shared>>
    tpu.enqueue_indirect_dma source(%arg17 : memref<64x128xf32, #tpu.memory_space<vmem>>) target(%dma_start3A_84 : memref<10000x128xf32, #tpu.memory_space<vmem_shared>>) offsets(%arg13 : memref<64xi32, #tpu.memory_space<vmem>>) semaphore(%arg37 : memref<!tpu.dma_semaphore, #tpu.memory_space<semaphore_mem>>) {add = true}
    %dma_wait3A_85 = arith.constant 0 : i32
    %dma_wait3A_86 = arith.constant 0 : i32
    %dma_wait3A_87 = tpu.memref_slice %arg4[%dma_wait3A_85, %dma_wait3A_86] : memref<20000x128xf32, #tpu.memory_space<hbm>> -> memref<20000x128xf32, #tpu.memory_space<hbm>>
    tpu.wait_indirect_dma semaphore(%arg34 : memref<!tpu.dma_semaphore, #tpu.memory_space<semaphore_mem>>) src(%dma_wait3A_87 : memref<20000x128xf32, #tpu.memory_space<hbm>>) dst(%arg18 : memref<64x128xf32, #tpu.memory_space<vmem>>)
    %dma_wait3A_88 = tpu.memref_slice %arg3[%mul3A_3] : memref<320000xi32, #tpu.memory_space<hbm>> -> memref<64xi32, #tpu.memory_space<hbm>>
    %dma_wait3A_89 = tpu.memref_slice %arg3[%mul3A_3] : memref<320000xi32, #tpu.memory_space<hbm>> -> memref<64xi32, #tpu.memory_space<hbm>>
    tpu.wait_dma2 semaphore(%arg30 : memref<!tpu.dma_semaphore, #tpu.memory_space<semaphore_mem>>) src(%dma_wait3A_89 : memref<64xi32, #tpu.memory_space<hbm>>) dst(%arg14 : memref<64xi32, #tpu.memory_space<vmem>>)
    %dma_start3A_90 = arith.constant 0 : i32
    %dma_start3A_91 = arith.constant 0 : i32
    %dma_start3A_92 = tpu.memref_slice %arg22[%dma_start3A_90, %dma_start3A_91] : memref<10000x128xf32, #tpu.memory_space<vmem_shared>> -> memref<10000x128xf32, #tpu.memory_space<vmem_shared>>
    tpu.enqueue_indirect_dma source(%arg18 : memref<64x128xf32, #tpu.memory_space<vmem>>) target(%dma_start3A_92 : memref<10000x128xf32, #tpu.memory_space<vmem_shared>>) offsets(%arg14 : memref<64xi32, #tpu.memory_space<vmem>>) semaphore(%arg38 : memref<!tpu.dma_semaphore, #tpu.memory_space<semaphore_mem>>) {add = true}
    %add3A_93 = arith.constant 19968 : i32
    %add3A_94 = arith.addi %mul3A_3, %add3A_93 : i32
    %add3A_95 = arith.constant 19968 : i32
    %add3A_96 = arith.addi %add3A, %add3A_95 : i32
    "tpu.region"() ({
      %run_scoped3A = tpu.sem_alloc : memref<!tpu.dma_semaphore, #tpu.memory_space<semaphore_mem>>
      %dma_start3A_125 = tpu.memref_slice %arg2[%add3A_96] : memref<640000xi32, #tpu.memory_space<hbm>> -> memref<32xi32, #tpu.memory_space<hbm>>
      %dma_start3A_126 = tpu.memref_slice %arg2[%add3A_96] : memref<640000xi32, #tpu.memory_space<hbm>> -> memref<32xi32, #tpu.memory_space<hbm>>
      tpu.enqueue_dma source(%dma_start3A_126 : memref<32xi32, #tpu.memory_space<hbm>>) target(%arg19 : memref<32xi32, #tpu.memory_space<vmem>>) target_semaphore(%run_scoped3A : memref<!tpu.dma_semaphore, #tpu.memory_space<semaphore_mem>>)
      %dma_wait3A_127 = tpu.memref_slice %arg2[%add3A_96] : memref<640000xi32, #tpu.memory_space<hbm>> -> memref<32xi32, #tpu.memory_space<hbm>>
      %dma_wait3A_128 = tpu.memref_slice %arg2[%add3A_96] : memref<640000xi32, #tpu.memory_space<hbm>> -> memref<32xi32, #tpu.memory_space<hbm>>
      tpu.wait_dma2 semaphore(%run_scoped3A : memref<!tpu.dma_semaphore, #tpu.memory_space<semaphore_mem>>) src(%dma_wait3A_128 : memref<32xi32, #tpu.memory_space<hbm>>) dst(%arg19 : memref<32xi32, #tpu.memory_space<vmem>>)
      tpu.yield
    }) : () -> ()
    %dma_start3A_97 = arith.constant 0 : i32
    %dma_start3A_98 = arith.constant 0 : i32
    %dma_start3A_99 = tpu.memref_slice %arg4[%dma_start3A_97, %dma_start3A_98] : memref<20000x128xf32, #tpu.memory_space<hbm>> -> memref<20000x128xf32, #tpu.memory_space<hbm>>
    tpu.enqueue_indirect_dma source(%dma_start3A_99 : memref<20000x128xf32, #tpu.memory_space<hbm>>) target(%arg21 : memref<32x128xf32, #tpu.memory_space<vmem>>) offsets(%arg19 : memref<32xi32, #tpu.memory_space<vmem>>) semaphore(%arg39 : memref<!tpu.dma_semaphore, #tpu.memory_space<semaphore_mem>>)
    %dma_wait3A_100 = arith.constant 0 : i32
    %dma_wait3A_101 = arith.constant 0 : i32
    %dma_wait3A_102 = tpu.memref_slice %arg4[%dma_wait3A_100, %dma_wait3A_101] : memref<20000x128xf32, #tpu.memory_space<hbm>> -> memref<20000x128xf32, #tpu.memory_space<hbm>>
    tpu.wait_indirect_dma semaphore(%arg39 : memref<!tpu.dma_semaphore, #tpu.memory_space<semaphore_mem>>) src(%dma_wait3A_102 : memref<20000x128xf32, #tpu.memory_space<hbm>>) dst(%arg21 : memref<32x128xf32, #tpu.memory_space<vmem>>)
    "tpu.region"() ({
      %run_scoped3A = tpu.sem_alloc : memref<!tpu.dma_semaphore, #tpu.memory_space<semaphore_mem>>
      %dma_start3A_125 = tpu.memref_slice %arg3[%add3A_94] : memref<320000xi32, #tpu.memory_space<hbm>> -> memref<32xi32, #tpu.memory_space<hbm>>
      %dma_start3A_126 = tpu.memref_slice %arg3[%add3A_94] : memref<320000xi32, #tpu.memory_space<hbm>> -> memref<32xi32, #tpu.memory_space<hbm>>
      tpu.enqueue_dma source(%dma_start3A_126 : memref<32xi32, #tpu.memory_space<hbm>>) target(%arg20 : memref<32xi32, #tpu.memory_space<vmem>>) target_semaphore(%run_scoped3A : memref<!tpu.dma_semaphore, #tpu.memory_space<semaphore_mem>>)
      %dma_wait3A_127 = tpu.memref_slice %arg3[%add3A_94] : memref<320000xi32, #tpu.memory_space<hbm>> -> memref<32xi32, #tpu.memory_space<hbm>>
      %dma_wait3A_128 = tpu.memref_slice %arg3[%add3A_94] : memref<320000xi32, #tpu.memory_space<hbm>> -> memref<32xi32, #tpu.memory_space<hbm>>
      tpu.wait_dma2 semaphore(%run_scoped3A : memref<!tpu.dma_semaphore, #tpu.memory_space<semaphore_mem>>) src(%dma_wait3A_128 : memref<32xi32, #tpu.memory_space<hbm>>) dst(%arg20 : memref<32xi32, #tpu.memory_space<vmem>>)
      tpu.yield
    }) : () -> ()
    %dma_start3A_103 = arith.constant 0 : i32
    %dma_start3A_104 = arith.constant 0 : i32
    %dma_start3A_105 = tpu.memref_slice %arg22[%dma_start3A_103, %dma_start3A_104] : memref<10000x128xf32, #tpu.memory_space<vmem_shared>> -> memref<10000x128xf32, #tpu.memory_space<vmem_shared>>
    tpu.enqueue_indirect_dma source(%arg21 : memref<32x128xf32, #tpu.memory_space<vmem>>) target(%dma_start3A_105 : memref<10000x128xf32, #tpu.memory_space<vmem_shared>>) offsets(%arg20 : memref<32xi32, #tpu.memory_space<vmem>>) semaphore(%arg39 : memref<!tpu.dma_semaphore, #tpu.memory_space<semaphore_mem>>) {add = true}
    %dma_wait3A_106 = arith.constant 0 : i32
    %dma_wait3A_107 = arith.constant 0 : i32
    %dma_wait3A_108 = tpu.memref_slice %arg22[%dma_wait3A_106, %dma_wait3A_107] : memref<10000x128xf32, #tpu.memory_space<vmem_shared>> -> memref<10000x128xf32, #tpu.memory_space<vmem_shared>>
    tpu.wait_indirect_dma semaphore(%arg39 : memref<!tpu.dma_semaphore, #tpu.memory_space<semaphore_mem>>) src(%arg21 : memref<32x128xf32, #tpu.memory_space<vmem>>) dst(%dma_wait3A_108 : memref<10000x128xf32, #tpu.memory_space<vmem_shared>>)
    %dma_wait3A_109 = arith.constant 0 : i32
    %dma_wait3A_110 = arith.constant 0 : i32
    %dma_wait3A_111 = tpu.memref_slice %arg22[%dma_wait3A_109, %dma_wait3A_110] : memref<10000x128xf32, #tpu.memory_space<vmem_shared>> -> memref<10000x128xf32, #tpu.memory_space<vmem_shared>>
    tpu.wait_indirect_dma semaphore(%arg35 : memref<!tpu.dma_semaphore, #tpu.memory_space<semaphore_mem>>) src(%arg15 : memref<64x128xf32, #tpu.memory_space<vmem>>) dst(%dma_wait3A_111 : memref<10000x128xf32, #tpu.memory_space<vmem_shared>>)
    %dma_wait3A_112 = arith.constant 0 : i32
    %dma_wait3A_113 = arith.constant 0 : i32
    %dma_wait3A_114 = tpu.memref_slice %arg22[%dma_wait3A_112, %dma_wait3A_113] : memref<10000x128xf32, #tpu.memory_space<vmem_shared>> -> memref<10000x128xf32, #tpu.memory_space<vmem_shared>>
    tpu.wait_indirect_dma semaphore(%arg36 : memref<!tpu.dma_semaphore, #tpu.memory_space<semaphore_mem>>) src(%arg16 : memref<64x128xf32, #tpu.memory_space<vmem>>) dst(%dma_wait3A_114 : memref<10000x128xf32, #tpu.memory_space<vmem_shared>>)
    %dma_wait3A_115 = arith.constant 0 : i32
    %dma_wait3A_116 = arith.constant 0 : i32
    %dma_wait3A_117 = tpu.memref_slice %arg22[%dma_wait3A_115, %dma_wait3A_116] : memref<10000x128xf32, #tpu.memory_space<vmem_shared>> -> memref<10000x128xf32, #tpu.memory_space<vmem_shared>>
    tpu.wait_indirect_dma semaphore(%arg37 : memref<!tpu.dma_semaphore, #tpu.memory_space<semaphore_mem>>) src(%arg17 : memref<64x128xf32, #tpu.memory_space<vmem>>) dst(%dma_wait3A_117 : memref<10000x128xf32, #tpu.memory_space<vmem_shared>>)
    %dma_wait3A_118 = arith.constant 0 : i32
    %dma_wait3A_119 = arith.constant 0 : i32
    %dma_wait3A_120 = tpu.memref_slice %arg22[%dma_wait3A_118, %dma_wait3A_119] : memref<10000x128xf32, #tpu.memory_space<vmem_shared>> -> memref<10000x128xf32, #tpu.memory_space<vmem_shared>>
    tpu.wait_indirect_dma semaphore(%arg38 : memref<!tpu.dma_semaphore, #tpu.memory_space<semaphore_mem>>) src(%arg18 : memref<64x128xf32, #tpu.memory_space<vmem>>) dst(%dma_wait3A_120 : memref<10000x128xf32, #tpu.memory_space<vmem_shared>>)
    %barrier3A_121 = arith.constant 0 : index
    tpu.barrier barrier_id(%barrier3A_121)
    %mul3A_122 = arith.constant 10000 : i32
    %mul3A_123 = arith.muli %arg0, %mul3A_122 : i32
    %add3A_124 = arith.addi %mul3A_123, %min3A_1 : i32
    "tpu.region"() ({
      %run_scoped3A = tpu.sem_alloc : memref<!tpu.dma_semaphore, #tpu.memory_space<semaphore_mem>>
      %dma_start3A_125 = arith.constant 0 : i32
      %dma_start3A_126 = tpu.memref_slice %arg6[%add3A_124, %dma_start3A_125] : memref<20000x128xf32, #tpu.memory_space<hbm>> -> memref<632x128xf32, #tpu.memory_space<hbm>>
      %dma_start3A_127 = arith.constant 0 : i32
      %dma_start3A_128 = tpu.memref_slice %arg22[%min3A_1, %dma_start3A_127] : memref<10000x128xf32, #tpu.memory_space<vmem_shared>> -> memref<632x128xf32, #tpu.memory_space<vmem_shared>>
      tpu.enqueue_dma source(%dma_start3A_128 : memref<632x128xf32, #tpu.memory_space<vmem_shared>>) target(%dma_start3A_126 : memref<632x128xf32, #tpu.memory_space<hbm>>) target_semaphore(%run_scoped3A : memref<!tpu.dma_semaphore, #tpu.memory_space<semaphore_mem>>)
      %dma_wait3A_129 = arith.constant 0 : i32
      %dma_wait3A_130 = tpu.memref_slice %arg6[%add3A_124, %dma_wait3A_129] : memref<20000x128xf32, #tpu.memory_space<hbm>> -> memref<632x128xf32, #tpu.memory_space<hbm>>
      %dma_wait3A_131 = arith.constant 0 : i32
      %dma_wait3A_132 = tpu.memref_slice %arg22[%min3A_1, %dma_wait3A_131] : memref<10000x128xf32, #tpu.memory_space<vmem_shared>> -> memref<632x128xf32, #tpu.memory_space<vmem_shared>>
      tpu.wait_dma2 semaphore(%run_scoped3A : memref<!tpu.dma_semaphore, #tpu.memory_space<semaphore_mem>>) src(%dma_wait3A_132 : memref<632x128xf32, #tpu.memory_space<vmem_shared>>) dst(%dma_wait3A_130 : memref<632x128xf32, #tpu.memory_space<hbm>>)
      tpu.yield
    }) : () -> ()
    return
  }
}

#map = affine_map<(d0, d1) -> (0)>
#map1 = affine_map<(d0, d1) -> (0, 0)>
module attributes {stable_mosaic.version = 14 : i64} {
  func.func @deg_kernel(%arg0: i32, %arg1: i32, %arg2: memref<320000xi32, #tpu.memory_space<hbm>>, %arg3: memref<128x128xf32, #tpu.memory_space<hbm>>, %arg4: memref<10000x128xf32, #tpu.memory_space<hbm>>, %arg5: memref<20000x128xf32, #tpu.memory_space<hbm>>, %arg6: memref<128xi32, #tpu.memory_space<vmem>>, %arg7: memref<128xi32, #tpu.memory_space<vmem>>, %arg8: memref<16xi32, #tpu.memory_space<vmem>>, %arg9: memref<128x128xf32, #tpu.memory_space<vmem>>, %arg10: memref<10000x128xf32, #tpu.memory_space<vmem_shared>>, %arg11: memref<!tpu.dma_semaphore, #tpu.memory_space<semaphore_mem>>, %arg12: memref<!tpu.dma_semaphore, #tpu.memory_space<semaphore_mem>>, %arg13: memref<!tpu.dma_semaphore, #tpu.memory_space<semaphore_mem>>, %arg14: memref<!tpu.dma_semaphore, #tpu.memory_space<semaphore_mem>>, %arg15: memref<!tpu.dma_semaphore, #tpu.memory_space<semaphore_mem>>) attributes {dimension_semantics = [#tpu.dimension_semantics<core_parallel>, #tpu.dimension_semantics<subcore_parallel>], iteration_bounds = array<i64: 2, 16>, scalar_prefetch = 0 : i64, scratch_operands = 10 : i64, tpu.core_type = #tpu.core_type<sc_vector_subcore>, window_params = [{transform_indices = #map}, {transform_indices = #map1}, {transform_indices = #map1}, {transform_indices = #map1}]} {
    %mul3A = arith.constant 632 : i32
    %mul3A_0 = arith.muli %arg1, %mul3A : i32
    %min3A = arith.constant 9368 : i32
    %min3A_1 = arith.minsi %mul3A_0, %min3A : i32
    %mul3A_2 = arith.constant 160000 : i32
    %mul3A_3 = arith.muli %arg0, %mul3A_2 : i32
    %mul3A_4 = arith.constant 10000 : i32
    %mul3A_5 = arith.muli %arg1, %mul3A_4 : i32
    %add3A = arith.addi %mul3A_3, %mul3A_5 : i32
    %add3A_6 = arith.constant 0 : i32
    %add3A_7 = arith.addi %add3A, %add3A_6 : i32
    %dma_start3A = tpu.memref_slice %arg2[%add3A_7] : memref<320000xi32, #tpu.memory_space<hbm>> -> memref<128xi32, #tpu.memory_space<hbm>>
    %dma_start3A_8 = tpu.memref_slice %arg2[%add3A_7] : memref<320000xi32, #tpu.memory_space<hbm>> -> memref<128xi32, #tpu.memory_space<hbm>>
    tpu.enqueue_dma source(%dma_start3A_8 : memref<128xi32, #tpu.memory_space<hbm>>) target(%arg6 : memref<128xi32, #tpu.memory_space<vmem>>) target_semaphore(%arg11 : memref<!tpu.dma_semaphore, #tpu.memory_space<semaphore_mem>>)
    %add3A_9 = arith.constant 128 : i32
    %add3A_10 = arith.addi %add3A, %add3A_9 : i32
    %dma_start3A_11 = tpu.memref_slice %arg2[%add3A_10] : memref<320000xi32, #tpu.memory_space<hbm>> -> memref<128xi32, #tpu.memory_space<hbm>>
    %dma_start3A_12 = tpu.memref_slice %arg2[%add3A_10] : memref<320000xi32, #tpu.memory_space<hbm>> -> memref<128xi32, #tpu.memory_space<hbm>>
    tpu.enqueue_dma source(%dma_start3A_12 : memref<128xi32, #tpu.memory_space<hbm>>) target(%arg7 : memref<128xi32, #tpu.memory_space<vmem>>) target_semaphore(%arg12 : memref<!tpu.dma_semaphore, #tpu.memory_space<semaphore_mem>>)
    "tpu.region"() ({
      %run_scoped3A = tpu.sem_alloc : memref<!tpu.dma_semaphore, #tpu.memory_space<semaphore_mem>>
      %dma_start3A_51 = arith.constant 0 : i32
      %dma_start3A_52 = tpu.memref_slice %arg10[%min3A_1, %dma_start3A_51] : memref<10000x128xf32, #tpu.memory_space<vmem_shared>> -> memref<632x128xf32, #tpu.memory_space<vmem_shared>>
      %dma_start3A_53 = arith.constant 0 : i32
      %dma_start3A_54 = tpu.memref_slice %arg4[%min3A_1, %dma_start3A_53] : memref<10000x128xf32, #tpu.memory_space<hbm>> -> memref<632x128xf32, #tpu.memory_space<hbm>>
      tpu.enqueue_dma source(%dma_start3A_54 : memref<632x128xf32, #tpu.memory_space<hbm>>) target(%dma_start3A_52 : memref<632x128xf32, #tpu.memory_space<vmem_shared>>) target_semaphore(%run_scoped3A : memref<!tpu.dma_semaphore, #tpu.memory_space<semaphore_mem>>)
      %dma_wait3A_55 = arith.constant 0 : i32
      %dma_wait3A_56 = tpu.memref_slice %arg10[%min3A_1, %dma_wait3A_55] : memref<10000x128xf32, #tpu.memory_space<vmem_shared>> -> memref<632x128xf32, #tpu.memory_space<vmem_shared>>
      %dma_wait3A_57 = arith.constant 0 : i32
      %dma_wait3A_58 = tpu.memref_slice %arg4[%min3A_1, %dma_wait3A_57] : memref<10000x128xf32, #tpu.memory_space<hbm>> -> memref<632x128xf32, #tpu.memory_space<hbm>>
      tpu.wait_dma2 semaphore(%run_scoped3A : memref<!tpu.dma_semaphore, #tpu.memory_space<semaphore_mem>>) src(%dma_wait3A_58 : memref<632x128xf32, #tpu.memory_space<hbm>>) dst(%dma_wait3A_56 : memref<632x128xf32, #tpu.memory_space<vmem_shared>>)
      tpu.yield
    }) : () -> ()
    "tpu.region"() ({
      %run_scoped3A = tpu.sem_alloc : memref<!tpu.dma_semaphore, #tpu.memory_space<semaphore_mem>>
      tpu.enqueue_dma source(%arg3 : memref<128x128xf32, #tpu.memory_space<hbm>>) target(%arg9 : memref<128x128xf32, #tpu.memory_space<vmem>>) target_semaphore(%run_scoped3A : memref<!tpu.dma_semaphore, #tpu.memory_space<semaphore_mem>>)
      tpu.wait_dma2 semaphore(%run_scoped3A : memref<!tpu.dma_semaphore, #tpu.memory_space<semaphore_mem>>) src(%arg3 : memref<128x128xf32, #tpu.memory_space<hbm>>) dst(%arg9 : memref<128x128xf32, #tpu.memory_space<vmem>>)
      tpu.yield
    }) : () -> ()
    %barrier3A = arith.constant 0 : index
    tpu.barrier barrier_id(%barrier3A)
    %scan3A = arith.constant 0 : i32
    %scan3A_13 = arith.constant 0 : i32
    %scan3A_14 = arith.constant 38 : i32
    %scan3A_15 = arith.addi %scan3A_13, %scan3A_14 : i32
    %scan3A_16 = arith.constant 1 : i32
    scf.for %scan3A_51 = %scan3A_13 to %scan3A_15 step %scan3A_16  : i32 {
      %mul3A_52 = arith.constant 2 : i32
      %mul3A_53 = arith.muli %mul3A_52, %scan3A_51 : i32
      %dma_wait3A_54 = tpu.memref_slice %arg2[%add3A] : memref<320000xi32, #tpu.memory_space<hbm>> -> memref<128xi32, #tpu.memory_space<hbm>>
      %dma_wait3A_55 = tpu.memref_slice %arg2[%add3A] : memref<320000xi32, #tpu.memory_space<hbm>> -> memref<128xi32, #tpu.memory_space<hbm>>
      tpu.wait_dma2 semaphore(%arg11 : memref<!tpu.dma_semaphore, #tpu.memory_space<semaphore_mem>>) src(%dma_wait3A_55 : memref<128xi32, #tpu.memory_space<hbm>>) dst(%arg6 : memref<128xi32, #tpu.memory_space<vmem>>)
      %dma_start3A_56 = arith.constant 0 : i32
      %dma_start3A_57 = arith.constant 0 : i32
      %dma_start3A_58 = tpu.memref_slice %arg10[%dma_start3A_56, %dma_start3A_57] : memref<10000x128xf32, #tpu.memory_space<vmem_shared>> -> memref<10000x128xf32, #tpu.memory_space<vmem_shared>>
      tpu.enqueue_indirect_dma source(%arg9 : memref<128x128xf32, #tpu.memory_space<vmem>>) target(%dma_start3A_58 : memref<10000x128xf32, #tpu.memory_space<vmem_shared>>) offsets(%arg6 : memref<128xi32, #tpu.memory_space<vmem>>) semaphore(%arg13 : memref<!tpu.dma_semaphore, #tpu.memory_space<semaphore_mem>>) {add = true}
      %dma_wait3A_59 = tpu.memref_slice %arg2[%add3A] : memref<320000xi32, #tpu.memory_space<hbm>> -> memref<128xi32, #tpu.memory_space<hbm>>
      %dma_wait3A_60 = tpu.memref_slice %arg2[%add3A] : memref<320000xi32, #tpu.memory_space<hbm>> -> memref<128xi32, #tpu.memory_space<hbm>>
      tpu.wait_dma2 semaphore(%arg12 : memref<!tpu.dma_semaphore, #tpu.memory_space<semaphore_mem>>) src(%dma_wait3A_60 : memref<128xi32, #tpu.memory_space<hbm>>) dst(%arg7 : memref<128xi32, #tpu.memory_space<vmem>>)
      %dma_start3A_61 = arith.constant 0 : i32
      %dma_start3A_62 = arith.constant 0 : i32
      %dma_start3A_63 = tpu.memref_slice %arg10[%dma_start3A_61, %dma_start3A_62] : memref<10000x128xf32, #tpu.memory_space<vmem_shared>> -> memref<10000x128xf32, #tpu.memory_space<vmem_shared>>
      tpu.enqueue_indirect_dma source(%arg9 : memref<128x128xf32, #tpu.memory_space<vmem>>) target(%dma_start3A_63 : memref<10000x128xf32, #tpu.memory_space<vmem_shared>>) offsets(%arg7 : memref<128xi32, #tpu.memory_space<vmem>>) semaphore(%arg14 : memref<!tpu.dma_semaphore, #tpu.memory_space<semaphore_mem>>) {add = true}
      %dma_wait3A_64 = arith.constant 0 : i32
      %dma_wait3A_65 = arith.constant 0 : i32
      %dma_wait3A_66 = tpu.memref_slice %arg10[%dma_wait3A_64, %dma_wait3A_65] : memref<10000x128xf32, #tpu.memory_space<vmem_shared>> -> memref<10000x128xf32, #tpu.memory_space<vmem_shared>>
      tpu.wait_indirect_dma semaphore(%arg13 : memref<!tpu.dma_semaphore, #tpu.memory_space<semaphore_mem>>) src(%arg9 : memref<128x128xf32, #tpu.memory_space<vmem>>) dst(%dma_wait3A_66 : memref<10000x128xf32, #tpu.memory_space<vmem_shared>>)
      %add3A_67 = arith.constant 2 : i32
      %add3A_68 = arith.addi %mul3A_53, %add3A_67 : i32
      %mul3A_69 = arith.constant 128 : i32
      %mul3A_70 = arith.muli %add3A_68, %mul3A_69 : i32
      %add3A_71 = arith.addi %add3A, %mul3A_70 : i32
      %dma_start3A_72 = tpu.memref_slice %arg2[%add3A_71] : memref<320000xi32, #tpu.memory_space<hbm>> -> memref<128xi32, #tpu.memory_space<hbm>>
      %dma_start3A_73 = tpu.memref_slice %arg2[%add3A_71] : memref<320000xi32, #tpu.memory_space<hbm>> -> memref<128xi32, #tpu.memory_space<hbm>>
      tpu.enqueue_dma source(%dma_start3A_73 : memref<128xi32, #tpu.memory_space<hbm>>) target(%arg6 : memref<128xi32, #tpu.memory_space<vmem>>) target_semaphore(%arg11 : memref<!tpu.dma_semaphore, #tpu.memory_space<semaphore_mem>>)
      %dma_wait3A_74 = arith.constant 0 : i32
      %dma_wait3A_75 = arith.constant 0 : i32
      %dma_wait3A_76 = tpu.memref_slice %arg10[%dma_wait3A_74, %dma_wait3A_75] : memref<10000x128xf32, #tpu.memory_space<vmem_shared>> -> memref<10000x128xf32, #tpu.memory_space<vmem_shared>>
      tpu.wait_indirect_dma semaphore(%arg14 : memref<!tpu.dma_semaphore, #tpu.memory_space<semaphore_mem>>) src(%arg9 : memref<128x128xf32, #tpu.memory_space<vmem>>) dst(%dma_wait3A_76 : memref<10000x128xf32, #tpu.memory_space<vmem_shared>>)
      %add3A_77 = arith.constant 3 : i32
      %add3A_78 = arith.addi %mul3A_53, %add3A_77 : i32
      %mul3A_79 = arith.constant 128 : i32
      %mul3A_80 = arith.muli %add3A_78, %mul3A_79 : i32
      %add3A_81 = arith.addi %add3A, %mul3A_80 : i32
      %dma_start3A_82 = tpu.memref_slice %arg2[%add3A_81] : memref<320000xi32, #tpu.memory_space<hbm>> -> memref<128xi32, #tpu.memory_space<hbm>>
      %dma_start3A_83 = tpu.memref_slice %arg2[%add3A_81] : memref<320000xi32, #tpu.memory_space<hbm>> -> memref<128xi32, #tpu.memory_space<hbm>>
      tpu.enqueue_dma source(%dma_start3A_83 : memref<128xi32, #tpu.memory_space<hbm>>) target(%arg7 : memref<128xi32, #tpu.memory_space<vmem>>) target_semaphore(%arg12 : memref<!tpu.dma_semaphore, #tpu.memory_space<semaphore_mem>>)
    }
    %scan3A_17 = arith.constant 38 : i32
    %dma_wait3A = tpu.memref_slice %arg2[%add3A] : memref<320000xi32, #tpu.memory_space<hbm>> -> memref<128xi32, #tpu.memory_space<hbm>>
    %dma_wait3A_18 = tpu.memref_slice %arg2[%add3A] : memref<320000xi32, #tpu.memory_space<hbm>> -> memref<128xi32, #tpu.memory_space<hbm>>
    tpu.wait_dma2 semaphore(%arg11 : memref<!tpu.dma_semaphore, #tpu.memory_space<semaphore_mem>>) src(%dma_wait3A_18 : memref<128xi32, #tpu.memory_space<hbm>>) dst(%arg6 : memref<128xi32, #tpu.memory_space<vmem>>)
    %dma_start3A_19 = arith.constant 0 : i32
    %dma_start3A_20 = arith.constant 0 : i32
    %dma_start3A_21 = tpu.memref_slice %arg10[%dma_start3A_19, %dma_start3A_20] : memref<10000x128xf32, #tpu.memory_space<vmem_shared>> -> memref<10000x128xf32, #tpu.memory_space<vmem_shared>>
    tpu.enqueue_indirect_dma source(%arg9 : memref<128x128xf32, #tpu.memory_space<vmem>>) target(%dma_start3A_21 : memref<10000x128xf32, #tpu.memory_space<vmem_shared>>) offsets(%arg6 : memref<128xi32, #tpu.memory_space<vmem>>) semaphore(%arg13 : memref<!tpu.dma_semaphore, #tpu.memory_space<semaphore_mem>>) {add = true}
    %dma_wait3A_22 = tpu.memref_slice %arg2[%add3A] : memref<320000xi32, #tpu.memory_space<hbm>> -> memref<128xi32, #tpu.memory_space<hbm>>
    %dma_wait3A_23 = tpu.memref_slice %arg2[%add3A] : memref<320000xi32, #tpu.memory_space<hbm>> -> memref<128xi32, #tpu.memory_space<hbm>>
    tpu.wait_dma2 semaphore(%arg12 : memref<!tpu.dma_semaphore, #tpu.memory_space<semaphore_mem>>) src(%dma_wait3A_23 : memref<128xi32, #tpu.memory_space<hbm>>) dst(%arg7 : memref<128xi32, #tpu.memory_space<vmem>>)
    %dma_start3A_24 = arith.constant 0 : i32
    %dma_start3A_25 = arith.constant 0 : i32
    %dma_start3A_26 = tpu.memref_slice %arg10[%dma_start3A_24, %dma_start3A_25] : memref<10000x128xf32, #tpu.memory_space<vmem_shared>> -> memref<10000x128xf32, #tpu.memory_space<vmem_shared>>
    tpu.enqueue_indirect_dma source(%arg9 : memref<128x128xf32, #tpu.memory_space<vmem>>) target(%dma_start3A_26 : memref<10000x128xf32, #tpu.memory_space<vmem_shared>>) offsets(%arg7 : memref<128xi32, #tpu.memory_space<vmem>>) semaphore(%arg14 : memref<!tpu.dma_semaphore, #tpu.memory_space<semaphore_mem>>) {add = true}
    %add3A_27 = arith.constant 9984 : i32
    %add3A_28 = arith.addi %add3A, %add3A_27 : i32
    "tpu.region"() ({
      %run_scoped3A = tpu.sem_alloc : memref<!tpu.dma_semaphore, #tpu.memory_space<semaphore_mem>>
      %dma_start3A_51 = tpu.memref_slice %arg2[%add3A_28] : memref<320000xi32, #tpu.memory_space<hbm>> -> memref<16xi32, #tpu.memory_space<hbm>>
      %dma_start3A_52 = tpu.memref_slice %arg2[%add3A_28] : memref<320000xi32, #tpu.memory_space<hbm>> -> memref<16xi32, #tpu.memory_space<hbm>>
      tpu.enqueue_dma source(%dma_start3A_52 : memref<16xi32, #tpu.memory_space<hbm>>) target(%arg8 : memref<16xi32, #tpu.memory_space<vmem>>) target_semaphore(%run_scoped3A : memref<!tpu.dma_semaphore, #tpu.memory_space<semaphore_mem>>)
      %dma_wait3A_53 = tpu.memref_slice %arg2[%add3A_28] : memref<320000xi32, #tpu.memory_space<hbm>> -> memref<16xi32, #tpu.memory_space<hbm>>
      %dma_wait3A_54 = tpu.memref_slice %arg2[%add3A_28] : memref<320000xi32, #tpu.memory_space<hbm>> -> memref<16xi32, #tpu.memory_space<hbm>>
      tpu.wait_dma2 semaphore(%run_scoped3A : memref<!tpu.dma_semaphore, #tpu.memory_space<semaphore_mem>>) src(%dma_wait3A_54 : memref<16xi32, #tpu.memory_space<hbm>>) dst(%arg8 : memref<16xi32, #tpu.memory_space<vmem>>)
      tpu.yield
    }) : () -> ()
    %dma_start3A_29 = arith.constant 0 : i32
    %dma_start3A_30 = arith.constant 0 : i32
    %dma_start3A_31 = tpu.memref_slice %arg9[%dma_start3A_29, %dma_start3A_30] : memref<128x128xf32, #tpu.memory_space<vmem>> -> memref<16x128xf32, #tpu.memory_space<vmem>>
    %dma_start3A_32 = arith.constant 0 : i32
    %dma_start3A_33 = arith.constant 0 : i32
    %dma_start3A_34 = tpu.memref_slice %arg10[%dma_start3A_32, %dma_start3A_33] : memref<10000x128xf32, #tpu.memory_space<vmem_shared>> -> memref<10000x128xf32, #tpu.memory_space<vmem_shared>>
    tpu.enqueue_indirect_dma source(%dma_start3A_31 : memref<16x128xf32, #tpu.memory_space<vmem>>) target(%dma_start3A_34 : memref<10000x128xf32, #tpu.memory_space<vmem_shared>>) offsets(%arg8 : memref<16xi32, #tpu.memory_space<vmem>>) semaphore(%arg15 : memref<!tpu.dma_semaphore, #tpu.memory_space<semaphore_mem>>) {add = true}
    %dma_wait3A_35 = arith.constant 0 : i32
    %dma_wait3A_36 = arith.constant 0 : i32
    %dma_wait3A_37 = tpu.memref_slice %arg9[%dma_wait3A_35, %dma_wait3A_36] : memref<128x128xf32, #tpu.memory_space<vmem>> -> memref<16x128xf32, #tpu.memory_space<vmem>>
    %dma_wait3A_38 = arith.constant 0 : i32
    %dma_wait3A_39 = arith.constant 0 : i32
    %dma_wait3A_40 = tpu.memref_slice %arg10[%dma_wait3A_38, %dma_wait3A_39] : memref<10000x128xf32, #tpu.memory_space<vmem_shared>> -> memref<10000x128xf32, #tpu.memory_space<vmem_shared>>
    tpu.wait_indirect_dma semaphore(%arg15 : memref<!tpu.dma_semaphore, #tpu.memory_space<semaphore_mem>>) src(%dma_wait3A_37 : memref<16x128xf32, #tpu.memory_space<vmem>>) dst(%dma_wait3A_40 : memref<10000x128xf32, #tpu.memory_space<vmem_shared>>)
    %dma_wait3A_41 = arith.constant 0 : i32
    %dma_wait3A_42 = arith.constant 0 : i32
    %dma_wait3A_43 = tpu.memref_slice %arg10[%dma_wait3A_41, %dma_wait3A_42] : memref<10000x128xf32, #tpu.memory_space<vmem_shared>> -> memref<10000x128xf32, #tpu.memory_space<vmem_shared>>
    tpu.wait_indirect_dma semaphore(%arg13 : memref<!tpu.dma_semaphore, #tpu.memory_space<semaphore_mem>>) src(%arg9 : memref<128x128xf32, #tpu.memory_space<vmem>>) dst(%dma_wait3A_43 : memref<10000x128xf32, #tpu.memory_space<vmem_shared>>)
    %dma_wait3A_44 = arith.constant 0 : i32
    %dma_wait3A_45 = arith.constant 0 : i32
    %dma_wait3A_46 = tpu.memref_slice %arg10[%dma_wait3A_44, %dma_wait3A_45] : memref<10000x128xf32, #tpu.memory_space<vmem_shared>> -> memref<10000x128xf32, #tpu.memory_space<vmem_shared>>
    tpu.wait_indirect_dma semaphore(%arg14 : memref<!tpu.dma_semaphore, #tpu.memory_space<semaphore_mem>>) src(%arg9 : memref<128x128xf32, #tpu.memory_space<vmem>>) dst(%dma_wait3A_46 : memref<10000x128xf32, #tpu.memory_space<vmem_shared>>)
    %barrier3A_47 = arith.constant 0 : index
    tpu.barrier barrier_id(%barrier3A_47)
    %mul3A_48 = arith.constant 10000 : i32
    %mul3A_49 = arith.muli %arg0, %mul3A_48 : i32
    %add3A_50 = arith.addi %mul3A_49, %min3A_1 : i32
    "tpu.region"() ({
      %run_scoped3A = tpu.sem_alloc : memref<!tpu.dma_semaphore, #tpu.memory_space<semaphore_mem>>
      %dma_start3A_51 = arith.constant 0 : i32
      %dma_start3A_52 = tpu.memref_slice %arg5[%add3A_50, %dma_start3A_51] : memref<20000x128xf32, #tpu.memory_space<hbm>> -> memref<632x128xf32, #tpu.memory_space<hbm>>
      %dma_start3A_53 = arith.constant 0 : i32
      %dma_start3A_54 = tpu.memref_slice %arg10[%min3A_1, %dma_start3A_53] : memref<10000x128xf32, #tpu.memory_space<vmem_shared>> -> memref<632x128xf32, #tpu.memory_space<vmem_shared>>
      tpu.enqueue_dma source(%dma_start3A_54 : memref<632x128xf32, #tpu.memory_space<vmem_shared>>) target(%dma_start3A_52 : memref<632x128xf32, #tpu.memory_space<hbm>>) target_semaphore(%run_scoped3A : memref<!tpu.dma_semaphore, #tpu.memory_space<semaphore_mem>>)
      %dma_wait3A_55 = arith.constant 0 : i32
      %dma_wait3A_56 = tpu.memref_slice %arg5[%add3A_50, %dma_wait3A_55] : memref<20000x128xf32, #tpu.memory_space<hbm>> -> memref<632x128xf32, #tpu.memory_space<hbm>>
      %dma_wait3A_57 = arith.constant 0 : i32
      %dma_wait3A_58 = tpu.memref_slice %arg10[%min3A_1, %dma_wait3A_57] : memref<10000x128xf32, #tpu.memory_space<vmem_shared>> -> memref<632x128xf32, #tpu.memory_space<vmem_shared>>
      tpu.wait_dma2 semaphore(%run_scoped3A : memref<!tpu.dma_semaphore, #tpu.memory_space<semaphore_mem>>) src(%dma_wait3A_58 : memref<632x128xf32, #tpu.memory_space<vmem_shared>>) dst(%dma_wait3A_56 : memref<632x128xf32, #tpu.memory_space<hbm>>)
      tpu.yield
    }) : () -> ()
    return
  }
}

#map = affine_map<(d0, d1) -> (0)>
#map1 = affine_map<(d0, d1) -> (0, 0)>
module attributes {stable_mosaic.version = 14 : i64} {
  func.func @agg_kernel(%arg0: i32, %arg1: i32, %arg2: memref<640000xi32, #tpu.memory_space<hbm>>, %arg3: memref<320000xi32, #tpu.memory_space<hbm>>, %arg4: memref<20000x128xf32, #tpu.memory_space<hbm>>, %arg5: memref<10000x128xf32, #tpu.memory_space<hbm>>, %arg6: memref<20000x128xf32, #tpu.memory_space<hbm>>, %arg7: memref<64xi32, #tpu.memory_space<vmem>>, %arg8: memref<64xi32, #tpu.memory_space<vmem>>, %arg9: memref<64xi32, #tpu.memory_space<vmem>>, %arg10: memref<64xi32, #tpu.memory_space<vmem>>, %arg11: memref<64xi32, #tpu.memory_space<vmem>>, %arg12: memref<64xi32, #tpu.memory_space<vmem>>, %arg13: memref<64xi32, #tpu.memory_space<vmem>>, %arg14: memref<64xi32, #tpu.memory_space<vmem>>, %arg15: memref<64x128xf32, #tpu.memory_space<vmem>>, %arg16: memref<64x128xf32, #tpu.memory_space<vmem>>, %arg17: memref<64x128xf32, #tpu.memory_space<vmem>>, %arg18: memref<64x128xf32, #tpu.memory_space<vmem>>, %arg19: memref<32xi32, #tpu.memory_space<vmem>>, %arg20: memref<32xi32, #tpu.memory_space<vmem>>, %arg21: memref<32x128xf32, #tpu.memory_space<vmem>>, %arg22: memref<10000x128xf32, #tpu.memory_space<vmem_shared>>, %arg23: memref<!tpu.dma_semaphore, #tpu.memory_space<semaphore_mem>>, %arg24: memref<!tpu.dma_semaphore, #tpu.memory_space<semaphore_mem>>, %arg25: memref<!tpu.dma_semaphore, #tpu.memory_space<semaphore_mem>>, %arg26: memref<!tpu.dma_semaphore, #tpu.memory_space<semaphore_mem>>, %arg27: memref<!tpu.dma_semaphore, #tpu.memory_space<semaphore_mem>>, %arg28: memref<!tpu.dma_semaphore, #tpu.memory_space<semaphore_mem>>, %arg29: memref<!tpu.dma_semaphore, #tpu.memory_space<semaphore_mem>>, %arg30: memref<!tpu.dma_semaphore, #tpu.memory_space<semaphore_mem>>, %arg31: memref<!tpu.dma_semaphore, #tpu.memory_space<semaphore_mem>>, %arg32: memref<!tpu.dma_semaphore, #tpu.memory_space<semaphore_mem>>, %arg33: memref<!tpu.dma_semaphore, #tpu.memory_space<semaphore_mem>>, %arg34: memref<!tpu.dma_semaphore, #tpu.memory_space<semaphore_mem>>, %arg35: memref<!tpu.dma_semaphore, #tpu.memory_space<semaphore_mem>>, %arg36: memref<!tpu.dma_semaphore, #tpu.memory_space<semaphore_mem>>, %arg37: memref<!tpu.dma_semaphore, #tpu.memory_space<semaphore_mem>>, %arg38: memref<!tpu.dma_semaphore, #tpu.memory_space<semaphore_mem>>, %arg39: memref<!tpu.dma_semaphore, #tpu.memory_space<semaphore_mem>>) attributes {dimension_semantics = [#tpu.dimension_semantics<core_parallel>, #tpu.dimension_semantics<subcore_parallel>], iteration_bounds = array<i64: 2, 16>, scalar_prefetch = 0 : i64, scratch_operands = 33 : i64, tpu.core_type = #tpu.core_type<sc_vector_subcore>, window_params = [{transform_indices = #map}, {transform_indices = #map}, {transform_indices = #map1}, {transform_indices = #map1}, {transform_indices = #map1}]} {
    %mul3A = arith.constant 632 : i32
    %mul3A_0 = arith.muli %arg1, %mul3A : i32
    %min3A = arith.constant 9368 : i32
    %min3A_1 = arith.minsi %mul3A_0, %min3A : i32
    %mul3A_2 = arith.constant 20000 : i32
    %mul3A_3 = arith.muli %arg1, %mul3A_2 : i32
    %mul3A_4 = arith.constant 320000 : i32
    %mul3A_5 = arith.muli %arg0, %mul3A_4 : i32
    %add3A = arith.addi %mul3A_5, %mul3A_3 : i32
    %add3A_6 = arith.constant 0 : i32
    %add3A_7 = arith.addi %add3A, %add3A_6 : i32
    %dma_start3A = tpu.memref_slice %arg2[%add3A_7] : memref<640000xi32, #tpu.memory_space<hbm>> -> memref<64xi32, #tpu.memory_space<hbm>>
    %dma_start3A_8 = tpu.memref_slice %arg2[%add3A_7] : memref<640000xi32, #tpu.memory_space<hbm>> -> memref<64xi32, #tpu.memory_space<hbm>>
    tpu.enqueue_dma source(%dma_start3A_8 : memref<64xi32, #tpu.memory_space<hbm>>) target(%arg7 : memref<64xi32, #tpu.memory_space<vmem>>) target_semaphore(%arg23 : memref<!tpu.dma_semaphore, #tpu.memory_space<semaphore_mem>>)
    %add3A_9 = arith.constant 0 : i32
    %add3A_10 = arith.addi %mul3A_3, %add3A_9 : i32
    %dma_start3A_11 = tpu.memref_slice %arg3[%add3A_10] : memref<320000xi32, #tpu.memory_space<hbm>> -> memref<64xi32, #tpu.memory_space<hbm>>
    %dma_start3A_12 = tpu.memref_slice %arg3[%add3A_10] : memref<320000xi32, #tpu.memory_space<hbm>> -> memref<64xi32, #tpu.memory_space<hbm>>
    tpu.enqueue_dma source(%dma_start3A_12 : memref<64xi32, #tpu.memory_space<hbm>>) target(%arg11 : memref<64xi32, #tpu.memory_space<vmem>>) target_semaphore(%arg27 : memref<!tpu.dma_semaphore, #tpu.memory_space<semaphore_mem>>)
    %add3A_13 = arith.constant 64 : i32
    %add3A_14 = arith.addi %add3A, %add3A_13 : i32
    %dma_start3A_15 = tpu.memref_slice %arg2[%add3A_14] : memref<640000xi32, #tpu.memory_space<hbm>> -> memref<64xi32, #tpu.memory_space<hbm>>
    %dma_start3A_16 = tpu.memref_slice %arg2[%add3A_14] : memref<640000xi32, #tpu.memory_space<hbm>> -> memref<64xi32, #tpu.memory_space<hbm>>
    tpu.enqueue_dma source(%dma_start3A_16 : memref<64xi32, #tpu.memory_space<hbm>>) target(%arg8 : memref<64xi32, #tpu.memory_space<vmem>>) target_semaphore(%arg24 : memref<!tpu.dma_semaphore, #tpu.memory_space<semaphore_mem>>)
    %add3A_17 = arith.constant 64 : i32
    %add3A_18 = arith.addi %mul3A_3, %add3A_17 : i32
    %dma_start3A_19 = tpu.memref_slice %arg3[%add3A_18] : memref<320000xi32, #tpu.memory_space<hbm>> -> memref<64xi32, #tpu.memory_space<hbm>>
    %dma_start3A_20 = tpu.memref_slice %arg3[%add3A_18] : memref<320000xi32, #tpu.memory_space<hbm>> -> memref<64xi32, #tpu.memory_space<hbm>>
    tpu.enqueue_dma source(%dma_start3A_20 : memref<64xi32, #tpu.memory_space<hbm>>) target(%arg12 : memref<64xi32, #tpu.memory_space<vmem>>) target_semaphore(%arg28 : memref<!tpu.dma_semaphore, #tpu.memory_space<semaphore_mem>>)
    %add3A_21 = arith.constant 128 : i32
    %add3A_22 = arith.addi %add3A, %add3A_21 : i32
    %dma_start3A_23 = tpu.memref_slice %arg2[%add3A_22] : memref<640000xi32, #tpu.memory_space<hbm>> -> memref<64xi32, #tpu.memory_space<hbm>>
    %dma_start3A_24 = tpu.memref_slice %arg2[%add3A_22] : memref<640000xi32, #tpu.memory_space<hbm>> -> memref<64xi32, #tpu.memory_space<hbm>>
    tpu.enqueue_dma source(%dma_start3A_24 : memref<64xi32, #tpu.memory_space<hbm>>) target(%arg9 : memref<64xi32, #tpu.memory_space<vmem>>) target_semaphore(%arg25 : memref<!tpu.dma_semaphore, #tpu.memory_space<semaphore_mem>>)
    %add3A_25 = arith.constant 128 : i32
    %add3A_26 = arith.addi %mul3A_3, %add3A_25 : i32
    %dma_start3A_27 = tpu.memref_slice %arg3[%add3A_26] : memref<320000xi32, #tpu.memory_space<hbm>> -> memref<64xi32, #tpu.memory_space<hbm>>
    %dma_start3A_28 = tpu.memref_slice %arg3[%add3A_26] : memref<320000xi32, #tpu.memory_space<hbm>> -> memref<64xi32, #tpu.memory_space<hbm>>
    tpu.enqueue_dma source(%dma_start3A_28 : memref<64xi32, #tpu.memory_space<hbm>>) target(%arg13 : memref<64xi32, #tpu.memory_space<vmem>>) target_semaphore(%arg29 : memref<!tpu.dma_semaphore, #tpu.memory_space<semaphore_mem>>)
    %add3A_29 = arith.constant 192 : i32
    %add3A_30 = arith.addi %add3A, %add3A_29 : i32
    %dma_start3A_31 = tpu.memref_slice %arg2[%add3A_30] : memref<640000xi32, #tpu.memory_space<hbm>> -> memref<64xi32, #tpu.memory_space<hbm>>
    %dma_start3A_32 = tpu.memref_slice %arg2[%add3A_30] : memref<640000xi32, #tpu.memory_space<hbm>> -> memref<64xi32, #tpu.memory_space<hbm>>
    tpu.enqueue_dma source(%dma_start3A_32 : memref<64xi32, #tpu.memory_space<hbm>>) target(%arg10 : memref<64xi32, #tpu.memory_space<vmem>>) target_semaphore(%arg26 : memref<!tpu.dma_semaphore, #tpu.memory_space<semaphore_mem>>)
    %add3A_33 = arith.constant 192 : i32
    %add3A_34 = arith.addi %mul3A_3, %add3A_33 : i32
    %dma_start3A_35 = tpu.memref_slice %arg3[%add3A_34] : memref<320000xi32, #tpu.memory_space<hbm>> -> memref<64xi32, #tpu.memory_space<hbm>>
    %dma_start3A_36 = tpu.memref_slice %arg3[%add3A_34] : memref<320000xi32, #tpu.memory_space<hbm>> -> memref<64xi32, #tpu.memory_space<hbm>>
    tpu.enqueue_dma source(%dma_start3A_36 : memref<64xi32, #tpu.memory_space<hbm>>) target(%arg14 : memref<64xi32, #tpu.memory_space<vmem>>) target_semaphore(%arg30 : memref<!tpu.dma_semaphore, #tpu.memory_space<semaphore_mem>>)
    %dma_wait3A = tpu.memref_slice %arg2[%add3A] : memref<640000xi32, #tpu.memory_space<hbm>> -> memref<64xi32, #tpu.memory_space<hbm>>
    %dma_wait3A_37 = tpu.memref_slice %arg2[%add3A] : memref<640000xi32, #tpu.memory_space<hbm>> -> memref<64xi32, #tpu.memory_space<hbm>>
    tpu.wait_dma2 semaphore(%arg23 : memref<!tpu.dma_semaphore, #tpu.memory_space<semaphore_mem>>) src(%dma_wait3A_37 : memref<64xi32, #tpu.memory_space<hbm>>) dst(%arg7 : memref<64xi32, #tpu.memory_space<vmem>>)
    %dma_start3A_38 = arith.constant 0 : i32
    %dma_start3A_39 = arith.constant 0 : i32
    %dma_start3A_40 = tpu.memref_slice %arg4[%dma_start3A_38, %dma_start3A_39] : memref<20000x128xf32, #tpu.memory_space<hbm>> -> memref<20000x128xf32, #tpu.memory_space<hbm>>
    tpu.enqueue_indirect_dma source(%dma_start3A_40 : memref<20000x128xf32, #tpu.memory_space<hbm>>) target(%arg15 : memref<64x128xf32, #tpu.memory_space<vmem>>) offsets(%arg7 : memref<64xi32, #tpu.memory_space<vmem>>) semaphore(%arg31 : memref<!tpu.dma_semaphore, #tpu.memory_space<semaphore_mem>>)
    "tpu.region"() ({
      %run_scoped3A = tpu.sem_alloc : memref<!tpu.dma_semaphore, #tpu.memory_space<semaphore_mem>>
      %dma_start3A_125 = arith.constant 0 : i32
      %dma_start3A_126 = tpu.memref_slice %arg22[%min3A_1, %dma_start3A_125] : memref<10000x128xf32, #tpu.memory_space<vmem_shared>> -> memref<632x128xf32, #tpu.memory_space<vmem_shared>>
      %dma_start3A_127 = arith.constant 0 : i32
      %dma_start3A_128 = tpu.memref_slice %arg5[%min3A_1, %dma_start3A_127] : memref<10000x128xf32, #tpu.memory_space<hbm>> -> memref<632x128xf32, #tpu.memory_space<hbm>>
      tpu.enqueue_dma source(%dma_start3A_128 : memref<632x128xf32, #tpu.memory_space<hbm>>) target(%dma_start3A_126 : memref<632x128xf32, #tpu.memory_space<vmem_shared>>) target_semaphore(%run_scoped3A : memref<!tpu.dma_semaphore, #tpu.memory_space<semaphore_mem>>)
      %dma_wait3A_129 = arith.constant 0 : i32
      %dma_wait3A_130 = tpu.memref_slice %arg22[%min3A_1, %dma_wait3A_129] : memref<10000x128xf32, #tpu.memory_space<vmem_shared>> -> memref<632x128xf32, #tpu.memory_space<vmem_shared>>
      %dma_wait3A_131 = arith.constant 0 : i32
      %dma_wait3A_132 = tpu.memref_slice %arg5[%min3A_1, %dma_wait3A_131] : memref<10000x128xf32, #tpu.memory_space<hbm>> -> memref<632x128xf32, #tpu.memory_space<hbm>>
      tpu.wait_dma2 semaphore(%run_scoped3A : memref<!tpu.dma_semaphore, #tpu.memory_space<semaphore_mem>>) src(%dma_wait3A_132 : memref<632x128xf32, #tpu.memory_space<hbm>>) dst(%dma_wait3A_130 : memref<632x128xf32, #tpu.memory_space<vmem_shared>>)
      tpu.yield
    }) : () -> ()
    %dma_wait3A_41 = tpu.memref_slice %arg2[%add3A] : memref<640000xi32, #tpu.memory_space<hbm>> -> memref<64xi32, #tpu.memory_space<hbm>>
    %dma_wait3A_42 = tpu.memref_slice %arg2[%add3A] : memref<640000xi32, #tpu.memory_space<hbm>> -> memref<64xi32, #tpu.memory_space<hbm>>
    tpu.wait_dma2 semaphore(%arg24 : memref<!tpu.dma_semaphore, #tpu.memory_space<semaphore_mem>>) src(%dma_wait3A_42 : memref<64xi32, #tpu.memory_space<hbm>>) dst(%arg8 : memref<64xi32, #tpu.memory_space<vmem>>)
    %dma_start3A_43 = arith.constant 0 : i32
    %dma_start3A_44 = arith.constant 0 : i32
    %dma_start3A_45 = tpu.memref_slice %arg4[%dma_start3A_43, %dma_start3A_44] : memref<20000x128xf32, #tpu.memory_space<hbm>> -> memref<20000x128xf32, #tpu.memory_space<hbm>>
    tpu.enqueue_indirect_dma source(%dma_start3A_45 : memref<20000x128xf32, #tpu.memory_space<hbm>>) target(%arg16 : memref<64x128xf32, #tpu.memory_space<vmem>>) offsets(%arg8 : memref<64xi32, #tpu.memory_space<vmem>>) semaphore(%arg32 : memref<!tpu.dma_semaphore, #tpu.memory_space<semaphore_mem>>)
    %dma_wait3A_46 = tpu.memref_slice %arg2[%add3A] : memref<640000xi32, #tpu.memory_space<hbm>> -> memref<64xi32, #tpu.memory_space<hbm>>
    %dma_wait3A_47 = tpu.memref_slice %arg2[%add3A] : memref<640000xi32, #tpu.memory_space<hbm>> -> memref<64xi32, #tpu.memory_space<hbm>>
    tpu.wait_dma2 semaphore(%arg25 : memref<!tpu.dma_semaphore, #tpu.memory_space<semaphore_mem>>) src(%dma_wait3A_47 : memref<64xi32, #tpu.memory_space<hbm>>) dst(%arg9 : memref<64xi32, #tpu.memory_space<vmem>>)
    %dma_start3A_48 = arith.constant 0 : i32
    %dma_start3A_49 = arith.constant 0 : i32
    %dma_start3A_50 = tpu.memref_slice %arg4[%dma_start3A_48, %dma_start3A_49] : memref<20000x128xf32, #tpu.memory_space<hbm>> -> memref<20000x128xf32, #tpu.memory_space<hbm>>
    tpu.enqueue_indirect_dma source(%dma_start3A_50 : memref<20000x128xf32, #tpu.memory_space<hbm>>) target(%arg17 : memref<64x128xf32, #tpu.memory_space<vmem>>) offsets(%arg9 : memref<64xi32, #tpu.memory_space<vmem>>) semaphore(%arg33 : memref<!tpu.dma_semaphore, #tpu.memory_space<semaphore_mem>>)
    %dma_wait3A_51 = tpu.memref_slice %arg2[%add3A] : memref<640000xi32, #tpu.memory_space<hbm>> -> memref<64xi32, #tpu.memory_space<hbm>>
    %dma_wait3A_52 = tpu.memref_slice %arg2[%add3A] : memref<640000xi32, #tpu.memory_space<hbm>> -> memref<64xi32, #tpu.memory_space<hbm>>
    tpu.wait_dma2 semaphore(%arg26 : memref<!tpu.dma_semaphore, #tpu.memory_space<semaphore_mem>>) src(%dma_wait3A_52 : memref<64xi32, #tpu.memory_space<hbm>>) dst(%arg10 : memref<64xi32, #tpu.memory_space<vmem>>)
    %dma_start3A_53 = arith.constant 0 : i32
    %dma_start3A_54 = arith.constant 0 : i32
    %dma_start3A_55 = tpu.memref_slice %arg4[%dma_start3A_53, %dma_start3A_54] : memref<20000x128xf32, #tpu.memory_space<hbm>> -> memref<20000x128xf32, #tpu.memory_space<hbm>>
    tpu.enqueue_indirect_dma source(%dma_start3A_55 : memref<20000x128xf32, #tpu.memory_space<hbm>>) target(%arg18 : memref<64x128xf32, #tpu.memory_space<vmem>>) offsets(%arg10 : memref<64xi32, #tpu.memory_space<vmem>>) semaphore(%arg34 : memref<!tpu.dma_semaphore, #tpu.memory_space<semaphore_mem>>)
    %barrier3A = arith.constant 0 : index
    tpu.barrier barrier_id(%barrier3A)
    %scan3A = arith.constant 0 : i32
    %scan3A_56 = arith.constant 0 : i32
    %scan3A_57 = arith.constant 77 : i32
    %scan3A_58 = arith.addi %scan3A_56, %scan3A_57 : i32
    %scan3A_59 = arith.constant 1 : i32
    scf.for %scan3A_125 = %scan3A_56 to %scan3A_58 step %scan3A_59  : i32 {
      %mul3A_126 = arith.constant 4 : i32
      %mul3A_127 = arith.muli %mul3A_126, %scan3A_125 : i32
      %dma_wait3A_128 = arith.constant 0 : i32
      %dma_wait3A_129 = arith.constant 0 : i32
      %dma_wait3A_130 = tpu.memref_slice %arg4[%dma_wait3A_128, %dma_wait3A_129] : memref<20000x128xf32, #tpu.memory_space<hbm>> -> memref<20000x128xf32, #tpu.memory_space<hbm>>
      tpu.wait_indirect_dma semaphore(%arg31 : memref<!tpu.dma_semaphore, #tpu.memory_space<semaphore_mem>>) src(%dma_wait3A_130 : memref<20000x128xf32, #tpu.memory_space<hbm>>) dst(%arg15 : memref<64x128xf32, #tpu.memory_space<vmem>>)
      %dma_wait3A_131 = tpu.memref_slice %arg3[%mul3A_3] : memref<320000xi32, #tpu.memory_space<hbm>> -> memref<64xi32, #tpu.memory_space<hbm>>
      %dma_wait3A_132 = tpu.memref_slice %arg3[%mul3A_3] : memref<320000xi32, #tpu.memory_space<hbm>> -> memref<64xi32, #tpu.memory_space<hbm>>
      tpu.wait_dma2 semaphore(%arg27 : memref<!tpu.dma_semaphore, #tpu.memory_space<semaphore_mem>>) src(%dma_wait3A_132 : memref<64xi32, #tpu.memory_space<hbm>>) dst(%arg11 : memref<64xi32, #tpu.memory_space<vmem>>)
      %dma_start3A_133 = arith.constant 0 : i32
      %dma_start3A_134 = arith.constant 0 : i32
      %dma_start3A_135 = tpu.memref_slice %arg22[%dma_start3A_133, %dma_start3A_134] : memref<10000x128xf32, #tpu.memory_space<vmem_shared>> -> memref<10000x128xf32, #tpu.memory_space<vmem_shared>>
      tpu.enqueue_indirect_dma source(%arg15 : memref<64x128xf32, #tpu.memory_space<vmem>>) target(%dma_start3A_135 : memref<10000x128xf32, #tpu.memory_space<vmem_shared>>) offsets(%arg11 : memref<64xi32, #tpu.memory_space<vmem>>) semaphore(%arg35 : memref<!tpu.dma_semaphore, #tpu.memory_space<semaphore_mem>>) {add = true}
      %add3A_136 = arith.constant 4 : i32
      %add3A_137 = arith.addi %mul3A_127, %add3A_136 : i32
      %add3A_138 = arith.constant 0 : i32
      %add3A_139 = arith.addi %add3A_137, %add3A_138 : i32
      %mul3A_140 = arith.constant 64 : i32
      %mul3A_141 = arith.muli %add3A_139, %mul3A_140 : i32
      %add3A_142 = arith.addi %add3A, %mul3A_141 : i32
      %dma_start3A_143 = tpu.memref_slice %arg2[%add3A_142] : memref<640000xi32, #tpu.memory_space<hbm>> -> memref<64xi32, #tpu.memory_space<hbm>>
      %dma_start3A_144 = tpu.memref_slice %arg2[%add3A_142] : memref<640000xi32, #tpu.memory_space<hbm>> -> memref<64xi32, #tpu.memory_space<hbm>>
      tpu.enqueue_dma source(%dma_start3A_144 : memref<64xi32, #tpu.memory_space<hbm>>) target(%arg7 : memref<64xi32, #tpu.memory_space<vmem>>) target_semaphore(%arg23 : memref<!tpu.dma_semaphore, #tpu.memory_space<semaphore_mem>>)
      %dma_wait3A_145 = arith.constant 0 : i32
      %dma_wait3A_146 = arith.constant 0 : i32
      %dma_wait3A_147 = tpu.memref_slice %arg4[%dma_wait3A_145, %dma_wait3A_146] : memref<20000x128xf32, #tpu.memory_space<hbm>> -> memref<20000x128xf32, #tpu.memory_space<hbm>>
      tpu.wait_indirect_dma semaphore(%arg32 : memref<!tpu.dma_semaphore, #tpu.memory_space<semaphore_mem>>) src(%dma_wait3A_147 : memref<20000x128xf32, #tpu.memory_space<hbm>>) dst(%arg16 : memref<64x128xf32, #tpu.memory_space<vmem>>)
      %dma_wait3A_148 = tpu.memref_slice %arg3[%mul3A_3] : memref<320000xi32, #tpu.memory_space<hbm>> -> memref<64xi32, #tpu.memory_space<hbm>>
      %dma_wait3A_149 = tpu.memref_slice %arg3[%mul3A_3] : memref<320000xi32, #tpu.memory_space<hbm>> -> memref<64xi32, #tpu.memory_space<hbm>>
      tpu.wait_dma2 semaphore(%arg28 : memref<!tpu.dma_semaphore, #tpu.memory_space<semaphore_mem>>) src(%dma_wait3A_149 : memref<64xi32, #tpu.memory_space<hbm>>) dst(%arg12 : memref<64xi32, #tpu.memory_space<vmem>>)
      %dma_start3A_150 = arith.constant 0 : i32
      %dma_start3A_151 = arith.constant 0 : i32
      %dma_start3A_152 = tpu.memref_slice %arg22[%dma_start3A_150, %dma_start3A_151] : memref<10000x128xf32, #tpu.memory_space<vmem_shared>> -> memref<10000x128xf32, #tpu.memory_space<vmem_shared>>
      tpu.enqueue_indirect_dma source(%arg16 : memref<64x128xf32, #tpu.memory_space<vmem>>) target(%dma_start3A_152 : memref<10000x128xf32, #tpu.memory_space<vmem_shared>>) offsets(%arg12 : memref<64xi32, #tpu.memory_space<vmem>>) semaphore(%arg36 : memref<!tpu.dma_semaphore, #tpu.memory_space<semaphore_mem>>) {add = true}
      %add3A_153 = arith.constant 4 : i32
      %add3A_154 = arith.addi %mul3A_127, %add3A_153 : i32
      %add3A_155 = arith.constant 1 : i32
      %add3A_156 = arith.addi %add3A_154, %add3A_155 : i32
      %mul3A_157 = arith.constant 64 : i32
      %mul3A_158 = arith.muli %add3A_156, %mul3A_157 : i32
      %add3A_159 = arith.addi %add3A, %mul3A_158 : i32
      %dma_start3A_160 = tpu.memref_slice %arg2[%add3A_159] : memref<640000xi32, #tpu.memory_space<hbm>> -> memref<64xi32, #tpu.memory_space<hbm>>
      %dma_start3A_161 = tpu.memref_slice %arg2[%add3A_159] : memref<640000xi32, #tpu.memory_space<hbm>> -> memref<64xi32, #tpu.memory_space<hbm>>
      tpu.enqueue_dma source(%dma_start3A_161 : memref<64xi32, #tpu.memory_space<hbm>>) target(%arg8 : memref<64xi32, #tpu.memory_space<vmem>>) target_semaphore(%arg24 : memref<!tpu.dma_semaphore, #tpu.memory_space<semaphore_mem>>)
      %dma_wait3A_162 = arith.constant 0 : i32
      %dma_wait3A_163 = arith.constant 0 : i32
      %dma_wait3A_164 = tpu.memref_slice %arg4[%dma_wait3A_162, %dma_wait3A_163] : memref<20000x128xf32, #tpu.memory_space<hbm>> -> memref<20000x128xf32, #tpu.memory_space<hbm>>
      tpu.wait_indirect_dma semaphore(%arg33 : memref<!tpu.dma_semaphore, #tpu.memory_space<semaphore_mem>>) src(%dma_wait3A_164 : memref<20000x128xf32, #tpu.memory_space<hbm>>) dst(%arg17 : memref<64x128xf32, #tpu.memory_space<vmem>>)
      %dma_wait3A_165 = tpu.memref_slice %arg3[%mul3A_3] : memref<320000xi32, #tpu.memory_space<hbm>> -> memref<64xi32, #tpu.memory_space<hbm>>
      %dma_wait3A_166 = tpu.memref_slice %arg3[%mul3A_3] : memref<320000xi32, #tpu.memory_space<hbm>> -> memref<64xi32, #tpu.memory_space<hbm>>
      tpu.wait_dma2 semaphore(%arg29 : memref<!tpu.dma_semaphore, #tpu.memory_space<semaphore_mem>>) src(%dma_wait3A_166 : memref<64xi32, #tpu.memory_space<hbm>>) dst(%arg13 : memref<64xi32, #tpu.memory_space<vmem>>)
      %dma_start3A_167 = arith.constant 0 : i32
      %dma_start3A_168 = arith.constant 0 : i32
      %dma_start3A_169 = tpu.memref_slice %arg22[%dma_start3A_167, %dma_start3A_168] : memref<10000x128xf32, #tpu.memory_space<vmem_shared>> -> memref<10000x128xf32, #tpu.memory_space<vmem_shared>>
      tpu.enqueue_indirect_dma source(%arg17 : memref<64x128xf32, #tpu.memory_space<vmem>>) target(%dma_start3A_169 : memref<10000x128xf32, #tpu.memory_space<vmem_shared>>) offsets(%arg13 : memref<64xi32, #tpu.memory_space<vmem>>) semaphore(%arg37 : memref<!tpu.dma_semaphore, #tpu.memory_space<semaphore_mem>>) {add = true}
      %add3A_170 = arith.constant 4 : i32
      %add3A_171 = arith.addi %mul3A_127, %add3A_170 : i32
      %add3A_172 = arith.constant 2 : i32
      %add3A_173 = arith.addi %add3A_171, %add3A_172 : i32
      %mul3A_174 = arith.constant 64 : i32
      %mul3A_175 = arith.muli %add3A_173, %mul3A_174 : i32
      %add3A_176 = arith.addi %add3A, %mul3A_175 : i32
      %dma_start3A_177 = tpu.memref_slice %arg2[%add3A_176] : memref<640000xi32, #tpu.memory_space<hbm>> -> memref<64xi32, #tpu.memory_space<hbm>>
      %dma_start3A_178 = tpu.memref_slice %arg2[%add3A_176] : memref<640000xi32, #tpu.memory_space<hbm>> -> memref<64xi32, #tpu.memory_space<hbm>>
      tpu.enqueue_dma source(%dma_start3A_178 : memref<64xi32, #tpu.memory_space<hbm>>) target(%arg9 : memref<64xi32, #tpu.memory_space<vmem>>) target_semaphore(%arg25 : memref<!tpu.dma_semaphore, #tpu.memory_space<semaphore_mem>>)
      %dma_wait3A_179 = arith.constant 0 : i32
      %dma_wait3A_180 = arith.constant 0 : i32
      %dma_wait3A_181 = tpu.memref_slice %arg4[%dma_wait3A_179, %dma_wait3A_180] : memref<20000x128xf32, #tpu.memory_space<hbm>> -> memref<20000x128xf32, #tpu.memory_space<hbm>>
      tpu.wait_indirect_dma semaphore(%arg34 : memref<!tpu.dma_semaphore, #tpu.memory_space<semaphore_mem>>) src(%dma_wait3A_181 : memref<20000x128xf32, #tpu.memory_space<hbm>>) dst(%arg18 : memref<64x128xf32, #tpu.memory_space<vmem>>)
      %dma_wait3A_182 = tpu.memref_slice %arg3[%mul3A_3] : memref<320000xi32, #tpu.memory_space<hbm>> -> memref<64xi32, #tpu.memory_space<hbm>>
      %dma_wait3A_183 = tpu.memref_slice %arg3[%mul3A_3] : memref<320000xi32, #tpu.memory_space<hbm>> -> memref<64xi32, #tpu.memory_space<hbm>>
      tpu.wait_dma2 semaphore(%arg30 : memref<!tpu.dma_semaphore, #tpu.memory_space<semaphore_mem>>) src(%dma_wait3A_183 : memref<64xi32, #tpu.memory_space<hbm>>) dst(%arg14 : memref<64xi32, #tpu.memory_space<vmem>>)
      %dma_start3A_184 = arith.constant 0 : i32
      %dma_start3A_185 = arith.constant 0 : i32
      %dma_start3A_186 = tpu.memref_slice %arg22[%dma_start3A_184, %dma_start3A_185] : memref<10000x128xf32, #tpu.memory_space<vmem_shared>> -> memref<10000x128xf32, #tpu.memory_space<vmem_shared>>
      tpu.enqueue_indirect_dma source(%arg18 : memref<64x128xf32, #tpu.memory_space<vmem>>) target(%dma_start3A_186 : memref<10000x128xf32, #tpu.memory_space<vmem_shared>>) offsets(%arg14 : memref<64xi32, #tpu.memory_space<vmem>>) semaphore(%arg38 : memref<!tpu.dma_semaphore, #tpu.memory_space<semaphore_mem>>) {add = true}
      %add3A_187 = arith.constant 4 : i32
      %add3A_188 = arith.addi %mul3A_127, %add3A_187 : i32
      %add3A_189 = arith.constant 3 : i32
      %add3A_190 = arith.addi %add3A_188, %add3A_189 : i32
      %mul3A_191 = arith.constant 64 : i32
      %mul3A_192 = arith.muli %add3A_190, %mul3A_191 : i32
      %add3A_193 = arith.addi %add3A, %mul3A_192 : i32
      %dma_start3A_194 = tpu.memref_slice %arg2[%add3A_193] : memref<640000xi32, #tpu.memory_space<hbm>> -> memref<64xi32, #tpu.memory_space<hbm>>
      %dma_start3A_195 = tpu.memref_slice %arg2[%add3A_193] : memref<640000xi32, #tpu.memory_space<hbm>> -> memref<64xi32, #tpu.memory_space<hbm>>
      tpu.enqueue_dma source(%dma_start3A_195 : memref<64xi32, #tpu.memory_space<hbm>>) target(%arg10 : memref<64xi32, #tpu.memory_space<vmem>>) target_semaphore(%arg26 : memref<!tpu.dma_semaphore, #tpu.memory_space<semaphore_mem>>)
      %dma_wait3A_196 = arith.constant 0 : i32
      %dma_wait3A_197 = arith.constant 0 : i32
      %dma_wait3A_198 = tpu.memref_slice %arg22[%dma_wait3A_196, %dma_wait3A_197] : memref<10000x128xf32, #tpu.memory_space<vmem_shared>> -> memref<10000x128xf32, #tpu.memory_space<vmem_shared>>
      tpu.wait_indirect_dma semaphore(%arg35 : memref<!tpu.dma_semaphore, #tpu.memory_space<semaphore_mem>>) src(%arg15 : memref<64x128xf32, #tpu.memory_space<vmem>>) dst(%dma_wait3A_198 : memref<10000x128xf32, #tpu.memory_space<vmem_shared>>)
      %add3A_199 = arith.constant 4 : i32
      %add3A_200 = arith.addi %mul3A_127, %add3A_199 : i32
      %add3A_201 = arith.constant 0 : i32
      %add3A_202 = arith.addi %add3A_200, %add3A_201 : i32
      %mul3A_203 = arith.constant 64 : i32
      %mul3A_204 = arith.muli %add3A_202, %mul3A_203 : i32
      %add3A_205 = arith.addi %mul3A_3, %mul3A_204 : i32
      %dma_start3A_206 = tpu.memref_slice %arg3[%add3A_205] : memref<320000xi32, #tpu.memory_space<hbm>> -> memref<64xi32, #tpu.memory_space<hbm>>
      %dma_start3A_207 = tpu.memref_slice %arg3[%add3A_205] : memref<320000xi32, #tpu.memory_space<hbm>> -> memref<64xi32, #tpu.memory_space<hbm>>
      tpu.enqueue_dma source(%dma_start3A_207 : memref<64xi32, #tpu.memory_space<hbm>>) target(%arg11 : memref<64xi32, #tpu.memory_space<vmem>>) target_semaphore(%arg27 : memref<!tpu.dma_semaphore, #tpu.memory_space<semaphore_mem>>)
      %dma_wait3A_208 = tpu.memref_slice %arg2[%add3A] : memref<640000xi32, #tpu.memory_space<hbm>> -> memref<64xi32, #tpu.memory_space<hbm>>
      %dma_wait3A_209 = tpu.memref_slice %arg2[%add3A] : memref<640000xi32, #tpu.memory_space<hbm>> -> memref<64xi32, #tpu.memory_space<hbm>>
      tpu.wait_dma2 semaphore(%arg23 : memref<!tpu.dma_semaphore, #tpu.memory_space<semaphore_mem>>) src(%dma_wait3A_209 : memref<64xi32, #tpu.memory_space<hbm>>) dst(%arg7 : memref<64xi32, #tpu.memory_space<vmem>>)
      %dma_start3A_210 = arith.constant 0 : i32
      %dma_start3A_211 = arith.constant 0 : i32
      %dma_start3A_212 = tpu.memref_slice %arg4[%dma_start3A_210, %dma_start3A_211] : memref<20000x128xf32, #tpu.memory_space<hbm>> -> memref<20000x128xf32, #tpu.memory_space<hbm>>
      tpu.enqueue_indirect_dma source(%dma_start3A_212 : memref<20000x128xf32, #tpu.memory_space<hbm>>) target(%arg15 : memref<64x128xf32, #tpu.memory_space<vmem>>) offsets(%arg7 : memref<64xi32, #tpu.memory_space<vmem>>) semaphore(%arg31 : memref<!tpu.dma_semaphore, #tpu.memory_space<semaphore_mem>>)
      %dma_wait3A_213 = arith.constant 0 : i32
      %dma_wait3A_214 = arith.constant 0 : i32
      %dma_wait3A_215 = tpu.memref_slice %arg22[%dma_wait3A_213, %dma_wait3A_214] : memref<10000x128xf32, #tpu.memory_space<vmem_shared>> -> memref<10000x128xf32, #tpu.memory_space<vmem_shared>>
      tpu.wait_indirect_dma semaphore(%arg36 : memref<!tpu.dma_semaphore, #tpu.memory_space<semaphore_mem>>) src(%arg16 : memref<64x128xf32, #tpu.memory_space<vmem>>) dst(%dma_wait3A_215 : memref<10000x128xf32, #tpu.memory_space<vmem_shared>>)
      %add3A_216 = arith.constant 4 : i32
      %add3A_217 = arith.addi %mul3A_127, %add3A_216 : i32
      %add3A_218 = arith.constant 1 : i32
      %add3A_219 = arith.addi %add3A_217, %add3A_218 : i32
      %mul3A_220 = arith.constant 64 : i32
      %mul3A_221 = arith.muli %add3A_219, %mul3A_220 : i32
      %add3A_222 = arith.addi %mul3A_3, %mul3A_221 : i32
      %dma_start3A_223 = tpu.memref_slice %arg3[%add3A_222] : memref<320000xi32, #tpu.memory_space<hbm>> -> memref<64xi32, #tpu.memory_space<hbm>>
      %dma_start3A_224 = tpu.memref_slice %arg3[%add3A_222] : memref<320000xi32, #tpu.memory_space<hbm>> -> memref<64xi32, #tpu.memory_space<hbm>>
      tpu.enqueue_dma source(%dma_start3A_224 : memref<64xi32, #tpu.memory_space<hbm>>) target(%arg12 : memref<64xi32, #tpu.memory_space<vmem>>) target_semaphore(%arg28 : memref<!tpu.dma_semaphore, #tpu.memory_space<semaphore_mem>>)
      %dma_wait3A_225 = tpu.memref_slice %arg2[%add3A] : memref<640000xi32, #tpu.memory_space<hbm>> -> memref<64xi32, #tpu.memory_space<hbm>>
      %dma_wait3A_226 = tpu.memref_slice %arg2[%add3A] : memref<640000xi32, #tpu.memory_space<hbm>> -> memref<64xi32, #tpu.memory_space<hbm>>
      tpu.wait_dma2 semaphore(%arg24 : memref<!tpu.dma_semaphore, #tpu.memory_space<semaphore_mem>>) src(%dma_wait3A_226 : memref<64xi32, #tpu.memory_space<hbm>>) dst(%arg8 : memref<64xi32, #tpu.memory_space<vmem>>)
      %dma_start3A_227 = arith.constant 0 : i32
      %dma_start3A_228 = arith.constant 0 : i32
      %dma_start3A_229 = tpu.memref_slice %arg4[%dma_start3A_227, %dma_start3A_228] : memref<20000x128xf32, #tpu.memory_space<hbm>> -> memref<20000x128xf32, #tpu.memory_space<hbm>>
      tpu.enqueue_indirect_dma source(%dma_start3A_229 : memref<20000x128xf32, #tpu.memory_space<hbm>>) target(%arg16 : memref<64x128xf32, #tpu.memory_space<vmem>>) offsets(%arg8 : memref<64xi32, #tpu.memory_space<vmem>>) semaphore(%arg32 : memref<!tpu.dma_semaphore, #tpu.memory_space<semaphore_mem>>)
      %dma_wait3A_230 = arith.constant 0 : i32
      %dma_wait3A_231 = arith.constant 0 : i32
      %dma_wait3A_232 = tpu.memref_slice %arg22[%dma_wait3A_230, %dma_wait3A_231] : memref<10000x128xf32, #tpu.memory_space<vmem_shared>> -> memref<10000x128xf32, #tpu.memory_space<vmem_shared>>
      tpu.wait_indirect_dma semaphore(%arg37 : memref<!tpu.dma_semaphore, #tpu.memory_space<semaphore_mem>>) src(%arg17 : memref<64x128xf32, #tpu.memory_space<vmem>>) dst(%dma_wait3A_232 : memref<10000x128xf32, #tpu.memory_space<vmem_shared>>)
      %add3A_233 = arith.constant 4 : i32
      %add3A_234 = arith.addi %mul3A_127, %add3A_233 : i32
      %add3A_235 = arith.constant 2 : i32
      %add3A_236 = arith.addi %add3A_234, %add3A_235 : i32
      %mul3A_237 = arith.constant 64 : i32
      %mul3A_238 = arith.muli %add3A_236, %mul3A_237 : i32
      %add3A_239 = arith.addi %mul3A_3, %mul3A_238 : i32
      %dma_start3A_240 = tpu.memref_slice %arg3[%add3A_239] : memref<320000xi32, #tpu.memory_space<hbm>> -> memref<64xi32, #tpu.memory_space<hbm>>
      %dma_start3A_241 = tpu.memref_slice %arg3[%add3A_239] : memref<320000xi32, #tpu.memory_space<hbm>> -> memref<64xi32, #tpu.memory_space<hbm>>
      tpu.enqueue_dma source(%dma_start3A_241 : memref<64xi32, #tpu.memory_space<hbm>>) target(%arg13 : memref<64xi32, #tpu.memory_space<vmem>>) target_semaphore(%arg29 : memref<!tpu.dma_semaphore, #tpu.memory_space<semaphore_mem>>)
      %dma_wait3A_242 = tpu.memref_slice %arg2[%add3A] : memref<640000xi32, #tpu.memory_space<hbm>> -> memref<64xi32, #tpu.memory_space<hbm>>
      %dma_wait3A_243 = tpu.memref_slice %arg2[%add3A] : memref<640000xi32, #tpu.memory_space<hbm>> -> memref<64xi32, #tpu.memory_space<hbm>>
      tpu.wait_dma2 semaphore(%arg25 : memref<!tpu.dma_semaphore, #tpu.memory_space<semaphore_mem>>) src(%dma_wait3A_243 : memref<64xi32, #tpu.memory_space<hbm>>) dst(%arg9 : memref<64xi32, #tpu.memory_space<vmem>>)
      %dma_start3A_244 = arith.constant 0 : i32
      %dma_start3A_245 = arith.constant 0 : i32
      %dma_start3A_246 = tpu.memref_slice %arg4[%dma_start3A_244, %dma_start3A_245] : memref<20000x128xf32, #tpu.memory_space<hbm>> -> memref<20000x128xf32, #tpu.memory_space<hbm>>
      tpu.enqueue_indirect_dma source(%dma_start3A_246 : memref<20000x128xf32, #tpu.memory_space<hbm>>) target(%arg17 : memref<64x128xf32, #tpu.memory_space<vmem>>) offsets(%arg9 : memref<64xi32, #tpu.memory_space<vmem>>) semaphore(%arg33 : memref<!tpu.dma_semaphore, #tpu.memory_space<semaphore_mem>>)
      %dma_wait3A_247 = arith.constant 0 : i32
      %dma_wait3A_248 = arith.constant 0 : i32
      %dma_wait3A_249 = tpu.memref_slice %arg22[%dma_wait3A_247, %dma_wait3A_248] : memref<10000x128xf32, #tpu.memory_space<vmem_shared>> -> memref<10000x128xf32, #tpu.memory_space<vmem_shared>>
      tpu.wait_indirect_dma semaphore(%arg38 : memref<!tpu.dma_semaphore, #tpu.memory_space<semaphore_mem>>) src(%arg18 : memref<64x128xf32, #tpu.memory_space<vmem>>) dst(%dma_wait3A_249 : memref<10000x128xf32, #tpu.memory_space<vmem_shared>>)
      %add3A_250 = arith.constant 4 : i32
      %add3A_251 = arith.addi %mul3A_127, %add3A_250 : i32
      %add3A_252 = arith.constant 3 : i32
      %add3A_253 = arith.addi %add3A_251, %add3A_252 : i32
      %mul3A_254 = arith.constant 64 : i32
      %mul3A_255 = arith.muli %add3A_253, %mul3A_254 : i32
      %add3A_256 = arith.addi %mul3A_3, %mul3A_255 : i32
      %dma_start3A_257 = tpu.memref_slice %arg3[%add3A_256] : memref<320000xi32, #tpu.memory_space<hbm>> -> memref<64xi32, #tpu.memory_space<hbm>>
      %dma_start3A_258 = tpu.memref_slice %arg3[%add3A_256] : memref<320000xi32, #tpu.memory_space<hbm>> -> memref<64xi32, #tpu.memory_space<hbm>>
      tpu.enqueue_dma source(%dma_start3A_258 : memref<64xi32, #tpu.memory_space<hbm>>) target(%arg14 : memref<64xi32, #tpu.memory_space<vmem>>) target_semaphore(%arg30 : memref<!tpu.dma_semaphore, #tpu.memory_space<semaphore_mem>>)
      %dma_wait3A_259 = tpu.memref_slice %arg2[%add3A] : memref<640000xi32, #tpu.memory_space<hbm>> -> memref<64xi32, #tpu.memory_space<hbm>>
      %dma_wait3A_260 = tpu.memref_slice %arg2[%add3A] : memref<640000xi32, #tpu.memory_space<hbm>> -> memref<64xi32, #tpu.memory_space<hbm>>
      tpu.wait_dma2 semaphore(%arg26 : memref<!tpu.dma_semaphore, #tpu.memory_space<semaphore_mem>>) src(%dma_wait3A_260 : memref<64xi32, #tpu.memory_space<hbm>>) dst(%arg10 : memref<64xi32, #tpu.memory_space<vmem>>)
      %dma_start3A_261 = arith.constant 0 : i32
      %dma_start3A_262 = arith.constant 0 : i32
      %dma_start3A_263 = tpu.memref_slice %arg4[%dma_start3A_261, %dma_start3A_262] : memref<20000x128xf32, #tpu.memory_space<hbm>> -> memref<20000x128xf32, #tpu.memory_space<hbm>>
      tpu.enqueue_indirect_dma source(%dma_start3A_263 : memref<20000x128xf32, #tpu.memory_space<hbm>>) target(%arg18 : memref<64x128xf32, #tpu.memory_space<vmem>>) offsets(%arg10 : memref<64xi32, #tpu.memory_space<vmem>>) semaphore(%arg34 : memref<!tpu.dma_semaphore, #tpu.memory_space<semaphore_mem>>)
    }
    %scan3A_60 = arith.constant 77 : i32
    %dma_wait3A_61 = arith.constant 0 : i32
    %dma_wait3A_62 = arith.constant 0 : i32
    %dma_wait3A_63 = tpu.memref_slice %arg4[%dma_wait3A_61, %dma_wait3A_62] : memref<20000x128xf32, #tpu.memory_space<hbm>> -> memref<20000x128xf32, #tpu.memory_space<hbm>>
    tpu.wait_indirect_dma semaphore(%arg31 : memref<!tpu.dma_semaphore, #tpu.memory_space<semaphore_mem>>) src(%dma_wait3A_63 : memref<20000x128xf32, #tpu.memory_space<hbm>>) dst(%arg15 : memref<64x128xf32, #tpu.memory_space<vmem>>)
    %dma_wait3A_64 = tpu.memref_slice %arg3[%mul3A_3] : memref<320000xi32, #tpu.memory_space<hbm>> -> memref<64xi32, #tpu.memory_space<hbm>>
    %dma_wait3A_65 = tpu.memref_slice %arg3[%mul3A_3] : memref<320000xi32, #tpu.memory_space<hbm>> -> memref<64xi32, #tpu.memory_space<hbm>>
    tpu.wait_dma2 semaphore(%arg27 : memref<!tpu.dma_semaphore, #tpu.memory_space<semaphore_mem>>) src(%dma_wait3A_65 : memref<64xi32, #tpu.memory_space<hbm>>) dst(%arg11 : memref<64xi32, #tpu.memory_space<vmem>>)
    %dma_start3A_66 = arith.constant 0 : i32
    %dma_start3A_67 = arith.constant 0 : i32
    %dma_start3A_68 = tpu.memref_slice %arg22[%dma_start3A_66, %dma_start3A_67] : memref<10000x128xf32, #tpu.memory_space<vmem_shared>> -> memref<10000x128xf32, #tpu.memory_space<vmem_shared>>
    tpu.enqueue_indirect_dma source(%arg15 : memref<64x128xf32, #tpu.memory_space<vmem>>) target(%dma_start3A_68 : memref<10000x128xf32, #tpu.memory_space<vmem_shared>>) offsets(%arg11 : memref<64xi32, #tpu.memory_space<vmem>>) semaphore(%arg35 : memref<!tpu.dma_semaphore, #tpu.memory_space<semaphore_mem>>) {add = true}
    %dma_wait3A_69 = arith.constant 0 : i32
    %dma_wait3A_70 = arith.constant 0 : i32
    %dma_wait3A_71 = tpu.memref_slice %arg4[%dma_wait3A_69, %dma_wait3A_70] : memref<20000x128xf32, #tpu.memory_space<hbm>> -> memref<20000x128xf32, #tpu.memory_space<hbm>>
    tpu.wait_indirect_dma semaphore(%arg32 : memref<!tpu.dma_semaphore, #tpu.memory_space<semaphore_mem>>) src(%dma_wait3A_71 : memref<20000x128xf32, #tpu.memory_space<hbm>>) dst(%arg16 : memref<64x128xf32, #tpu.memory_space<vmem>>)
    %dma_wait3A_72 = tpu.memref_slice %arg3[%mul3A_3] : memref<320000xi32, #tpu.memory_space<hbm>> -> memref<64xi32, #tpu.memory_space<hbm>>
    %dma_wait3A_73 = tpu.memref_slice %arg3[%mul3A_3] : memref<320000xi32, #tpu.memory_space<hbm>> -> memref<64xi32, #tpu.memory_space<hbm>>
    tpu.wait_dma2 semaphore(%arg28 : memref<!tpu.dma_semaphore, #tpu.memory_space<semaphore_mem>>) src(%dma_wait3A_73 : memref<64xi32, #tpu.memory_space<hbm>>) dst(%arg12 : memref<64xi32, #tpu.memory_space<vmem>>)
    %dma_start3A_74 = arith.constant 0 : i32
    %dma_start3A_75 = arith.constant 0 : i32
    %dma_start3A_76 = tpu.memref_slice %arg22[%dma_start3A_74, %dma_start3A_75] : memref<10000x128xf32, #tpu.memory_space<vmem_shared>> -> memref<10000x128xf32, #tpu.memory_space<vmem_shared>>
    tpu.enqueue_indirect_dma source(%arg16 : memref<64x128xf32, #tpu.memory_space<vmem>>) target(%dma_start3A_76 : memref<10000x128xf32, #tpu.memory_space<vmem_shared>>) offsets(%arg12 : memref<64xi32, #tpu.memory_space<vmem>>) semaphore(%arg36 : memref<!tpu.dma_semaphore, #tpu.memory_space<semaphore_mem>>) {add = true}
    %dma_wait3A_77 = arith.constant 0 : i32
    %dma_wait3A_78 = arith.constant 0 : i32
    %dma_wait3A_79 = tpu.memref_slice %arg4[%dma_wait3A_77, %dma_wait3A_78] : memref<20000x128xf32, #tpu.memory_space<hbm>> -> memref<20000x128xf32, #tpu.memory_space<hbm>>
    tpu.wait_indirect_dma semaphore(%arg33 : memref<!tpu.dma_semaphore, #tpu.memory_space<semaphore_mem>>) src(%dma_wait3A_79 : memref<20000x128xf32, #tpu.memory_space<hbm>>) dst(%arg17 : memref<64x128xf32, #tpu.memory_space<vmem>>)
    %dma_wait3A_80 = tpu.memref_slice %arg3[%mul3A_3] : memref<320000xi32, #tpu.memory_space<hbm>> -> memref<64xi32, #tpu.memory_space<hbm>>
    %dma_wait3A_81 = tpu.memref_slice %arg3[%mul3A_3] : memref<320000xi32, #tpu.memory_space<hbm>> -> memref<64xi32, #tpu.memory_space<hbm>>
    tpu.wait_dma2 semaphore(%arg29 : memref<!tpu.dma_semaphore, #tpu.memory_space<semaphore_mem>>) src(%dma_wait3A_81 : memref<64xi32, #tpu.memory_space<hbm>>) dst(%arg13 : memref<64xi32, #tpu.memory_space<vmem>>)
    %dma_start3A_82 = arith.constant 0 : i32
    %dma_start3A_83 = arith.constant 0 : i32
    %dma_start3A_84 = tpu.memref_slice %arg22[%dma_start3A_82, %dma_start3A_83] : memref<10000x128xf32, #tpu.memory_space<vmem_shared>> -> memref<10000x128xf32, #tpu.memory_space<vmem_shared>>
    tpu.enqueue_indirect_dma source(%arg17 : memref<64x128xf32, #tpu.memory_space<vmem>>) target(%dma_start3A_84 : memref<10000x128xf32, #tpu.memory_space<vmem_shared>>) offsets(%arg13 : memref<64xi32, #tpu.memory_space<vmem>>) semaphore(%arg37 : memref<!tpu.dma_semaphore, #tpu.memory_space<semaphore_mem>>) {add = true}
    %dma_wait3A_85 = arith.constant 0 : i32
    %dma_wait3A_86 = arith.constant 0 : i32
    %dma_wait3A_87 = tpu.memref_slice %arg4[%dma_wait3A_85, %dma_wait3A_86] : memref<20000x128xf32, #tpu.memory_space<hbm>> -> memref<20000x128xf32, #tpu.memory_space<hbm>>
    tpu.wait_indirect_dma semaphore(%arg34 : memref<!tpu.dma_semaphore, #tpu.memory_space<semaphore_mem>>) src(%dma_wait3A_87 : memref<20000x128xf32, #tpu.memory_space<hbm>>) dst(%arg18 : memref<64x128xf32, #tpu.memory_space<vmem>>)
    %dma_wait3A_88 = tpu.memref_slice %arg3[%mul3A_3] : memref<320000xi32, #tpu.memory_space<hbm>> -> memref<64xi32, #tpu.memory_space<hbm>>
    %dma_wait3A_89 = tpu.memref_slice %arg3[%mul3A_3] : memref<320000xi32, #tpu.memory_space<hbm>> -> memref<64xi32, #tpu.memory_space<hbm>>
    tpu.wait_dma2 semaphore(%arg30 : memref<!tpu.dma_semaphore, #tpu.memory_space<semaphore_mem>>) src(%dma_wait3A_89 : memref<64xi32, #tpu.memory_space<hbm>>) dst(%arg14 : memref<64xi32, #tpu.memory_space<vmem>>)
    %dma_start3A_90 = arith.constant 0 : i32
    %dma_start3A_91 = arith.constant 0 : i32
    %dma_start3A_92 = tpu.memref_slice %arg22[%dma_start3A_90, %dma_start3A_91] : memref<10000x128xf32, #tpu.memory_space<vmem_shared>> -> memref<10000x128xf32, #tpu.memory_space<vmem_shared>>
    tpu.enqueue_indirect_dma source(%arg18 : memref<64x128xf32, #tpu.memory_space<vmem>>) target(%dma_start3A_92 : memref<10000x128xf32, #tpu.memory_space<vmem_shared>>) offsets(%arg14 : memref<64xi32, #tpu.memory_space<vmem>>) semaphore(%arg38 : memref<!tpu.dma_semaphore, #tpu.memory_space<semaphore_mem>>) {add = true}
    %add3A_93 = arith.constant 19968 : i32
    %add3A_94 = arith.addi %mul3A_3, %add3A_93 : i32
    %add3A_95 = arith.constant 19968 : i32
    %add3A_96 = arith.addi %add3A, %add3A_95 : i32
    "tpu.region"() ({
      %run_scoped3A = tpu.sem_alloc : memref<!tpu.dma_semaphore, #tpu.memory_space<semaphore_mem>>
      %dma_start3A_125 = tpu.memref_slice %arg2[%add3A_96] : memref<640000xi32, #tpu.memory_space<hbm>> -> memref<32xi32, #tpu.memory_space<hbm>>
      %dma_start3A_126 = tpu.memref_slice %arg2[%add3A_96] : memref<640000xi32, #tpu.memory_space<hbm>> -> memref<32xi32, #tpu.memory_space<hbm>>
      tpu.enqueue_dma source(%dma_start3A_126 : memref<32xi32, #tpu.memory_space<hbm>>) target(%arg19 : memref<32xi32, #tpu.memory_space<vmem>>) target_semaphore(%run_scoped3A : memref<!tpu.dma_semaphore, #tpu.memory_space<semaphore_mem>>)
      %dma_wait3A_127 = tpu.memref_slice %arg2[%add3A_96] : memref<640000xi32, #tpu.memory_space<hbm>> -> memref<32xi32, #tpu.memory_space<hbm>>
      %dma_wait3A_128 = tpu.memref_slice %arg2[%add3A_96] : memref<640000xi32, #tpu.memory_space<hbm>> -> memref<32xi32, #tpu.memory_space<hbm>>
      tpu.wait_dma2 semaphore(%run_scoped3A : memref<!tpu.dma_semaphore, #tpu.memory_space<semaphore_mem>>) src(%dma_wait3A_128 : memref<32xi32, #tpu.memory_space<hbm>>) dst(%arg19 : memref<32xi32, #tpu.memory_space<vmem>>)
      tpu.yield
    }) : () -> ()
    %dma_start3A_97 = arith.constant 0 : i32
    %dma_start3A_98 = arith.constant 0 : i32
    %dma_start3A_99 = tpu.memref_slice %arg4[%dma_start3A_97, %dma_start3A_98] : memref<20000x128xf32, #tpu.memory_space<hbm>> -> memref<20000x128xf32, #tpu.memory_space<hbm>>
    tpu.enqueue_indirect_dma source(%dma_start3A_99 : memref<20000x128xf32, #tpu.memory_space<hbm>>) target(%arg21 : memref<32x128xf32, #tpu.memory_space<vmem>>) offsets(%arg19 : memref<32xi32, #tpu.memory_space<vmem>>) semaphore(%arg39 : memref<!tpu.dma_semaphore, #tpu.memory_space<semaphore_mem>>)
    %dma_wait3A_100 = arith.constant 0 : i32
    %dma_wait3A_101 = arith.constant 0 : i32
    %dma_wait3A_102 = tpu.memref_slice %arg4[%dma_wait3A_100, %dma_wait3A_101] : memref<20000x128xf32, #tpu.memory_space<hbm>> -> memref<20000x128xf32, #tpu.memory_space<hbm>>
    tpu.wait_indirect_dma semaphore(%arg39 : memref<!tpu.dma_semaphore, #tpu.memory_space<semaphore_mem>>) src(%dma_wait3A_102 : memref<20000x128xf32, #tpu.memory_space<hbm>>) dst(%arg21 : memref<32x128xf32, #tpu.memory_space<vmem>>)
    "tpu.region"() ({
      %run_scoped3A = tpu.sem_alloc : memref<!tpu.dma_semaphore, #tpu.memory_space<semaphore_mem>>
      %dma_start3A_125 = tpu.memref_slice %arg3[%add3A_94] : memref<320000xi32, #tpu.memory_space<hbm>> -> memref<32xi32, #tpu.memory_space<hbm>>
      %dma_start3A_126 = tpu.memref_slice %arg3[%add3A_94] : memref<320000xi32, #tpu.memory_space<hbm>> -> memref<32xi32, #tpu.memory_space<hbm>>
      tpu.enqueue_dma source(%dma_start3A_126 : memref<32xi32, #tpu.memory_space<hbm>>) target(%arg20 : memref<32xi32, #tpu.memory_space<vmem>>) target_semaphore(%run_scoped3A : memref<!tpu.dma_semaphore, #tpu.memory_space<semaphore_mem>>)
      %dma_wait3A_127 = tpu.memref_slice %arg3[%add3A_94] : memref<320000xi32, #tpu.memory_space<hbm>> -> memref<32xi32, #tpu.memory_space<hbm>>
      %dma_wait3A_128 = tpu.memref_slice %arg3[%add3A_94] : memref<320000xi32, #tpu.memory_space<hbm>> -> memref<32xi32, #tpu.memory_space<hbm>>
      tpu.wait_dma2 semaphore(%run_scoped3A : memref<!tpu.dma_semaphore, #tpu.memory_space<semaphore_mem>>) src(%dma_wait3A_128 : memref<32xi32, #tpu.memory_space<hbm>>) dst(%arg20 : memref<32xi32, #tpu.memory_space<vmem>>)
      tpu.yield
    }) : () -> ()
    %dma_start3A_103 = arith.constant 0 : i32
    %dma_start3A_104 = arith.constant 0 : i32
    %dma_start3A_105 = tpu.memref_slice %arg22[%dma_start3A_103, %dma_start3A_104] : memref<10000x128xf32, #tpu.memory_space<vmem_shared>> -> memref<10000x128xf32, #tpu.memory_space<vmem_shared>>
    tpu.enqueue_indirect_dma source(%arg21 : memref<32x128xf32, #tpu.memory_space<vmem>>) target(%dma_start3A_105 : memref<10000x128xf32, #tpu.memory_space<vmem_shared>>) offsets(%arg20 : memref<32xi32, #tpu.memory_space<vmem>>) semaphore(%arg39 : memref<!tpu.dma_semaphore, #tpu.memory_space<semaphore_mem>>) {add = true}
    %dma_wait3A_106 = arith.constant 0 : i32
    %dma_wait3A_107 = arith.constant 0 : i32
    %dma_wait3A_108 = tpu.memref_slice %arg22[%dma_wait3A_106, %dma_wait3A_107] : memref<10000x128xf32, #tpu.memory_space<vmem_shared>> -> memref<10000x128xf32, #tpu.memory_space<vmem_shared>>
    tpu.wait_indirect_dma semaphore(%arg39 : memref<!tpu.dma_semaphore, #tpu.memory_space<semaphore_mem>>) src(%arg21 : memref<32x128xf32, #tpu.memory_space<vmem>>) dst(%dma_wait3A_108 : memref<10000x128xf32, #tpu.memory_space<vmem_shared>>)
    %dma_wait3A_109 = arith.constant 0 : i32
    %dma_wait3A_110 = arith.constant 0 : i32
    %dma_wait3A_111 = tpu.memref_slice %arg22[%dma_wait3A_109, %dma_wait3A_110] : memref<10000x128xf32, #tpu.memory_space<vmem_shared>> -> memref<10000x128xf32, #tpu.memory_space<vmem_shared>>
    tpu.wait_indirect_dma semaphore(%arg35 : memref<!tpu.dma_semaphore, #tpu.memory_space<semaphore_mem>>) src(%arg15 : memref<64x128xf32, #tpu.memory_space<vmem>>) dst(%dma_wait3A_111 : memref<10000x128xf32, #tpu.memory_space<vmem_shared>>)
    %dma_wait3A_112 = arith.constant 0 : i32
    %dma_wait3A_113 = arith.constant 0 : i32
    %dma_wait3A_114 = tpu.memref_slice %arg22[%dma_wait3A_112, %dma_wait3A_113] : memref<10000x128xf32, #tpu.memory_space<vmem_shared>> -> memref<10000x128xf32, #tpu.memory_space<vmem_shared>>
    tpu.wait_indirect_dma semaphore(%arg36 : memref<!tpu.dma_semaphore, #tpu.memory_space<semaphore_mem>>) src(%arg16 : memref<64x128xf32, #tpu.memory_space<vmem>>) dst(%dma_wait3A_114 : memref<10000x128xf32, #tpu.memory_space<vmem_shared>>)
    %dma_wait3A_115 = arith.constant 0 : i32
    %dma_wait3A_116 = arith.constant 0 : i32
    %dma_wait3A_117 = tpu.memref_slice %arg22[%dma_wait3A_115, %dma_wait3A_116] : memref<10000x128xf32, #tpu.memory_space<vmem_shared>> -> memref<10000x128xf32, #tpu.memory_space<vmem_shared>>
    tpu.wait_indirect_dma semaphore(%arg37 : memref<!tpu.dma_semaphore, #tpu.memory_space<semaphore_mem>>) src(%arg17 : memref<64x128xf32, #tpu.memory_space<vmem>>) dst(%dma_wait3A_117 : memref<10000x128xf32, #tpu.memory_space<vmem_shared>>)
    %dma_wait3A_118 = arith.constant 0 : i32
    %dma_wait3A_119 = arith.constant 0 : i32
    %dma_wait3A_120 = tpu.memref_slice %arg22[%dma_wait3A_118, %dma_wait3A_119] : memref<10000x128xf32, #tpu.memory_space<vmem_shared>> -> memref<10000x128xf32, #tpu.memory_space<vmem_shared>>
    tpu.wait_indirect_dma semaphore(%arg38 : memref<!tpu.dma_semaphore, #tpu.memory_space<semaphore_mem>>) src(%arg18 : memref<64x128xf32, #tpu.memory_space<vmem>>) dst(%dma_wait3A_120 : memref<10000x128xf32, #tpu.memory_space<vmem_shared>>)
    %barrier3A_121 = arith.constant 0 : index
    tpu.barrier barrier_id(%barrier3A_121)
    %mul3A_122 = arith.constant 10000 : i32
    %mul3A_123 = arith.muli %arg0, %mul3A_122 : i32
    %add3A_124 = arith.addi %mul3A_123, %min3A_1 : i32
    "tpu.region"() ({
      %run_scoped3A = tpu.sem_alloc : memref<!tpu.dma_semaphore, #tpu.memory_space<semaphore_mem>>
      %dma_start3A_125 = arith.constant 0 : i32
      %dma_start3A_126 = tpu.memref_slice %arg6[%add3A_124, %dma_start3A_125] : memref<20000x128xf32, #tpu.memory_space<hbm>> -> memref<632x128xf32, #tpu.memory_space<hbm>>
      %dma_start3A_127 = arith.constant 0 : i32
      %dma_start3A_128 = tpu.memref_slice %arg22[%min3A_1, %dma_start3A_127] : memref<10000x128xf32, #tpu.memory_space<vmem_shared>> -> memref<632x128xf32, #tpu.memory_space<vmem_shared>>
      tpu.enqueue_dma source(%dma_start3A_128 : memref<632x128xf32, #tpu.memory_space<vmem_shared>>) target(%dma_start3A_126 : memref<632x128xf32, #tpu.memory_space<hbm>>) target_semaphore(%run_scoped3A : memref<!tpu.dma_semaphore, #tpu.memory_space<semaphore_mem>>)
      %dma_wait3A_129 = arith.constant 0 : i32
      %dma_wait3A_130 = tpu.memref_slice %arg6[%add3A_124, %dma_wait3A_129] : memref<20000x128xf32, #tpu.memory_space<hbm>> -> memref<632x128xf32, #tpu.memory_space<hbm>>
      %dma_wait3A_131 = arith.constant 0 : i32
      %dma_wait3A_132 = tpu.memref_slice %arg22[%min3A_1, %dma_wait3A_131] : memref<10000x128xf32, #tpu.memory_space<vmem_shared>> -> memref<632x128xf32, #tpu.memory_space<vmem_shared>>
      tpu.wait_dma2 semaphore(%run_scoped3A : memref<!tpu.dma_semaphore, #tpu.memory_space<semaphore_mem>>) src(%dma_wait3A_132 : memref<632x128xf32, #tpu.memory_space<vmem_shared>>) dst(%dma_wait3A_130 : memref<632x128xf32, #tpu.memory_space<hbm>>)
      tpu.yield
    }) : () -> ()
    return
  }
}

#map = affine_map<(d0, d1) -> (0)>
#map1 = affine_map<(d0, d1) -> (0, 0)>
module attributes {stable_mosaic.version = 14 : i64} {
  func.func @agg_kernel(%arg0: i32, %arg1: i32, %arg2: memref<640000xi32, #tpu.memory_space<hbm>>, %arg3: memref<320000xi32, #tpu.memory_space<hbm>>, %arg4: memref<20000x128xf32, #tpu.memory_space<hbm>>, %arg5: memref<10000x128xf32, #tpu.memory_space<hbm>>, %arg6: memref<20000x128xf32, #tpu.memory_space<hbm>>, %arg7: memref<64xi32, #tpu.memory_space<vmem>>, %arg8: memref<64xi32, #tpu.memory_space<vmem>>, %arg9: memref<64xi32, #tpu.memory_space<vmem>>, %arg10: memref<64xi32, #tpu.memory_space<vmem>>, %arg11: memref<64xi32, #tpu.memory_space<vmem>>, %arg12: memref<64xi32, #tpu.memory_space<vmem>>, %arg13: memref<64xi32, #tpu.memory_space<vmem>>, %arg14: memref<64xi32, #tpu.memory_space<vmem>>, %arg15: memref<64x128xf32, #tpu.memory_space<vmem>>, %arg16: memref<64x128xf32, #tpu.memory_space<vmem>>, %arg17: memref<64x128xf32, #tpu.memory_space<vmem>>, %arg18: memref<64x128xf32, #tpu.memory_space<vmem>>, %arg19: memref<32xi32, #tpu.memory_space<vmem>>, %arg20: memref<32xi32, #tpu.memory_space<vmem>>, %arg21: memref<32x128xf32, #tpu.memory_space<vmem>>, %arg22: memref<10000x128xf32, #tpu.memory_space<vmem_shared>>, %arg23: memref<!tpu.dma_semaphore, #tpu.memory_space<semaphore_mem>>, %arg24: memref<!tpu.dma_semaphore, #tpu.memory_space<semaphore_mem>>, %arg25: memref<!tpu.dma_semaphore, #tpu.memory_space<semaphore_mem>>, %arg26: memref<!tpu.dma_semaphore, #tpu.memory_space<semaphore_mem>>, %arg27: memref<!tpu.dma_semaphore, #tpu.memory_space<semaphore_mem>>, %arg28: memref<!tpu.dma_semaphore, #tpu.memory_space<semaphore_mem>>, %arg29: memref<!tpu.dma_semaphore, #tpu.memory_space<semaphore_mem>>, %arg30: memref<!tpu.dma_semaphore, #tpu.memory_space<semaphore_mem>>, %arg31: memref<!tpu.dma_semaphore, #tpu.memory_space<semaphore_mem>>, %arg32: memref<!tpu.dma_semaphore, #tpu.memory_space<semaphore_mem>>, %arg33: memref<!tpu.dma_semaphore, #tpu.memory_space<semaphore_mem>>, %arg34: memref<!tpu.dma_semaphore, #tpu.memory_space<semaphore_mem>>, %arg35: memref<!tpu.dma_semaphore, #tpu.memory_space<semaphore_mem>>, %arg36: memref<!tpu.dma_semaphore, #tpu.memory_space<semaphore_mem>>, %arg37: memref<!tpu.dma_semaphore, #tpu.memory_space<semaphore_mem>>, %arg38: memref<!tpu.dma_semaphore, #tpu.memory_space<semaphore_mem>>, %arg39: memref<!tpu.dma_semaphore, #tpu.memory_space<semaphore_mem>>) attributes {dimension_semantics = [#tpu.dimension_semantics<core_parallel>, #tpu.dimension_semantics<subcore_parallel>], iteration_bounds = array<i64: 2, 16>, scalar_prefetch = 0 : i64, scratch_operands = 33 : i64, tpu.core_type = #tpu.core_type<sc_vector_subcore>, window_params = [{transform_indices = #map}, {transform_indices = #map}, {transform_indices = #map1}, {transform_indices = #map1}, {transform_indices = #map1}]} {
    %mul3A = arith.constant 632 : i32
    %mul3A_0 = arith.muli %arg1, %mul3A : i32
    %min3A = arith.constant 9368 : i32
    %min3A_1 = arith.minsi %mul3A_0, %min3A : i32
    %mul3A_2 = arith.constant 20000 : i32
    %mul3A_3 = arith.muli %arg1, %mul3A_2 : i32
    %mul3A_4 = arith.constant 320000 : i32
    %mul3A_5 = arith.muli %arg0, %mul3A_4 : i32
    %add3A = arith.addi %mul3A_5, %mul3A_3 : i32
    %add3A_6 = arith.constant 0 : i32
    %add3A_7 = arith.addi %add3A, %add3A_6 : i32
    %dma_start3A = tpu.memref_slice %arg2[%add3A_7] : memref<640000xi32, #tpu.memory_space<hbm>> -> memref<64xi32, #tpu.memory_space<hbm>>
    %dma_start3A_8 = tpu.memref_slice %arg2[%add3A_7] : memref<640000xi32, #tpu.memory_space<hbm>> -> memref<64xi32, #tpu.memory_space<hbm>>
    tpu.enqueue_dma source(%dma_start3A_8 : memref<64xi32, #tpu.memory_space<hbm>>) target(%arg7 : memref<64xi32, #tpu.memory_space<vmem>>) target_semaphore(%arg23 : memref<!tpu.dma_semaphore, #tpu.memory_space<semaphore_mem>>)
    %add3A_9 = arith.constant 0 : i32
    %add3A_10 = arith.addi %mul3A_3, %add3A_9 : i32
    %dma_start3A_11 = tpu.memref_slice %arg3[%add3A_10] : memref<320000xi32, #tpu.memory_space<hbm>> -> memref<64xi32, #tpu.memory_space<hbm>>
    %dma_start3A_12 = tpu.memref_slice %arg3[%add3A_10] : memref<320000xi32, #tpu.memory_space<hbm>> -> memref<64xi32, #tpu.memory_space<hbm>>
    tpu.enqueue_dma source(%dma_start3A_12 : memref<64xi32, #tpu.memory_space<hbm>>) target(%arg11 : memref<64xi32, #tpu.memory_space<vmem>>) target_semaphore(%arg27 : memref<!tpu.dma_semaphore, #tpu.memory_space<semaphore_mem>>)
    %add3A_13 = arith.constant 64 : i32
    %add3A_14 = arith.addi %add3A, %add3A_13 : i32
    %dma_start3A_15 = tpu.memref_slice %arg2[%add3A_14] : memref<640000xi32, #tpu.memory_space<hbm>> -> memref<64xi32, #tpu.memory_space<hbm>>
    %dma_start3A_16 = tpu.memref_slice %arg2[%add3A_14] : memref<640000xi32, #tpu.memory_space<hbm>> -> memref<64xi32, #tpu.memory_space<hbm>>
    tpu.enqueue_dma source(%dma_start3A_16 : memref<64xi32, #tpu.memory_space<hbm>>) target(%arg8 : memref<64xi32, #tpu.memory_space<vmem>>) target_semaphore(%arg24 : memref<!tpu.dma_semaphore, #tpu.memory_space<semaphore_mem>>)
    %add3A_17 = arith.constant 64 : i32
    %add3A_18 = arith.addi %mul3A_3, %add3A_17 : i32
    %dma_start3A_19 = tpu.memref_slice %arg3[%add3A_18] : memref<320000xi32, #tpu.memory_space<hbm>> -> memref<64xi32, #tpu.memory_space<hbm>>
    %dma_start3A_20 = tpu.memref_slice %arg3[%add3A_18] : memref<320000xi32, #tpu.memory_space<hbm>> -> memref<64xi32, #tpu.memory_space<hbm>>
    tpu.enqueue_dma source(%dma_start3A_20 : memref<64xi32, #tpu.memory_space<hbm>>) target(%arg12 : memref<64xi32, #tpu.memory_space<vmem>>) target_semaphore(%arg28 : memref<!tpu.dma_semaphore, #tpu.memory_space<semaphore_mem>>)
    %add3A_21 = arith.constant 128 : i32
    %add3A_22 = arith.addi %add3A, %add3A_21 : i32
    %dma_start3A_23 = tpu.memref_slice %arg2[%add3A_22] : memref<640000xi32, #tpu.memory_space<hbm>> -> memref<64xi32, #tpu.memory_space<hbm>>
    %dma_start3A_24 = tpu.memref_slice %arg2[%add3A_22] : memref<640000xi32, #tpu.memory_space<hbm>> -> memref<64xi32, #tpu.memory_space<hbm>>
    tpu.enqueue_dma source(%dma_start3A_24 : memref<64xi32, #tpu.memory_space<hbm>>) target(%arg9 : memref<64xi32, #tpu.memory_space<vmem>>) target_semaphore(%arg25 : memref<!tpu.dma_semaphore, #tpu.memory_space<semaphore_mem>>)
    %add3A_25 = arith.constant 128 : i32
    %add3A_26 = arith.addi %mul3A_3, %add3A_25 : i32
    %dma_start3A_27 = tpu.memref_slice %arg3[%add3A_26] : memref<320000xi32, #tpu.memory_space<hbm>> -> memref<64xi32, #tpu.memory_space<hbm>>
    %dma_start3A_28 = tpu.memref_slice %arg3[%add3A_26] : memref<320000xi32, #tpu.memory_space<hbm>> -> memref<64xi32, #tpu.memory_space<hbm>>
    tpu.enqueue_dma source(%dma_start3A_28 : memref<64xi32, #tpu.memory_space<hbm>>) target(%arg13 : memref<64xi32, #tpu.memory_space<vmem>>) target_semaphore(%arg29 : memref<!tpu.dma_semaphore, #tpu.memory_space<semaphore_mem>>)
    %add3A_29 = arith.constant 192 : i32
    %add3A_30 = arith.addi %add3A, %add3A_29 : i32
    %dma_start3A_31 = tpu.memref_slice %arg2[%add3A_30] : memref<640000xi32, #tpu.memory_space<hbm>> -> memref<64xi32, #tpu.memory_space<hbm>>
    %dma_start3A_32 = tpu.memref_slice %arg2[%add3A_30] : memref<640000xi32, #tpu.memory_space<hbm>> -> memref<64xi32, #tpu.memory_space<hbm>>
    tpu.enqueue_dma source(%dma_start3A_32 : memref<64xi32, #tpu.memory_space<hbm>>) target(%arg10 : memref<64xi32, #tpu.memory_space<vmem>>) target_semaphore(%arg26 : memref<!tpu.dma_semaphore, #tpu.memory_space<semaphore_mem>>)
    %add3A_33 = arith.constant 192 : i32
    %add3A_34 = arith.addi %mul3A_3, %add3A_33 : i32
    %dma_start3A_35 = tpu.memref_slice %arg3[%add3A_34] : memref<320000xi32, #tpu.memory_space<hbm>> -> memref<64xi32, #tpu.memory_space<hbm>>
    %dma_start3A_36 = tpu.memref_slice %arg3[%add3A_34] : memref<320000xi32, #tpu.memory_space<hbm>> -> memref<64xi32, #tpu.memory_space<hbm>>
    tpu.enqueue_dma source(%dma_start3A_36 : memref<64xi32, #tpu.memory_space<hbm>>) target(%arg14 : memref<64xi32, #tpu.memory_space<vmem>>) target_semaphore(%arg30 : memref<!tpu.dma_semaphore, #tpu.memory_space<semaphore_mem>>)
    %dma_wait3A = tpu.memref_slice %arg2[%add3A] : memref<640000xi32, #tpu.memory_space<hbm>> -> memref<64xi32, #tpu.memory_space<hbm>>
    %dma_wait3A_37 = tpu.memref_slice %arg2[%add3A] : memref<640000xi32, #tpu.memory_space<hbm>> -> memref<64xi32, #tpu.memory_space<hbm>>
    tpu.wait_dma2 semaphore(%arg23 : memref<!tpu.dma_semaphore, #tpu.memory_space<semaphore_mem>>) src(%dma_wait3A_37 : memref<64xi32, #tpu.memory_space<hbm>>) dst(%arg7 : memref<64xi32, #tpu.memory_space<vmem>>)
    %dma_start3A_38 = arith.constant 0 : i32
    %dma_start3A_39 = arith.constant 0 : i32
    %dma_start3A_40 = tpu.memref_slice %arg4[%dma_start3A_38, %dma_start3A_39] : memref<20000x128xf32, #tpu.memory_space<hbm>> -> memref<20000x128xf32, #tpu.memory_space<hbm>>
    tpu.enqueue_indirect_dma source(%dma_start3A_40 : memref<20000x128xf32, #tpu.memory_space<hbm>>) target(%arg15 : memref<64x128xf32, #tpu.memory_space<vmem>>) offsets(%arg7 : memref<64xi32, #tpu.memory_space<vmem>>) semaphore(%arg31 : memref<!tpu.dma_semaphore, #tpu.memory_space<semaphore_mem>>)
    "tpu.region"() ({
      %run_scoped3A = tpu.sem_alloc : memref<!tpu.dma_semaphore, #tpu.memory_space<semaphore_mem>>
      %dma_start3A_125 = arith.constant 0 : i32
      %dma_start3A_126 = tpu.memref_slice %arg22[%min3A_1, %dma_start3A_125] : memref<10000x128xf32, #tpu.memory_space<vmem_shared>> -> memref<632x128xf32, #tpu.memory_space<vmem_shared>>
      %dma_start3A_127 = arith.constant 0 : i32
      %dma_start3A_128 = tpu.memref_slice %arg5[%min3A_1, %dma_start3A_127] : memref<10000x128xf32, #tpu.memory_space<hbm>> -> memref<632x128xf32, #tpu.memory_space<hbm>>
      tpu.enqueue_dma source(%dma_start3A_128 : memref<632x128xf32, #tpu.memory_space<hbm>>) target(%dma_start3A_126 : memref<632x128xf32, #tpu.memory_space<vmem_shared>>) target_semaphore(%run_scoped3A : memref<!tpu.dma_semaphore, #tpu.memory_space<semaphore_mem>>)
      %dma_wait3A_129 = arith.constant 0 : i32
      %dma_wait3A_130 = tpu.memref_slice %arg22[%min3A_1, %dma_wait3A_129] : memref<10000x128xf32, #tpu.memory_space<vmem_shared>> -> memref<632x128xf32, #tpu.memory_space<vmem_shared>>
      %dma_wait3A_131 = arith.constant 0 : i32
      %dma_wait3A_132 = tpu.memref_slice %arg5[%min3A_1, %dma_wait3A_131] : memref<10000x128xf32, #tpu.memory_space<hbm>> -> memref<632x128xf32, #tpu.memory_space<hbm>>
      tpu.wait_dma2 semaphore(%run_scoped3A : memref<!tpu.dma_semaphore, #tpu.memory_space<semaphore_mem>>) src(%dma_wait3A_132 : memref<632x128xf32, #tpu.memory_space<hbm>>) dst(%dma_wait3A_130 : memref<632x128xf32, #tpu.memory_space<vmem_shared>>)
      tpu.yield
    }) : () -> ()
    %dma_wait3A_41 = tpu.memref_slice %arg2[%add3A] : memref<640000xi32, #tpu.memory_space<hbm>> -> memref<64xi32, #tpu.memory_space<hbm>>
    %dma_wait3A_42 = tpu.memref_slice %arg2[%add3A] : memref<640000xi32, #tpu.memory_space<hbm>> -> memref<64xi32, #tpu.memory_space<hbm>>
    tpu.wait_dma2 semaphore(%arg24 : memref<!tpu.dma_semaphore, #tpu.memory_space<semaphore_mem>>) src(%dma_wait3A_42 : memref<64xi32, #tpu.memory_space<hbm>>) dst(%arg8 : memref<64xi32, #tpu.memory_space<vmem>>)
    %dma_start3A_43 = arith.constant 0 : i32
    %dma_start3A_44 = arith.constant 0 : i32
    %dma_start3A_45 = tpu.memref_slice %arg4[%dma_start3A_43, %dma_start3A_44] : memref<20000x128xf32, #tpu.memory_space<hbm>> -> memref<20000x128xf32, #tpu.memory_space<hbm>>
    tpu.enqueue_indirect_dma source(%dma_start3A_45 : memref<20000x128xf32, #tpu.memory_space<hbm>>) target(%arg16 : memref<64x128xf32, #tpu.memory_space<vmem>>) offsets(%arg8 : memref<64xi32, #tpu.memory_space<vmem>>) semaphore(%arg32 : memref<!tpu.dma_semaphore, #tpu.memory_space<semaphore_mem>>)
    %dma_wait3A_46 = tpu.memref_slice %arg2[%add3A] : memref<640000xi32, #tpu.memory_space<hbm>> -> memref<64xi32, #tpu.memory_space<hbm>>
    %dma_wait3A_47 = tpu.memref_slice %arg2[%add3A] : memref<640000xi32, #tpu.memory_space<hbm>> -> memref<64xi32, #tpu.memory_space<hbm>>
    tpu.wait_dma2 semaphore(%arg25 : memref<!tpu.dma_semaphore, #tpu.memory_space<semaphore_mem>>) src(%dma_wait3A_47 : memref<64xi32, #tpu.memory_space<hbm>>) dst(%arg9 : memref<64xi32, #tpu.memory_space<vmem>>)
    %dma_start3A_48 = arith.constant 0 : i32
    %dma_start3A_49 = arith.constant 0 : i32
    %dma_start3A_50 = tpu.memref_slice %arg4[%dma_start3A_48, %dma_start3A_49] : memref<20000x128xf32, #tpu.memory_space<hbm>> -> memref<20000x128xf32, #tpu.memory_space<hbm>>
    tpu.enqueue_indirect_dma source(%dma_start3A_50 : memref<20000x128xf32, #tpu.memory_space<hbm>>) target(%arg17 : memref<64x128xf32, #tpu.memory_space<vmem>>) offsets(%arg9 : memref<64xi32, #tpu.memory_space<vmem>>) semaphore(%arg33 : memref<!tpu.dma_semaphore, #tpu.memory_space<semaphore_mem>>)
    %dma_wait3A_51 = tpu.memref_slice %arg2[%add3A] : memref<640000xi32, #tpu.memory_space<hbm>> -> memref<64xi32, #tpu.memory_space<hbm>>
    %dma_wait3A_52 = tpu.memref_slice %arg2[%add3A] : memref<640000xi32, #tpu.memory_space<hbm>> -> memref<64xi32, #tpu.memory_space<hbm>>
    tpu.wait_dma2 semaphore(%arg26 : memref<!tpu.dma_semaphore, #tpu.memory_space<semaphore_mem>>) src(%dma_wait3A_52 : memref<64xi32, #tpu.memory_space<hbm>>) dst(%arg10 : memref<64xi32, #tpu.memory_space<vmem>>)
    %dma_start3A_53 = arith.constant 0 : i32
    %dma_start3A_54 = arith.constant 0 : i32
    %dma_start3A_55 = tpu.memref_slice %arg4[%dma_start3A_53, %dma_start3A_54] : memref<20000x128xf32, #tpu.memory_space<hbm>> -> memref<20000x128xf32, #tpu.memory_space<hbm>>
    tpu.enqueue_indirect_dma source(%dma_start3A_55 : memref<20000x128xf32, #tpu.memory_space<hbm>>) target(%arg18 : memref<64x128xf32, #tpu.memory_space<vmem>>) offsets(%arg10 : memref<64xi32, #tpu.memory_space<vmem>>) semaphore(%arg34 : memref<!tpu.dma_semaphore, #tpu.memory_space<semaphore_mem>>)
    %barrier3A = arith.constant 0 : index
    tpu.barrier barrier_id(%barrier3A)
    %scan3A = arith.constant 0 : i32
    %scan3A_56 = arith.constant 0 : i32
    %scan3A_57 = arith.constant 77 : i32
    %scan3A_58 = arith.addi %scan3A_56, %scan3A_57 : i32
    %scan3A_59 = arith.constant 1 : i32
    scf.for %scan3A_125 = %scan3A_56 to %scan3A_58 step %scan3A_59  : i32 {
      %mul3A_126 = arith.constant 4 : i32
      %mul3A_127 = arith.muli %mul3A_126, %scan3A_125 : i32
      %dma_wait3A_128 = arith.constant 0 : i32
      %dma_wait3A_129 = arith.constant 0 : i32
      %dma_wait3A_130 = tpu.memref_slice %arg4[%dma_wait3A_128, %dma_wait3A_129] : memref<20000x128xf32, #tpu.memory_space<hbm>> -> memref<20000x128xf32, #tpu.memory_space<hbm>>
      tpu.wait_indirect_dma semaphore(%arg31 : memref<!tpu.dma_semaphore, #tpu.memory_space<semaphore_mem>>) src(%dma_wait3A_130 : memref<20000x128xf32, #tpu.memory_space<hbm>>) dst(%arg15 : memref<64x128xf32, #tpu.memory_space<vmem>>)
      %dma_wait3A_131 = tpu.memref_slice %arg3[%mul3A_3] : memref<320000xi32, #tpu.memory_space<hbm>> -> memref<64xi32, #tpu.memory_space<hbm>>
      %dma_wait3A_132 = tpu.memref_slice %arg3[%mul3A_3] : memref<320000xi32, #tpu.memory_space<hbm>> -> memref<64xi32, #tpu.memory_space<hbm>>
      tpu.wait_dma2 semaphore(%arg27 : memref<!tpu.dma_semaphore, #tpu.memory_space<semaphore_mem>>) src(%dma_wait3A_132 : memref<64xi32, #tpu.memory_space<hbm>>) dst(%arg11 : memref<64xi32, #tpu.memory_space<vmem>>)
      %dma_start3A_133 = arith.constant 0 : i32
      %dma_start3A_134 = arith.constant 0 : i32
      %dma_start3A_135 = tpu.memref_slice %arg22[%dma_start3A_133, %dma_start3A_134] : memref<10000x128xf32, #tpu.memory_space<vmem_shared>> -> memref<10000x128xf32, #tpu.memory_space<vmem_shared>>
      tpu.enqueue_indirect_dma source(%arg15 : memref<64x128xf32, #tpu.memory_space<vmem>>) target(%dma_start3A_135 : memref<10000x128xf32, #tpu.memory_space<vmem_shared>>) offsets(%arg11 : memref<64xi32, #tpu.memory_space<vmem>>) semaphore(%arg35 : memref<!tpu.dma_semaphore, #tpu.memory_space<semaphore_mem>>) {add = true}
      %add3A_136 = arith.constant 4 : i32
      %add3A_137 = arith.addi %mul3A_127, %add3A_136 : i32
      %add3A_138 = arith.constant 0 : i32
      %add3A_139 = arith.addi %add3A_137, %add3A_138 : i32
      %mul3A_140 = arith.constant 64 : i32
      %mul3A_141 = arith.muli %add3A_139, %mul3A_140 : i32
      %add3A_142 = arith.addi %add3A, %mul3A_141 : i32
      %dma_start3A_143 = tpu.memref_slice %arg2[%add3A_142] : memref<640000xi32, #tpu.memory_space<hbm>> -> memref<64xi32, #tpu.memory_space<hbm>>
      %dma_start3A_144 = tpu.memref_slice %arg2[%add3A_142] : memref<640000xi32, #tpu.memory_space<hbm>> -> memref<64xi32, #tpu.memory_space<hbm>>
      tpu.enqueue_dma source(%dma_start3A_144 : memref<64xi32, #tpu.memory_space<hbm>>) target(%arg7 : memref<64xi32, #tpu.memory_space<vmem>>) target_semaphore(%arg23 : memref<!tpu.dma_semaphore, #tpu.memory_space<semaphore_mem>>)
      %dma_wait3A_145 = arith.constant 0 : i32
      %dma_wait3A_146 = arith.constant 0 : i32
      %dma_wait3A_147 = tpu.memref_slice %arg4[%dma_wait3A_145, %dma_wait3A_146] : memref<20000x128xf32, #tpu.memory_space<hbm>> -> memref<20000x128xf32, #tpu.memory_space<hbm>>
      tpu.wait_indirect_dma semaphore(%arg32 : memref<!tpu.dma_semaphore, #tpu.memory_space<semaphore_mem>>) src(%dma_wait3A_147 : memref<20000x128xf32, #tpu.memory_space<hbm>>) dst(%arg16 : memref<64x128xf32, #tpu.memory_space<vmem>>)
      %dma_wait3A_148 = tpu.memref_slice %arg3[%mul3A_3] : memref<320000xi32, #tpu.memory_space<hbm>> -> memref<64xi32, #tpu.memory_space<hbm>>
      %dma_wait3A_149 = tpu.memref_slice %arg3[%mul3A_3] : memref<320000xi32, #tpu.memory_space<hbm>> -> memref<64xi32, #tpu.memory_space<hbm>>
      tpu.wait_dma2 semaphore(%arg28 : memref<!tpu.dma_semaphore, #tpu.memory_space<semaphore_mem>>) src(%dma_wait3A_149 : memref<64xi32, #tpu.memory_space<hbm>>) dst(%arg12 : memref<64xi32, #tpu.memory_space<vmem>>)
      %dma_start3A_150 = arith.constant 0 : i32
      %dma_start3A_151 = arith.constant 0 : i32
      %dma_start3A_152 = tpu.memref_slice %arg22[%dma_start3A_150, %dma_start3A_151] : memref<10000x128xf32, #tpu.memory_space<vmem_shared>> -> memref<10000x128xf32, #tpu.memory_space<vmem_shared>>
      tpu.enqueue_indirect_dma source(%arg16 : memref<64x128xf32, #tpu.memory_space<vmem>>) target(%dma_start3A_152 : memref<10000x128xf32, #tpu.memory_space<vmem_shared>>) offsets(%arg12 : memref<64xi32, #tpu.memory_space<vmem>>) semaphore(%arg36 : memref<!tpu.dma_semaphore, #tpu.memory_space<semaphore_mem>>) {add = true}
      %add3A_153 = arith.constant 4 : i32
      %add3A_154 = arith.addi %mul3A_127, %add3A_153 : i32
      %add3A_155 = arith.constant 1 : i32
      %add3A_156 = arith.addi %add3A_154, %add3A_155 : i32
      %mul3A_157 = arith.constant 64 : i32
      %mul3A_158 = arith.muli %add3A_156, %mul3A_157 : i32
      %add3A_159 = arith.addi %add3A, %mul3A_158 : i32
      %dma_start3A_160 = tpu.memref_slice %arg2[%add3A_159] : memref<640000xi32, #tpu.memory_space<hbm>> -> memref<64xi32, #tpu.memory_space<hbm>>
      %dma_start3A_161 = tpu.memref_slice %arg2[%add3A_159] : memref<640000xi32, #tpu.memory_space<hbm>> -> memref<64xi32, #tpu.memory_space<hbm>>
      tpu.enqueue_dma source(%dma_start3A_161 : memref<64xi32, #tpu.memory_space<hbm>>) target(%arg8 : memref<64xi32, #tpu.memory_space<vmem>>) target_semaphore(%arg24 : memref<!tpu.dma_semaphore, #tpu.memory_space<semaphore_mem>>)
      %dma_wait3A_162 = arith.constant 0 : i32
      %dma_wait3A_163 = arith.constant 0 : i32
      %dma_wait3A_164 = tpu.memref_slice %arg4[%dma_wait3A_162, %dma_wait3A_163] : memref<20000x128xf32, #tpu.memory_space<hbm>> -> memref<20000x128xf32, #tpu.memory_space<hbm>>
      tpu.wait_indirect_dma semaphore(%arg33 : memref<!tpu.dma_semaphore, #tpu.memory_space<semaphore_mem>>) src(%dma_wait3A_164 : memref<20000x128xf32, #tpu.memory_space<hbm>>) dst(%arg17 : memref<64x128xf32, #tpu.memory_space<vmem>>)
      %dma_wait3A_165 = tpu.memref_slice %arg3[%mul3A_3] : memref<320000xi32, #tpu.memory_space<hbm>> -> memref<64xi32, #tpu.memory_space<hbm>>
      %dma_wait3A_166 = tpu.memref_slice %arg3[%mul3A_3] : memref<320000xi32, #tpu.memory_space<hbm>> -> memref<64xi32, #tpu.memory_space<hbm>>
      tpu.wait_dma2 semaphore(%arg29 : memref<!tpu.dma_semaphore, #tpu.memory_space<semaphore_mem>>) src(%dma_wait3A_166 : memref<64xi32, #tpu.memory_space<hbm>>) dst(%arg13 : memref<64xi32, #tpu.memory_space<vmem>>)
      %dma_start3A_167 = arith.constant 0 : i32
      %dma_start3A_168 = arith.constant 0 : i32
      %dma_start3A_169 = tpu.memref_slice %arg22[%dma_start3A_167, %dma_start3A_168] : memref<10000x128xf32, #tpu.memory_space<vmem_shared>> -> memref<10000x128xf32, #tpu.memory_space<vmem_shared>>
      tpu.enqueue_indirect_dma source(%arg17 : memref<64x128xf32, #tpu.memory_space<vmem>>) target(%dma_start3A_169 : memref<10000x128xf32, #tpu.memory_space<vmem_shared>>) offsets(%arg13 : memref<64xi32, #tpu.memory_space<vmem>>) semaphore(%arg37 : memref<!tpu.dma_semaphore, #tpu.memory_space<semaphore_mem>>) {add = true}
      %add3A_170 = arith.constant 4 : i32
      %add3A_171 = arith.addi %mul3A_127, %add3A_170 : i32
      %add3A_172 = arith.constant 2 : i32
      %add3A_173 = arith.addi %add3A_171, %add3A_172 : i32
      %mul3A_174 = arith.constant 64 : i32
      %mul3A_175 = arith.muli %add3A_173, %mul3A_174 : i32
      %add3A_176 = arith.addi %add3A, %mul3A_175 : i32
      %dma_start3A_177 = tpu.memref_slice %arg2[%add3A_176] : memref<640000xi32, #tpu.memory_space<hbm>> -> memref<64xi32, #tpu.memory_space<hbm>>
      %dma_start3A_178 = tpu.memref_slice %arg2[%add3A_176] : memref<640000xi32, #tpu.memory_space<hbm>> -> memref<64xi32, #tpu.memory_space<hbm>>
      tpu.enqueue_dma source(%dma_start3A_178 : memref<64xi32, #tpu.memory_space<hbm>>) target(%arg9 : memref<64xi32, #tpu.memory_space<vmem>>) target_semaphore(%arg25 : memref<!tpu.dma_semaphore, #tpu.memory_space<semaphore_mem>>)
      %dma_wait3A_179 = arith.constant 0 : i32
      %dma_wait3A_180 = arith.constant 0 : i32
      %dma_wait3A_181 = tpu.memref_slice %arg4[%dma_wait3A_179, %dma_wait3A_180] : memref<20000x128xf32, #tpu.memory_space<hbm>> -> memref<20000x128xf32, #tpu.memory_space<hbm>>
      tpu.wait_indirect_dma semaphore(%arg34 : memref<!tpu.dma_semaphore, #tpu.memory_space<semaphore_mem>>) src(%dma_wait3A_181 : memref<20000x128xf32, #tpu.memory_space<hbm>>) dst(%arg18 : memref<64x128xf32, #tpu.memory_space<vmem>>)
      %dma_wait3A_182 = tpu.memref_slice %arg3[%mul3A_3] : memref<320000xi32, #tpu.memory_space<hbm>> -> memref<64xi32, #tpu.memory_space<hbm>>
      %dma_wait3A_183 = tpu.memref_slice %arg3[%mul3A_3] : memref<320000xi32, #tpu.memory_space<hbm>> -> memref<64xi32, #tpu.memory_space<hbm>>
      tpu.wait_dma2 semaphore(%arg30 : memref<!tpu.dma_semaphore, #tpu.memory_space<semaphore_mem>>) src(%dma_wait3A_183 : memref<64xi32, #tpu.memory_space<hbm>>) dst(%arg14 : memref<64xi32, #tpu.memory_space<vmem>>)
      %dma_start3A_184 = arith.constant 0 : i32
      %dma_start3A_185 = arith.constant 0 : i32
      %dma_start3A_186 = tpu.memref_slice %arg22[%dma_start3A_184, %dma_start3A_185] : memref<10000x128xf32, #tpu.memory_space<vmem_shared>> -> memref<10000x128xf32, #tpu.memory_space<vmem_shared>>
      tpu.enqueue_indirect_dma source(%arg18 : memref<64x128xf32, #tpu.memory_space<vmem>>) target(%dma_start3A_186 : memref<10000x128xf32, #tpu.memory_space<vmem_shared>>) offsets(%arg14 : memref<64xi32, #tpu.memory_space<vmem>>) semaphore(%arg38 : memref<!tpu.dma_semaphore, #tpu.memory_space<semaphore_mem>>) {add = true}
      %add3A_187 = arith.constant 4 : i32
      %add3A_188 = arith.addi %mul3A_127, %add3A_187 : i32
      %add3A_189 = arith.constant 3 : i32
      %add3A_190 = arith.addi %add3A_188, %add3A_189 : i32
      %mul3A_191 = arith.constant 64 : i32
      %mul3A_192 = arith.muli %add3A_190, %mul3A_191 : i32
      %add3A_193 = arith.addi %add3A, %mul3A_192 : i32
      %dma_start3A_194 = tpu.memref_slice %arg2[%add3A_193] : memref<640000xi32, #tpu.memory_space<hbm>> -> memref<64xi32, #tpu.memory_space<hbm>>
      %dma_start3A_195 = tpu.memref_slice %arg2[%add3A_193] : memref<640000xi32, #tpu.memory_space<hbm>> -> memref<64xi32, #tpu.memory_space<hbm>>
      tpu.enqueue_dma source(%dma_start3A_195 : memref<64xi32, #tpu.memory_space<hbm>>) target(%arg10 : memref<64xi32, #tpu.memory_space<vmem>>) target_semaphore(%arg26 : memref<!tpu.dma_semaphore, #tpu.memory_space<semaphore_mem>>)
      %dma_wait3A_196 = arith.constant 0 : i32
      %dma_wait3A_197 = arith.constant 0 : i32
      %dma_wait3A_198 = tpu.memref_slice %arg22[%dma_wait3A_196, %dma_wait3A_197] : memref<10000x128xf32, #tpu.memory_space<vmem_shared>> -> memref<10000x128xf32, #tpu.memory_space<vmem_shared>>
      tpu.wait_indirect_dma semaphore(%arg35 : memref<!tpu.dma_semaphore, #tpu.memory_space<semaphore_mem>>) src(%arg15 : memref<64x128xf32, #tpu.memory_space<vmem>>) dst(%dma_wait3A_198 : memref<10000x128xf32, #tpu.memory_space<vmem_shared>>)
      %add3A_199 = arith.constant 4 : i32
      %add3A_200 = arith.addi %mul3A_127, %add3A_199 : i32
      %add3A_201 = arith.constant 0 : i32
      %add3A_202 = arith.addi %add3A_200, %add3A_201 : i32
      %mul3A_203 = arith.constant 64 : i32
      %mul3A_204 = arith.muli %add3A_202, %mul3A_203 : i32
      %add3A_205 = arith.addi %mul3A_3, %mul3A_204 : i32
      %dma_start3A_206 = tpu.memref_slice %arg3[%add3A_205] : memref<320000xi32, #tpu.memory_space<hbm>> -> memref<64xi32, #tpu.memory_space<hbm>>
      %dma_start3A_207 = tpu.memref_slice %arg3[%add3A_205] : memref<320000xi32, #tpu.memory_space<hbm>> -> memref<64xi32, #tpu.memory_space<hbm>>
      tpu.enqueue_dma source(%dma_start3A_207 : memref<64xi32, #tpu.memory_space<hbm>>) target(%arg11 : memref<64xi32, #tpu.memory_space<vmem>>) target_semaphore(%arg27 : memref<!tpu.dma_semaphore, #tpu.memory_space<semaphore_mem>>)
      %dma_wait3A_208 = tpu.memref_slice %arg2[%add3A] : memref<640000xi32, #tpu.memory_space<hbm>> -> memref<64xi32, #tpu.memory_space<hbm>>
      %dma_wait3A_209 = tpu.memref_slice %arg2[%add3A] : memref<640000xi32, #tpu.memory_space<hbm>> -> memref<64xi32, #tpu.memory_space<hbm>>
      tpu.wait_dma2 semaphore(%arg23 : memref<!tpu.dma_semaphore, #tpu.memory_space<semaphore_mem>>) src(%dma_wait3A_209 : memref<64xi32, #tpu.memory_space<hbm>>) dst(%arg7 : memref<64xi32, #tpu.memory_space<vmem>>)
      %dma_start3A_210 = arith.constant 0 : i32
      %dma_start3A_211 = arith.constant 0 : i32
      %dma_start3A_212 = tpu.memref_slice %arg4[%dma_start3A_210, %dma_start3A_211] : memref<20000x128xf32, #tpu.memory_space<hbm>> -> memref<20000x128xf32, #tpu.memory_space<hbm>>
      tpu.enqueue_indirect_dma source(%dma_start3A_212 : memref<20000x128xf32, #tpu.memory_space<hbm>>) target(%arg15 : memref<64x128xf32, #tpu.memory_space<vmem>>) offsets(%arg7 : memref<64xi32, #tpu.memory_space<vmem>>) semaphore(%arg31 : memref<!tpu.dma_semaphore, #tpu.memory_space<semaphore_mem>>)
      %dma_wait3A_213 = arith.constant 0 : i32
      %dma_wait3A_214 = arith.constant 0 : i32
      %dma_wait3A_215 = tpu.memref_slice %arg22[%dma_wait3A_213, %dma_wait3A_214] : memref<10000x128xf32, #tpu.memory_space<vmem_shared>> -> memref<10000x128xf32, #tpu.memory_space<vmem_shared>>
      tpu.wait_indirect_dma semaphore(%arg36 : memref<!tpu.dma_semaphore, #tpu.memory_space<semaphore_mem>>) src(%arg16 : memref<64x128xf32, #tpu.memory_space<vmem>>) dst(%dma_wait3A_215 : memref<10000x128xf32, #tpu.memory_space<vmem_shared>>)
      %add3A_216 = arith.constant 4 : i32
      %add3A_217 = arith.addi %mul3A_127, %add3A_216 : i32
      %add3A_218 = arith.constant 1 : i32
      %add3A_219 = arith.addi %add3A_217, %add3A_218 : i32
      %mul3A_220 = arith.constant 64 : i32
      %mul3A_221 = arith.muli %add3A_219, %mul3A_220 : i32
      %add3A_222 = arith.addi %mul3A_3, %mul3A_221 : i32
      %dma_start3A_223 = tpu.memref_slice %arg3[%add3A_222] : memref<320000xi32, #tpu.memory_space<hbm>> -> memref<64xi32, #tpu.memory_space<hbm>>
      %dma_start3A_224 = tpu.memref_slice %arg3[%add3A_222] : memref<320000xi32, #tpu.memory_space<hbm>> -> memref<64xi32, #tpu.memory_space<hbm>>
      tpu.enqueue_dma source(%dma_start3A_224 : memref<64xi32, #tpu.memory_space<hbm>>) target(%arg12 : memref<64xi32, #tpu.memory_space<vmem>>) target_semaphore(%arg28 : memref<!tpu.dma_semaphore, #tpu.memory_space<semaphore_mem>>)
      %dma_wait3A_225 = tpu.memref_slice %arg2[%add3A] : memref<640000xi32, #tpu.memory_space<hbm>> -> memref<64xi32, #tpu.memory_space<hbm>>
      %dma_wait3A_226 = tpu.memref_slice %arg2[%add3A] : memref<640000xi32, #tpu.memory_space<hbm>> -> memref<64xi32, #tpu.memory_space<hbm>>
      tpu.wait_dma2 semaphore(%arg24 : memref<!tpu.dma_semaphore, #tpu.memory_space<semaphore_mem>>) src(%dma_wait3A_226 : memref<64xi32, #tpu.memory_space<hbm>>) dst(%arg8 : memref<64xi32, #tpu.memory_space<vmem>>)
      %dma_start3A_227 = arith.constant 0 : i32
      %dma_start3A_228 = arith.constant 0 : i32
      %dma_start3A_229 = tpu.memref_slice %arg4[%dma_start3A_227, %dma_start3A_228] : memref<20000x128xf32, #tpu.memory_space<hbm>> -> memref<20000x128xf32, #tpu.memory_space<hbm>>
      tpu.enqueue_indirect_dma source(%dma_start3A_229 : memref<20000x128xf32, #tpu.memory_space<hbm>>) target(%arg16 : memref<64x128xf32, #tpu.memory_space<vmem>>) offsets(%arg8 : memref<64xi32, #tpu.memory_space<vmem>>) semaphore(%arg32 : memref<!tpu.dma_semaphore, #tpu.memory_space<semaphore_mem>>)
      %dma_wait3A_230 = arith.constant 0 : i32
      %dma_wait3A_231 = arith.constant 0 : i32
      %dma_wait3A_232 = tpu.memref_slice %arg22[%dma_wait3A_230, %dma_wait3A_231] : memref<10000x128xf32, #tpu.memory_space<vmem_shared>> -> memref<10000x128xf32, #tpu.memory_space<vmem_shared>>
      tpu.wait_indirect_dma semaphore(%arg37 : memref<!tpu.dma_semaphore, #tpu.memory_space<semaphore_mem>>) src(%arg17 : memref<64x128xf32, #tpu.memory_space<vmem>>) dst(%dma_wait3A_232 : memref<10000x128xf32, #tpu.memory_space<vmem_shared>>)
      %add3A_233 = arith.constant 4 : i32
      %add3A_234 = arith.addi %mul3A_127, %add3A_233 : i32
      %add3A_235 = arith.constant 2 : i32
      %add3A_236 = arith.addi %add3A_234, %add3A_235 : i32
      %mul3A_237 = arith.constant 64 : i32
      %mul3A_238 = arith.muli %add3A_236, %mul3A_237 : i32
      %add3A_239 = arith.addi %mul3A_3, %mul3A_238 : i32
      %dma_start3A_240 = tpu.memref_slice %arg3[%add3A_239] : memref<320000xi32, #tpu.memory_space<hbm>> -> memref<64xi32, #tpu.memory_space<hbm>>
      %dma_start3A_241 = tpu.memref_slice %arg3[%add3A_239] : memref<320000xi32, #tpu.memory_space<hbm>> -> memref<64xi32, #tpu.memory_space<hbm>>
      tpu.enqueue_dma source(%dma_start3A_241 : memref<64xi32, #tpu.memory_space<hbm>>) target(%arg13 : memref<64xi32, #tpu.memory_space<vmem>>) target_semaphore(%arg29 : memref<!tpu.dma_semaphore, #tpu.memory_space<semaphore_mem>>)
      %dma_wait3A_242 = tpu.memref_slice %arg2[%add3A] : memref<640000xi32, #tpu.memory_space<hbm>> -> memref<64xi32, #tpu.memory_space<hbm>>
      %dma_wait3A_243 = tpu.memref_slice %arg2[%add3A] : memref<640000xi32, #tpu.memory_space<hbm>> -> memref<64xi32, #tpu.memory_space<hbm>>
      tpu.wait_dma2 semaphore(%arg25 : memref<!tpu.dma_semaphore, #tpu.memory_space<semaphore_mem>>) src(%dma_wait3A_243 : memref<64xi32, #tpu.memory_space<hbm>>) dst(%arg9 : memref<64xi32, #tpu.memory_space<vmem>>)
      %dma_start3A_244 = arith.constant 0 : i32
      %dma_start3A_245 = arith.constant 0 : i32
      %dma_start3A_246 = tpu.memref_slice %arg4[%dma_start3A_244, %dma_start3A_245] : memref<20000x128xf32, #tpu.memory_space<hbm>> -> memref<20000x128xf32, #tpu.memory_space<hbm>>
      tpu.enqueue_indirect_dma source(%dma_start3A_246 : memref<20000x128xf32, #tpu.memory_space<hbm>>) target(%arg17 : memref<64x128xf32, #tpu.memory_space<vmem>>) offsets(%arg9 : memref<64xi32, #tpu.memory_space<vmem>>) semaphore(%arg33 : memref<!tpu.dma_semaphore, #tpu.memory_space<semaphore_mem>>)
      %dma_wait3A_247 = arith.constant 0 : i32
      %dma_wait3A_248 = arith.constant 0 : i32
      %dma_wait3A_249 = tpu.memref_slice %arg22[%dma_wait3A_247, %dma_wait3A_248] : memref<10000x128xf32, #tpu.memory_space<vmem_shared>> -> memref<10000x128xf32, #tpu.memory_space<vmem_shared>>
      tpu.wait_indirect_dma semaphore(%arg38 : memref<!tpu.dma_semaphore, #tpu.memory_space<semaphore_mem>>) src(%arg18 : memref<64x128xf32, #tpu.memory_space<vmem>>) dst(%dma_wait3A_249 : memref<10000x128xf32, #tpu.memory_space<vmem_shared>>)
      %add3A_250 = arith.constant 4 : i32
      %add3A_251 = arith.addi %mul3A_127, %add3A_250 : i32
      %add3A_252 = arith.constant 3 : i32
      %add3A_253 = arith.addi %add3A_251, %add3A_252 : i32
      %mul3A_254 = arith.constant 64 : i32
      %mul3A_255 = arith.muli %add3A_253, %mul3A_254 : i32
      %add3A_256 = arith.addi %mul3A_3, %mul3A_255 : i32
      %dma_start3A_257 = tpu.memref_slice %arg3[%add3A_256] : memref<320000xi32, #tpu.memory_space<hbm>> -> memref<64xi32, #tpu.memory_space<hbm>>
      %dma_start3A_258 = tpu.memref_slice %arg3[%add3A_256] : memref<320000xi32, #tpu.memory_space<hbm>> -> memref<64xi32, #tpu.memory_space<hbm>>
      tpu.enqueue_dma source(%dma_start3A_258 : memref<64xi32, #tpu.memory_space<hbm>>) target(%arg14 : memref<64xi32, #tpu.memory_space<vmem>>) target_semaphore(%arg30 : memref<!tpu.dma_semaphore, #tpu.memory_space<semaphore_mem>>)
      %dma_wait3A_259 = tpu.memref_slice %arg2[%add3A] : memref<640000xi32, #tpu.memory_space<hbm>> -> memref<64xi32, #tpu.memory_space<hbm>>
      %dma_wait3A_260 = tpu.memref_slice %arg2[%add3A] : memref<640000xi32, #tpu.memory_space<hbm>> -> memref<64xi32, #tpu.memory_space<hbm>>
      tpu.wait_dma2 semaphore(%arg26 : memref<!tpu.dma_semaphore, #tpu.memory_space<semaphore_mem>>) src(%dma_wait3A_260 : memref<64xi32, #tpu.memory_space<hbm>>) dst(%arg10 : memref<64xi32, #tpu.memory_space<vmem>>)
      %dma_start3A_261 = arith.constant 0 : i32
      %dma_start3A_262 = arith.constant 0 : i32
      %dma_start3A_263 = tpu.memref_slice %arg4[%dma_start3A_261, %dma_start3A_262] : memref<20000x128xf32, #tpu.memory_space<hbm>> -> memref<20000x128xf32, #tpu.memory_space<hbm>>
      tpu.enqueue_indirect_dma source(%dma_start3A_263 : memref<20000x128xf32, #tpu.memory_space<hbm>>) target(%arg18 : memref<64x128xf32, #tpu.memory_space<vmem>>) offsets(%arg10 : memref<64xi32, #tpu.memory_space<vmem>>) semaphore(%arg34 : memref<!tpu.dma_semaphore, #tpu.memory_space<semaphore_mem>>)
    }
    %scan3A_60 = arith.constant 77 : i32
    %dma_wait3A_61 = arith.constant 0 : i32
    %dma_wait3A_62 = arith.constant 0 : i32
    %dma_wait3A_63 = tpu.memref_slice %arg4[%dma_wait3A_61, %dma_wait3A_62] : memref<20000x128xf32, #tpu.memory_space<hbm>> -> memref<20000x128xf32, #tpu.memory_space<hbm>>
    tpu.wait_indirect_dma semaphore(%arg31 : memref<!tpu.dma_semaphore, #tpu.memory_space<semaphore_mem>>) src(%dma_wait3A_63 : memref<20000x128xf32, #tpu.memory_space<hbm>>) dst(%arg15 : memref<64x128xf32, #tpu.memory_space<vmem>>)
    %dma_wait3A_64 = tpu.memref_slice %arg3[%mul3A_3] : memref<320000xi32, #tpu.memory_space<hbm>> -> memref<64xi32, #tpu.memory_space<hbm>>
    %dma_wait3A_65 = tpu.memref_slice %arg3[%mul3A_3] : memref<320000xi32, #tpu.memory_space<hbm>> -> memref<64xi32, #tpu.memory_space<hbm>>
    tpu.wait_dma2 semaphore(%arg27 : memref<!tpu.dma_semaphore, #tpu.memory_space<semaphore_mem>>) src(%dma_wait3A_65 : memref<64xi32, #tpu.memory_space<hbm>>) dst(%arg11 : memref<64xi32, #tpu.memory_space<vmem>>)
    %dma_start3A_66 = arith.constant 0 : i32
    %dma_start3A_67 = arith.constant 0 : i32
    %dma_start3A_68 = tpu.memref_slice %arg22[%dma_start3A_66, %dma_start3A_67] : memref<10000x128xf32, #tpu.memory_space<vmem_shared>> -> memref<10000x128xf32, #tpu.memory_space<vmem_shared>>
    tpu.enqueue_indirect_dma source(%arg15 : memref<64x128xf32, #tpu.memory_space<vmem>>) target(%dma_start3A_68 : memref<10000x128xf32, #tpu.memory_space<vmem_shared>>) offsets(%arg11 : memref<64xi32, #tpu.memory_space<vmem>>) semaphore(%arg35 : memref<!tpu.dma_semaphore, #tpu.memory_space<semaphore_mem>>) {add = true}
    %dma_wait3A_69 = arith.constant 0 : i32
    %dma_wait3A_70 = arith.constant 0 : i32
    %dma_wait3A_71 = tpu.memref_slice %arg4[%dma_wait3A_69, %dma_wait3A_70] : memref<20000x128xf32, #tpu.memory_space<hbm>> -> memref<20000x128xf32, #tpu.memory_space<hbm>>
    tpu.wait_indirect_dma semaphore(%arg32 : memref<!tpu.dma_semaphore, #tpu.memory_space<semaphore_mem>>) src(%dma_wait3A_71 : memref<20000x128xf32, #tpu.memory_space<hbm>>) dst(%arg16 : memref<64x128xf32, #tpu.memory_space<vmem>>)
    %dma_wait3A_72 = tpu.memref_slice %arg3[%mul3A_3] : memref<320000xi32, #tpu.memory_space<hbm>> -> memref<64xi32, #tpu.memory_space<hbm>>
    %dma_wait3A_73 = tpu.memref_slice %arg3[%mul3A_3] : memref<320000xi32, #tpu.memory_space<hbm>> -> memref<64xi32, #tpu.memory_space<hbm>>
    tpu.wait_dma2 semaphore(%arg28 : memref<!tpu.dma_semaphore, #tpu.memory_space<semaphore_mem>>) src(%dma_wait3A_73 : memref<64xi32, #tpu.memory_space<hbm>>) dst(%arg12 : memref<64xi32, #tpu.memory_space<vmem>>)
    %dma_start3A_74 = arith.constant 0 : i32
    %dma_start3A_75 = arith.constant 0 : i32
    %dma_start3A_76 = tpu.memref_slice %arg22[%dma_start3A_74, %dma_start3A_75] : memref<10000x128xf32, #tpu.memory_space<vmem_shared>> -> memref<10000x128xf32, #tpu.memory_space<vmem_shared>>
    tpu.enqueue_indirect_dma source(%arg16 : memref<64x128xf32, #tpu.memory_space<vmem>>) target(%dma_start3A_76 : memref<10000x128xf32, #tpu.memory_space<vmem_shared>>) offsets(%arg12 : memref<64xi32, #tpu.memory_space<vmem>>) semaphore(%arg36 : memref<!tpu.dma_semaphore, #tpu.memory_space<semaphore_mem>>) {add = true}
    %dma_wait3A_77 = arith.constant 0 : i32
    %dma_wait3A_78 = arith.constant 0 : i32
    %dma_wait3A_79 = tpu.memref_slice %arg4[%dma_wait3A_77, %dma_wait3A_78] : memref<20000x128xf32, #tpu.memory_space<hbm>> -> memref<20000x128xf32, #tpu.memory_space<hbm>>
    tpu.wait_indirect_dma semaphore(%arg33 : memref<!tpu.dma_semaphore, #tpu.memory_space<semaphore_mem>>) src(%dma_wait3A_79 : memref<20000x128xf32, #tpu.memory_space<hbm>>) dst(%arg17 : memref<64x128xf32, #tpu.memory_space<vmem>>)
    %dma_wait3A_80 = tpu.memref_slice %arg3[%mul3A_3] : memref<320000xi32, #tpu.memory_space<hbm>> -> memref<64xi32, #tpu.memory_space<hbm>>
    %dma_wait3A_81 = tpu.memref_slice %arg3[%mul3A_3] : memref<320000xi32, #tpu.memory_space<hbm>> -> memref<64xi32, #tpu.memory_space<hbm>>
    tpu.wait_dma2 semaphore(%arg29 : memref<!tpu.dma_semaphore, #tpu.memory_space<semaphore_mem>>) src(%dma_wait3A_81 : memref<64xi32, #tpu.memory_space<hbm>>) dst(%arg13 : memref<64xi32, #tpu.memory_space<vmem>>)
    %dma_start3A_82 = arith.constant 0 : i32
    %dma_start3A_83 = arith.constant 0 : i32
    %dma_start3A_84 = tpu.memref_slice %arg22[%dma_start3A_82, %dma_start3A_83] : memref<10000x128xf32, #tpu.memory_space<vmem_shared>> -> memref<10000x128xf32, #tpu.memory_space<vmem_shared>>
    tpu.enqueue_indirect_dma source(%arg17 : memref<64x128xf32, #tpu.memory_space<vmem>>) target(%dma_start3A_84 : memref<10000x128xf32, #tpu.memory_space<vmem_shared>>) offsets(%arg13 : memref<64xi32, #tpu.memory_space<vmem>>) semaphore(%arg37 : memref<!tpu.dma_semaphore, #tpu.memory_space<semaphore_mem>>) {add = true}
    %dma_wait3A_85 = arith.constant 0 : i32
    %dma_wait3A_86 = arith.constant 0 : i32
    %dma_wait3A_87 = tpu.memref_slice %arg4[%dma_wait3A_85, %dma_wait3A_86] : memref<20000x128xf32, #tpu.memory_space<hbm>> -> memref<20000x128xf32, #tpu.memory_space<hbm>>
    tpu.wait_indirect_dma semaphore(%arg34 : memref<!tpu.dma_semaphore, #tpu.memory_space<semaphore_mem>>) src(%dma_wait3A_87 : memref<20000x128xf32, #tpu.memory_space<hbm>>) dst(%arg18 : memref<64x128xf32, #tpu.memory_space<vmem>>)
    %dma_wait3A_88 = tpu.memref_slice %arg3[%mul3A_3] : memref<320000xi32, #tpu.memory_space<hbm>> -> memref<64xi32, #tpu.memory_space<hbm>>
    %dma_wait3A_89 = tpu.memref_slice %arg3[%mul3A_3] : memref<320000xi32, #tpu.memory_space<hbm>> -> memref<64xi32, #tpu.memory_space<hbm>>
    tpu.wait_dma2 semaphore(%arg30 : memref<!tpu.dma_semaphore, #tpu.memory_space<semaphore_mem>>) src(%dma_wait3A_89 : memref<64xi32, #tpu.memory_space<hbm>>) dst(%arg14 : memref<64xi32, #tpu.memory_space<vmem>>)
    %dma_start3A_90 = arith.constant 0 : i32
    %dma_start3A_91 = arith.constant 0 : i32
    %dma_start3A_92 = tpu.memref_slice %arg22[%dma_start3A_90, %dma_start3A_91] : memref<10000x128xf32, #tpu.memory_space<vmem_shared>> -> memref<10000x128xf32, #tpu.memory_space<vmem_shared>>
    tpu.enqueue_indirect_dma source(%arg18 : memref<64x128xf32, #tpu.memory_space<vmem>>) target(%dma_start3A_92 : memref<10000x128xf32, #tpu.memory_space<vmem_shared>>) offsets(%arg14 : memref<64xi32, #tpu.memory_space<vmem>>) semaphore(%arg38 : memref<!tpu.dma_semaphore, #tpu.memory_space<semaphore_mem>>) {add = true}
    %add3A_93 = arith.constant 19968 : i32
    %add3A_94 = arith.addi %mul3A_3, %add3A_93 : i32
    %add3A_95 = arith.constant 19968 : i32
    %add3A_96 = arith.addi %add3A, %add3A_95 : i32
    "tpu.region"() ({
      %run_scoped3A = tpu.sem_alloc : memref<!tpu.dma_semaphore, #tpu.memory_space<semaphore_mem>>
      %dma_start3A_125 = tpu.memref_slice %arg2[%add3A_96] : memref<640000xi32, #tpu.memory_space<hbm>> -> memref<32xi32, #tpu.memory_space<hbm>>
      %dma_start3A_126 = tpu.memref_slice %arg2[%add3A_96] : memref<640000xi32, #tpu.memory_space<hbm>> -> memref<32xi32, #tpu.memory_space<hbm>>
      tpu.enqueue_dma source(%dma_start3A_126 : memref<32xi32, #tpu.memory_space<hbm>>) target(%arg19 : memref<32xi32, #tpu.memory_space<vmem>>) target_semaphore(%run_scoped3A : memref<!tpu.dma_semaphore, #tpu.memory_space<semaphore_mem>>)
      %dma_wait3A_127 = tpu.memref_slice %arg2[%add3A_96] : memref<640000xi32, #tpu.memory_space<hbm>> -> memref<32xi32, #tpu.memory_space<hbm>>
      %dma_wait3A_128 = tpu.memref_slice %arg2[%add3A_96] : memref<640000xi32, #tpu.memory_space<hbm>> -> memref<32xi32, #tpu.memory_space<hbm>>
      tpu.wait_dma2 semaphore(%run_scoped3A : memref<!tpu.dma_semaphore, #tpu.memory_space<semaphore_mem>>) src(%dma_wait3A_128 : memref<32xi32, #tpu.memory_space<hbm>>) dst(%arg19 : memref<32xi32, #tpu.memory_space<vmem>>)
      tpu.yield
    }) : () -> ()
    %dma_start3A_97 = arith.constant 0 : i32
    %dma_start3A_98 = arith.constant 0 : i32
    %dma_start3A_99 = tpu.memref_slice %arg4[%dma_start3A_97, %dma_start3A_98] : memref<20000x128xf32, #tpu.memory_space<hbm>> -> memref<20000x128xf32, #tpu.memory_space<hbm>>
    tpu.enqueue_indirect_dma source(%dma_start3A_99 : memref<20000x128xf32, #tpu.memory_space<hbm>>) target(%arg21 : memref<32x128xf32, #tpu.memory_space<vmem>>) offsets(%arg19 : memref<32xi32, #tpu.memory_space<vmem>>) semaphore(%arg39 : memref<!tpu.dma_semaphore, #tpu.memory_space<semaphore_mem>>)
    %dma_wait3A_100 = arith.constant 0 : i32
    %dma_wait3A_101 = arith.constant 0 : i32
    %dma_wait3A_102 = tpu.memref_slice %arg4[%dma_wait3A_100, %dma_wait3A_101] : memref<20000x128xf32, #tpu.memory_space<hbm>> -> memref<20000x128xf32, #tpu.memory_space<hbm>>
    tpu.wait_indirect_dma semaphore(%arg39 : memref<!tpu.dma_semaphore, #tpu.memory_space<semaphore_mem>>) src(%dma_wait3A_102 : memref<20000x128xf32, #tpu.memory_space<hbm>>) dst(%arg21 : memref<32x128xf32, #tpu.memory_space<vmem>>)
    "tpu.region"() ({
      %run_scoped3A = tpu.sem_alloc : memref<!tpu.dma_semaphore, #tpu.memory_space<semaphore_mem>>
      %dma_start3A_125 = tpu.memref_slice %arg3[%add3A_94] : memref<320000xi32, #tpu.memory_space<hbm>> -> memref<32xi32, #tpu.memory_space<hbm>>
      %dma_start3A_126 = tpu.memref_slice %arg3[%add3A_94] : memref<320000xi32, #tpu.memory_space<hbm>> -> memref<32xi32, #tpu.memory_space<hbm>>
      tpu.enqueue_dma source(%dma_start3A_126 : memref<32xi32, #tpu.memory_space<hbm>>) target(%arg20 : memref<32xi32, #tpu.memory_space<vmem>>) target_semaphore(%run_scoped3A : memref<!tpu.dma_semaphore, #tpu.memory_space<semaphore_mem>>)
      %dma_wait3A_127 = tpu.memref_slice %arg3[%add3A_94] : memref<320000xi32, #tpu.memory_space<hbm>> -> memref<32xi32, #tpu.memory_space<hbm>>
      %dma_wait3A_128 = tpu.memref_slice %arg3[%add3A_94] : memref<320000xi32, #tpu.memory_space<hbm>> -> memref<32xi32, #tpu.memory_space<hbm>>
      tpu.wait_dma2 semaphore(%run_scoped3A : memref<!tpu.dma_semaphore, #tpu.memory_space<semaphore_mem>>) src(%dma_wait3A_128 : memref<32xi32, #tpu.memory_space<hbm>>) dst(%arg20 : memref<32xi32, #tpu.memory_space<vmem>>)
      tpu.yield
    }) : () -> ()
    %dma_start3A_103 = arith.constant 0 : i32
    %dma_start3A_104 = arith.constant 0 : i32
    %dma_start3A_105 = tpu.memref_slice %arg22[%dma_start3A_103, %dma_start3A_104] : memref<10000x128xf32, #tpu.memory_space<vmem_shared>> -> memref<10000x128xf32, #tpu.memory_space<vmem_shared>>
    tpu.enqueue_indirect_dma source(%arg21 : memref<32x128xf32, #tpu.memory_space<vmem>>) target(%dma_start3A_105 : memref<10000x128xf32, #tpu.memory_space<vmem_shared>>) offsets(%arg20 : memref<32xi32, #tpu.memory_space<vmem>>) semaphore(%arg39 : memref<!tpu.dma_semaphore, #tpu.memory_space<semaphore_mem>>) {add = true}
    %dma_wait3A_106 = arith.constant 0 : i32
    %dma_wait3A_107 = arith.constant 0 : i32
    %dma_wait3A_108 = tpu.memref_slice %arg22[%dma_wait3A_106, %dma_wait3A_107] : memref<10000x128xf32, #tpu.memory_space<vmem_shared>> -> memref<10000x128xf32, #tpu.memory_space<vmem_shared>>
    tpu.wait_indirect_dma semaphore(%arg39 : memref<!tpu.dma_semaphore, #tpu.memory_space<semaphore_mem>>) src(%arg21 : memref<32x128xf32, #tpu.memory_space<vmem>>) dst(%dma_wait3A_108 : memref<10000x128xf32, #tpu.memory_space<vmem_shared>>)
    %dma_wait3A_109 = arith.constant 0 : i32
    %dma_wait3A_110 = arith.constant 0 : i32
    %dma_wait3A_111 = tpu.memref_slice %arg22[%dma_wait3A_109, %dma_wait3A_110] : memref<10000x128xf32, #tpu.memory_space<vmem_shared>> -> memref<10000x128xf32, #tpu.memory_space<vmem_shared>>
    tpu.wait_indirect_dma semaphore(%arg35 : memref<!tpu.dma_semaphore, #tpu.memory_space<semaphore_mem>>) src(%arg15 : memref<64x128xf32, #tpu.memory_space<vmem>>) dst(%dma_wait3A_111 : memref<10000x128xf32, #tpu.memory_space<vmem_shared>>)
    %dma_wait3A_112 = arith.constant 0 : i32
    %dma_wait3A_113 = arith.constant 0 : i32
    %dma_wait3A_114 = tpu.memref_slice %arg22[%dma_wait3A_112, %dma_wait3A_113] : memref<10000x128xf32, #tpu.memory_space<vmem_shared>> -> memref<10000x128xf32, #tpu.memory_space<vmem_shared>>
    tpu.wait_indirect_dma semaphore(%arg36 : memref<!tpu.dma_semaphore, #tpu.memory_space<semaphore_mem>>) src(%arg16 : memref<64x128xf32, #tpu.memory_space<vmem>>) dst(%dma_wait3A_114 : memref<10000x128xf32, #tpu.memory_space<vmem_shared>>)
    %dma_wait3A_115 = arith.constant 0 : i32
    %dma_wait3A_116 = arith.constant 0 : i32
    %dma_wait3A_117 = tpu.memref_slice %arg22[%dma_wait3A_115, %dma_wait3A_116] : memref<10000x128xf32, #tpu.memory_space<vmem_shared>> -> memref<10000x128xf32, #tpu.memory_space<vmem_shared>>
    tpu.wait_indirect_dma semaphore(%arg37 : memref<!tpu.dma_semaphore, #tpu.memory_space<semaphore_mem>>) src(%arg17 : memref<64x128xf32, #tpu.memory_space<vmem>>) dst(%dma_wait3A_117 : memref<10000x128xf32, #tpu.memory_space<vmem_shared>>)
    %dma_wait3A_118 = arith.constant 0 : i32
    %dma_wait3A_119 = arith.constant 0 : i32
    %dma_wait3A_120 = tpu.memref_slice %arg22[%dma_wait3A_118, %dma_wait3A_119] : memref<10000x128xf32, #tpu.memory_space<vmem_shared>> -> memref<10000x128xf32, #tpu.memory_space<vmem_shared>>
    tpu.wait_indirect_dma semaphore(%arg38 : memref<!tpu.dma_semaphore, #tpu.memory_space<semaphore_mem>>) src(%arg18 : memref<64x128xf32, #tpu.memory_space<vmem>>) dst(%dma_wait3A_120 : memref<10000x128xf32, #tpu.memory_space<vmem_shared>>)
    %barrier3A_121 = arith.constant 0 : index
    tpu.barrier barrier_id(%barrier3A_121)
    %mul3A_122 = arith.constant 10000 : i32
    %mul3A_123 = arith.muli %arg0, %mul3A_122 : i32
    %add3A_124 = arith.addi %mul3A_123, %min3A_1 : i32
    "tpu.region"() ({
      %run_scoped3A = tpu.sem_alloc : memref<!tpu.dma_semaphore, #tpu.memory_space<semaphore_mem>>
      %dma_start3A_125 = arith.constant 0 : i32
      %dma_start3A_126 = tpu.memref_slice %arg6[%add3A_124, %dma_start3A_125] : memref<20000x128xf32, #tpu.memory_space<hbm>> -> memref<632x128xf32, #tpu.memory_space<hbm>>
      %dma_start3A_127 = arith.constant 0 : i32
      %dma_start3A_128 = tpu.memref_slice %arg22[%min3A_1, %dma_start3A_127] : memref<10000x128xf32, #tpu.memory_space<vmem_shared>> -> memref<632x128xf32, #tpu.memory_space<vmem_shared>>
      tpu.enqueue_dma source(%dma_start3A_128 : memref<632x128xf32, #tpu.memory_space<vmem_shared>>) target(%dma_start3A_126 : memref<632x128xf32, #tpu.memory_space<hbm>>) target_semaphore(%run_scoped3A : memref<!tpu.dma_semaphore, #tpu.memory_space<semaphore_mem>>)
      %dma_wait3A_129 = arith.constant 0 : i32
      %dma_wait3A_130 = tpu.memref_slice %arg6[%add3A_124, %dma_wait3A_129] : memref<20000x128xf32, #tpu.memory_space<hbm>> -> memref<632x128xf32, #tpu.memory_space<hbm>>
      %dma_wait3A_131 = arith.constant 0 : i32
      %dma_wait3A_132 = tpu.memref_slice %arg22[%min3A_1, %dma_wait3A_131] : memref<10000x128xf32, #tpu.memory_space<vmem_shared>> -> memref<632x128xf32, #tpu.memory_space<vmem_shared>>
      tpu.wait_dma2 semaphore(%run_scoped3A : memref<!tpu.dma_semaphore, #tpu.memory_space<semaphore_mem>>) src(%dma_wait3A_132 : memref<632x128xf32, #tpu.memory_space<vmem_shared>>) dst(%dma_wait3A_130 : memref<632x128xf32, #tpu.memory_space<hbm>>)
      tpu.yield
    }) : () -> ()
    return
  }
}

module attributes {stable_mosaic.version = 14 : i64} {
  func.func @_mm_raw_body(%arg0: i32, %arg1: memref<400x128xf32, #tpu.memory_space<vmem>>, %arg2: memref<128x256xf32, #tpu.memory_space<vmem>>, %arg3: memref<400x256xf32, #tpu.memory_space<vmem>>) attributes {dimension_semantics = [#tpu.dimension_semantics<arbitrary>], iteration_bounds = array<i64: 25>, scalar_prefetch = 0 : i64, scratch_operands = 0 : i64, tpu.core_type = #tpu.core_type<tc>, window_params = [{transform_indices = @transform_0, window_bounds = array<i64: 400, 128>}, {pipeline_mode = #tpu.pipeline_mode<synchronous>, transform_indices = @transform_1, window_bounds = array<i64: 128, 256>}, {transform_indices = @transform_2, window_bounds = array<i64: 400, 256>}]} {
    %get3A = arith.constant 0 : index
    %get3A_0 = arith.constant 0 : index
    %get3A_1 = vector.load %arg1[%get3A, %get3A_0] : memref<400x128xf32, #tpu.memory_space<vmem>>, vector<400x128xf32>
    %get3A_2 = arith.constant 0 : index
    %get3A_3 = arith.constant 0 : index
    %get3A_4 = vector.load %arg2[%get3A_2, %get3A_3] : memref<128x256xf32, #tpu.memory_space<vmem>>, vector<128x256xf32>
    %dot_general3A = arith.constant dense<0.000000e+00> : vector<400x256xf32>
    %dot_general3A_5 = tpu.matmul %get3A_1, %get3A_4, %dot_general3A {dimension_numbers = #tpu.dot_dimension_numbers<[1], [0], [0], [1], [0, 0, 1, 1], [], []>, transpose_lhs_hint = false} : vector<400x128xf32>, vector<128x256xf32>, vector<400x256xf32> -> vector<400x256xf32>
    %swap3A = arith.constant 0 : index
    %swap3A_6 = arith.constant 0 : index
    %swap3A_7 = vector.load %arg3[%swap3A, %swap3A_6] : memref<400x256xf32, #tpu.memory_space<vmem>>, vector<400x256xf32>
    tpu.vector_store %arg3[%swap3A, %swap3A_6], %dot_general3A_5 {strides = array<i32>} : memref<400x256xf32, #tpu.memory_space<vmem>>, vector<400x256xf32>,
    return
  }
  func.func @transform_0(%arg0: i32) -> (i32, i32) {
    %c0_i32 = arith.constant 0 : i32
    %c0_i32_0 = arith.constant 0 : i32
    return %arg0, %c0_i32 : i32, i32
  }
  func.func @transform_1(%arg0: i32) -> (i32, i32) {
    %c0_i32 = arith.constant 0 : i32
    %c0_i32_0 = arith.constant 0 : i32
    %c0_i32_1 = arith.constant 0 : i32
    return %c0_i32, %c0_i32_0 : i32, i32
  }
  func.func @transform_2(%arg0: i32) -> (i32, i32) {
    %c0_i32 = arith.constant 0 : i32
    %c0_i32_0 = arith.constant 0 : i32
    return %arg0, %c0_i32 : i32, i32
  }
}

module attributes {stable_mosaic.version = 14 : i64} {
  func.func @_actmm_body(%arg0: i32, %arg1: memref<2x400x128xf32, #tpu.memory_space<vmem>>, %arg2: memref<2x400x128xf32, #tpu.memory_space<vmem>>, %arg3: memref<400x1xf32, #tpu.memory_space<vmem>>, %arg4: memref<1x256xf32, #tpu.memory_space<vmem>>, %arg5: memref<256x256xf32, #tpu.memory_space<vmem>>, %arg6: memref<2x400x128xf32, #tpu.memory_space<vmem>>) attributes {dimension_semantics = [#tpu.dimension_semantics<arbitrary>], iteration_bounds = array<i64: 25>, scalar_prefetch = 0 : i64, scratch_operands = 0 : i64, tpu.core_type = #tpu.core_type<tc>, window_params = [{transform_indices = @transform_0, window_bounds = array<i64: 2, 400, 128>}, {transform_indices = @transform_1, window_bounds = array<i64: 2, 400, 128>}, {transform_indices = @transform_2, window_bounds = array<i64: 400, 1>}, {pipeline_mode = #tpu.pipeline_mode<synchronous>, transform_indices = @transform_3, window_bounds = array<i64: 1, 256>}, {pipeline_mode = #tpu.pipeline_mode<synchronous>, transform_indices = @transform_4, window_bounds = array<i64: 256, 256>}, {transform_indices = @transform_5, window_bounds = array<i64: 2, 400, 128>}]} {
    %get3A = arith.constant 0 : index
    %get3A_0 = arith.constant 0 : index
    %get3A_1 = vector.load %arg3[%get3A, %get3A_0] : memref<400x1xf32, #tpu.memory_space<vmem>>, vector<400x1xf32>
    %get3A_2 = arith.constant 0 : index
    %get3A_3 = arith.constant 0 : index
    %get3A_4 = arith.constant 0 : index
    %get3A_5 = vector.load %arg1[%get3A_2, %get3A_3, %get3A_4] : memref<2x400x128xf32, #tpu.memory_space<vmem>>, vector<1x400x128xf32>
    %get3A_6 = vector.shape_cast %get3A_5 : vector<1x400x128xf32> to vector<400x128xf32>
    %get3A_7 = arith.constant 0 : index
    %get3A_8 = arith.constant 0 : index
    %get3A_9 = arith.constant 0 : index
    %get3A_10 = vector.load %arg2[%get3A_7, %get3A_8, %get3A_9] : memref<2x400x128xf32, #tpu.memory_space<vmem>>, vector<1x400x128xf32>
    %get3A_11 = vector.shape_cast %get3A_10 : vector<1x400x128xf32> to vector<400x128xf32>
    %add3A = arith.addf %get3A_6, %get3A_11 : vector<400x128xf32>
    %get3A_12 = arith.constant 1 : index
    %get3A_13 = arith.constant 0 : index
    %get3A_14 = arith.constant 0 : index
    %get3A_15 = vector.load %arg1[%get3A_12, %get3A_13, %get3A_14] : memref<2x400x128xf32, #tpu.memory_space<vmem>>, vector<1x400x128xf32>
    %get3A_16 = vector.shape_cast %get3A_15 : vector<1x400x128xf32> to vector<400x128xf32>
    %get3A_17 = arith.constant 1 : index
    %get3A_18 = arith.constant 0 : index
    %get3A_19 = arith.constant 0 : index
    %get3A_20 = vector.load %arg2[%get3A_17, %get3A_18, %get3A_19] : memref<2x400x128xf32, #tpu.memory_space<vmem>>, vector<1x400x128xf32>
    %get3A_21 = vector.shape_cast %get3A_20 : vector<1x400x128xf32> to vector<400x128xf32>
    %add3A_22 = arith.addf %get3A_16, %get3A_21 : vector<400x128xf32>
    %concatenate3A = tpu.concatenate %add3A, %add3A_22 in 1 : vector<400x128xf32>, vector<400x128xf32> -> vector<400x256xf32>
    %mul3A = vector.broadcast %get3A_1 : vector<400x1xf32> to vector<400x256xf32>
    %mul3A_23 = arith.mulf %concatenate3A, %mul3A : vector<400x256xf32>
    %get3A_24 = arith.constant 0 : index
    %get3A_25 = arith.constant 0 : index
    %get3A_26 = vector.load %arg4[%get3A_24, %get3A_25] : memref<1x256xf32, #tpu.memory_space<vmem>>, vector<1x256xf32>
    %add3A_27 = vector.broadcast %get3A_26 : vector<1x256xf32> to vector<400x256xf32>
    %add3A_28 = arith.addf %mul3A_23, %add3A_27 : vector<400x256xf32>
    %ge3A = arith.constant 0.000000e+00 : f32
    %ge3A_29 = vector.broadcast %ge3A : f32 to vector<400x256xf32>
    %ge3A_30 = arith.cmpf oge, %add3A_28, %ge3A_29 : vector<400x256xf32>
    %mul3A_31 = arith.constant 0.00999999977 : f32
    %mul3A_32 = vector.broadcast %mul3A_31 : f32 to vector<400x256xf32>
    %mul3A_33 = arith.mulf %mul3A_32, %add3A_28 : vector<400x256xf32>
    %select_n3A = arith.select %ge3A_30, %add3A_28, %mul3A_33 : vector<400x256xi1>, vector<400x256xf32>
    %get3A_34 = arith.constant 0 : index
    %get3A_35 = arith.constant 0 : index
    %get3A_36 = vector.load %arg5[%get3A_34, %get3A_35] : memref<256x256xf32, #tpu.memory_space<vmem>>, vector<256x256xf32>
    %dot_general3A = arith.constant dense<0.000000e+00> : vector<400x256xf32>
    %dot_general3A_37 = tpu.matmul %select_n3A, %get3A_36, %dot_general3A {dimension_numbers = #tpu.dot_dimension_numbers<[1], [0], [0], [1], [0, 0, 1, 1], [], []>, transpose_lhs_hint = false} : vector<400x256xf32>, vector<256x256xf32>, vector<400x256xf32> -> vector<400x256xf32>
    %mul3A_38 = vector.broadcast %get3A_1 : vector<400x1xf32> to vector<400x256xf32>
    %mul3A_39 = arith.mulf %dot_general3A_37, %mul3A_38 : vector<400x256xf32>
    %slice3A = vector.extract_strided_slice %mul3A_39 {offsets = [0, 0], sizes = [400, 128], strides = [1, 1]} : vector<400x256xf32> to vector<400x128xf32>
    %swap3A = arith.constant 0 : index
    %swap3A_40 = arith.constant 0 : index
    %swap3A_41 = arith.constant 0 : index
    %swap3A_42 = vector.load %arg6[%swap3A, %swap3A_40, %swap3A_41] : memref<2x400x128xf32, #tpu.memory_space<vmem>>, vector<1x400x128xf32>
    %swap3A_43 = vector.shape_cast %swap3A_42 : vector<1x400x128xf32> to vector<400x128xf32>
    %swap3A_44 = vector.shape_cast %slice3A : vector<400x128xf32> to vector<1x400x128xf32>
    tpu.vector_store %arg6[%swap3A, %swap3A_40, %swap3A_41], %swap3A_44 {strides = array<i32>} : memref<2x400x128xf32, #tpu.memory_space<vmem>>, vector<1x400x128xf32>,
    %slice3A_45 = vector.extract_strided_slice %mul3A_39 {offsets = [0, 128], sizes = [400, 128], strides = [1, 1]} : vector<400x256xf32> to vector<400x128xf32>
    %swap3A_46 = arith.constant 1 : index
    %swap3A_47 = arith.constant 0 : index
    %swap3A_48 = arith.constant 0 : index
    %swap3A_49 = vector.load %arg6[%swap3A_46, %swap3A_47, %swap3A_48] : memref<2x400x128xf32, #tpu.memory_space<vmem>>, vector<1x400x128xf32>
    %swap3A_50 = vector.shape_cast %swap3A_49 : vector<1x400x128xf32> to vector<400x128xf32>
    %swap3A_51 = vector.shape_cast %slice3A_45 : vector<400x128xf32> to vector<1x400x128xf32>
    tpu.vector_store %arg6[%swap3A_46, %swap3A_47, %swap3A_48], %swap3A_51 {strides = array<i32>} : memref<2x400x128xf32, #tpu.memory_space<vmem>>, vector<1x400x128xf32>,
    return
  }
  func.func @transform_0(%arg0: i32) -> (i32, i32, i32) {
    %c0_i32 = arith.constant 0 : i32
    %c0_i32_0 = arith.constant 0 : i32
    %c0_i32_1 = arith.constant 0 : i32
    return %c0_i32, %arg0, %c0_i32_0 : i32, i32, i32
  }
  func.func @transform_1(%arg0: i32) -> (i32, i32, i32) {
    %c0_i32 = arith.constant 0 : i32
    %c0_i32_0 = arith.constant 0 : i32
    %c0_i32_1 = arith.constant 0 : i32
    return %c0_i32, %arg0, %c0_i32_0 : i32, i32, i32
  }
  func.func @transform_2(%arg0: i32) -> (i32, i32) {
    %c0_i32 = arith.constant 0 : i32
    %c0_i32_0 = arith.constant 0 : i32
    return %arg0, %c0_i32 : i32, i32
  }
  func.func @transform_3(%arg0: i32) -> (i32, i32) {
    %c0_i32 = arith.constant 0 : i32
    %c0_i32_0 = arith.constant 0 : i32
    %c0_i32_1 = arith.constant 0 : i32
    return %c0_i32, %c0_i32_0 : i32, i32
  }
  func.func @transform_4(%arg0: i32) -> (i32, i32) {
    %c0_i32 = arith.constant 0 : i32
    %c0_i32_0 = arith.constant 0 : i32
    %c0_i32_1 = arith.constant 0 : i32
    return %c0_i32, %c0_i32_0 : i32, i32
  }
  func.func @transform_5(%arg0: i32) -> (i32, i32, i32) {
    %c0_i32 = arith.constant 0 : i32
    %c0_i32_0 = arith.constant 0 : i32
    %c0_i32_1 = arith.constant 0 : i32
    return %c0_i32, %arg0, %c0_i32_0 : i32, i32, i32
  }
}

module attributes {stable_mosaic.version = 14 : i64} {
  func.func @_scale_body(%arg0: i32, %arg1: memref<400x256xf32, #tpu.memory_space<vmem>>, %arg2: memref<2x400x128xf32, #tpu.memory_space<vmem>>, %arg3: memref<2x400x128xf32, #tpu.memory_space<vmem>>, %arg4: memref<400x1xf32, #tpu.memory_space<vmem>>) attributes {dimension_semantics = [#tpu.dimension_semantics<arbitrary>], iteration_bounds = array<i64: 25>, scalar_prefetch = 0 : i64, scratch_operands = 0 : i64, tpu.core_type = #tpu.core_type<tc>, window_params = [{transform_indices = @transform_0, window_bounds = array<i64: 400, 256>}, {transform_indices = @transform_1, window_bounds = array<i64: 2, 400, 128>}, {transform_indices = @transform_2, window_bounds = array<i64: 2, 400, 128>}, {transform_indices = @transform_3, window_bounds = array<i64: 400, 1>}]} {
    %get3A = arith.constant 0 : index
    %get3A_0 = arith.constant 0 : index
    %get3A_1 = arith.constant 0 : index
    %get3A_2 = vector.load %arg2[%get3A, %get3A_0, %get3A_1] : memref<2x400x128xf32, #tpu.memory_space<vmem>>, vector<1x400x1xf32>
    %get3A_3 = vector.shape_cast %get3A_2 : vector<1x400x1xf32> to vector<400x1xf32>
    %get3A_4 = arith.constant 1 : index
    %get3A_5 = arith.constant 0 : index
    %get3A_6 = arith.constant 0 : index
    %get3A_7 = vector.load %arg2[%get3A_4, %get3A_5, %get3A_6] : memref<2x400x128xf32, #tpu.memory_space<vmem>>, vector<1x400x1xf32>
    %get3A_8 = vector.shape_cast %get3A_7 : vector<1x400x1xf32> to vector<400x1xf32>
    %add3A = arith.addf %get3A_3, %get3A_8 : vector<400x1xf32>
    %add3A_9 = arith.constant 1.000000e+00 : f32
    %add3A_10 = vector.broadcast %add3A_9 : f32 to vector<400x1xf32>
    %add3A_11 = arith.addf %add3A, %add3A_10 : vector<400x1xf32>
    %rsqrt3A = math.rsqrt %add3A_11 : vector<400x1xf32>
    %get3A_12 = arith.constant 0 : index
    %get3A_13 = arith.constant 0 : index
    %get3A_14 = vector.load %arg1[%get3A_12, %get3A_13] : memref<400x256xf32, #tpu.memory_space<vmem>>, vector<400x256xf32>
    %mul3A = vector.broadcast %rsqrt3A : vector<400x1xf32> to vector<400x256xf32>
    %mul3A_15 = arith.mulf %get3A_14, %mul3A : vector<400x256xf32>
    %slice3A = vector.extract_strided_slice %mul3A_15 {offsets = [0, 0], sizes = [400, 128], strides = [1, 1]} : vector<400x256xf32> to vector<400x128xf32>
    %swap3A = arith.constant 0 : index
    %swap3A_16 = arith.constant 0 : index
    %swap3A_17 = arith.constant 0 : index
    %swap3A_18 = vector.load %arg3[%swap3A, %swap3A_16, %swap3A_17] : memref<2x400x128xf32, #tpu.memory_space<vmem>>, vector<1x400x128xf32>
    %swap3A_19 = vector.shape_cast %swap3A_18 : vector<1x400x128xf32> to vector<400x128xf32>
    %swap3A_20 = vector.shape_cast %slice3A : vector<400x128xf32> to vector<1x400x128xf32>
    tpu.vector_store %arg3[%swap3A, %swap3A_16, %swap3A_17], %swap3A_20 {strides = array<i32>} : memref<2x400x128xf32, #tpu.memory_space<vmem>>, vector<1x400x128xf32>,
    %slice3A_21 = vector.extract_strided_slice %mul3A_15 {offsets = [0, 128], sizes = [400, 128], strides = [1, 1]} : vector<400x256xf32> to vector<400x128xf32>
    %swap3A_22 = arith.constant 1 : index
    %swap3A_23 = arith.constant 0 : index
    %swap3A_24 = arith.constant 0 : index
    %swap3A_25 = vector.load %arg3[%swap3A_22, %swap3A_23, %swap3A_24] : memref<2x400x128xf32, #tpu.memory_space<vmem>>, vector<1x400x128xf32>
    %swap3A_26 = vector.shape_cast %swap3A_25 : vector<1x400x128xf32> to vector<400x128xf32>
    %swap3A_27 = vector.shape_cast %slice3A_21 : vector<400x128xf32> to vector<1x400x128xf32>
    tpu.vector_store %arg3[%swap3A_22, %swap3A_23, %swap3A_24], %swap3A_27 {strides = array<i32>} : memref<2x400x128xf32, #tpu.memory_space<vmem>>, vector<1x400x128xf32>,
    %swap3A_28 = arith.constant 0 : index
    %swap3A_29 = arith.constant 0 : index
    %swap3A_30 = vector.load %arg4[%swap3A_28, %swap3A_29] : memref<400x1xf32, #tpu.memory_space<vmem>>, vector<400x1xf32>
    tpu.vector_store %arg4[%swap3A_28, %swap3A_29], %rsqrt3A {strides = array<i32>} : memref<400x1xf32, #tpu.memory_space<vmem>>, vector<400x1xf32>,
    return
  }
  func.func @transform_0(%arg0: i32) -> (i32, i32) {
    %c0_i32 = arith.constant 0 : i32
    %c0_i32_0 = arith.constant 0 : i32
    return %arg0, %c0_i32 : i32, i32
  }
  func.func @transform_1(%arg0: i32) -> (i32, i32, i32) {
    %c0_i32 = arith.constant 0 : i32
    %c0_i32_0 = arith.constant 0 : i32
    %c0_i32_1 = arith.constant 0 : i32
    return %c0_i32, %arg0, %c0_i32_0 : i32, i32, i32
  }
  func.func @transform_2(%arg0: i32) -> (i32, i32, i32) {
    %c0_i32 = arith.constant 0 : i32
    %c0_i32_0 = arith.constant 0 : i32
    %c0_i32_1 = arith.constant 0 : i32
    return %c0_i32, %arg0, %c0_i32_0 : i32, i32, i32
  }
  func.func @transform_3(%arg0: i32) -> (i32, i32) {
    %c0_i32 = arith.constant 0 : i32
    %c0_i32_0 = arith.constant 0 : i32
    return %arg0, %c0_i32 : i32, i32
  }
}

module attributes {stable_mosaic.version = 14 : i64} {
  func.func @_final_body(%arg0: i32, %arg1: memref<2x400x128xf32, #tpu.memory_space<vmem>>, %arg2: memref<2x400x128xf32, #tpu.memory_space<vmem>>, %arg3: memref<400x1xf32, #tpu.memory_space<vmem>>, %arg4: memref<1x256xf32, #tpu.memory_space<vmem>>, %arg5: memref<400x1xi32, #tpu.memory_space<vmem>>, %arg6: memref<256x256xf32, #tpu.memory_space<vmem>>, %arg7: memref<1x256xf32, #tpu.memory_space<vmem>>, %arg8: memref<256x128xf32, #tpu.memory_space<vmem>>, %arg9: memref<1x128xf32, #tpu.memory_space<vmem>>, %arg10: memref<64x128xf32, #tpu.memory_space<vmem>>, %arg11: memref<64x256xf32, #tpu.memory_space<vmem>>, %arg12: memref<64x128xf32, #tpu.memory_space<vmem>>) attributes {dimension_semantics = [#tpu.dimension_semantics<arbitrary>], iteration_bounds = array<i64: 25>, scalar_prefetch = 0 : i64, scratch_operands = 2 : i64, tpu.core_type = #tpu.core_type<tc>, window_params = [{transform_indices = @transform_0, window_bounds = array<i64: 2, 400, 128>}, {transform_indices = @transform_1, window_bounds = array<i64: 2, 400, 128>}, {transform_indices = @transform_2, window_bounds = array<i64: 400, 1>}, {pipeline_mode = #tpu.pipeline_mode<synchronous>, transform_indices = @transform_3, window_bounds = array<i64: 1, 256>}, {transform_indices = @transform_4, window_bounds = array<i64: 400, 1>}, {pipeline_mode = #tpu.pipeline_mode<synchronous>, transform_indices = @transform_5, window_bounds = array<i64: 256, 256>}, {pipeline_mode = #tpu.pipeline_mode<synchronous>, transform_indices = @transform_6, window_bounds = array<i64: 1, 256>}, {pipeline_mode = #tpu.pipeline_mode<synchronous>, transform_indices = @transform_7, window_bounds = array<i64: 256, 128>}, {pipeline_mode = #tpu.pipeline_mode<synchronous>, transform_indices = @transform_8, window_bounds = array<i64: 1, 128>}, {pipeline_mode = #tpu.pipeline_mode<synchronous>, transform_indices = @transform_9, window_bounds = array<i64: 64, 128>}]} {
    %eq3A = arith.constant 0 : i32
    %eq3A_0 = arith.cmpi eq, %arg0, %eq3A : i32
    %convert_element_type3A = arith.extui %eq3A_0 : i1 to i32
    %cond3A = arith.constant 0 : i32
    %cond3A_1 = arith.cmpi ne, %convert_element_type3A, %cond3A : i32
    scf.if %cond3A_1 {
      %broadcast_in_dim3A_60 = arith.constant 0.000000e+00 : f32
      %broadcast_in_dim3A_61 = vector.broadcast %broadcast_in_dim3A_60 : f32 to vector<64x256xf32>
      %swap3A_62 = arith.constant 0 : index
      %swap3A_63 = arith.constant 0 : index
      %swap3A_64 = vector.load %arg11[%swap3A_62, %swap3A_63] : memref<64x256xf32, #tpu.memory_space<vmem>>, vector<64x256xf32>
      tpu.vector_store %arg11[%swap3A_62, %swap3A_63], %broadcast_in_dim3A_61 {strides = array<i32>} : memref<64x256xf32, #tpu.memory_space<vmem>>, vector<64x256xf32>,
      %broadcast_in_dim3A_65 = arith.constant 0.000000e+00 : f32
      %broadcast_in_dim3A_66 = vector.broadcast %broadcast_in_dim3A_65 : f32 to vector<64x128xf32>
      %swap3A_67 = arith.constant 0 : index
      %swap3A_68 = arith.constant 0 : index
      %swap3A_69 = vector.load %arg12[%swap3A_67, %swap3A_68] : memref<64x128xf32, #tpu.memory_space<vmem>>, vector<64x128xf32>
      tpu.vector_store %arg12[%swap3A_67, %swap3A_68], %broadcast_in_dim3A_66 {strides = array<i32>} : memref<64x128xf32, #tpu.memory_space<vmem>>, vector<64x128xf32>,
    } else {
    }
    %get3A = arith.constant 0 : index
    %get3A_2 = arith.constant 0 : index
    %get3A_3 = vector.load %arg3[%get3A, %get3A_2] : memref<400x1xf32, #tpu.memory_space<vmem>>, vector<400x1xf32>
    %get3A_4 = arith.constant 0 : index
    %get3A_5 = arith.constant 0 : index
    %get3A_6 = arith.constant 0 : index
    %get3A_7 = vector.load %arg1[%get3A_4, %get3A_5, %get3A_6] : memref<2x400x128xf32, #tpu.memory_space<vmem>>, vector<1x400x128xf32>
    %get3A_8 = vector.shape_cast %get3A_7 : vector<1x400x128xf32> to vector<400x128xf32>
    %get3A_9 = arith.constant 0 : index
    %get3A_10 = arith.constant 0 : index
    %get3A_11 = arith.constant 0 : index
    %get3A_12 = vector.load %arg2[%get3A_9, %get3A_10, %get3A_11] : memref<2x400x128xf32, #tpu.memory_space<vmem>>, vector<1x400x128xf32>
    %get3A_13 = vector.shape_cast %get3A_12 : vector<1x400x128xf32> to vector<400x128xf32>
    %add3A = arith.addf %get3A_8, %get3A_13 : vector<400x128xf32>
    %get3A_14 = arith.constant 1 : index
    %get3A_15 = arith.constant 0 : index
    %get3A_16 = arith.constant 0 : index
    %get3A_17 = vector.load %arg1[%get3A_14, %get3A_15, %get3A_16] : memref<2x400x128xf32, #tpu.memory_space<vmem>>, vector<1x400x128xf32>
    %get3A_18 = vector.shape_cast %get3A_17 : vector<1x400x128xf32> to vector<400x128xf32>
    %get3A_19 = arith.constant 1 : index
    %get3A_20 = arith.constant 0 : index
    %get3A_21 = arith.constant 0 : index
    %get3A_22 = vector.load %arg2[%get3A_19, %get3A_20, %get3A_21] : memref<2x400x128xf32, #tpu.memory_space<vmem>>, vector<1x400x128xf32>
    %get3A_23 = vector.shape_cast %get3A_22 : vector<1x400x128xf32> to vector<400x128xf32>
    %add3A_24 = arith.addf %get3A_18, %get3A_23 : vector<400x128xf32>
    %concatenate3A = tpu.concatenate %add3A, %add3A_24 in 1 : vector<400x128xf32>, vector<400x128xf32> -> vector<400x256xf32>
    %mul3A = vector.broadcast %get3A_3 : vector<400x1xf32> to vector<400x256xf32>
    %mul3A_25 = arith.mulf %concatenate3A, %mul3A : vector<400x256xf32>
    %get3A_26 = arith.constant 0 : index
    %get3A_27 = arith.constant 0 : index
    %get3A_28 = vector.load %arg4[%get3A_26, %get3A_27] : memref<1x256xf32, #tpu.memory_space<vmem>>, vector<1x256xf32>
    %add3A_29 = vector.broadcast %get3A_28 : vector<1x256xf32> to vector<400x256xf32>
    %add3A_30 = arith.addf %mul3A_25, %add3A_29 : vector<400x256xf32>
    %iota3A = tpu.iota {dimensions = array<i32: 1>} : vector<400x64xi32>
    %get3A_31 = arith.constant 0 : index
    %get3A_32 = arith.constant 0 : index
    %get3A_33 = vector.load %arg5[%get3A_31, %get3A_32] : memref<400x1xi32, #tpu.memory_space<vmem>>, vector<400x1xi32>
    %eq3A_34 = vector.broadcast %get3A_33 : vector<400x1xi32> to vector<400x64xi32>
    %eq3A_35 = arith.cmpi eq, %iota3A, %eq3A_34 : vector<400x64xi32>
    %convert_element_type3A_36 = arith.extui %eq3A_35 : vector<400x64xi1> to vector<400x64xi32>
    %convert_element_type3A_37 = arith.sitofp %convert_element_type3A_36 : vector<400x64xi32> to vector<400x64xf32>
    %get3A_38 = arith.constant 0 : index
    %get3A_39 = arith.constant 0 : index
    %get3A_40 = vector.load %arg11[%get3A_38, %get3A_39] : memref<64x256xf32, #tpu.memory_space<vmem>>, vector<64x256xf32>
    %dot_general3A = arith.constant dense<0.000000e+00> : vector<64x256xf32>
    %dot_general3A_41 = tpu.matmul %convert_element_type3A_37, %add3A_30, %dot_general3A {dimension_numbers = #tpu.dot_dimension_numbers<[0], [0], [1], [1], [0, 1, 1, 1], [], []>, transpose_lhs_hint = false} : vector<400x64xf32>, vector<400x256xf32>, vector<64x256xf32> -> vector<64x256xf32>
    %add3A_42 = arith.addf %get3A_40, %dot_general3A_41 : vector<64x256xf32>
    %swap3A = arith.constant 0 : index
    %swap3A_43 = arith.constant 0 : index
    %swap3A_44 = vector.load %arg11[%swap3A, %swap3A_43] : memref<64x256xf32, #tpu.memory_space<vmem>>, vector<64x256xf32>
    tpu.vector_store %arg11[%swap3A, %swap3A_43], %add3A_42 {strides = array<i32>} : memref<64x256xf32, #tpu.memory_space<vmem>>, vector<64x256xf32>,
    %get3A_45 = arith.constant 0 : index
    %get3A_46 = arith.constant 0 : index
    %get3A_47 = vector.load %arg12[%get3A_45, %get3A_46] : memref<64x128xf32, #tpu.memory_space<vmem>>, vector<64x128xf32>
    %broadcast_in_dim3A = arith.constant 1.000000e+00 : f32
    %broadcast_in_dim3A_48 = vector.broadcast %broadcast_in_dim3A : f32 to vector<400x128xf32>
    %dot_general3A_49 = arith.constant dense<0.000000e+00> : vector<64x128xf32>
    %dot_general3A_50 = tpu.matmul %convert_element_type3A_37, %broadcast_in_dim3A_48, %dot_general3A_49 {dimension_numbers = #tpu.dot_dimension_numbers<[0], [0], [1], [1], [0, 1, 1, 1], [], []>, transpose_lhs_hint = false} : vector<400x64xf32>, vector<400x128xf32>, vector<64x128xf32> -> vector<64x128xf32>
    %add3A_51 = arith.addf %get3A_47, %dot_general3A_50 : vector<64x128xf32>
    %swap3A_52 = arith.constant 0 : index
    %swap3A_53 = arith.constant 0 : index
    %swap3A_54 = vector.load %arg12[%swap3A_52, %swap3A_53] : memref<64x128xf32, #tpu.memory_space<vmem>>, vector<64x128xf32>
    tpu.vector_store %arg12[%swap3A_52, %swap3A_53], %add3A_51 {strides = array<i32>} : memref<64x128xf32, #tpu.memory_space<vmem>>, vector<64x128xf32>,
    %eq3A_55 = arith.constant 24 : i32
    %eq3A_56 = arith.cmpi eq, %arg0, %eq3A_55 : i32
    %convert_element_type3A_57 = arith.extui %eq3A_56 : i1 to i32
    %cond3A_58 = arith.constant 0 : i32
    %cond3A_59 = arith.cmpi ne, %convert_element_type3A_57, %cond3A_58 : i32
    scf.if %cond3A_59 {
      %get3A_60 = arith.constant 0 : index
      %get3A_61 = arith.constant 0 : index
      %get3A_62 = vector.load %arg12[%get3A_60, %get3A_61] : memref<64x128xf32, #tpu.memory_space<vmem>>, vector<64x128xf32>
      %get3A_63 = arith.constant 0 : index
      %get3A_64 = arith.constant 0 : index
      %get3A_65 = vector.load %arg12[%get3A_63, %get3A_64] : memref<64x128xf32, #tpu.memory_space<vmem>>, vector<64x128xf32>
      %concatenate3A_66 = tpu.concatenate %get3A_62, %get3A_65 in 1 : vector<64x128xf32>, vector<64x128xf32> -> vector<64x256xf32>
      %get3A_67 = arith.constant 0 : index
      %get3A_68 = arith.constant 0 : index
      %get3A_69 = vector.load %arg11[%get3A_67, %get3A_68] : memref<64x256xf32, #tpu.memory_space<vmem>>, vector<64x256xf32>
      %max3A = arith.constant 1.000000e+00 : f32
      %max3A_70 = vector.broadcast %max3A : f32 to vector<64x256xf32>
      %max3A_71 = arith.maximumf %concatenate3A_66, %max3A_70 : vector<64x256xf32>
      %div3A = arith.divf %get3A_69, %max3A_71 : vector<64x256xf32>
      %get3A_72 = arith.constant 0 : index
      %get3A_73 = arith.constant 0 : index
      %get3A_74 = vector.load %arg6[%get3A_72, %get3A_73] : memref<256x256xf32, #tpu.memory_space<vmem>>, vector<256x256xf32>
      %dot_general3A_75 = arith.constant dense<0.000000e+00> : vector<64x256xf32>
      %dot_general3A_76 = tpu.matmul %div3A, %get3A_74, %dot_general3A_75 {dimension_numbers = #tpu.dot_dimension_numbers<[1], [0], [0], [1], [0, 0, 1, 1], [], []>, transpose_lhs_hint = false} : vector<64x256xf32>, vector<256x256xf32>, vector<64x256xf32> -> vector<64x256xf32>
      %get3A_77 = arith.constant 0 : index
      %get3A_78 = arith.constant 0 : index
      %get3A_79 = vector.load %arg7[%get3A_77, %get3A_78] : memref<1x256xf32, #tpu.memory_space<vmem>>, vector<1x256xf32>
      %add3A_80 = vector.broadcast %get3A_79 : vector<1x256xf32> to vector<64x256xf32>
      %add3A_81 = arith.addf %dot_general3A_76, %add3A_80 : vector<64x256xf32>
      %ge3A = arith.constant 0.000000e+00 : f32
      %ge3A_82 = vector.broadcast %ge3A : f32 to vector<64x256xf32>
      %ge3A_83 = arith.cmpf oge, %add3A_81, %ge3A_82 : vector<64x256xf32>
      %mul3A_84 = arith.constant 0.00999999977 : f32
      %mul3A_85 = vector.broadcast %mul3A_84 : f32 to vector<64x256xf32>
      %mul3A_86 = arith.mulf %mul3A_85, %add3A_81 : vector<64x256xf32>
      %select_n3A = arith.select %ge3A_83, %add3A_81, %mul3A_86 : vector<64x256xi1>, vector<64x256xf32>
      %get3A_87 = arith.constant 0 : index
      %get3A_88 = arith.constant 0 : index
      %get3A_89 = vector.load %arg8[%get3A_87, %get3A_88] : memref<256x128xf32, #tpu.memory_space<vmem>>, vector<256x128xf32>
      %dot_general3A_90 = arith.constant dense<0.000000e+00> : vector<64x128xf32>
      %dot_general3A_91 = tpu.matmul %select_n3A, %get3A_89, %dot_general3A_90 {dimension_numbers = #tpu.dot_dimension_numbers<[1], [0], [0], [1], [0, 0, 1, 1], [], []>, transpose_lhs_hint = false} : vector<64x256xf32>, vector<256x128xf32>, vector<64x128xf32> -> vector<64x128xf32>
      %get3A_92 = arith.constant 0 : index
      %get3A_93 = arith.constant 0 : index
      %get3A_94 = vector.load %arg9[%get3A_92, %get3A_93] : memref<1x128xf32, #tpu.memory_space<vmem>>, vector<1x128xf32>
      %add3A_95 = vector.broadcast %get3A_94 : vector<1x128xf32> to vector<64x128xf32>
      %add3A_96 = arith.addf %dot_general3A_91, %add3A_95 : vector<64x128xf32>
      %swap3A_97 = arith.constant 0 : index
      %swap3A_98 = arith.constant 0 : index
      %swap3A_99 = vector.load %arg10[%swap3A_97, %swap3A_98] : memref<64x128xf32, #tpu.memory_space<vmem>>, vector<64x128xf32>
      tpu.vector_store %arg10[%swap3A_97, %swap3A_98], %add3A_96 {strides = array<i32>} : memref<64x128xf32, #tpu.memory_space<vmem>>, vector<64x128xf32>,
    } else {
    }
    return
  }
  func.func @transform_0(%arg0: i32) -> (i32, i32, i32) {
    %c0_i32 = arith.constant 0 : i32
    %c0_i32_0 = arith.constant 0 : i32
    %c0_i32_1 = arith.constant 0 : i32
    return %c0_i32, %arg0, %c0_i32_0 : i32, i32, i32
  }
  func.func @transform_1(%arg0: i32) -> (i32, i32, i32) {
    %c0_i32 = arith.constant 0 : i32
    %c0_i32_0 = arith.constant 0 : i32
    %c0_i32_1 = arith.constant 0 : i32
    return %c0_i32, %arg0, %c0_i32_0 : i32, i32, i32
  }
  func.func @transform_2(%arg0: i32) -> (i32, i32) {
    %c0_i32 = arith.constant 0 : i32
    %c0_i32_0 = arith.constant 0 : i32
    return %arg0, %c0_i32 : i32, i32
  }
  func.func @transform_3(%arg0: i32) -> (i32, i32) {
    %c0_i32 = arith.constant 0 : i32
    %c0_i32_0 = arith.constant 0 : i32
    %c0_i32_1 = arith.constant 0 : i32
    return %c0_i32, %c0_i32_0 : i32, i32
  }
  func.func @transform_4(%arg0: i32) -> (i32, i32) {
    %c0_i32 = arith.constant 0 : i32
    %c0_i32_0 = arith.constant 0 : i32
    return %arg0, %c0_i32 : i32, i32
  }
  func.func @transform_5(%arg0: i32) -> (i32, i32) {
    %c0_i32 = arith.constant 0 : i32
    %c0_i32_0 = arith.constant 0 : i32
    %c0_i32_1 = arith.constant 0 : i32
    return %c0_i32, %c0_i32_0 : i32, i32
  }
  func.func @transform_6(%arg0: i32) -> (i32, i32) {
    %c0_i32 = arith.constant 0 : i32
    %c0_i32_0 = arith.constant 0 : i32
    %c0_i32_1 = arith.constant 0 : i32
    return %c0_i32, %c0_i32_0 : i32, i32
  }
  func.func @transform_7(%arg0: i32) -> (i32, i32) {
    %c0_i32 = arith.constant 0 : i32
    %c0_i32_0 = arith.constant 0 : i32
    %c0_i32_1 = arith.constant 0 : i32
    return %c0_i32, %c0_i32_0 : i32, i32
  }
  func.func @transform_8(%arg0: i32) -> (i32, i32) {
    %c0_i32 = arith.constant 0 : i32
    %c0_i32_0 = arith.constant 0 : i32
    %c0_i32_1 = arith.constant 0 : i32
    return %c0_i32, %c0_i32_0 : i32, i32
  }
  func.func @transform_9(%arg0: i32) -> (i32, i32) {
    %c0_i32 = arith.constant 0 : i32
    %c0_i32_0 = arith.constant 0 : i32
    %c0_i32_1 = arith.constant 0 : i32
    return %c0_i32, %c0_i32_0 : i32, i32
  }
}

</mosaic_0001>

<sc_bundles>
// kernel: kernel.11.cloned.1.call-start
scs
__scs_entry_jumppad:
0x0: {  	(pc) =	sbr.rel $0x88, $3  }
0x1: {  	(tag) =	ssettag $0x0;
	lr =	simm.s32 $0x1  }
0x2: {  	[smem:$0x3F94] =	sst lr;
	_ =	strace $0xD0000000  }
0x3: {  	_ = 	snop  }
0x4: {  	_ = 	snop  }
0x5: {  	_ = 	snop  }
0x6: {  	_ = 	snop  }
0x7: {  	_ = 	snop  }
__scs_overlays_trampoline_lowered:
0x8: {  	[smem:$0x3FA3] =	sst s0  }
0x9: {  	[smem:$0x3FA4] =	sst s1  }
0xa: {  	[smem:$0x3FA5] =	sst s2  }
0xb: {  	[smem:$0x3FA6] =	sst s3  }
0xc: {  	[smem:$0x3FA7] =	sst s4  }
0xd: {  	[smem:$0x3FA8] =	sst s5  }
0xe: {  	[smem:$0x3FA9] =	sst s6  }
0xf: {  	[smem:$0x3FAA] =	sst s7  }
0x10: {  	[smem:$0x3FAB] =	sst s8  }
0x11: {  	[smem:$0x3FAC] =	sst s9;
	s0 =	simm.s32 @!p0 $0x0  }
0x12: {  	s1 =	sld [smem:$0x3F92];
	s0 =	simm.s32 @p0 $0x1  }
0x13: {  	[smem:$0x3FAD] =	sst s0;
	s0 =	simm.s32 @!p1 $0x0  }
0x14: {  	s2 =	sld [smem:$0x3F91];
	s0 =	simm.s32 @p1 $0x1  }
0x15: {  	[smem:$0x3FAE] =	sst s0;
	s0 =	simm.s32 @!p2 $0x0  }
0x16: {  	s3 =	sld [smem:$0x3FDB];
	s0 =	simm.s32 @p2 $0x1  }
0x17: {  	s4 =	simm.s32 $0x1BF5;
	[smem:$0x3FB0] =	sst s0  }
0x18: {  	s0 =	sld [smem:$0x3F93];
	_ =	swait.ge [sflag:s4], $0x0  }
0x19: {  	s7 =	sld [smem:$0x3F94]  }
0x1a: {  	s8 =	sadd.s32 $0xFFFFE003, lr  }
0x1b: {  	s9 =	sadd.s32 $0xFFFFFEF7, lr;
	s5 =	simm.s32 $0xFFFFFFFF;
	p2 =	slt.u32 s8, $0xFFFFF086  }
0x1c: {  	p1 =	slt.u32 s9, $0xF7A;
	s5 =	simm.s32 @!p2 $0x0  }
0x1d: {  	s5 =	simm.s32 @p1 $0x1;
	p0 =	seq.s32 s7, s2  }
0x1e: {  	s7 =	smul.u32 @!p0 $0xF7A, s2;
	p2 =	seq.s32 @!p0 s5, $0x0  }
0x1f: {  	s9 =	smul.u32 $0xF7A, s1;
	s8 =	simm.s32 @!p0 $0x1BF5;
	p2 =	por !p2, p0  }
0x20: {  	[sflag:s8] =	ssyncset.s32 @!p0 $0xFFFFF086;
	s6 =	sadd.s32 @!p0 s3, s7;
	s7 =	simm.s32 @!p0 $0x108  }
0x21: {  	s3 =	sadd.s32 s3, s9;
	s6 =	sadd.s32 @!p0 $0x88, s6;
	s7 =	simm.s32 @p2 $0x1082  }
0x22: {  	[simem:s7], [sflag:s8] =	dma.local @!p0 [hbm:s6], $0xF7A  }
0x23: {  	s9 =	sor.u32 $0xD0000000, s2;
	s6 =	simm.s32 $0x108;
	_ =	swait.ge @!p0 [sflag:s8], $0x0  }
0x24: {  	s3 =	sadd.s32 $0x88, s3;
	s6 =	simm.s32 @!p1 $0x1082;
	[sflag:s4] =	ssyncset.s32 $0xFFFFF086  }
0x25: {  	[simem:s6], [sflag:s4] =	dma.local [hbm:s3], $0xF7A  }
0x26: {  	[smem:$0x3F94] =	sst s1;
	(tag) =	ssettag s2;
	_ =	strace s9  }
0x27: {  	s1 =	sld [smem:$0x3FA4]  }
0x28: {  	s2 =	sld [smem:$0x3FA5]  }
0x29: {  	s4 =	sld [smem:$0x3FA7]  }
0x2a: {  	p0 =	seq.s32 s5, $0x0;
	s5 =	sld [smem:$0x3FA8]  }
0x2b: {  	s6 =	sld [smem:$0x3FA9]  }
0x2c: {  	s7 =	sld [smem:$0x3FAA]  }
0x2d: {  	s3 =	simm.s32 $0x108;
	s8 =	sld [smem:$0x3FAB]  }
0x2e: {  	s3 =	simm.s32 @!p0 $0x1082;
	s9 =	sld [smem:$0x3FAC]  }
0x2f: {  	lr =	sadd.s32 s0, s3;
	s0 =	sld [smem:$0x3FA3]  }
0x30: {  	s3 =	sld [smem:$0x3FA6]  }
0x31: {  	[smem:$0x3FAF] =	sst s10  }
0x32: {  	s10 =	sld [smem:$0x3FAD];
	_ =	sdelay $0x3  }
0x33: {  	p0 =	seq.s32 s10, $0x1;
	s10 =	sld [smem:$0x3FAF];
	_ =	sdelay $0x3  }
0x34: {  	[smem:$0x3FAF] =	sst s10  }
0x35: {  	s10 =	sld [smem:$0x3FAE];
	_ =	sdelay $0x3  }
0x36: {  	p1 =	seq.s32 s10, $0x1;
	s10 =	sld [smem:$0x3FAF];
	_ =	sdelay $0x3  }
0x37: {  	[smem:$0x3FAF] =	sst s10  }
0x38: {  	s10 =	sld [smem:$0x3FB0]  }
0x39: {  	_ = 	snop;
	(pc) =	sbr.ind lr, $3  }
0x3a: {  	_ = 	snop  }
0x3b: {  	_ = 	snop  }
0x3c: {  	p2 =	seq.s32 s10, $0x1;
	s10 =	sld [smem:$0x3FAF]  }
0x3d: {  	_ =	shalt  }
0x3e: {  	_ =	shalt  }
0x3f: {  	_ =	shalt  }
0x40: {  	_ =	shalt  }
0x41: {  	_ =	shalt  }
0x42: {  	_ =	shalt  }
0x43: {  	_ =	shalt  }
0x44: {  	_ =	shalt  }
0x45: {  	_ =	shalt  }
0x46: {  	_ =	shalt  }
0x47: {  	_ =	shalt  }
0x48: {  	_ =	shalt  }
0x49: {  	_ =	shalt  }
0x4a: {  	_ =	shalt  }
0x4b: {  	_ =	shalt  }
0x4c: {  	_ =	shalt  }
0x4d: {  	_ =	shalt  }
0x4e: {  	_ =	shalt  }
0x4f: {  	_ =	shalt  }
0x50: {  	_ =	shalt  }
0x51: {  	_ =	shalt  }
0x52: {  	_ =	shalt  }
0x53: {  	_ =	shalt  }
0x54: {  	_ =	shalt  }
0x55: {  	_ =	shalt  }
0x56: {  	_ =	shalt  }
0x57: {  	_ =	shalt  }
0x58: {  	_ =	shalt  }
0x59: {  	_ =	shalt  }
0x5a: {  	_ =	shalt  }
0x5b: {  	_ =	shalt  }
0x5c: {  	_ =	shalt  }
0x5d: {  	_ =	shalt  }
0x5e: {  	_ =	shalt  }
0x5f: {  	_ =	shalt  }
0x60: {  	_ =	shalt  }
0x61: {  	_ =	shalt  }
0x62: {  	_ =	shalt  }
0x63: {  	_ =	shalt  }
0x64: {  	_ =	shalt  }
0x65: {  	_ =	shalt  }
0x66: {  	_ =	shalt  }
0x67: {  	_ =	shalt  }
0x68: {  	_ =	shalt  }
0x69: {  	_ =	shalt  }
0x6a: {  	_ =	shalt  }
0x6b: {  	_ =	shalt  }
0x6c: {  	_ =	shalt  }
0x6d: {  	_ =	shalt  }
0x6e: {  	_ =	shalt  }
0x6f: {  	_ =	shalt  }
0x70: {  	_ =	shalt  }
0x71: {  	_ =	shalt  }
0x72: {  	_ =	shalt  }
0x73: {  	_ =	shalt  }
0x74: {  	_ =	shalt  }
0x75: {  	_ =	shalt  }
0x76: {  	_ =	shalt  }
0x77: {  	_ =	shalt  }
0x78: {  	_ =	shalt  }
0x79: {  	_ =	shalt  }
0x7a: {  	_ =	shalt  }
0x7b: {  	_ =	shalt  }
0x7c: {  	_ =	shalt  }
0x7d: {  	_ =	shalt  }
0x7e: {  	_ =	shalt  }
0x7f: {  	_ =	shalt  }
0x80: {  	_ =	shalt  }
0x81: {  	_ =	shalt  }
0x82: {  	_ =	shalt  }
0x83: {  	_ =	shalt  }
0x84: {  	_ =	shalt  }
0x85: {  	_ =	shalt  }
0x86: {  	_ =	shalt  }
0x87: {  	_ =	shalt  }
.Lfunc_end0:
.L_simem_size_0:
called_computation_lowered:
.L_overlay_start_0:
0x88: {  	s2 =	sld [smem:$0x3FD9]  }
0x89: {  	s3 =	sld [smem:$0x3FFE];
	_ =	sdelay $0x1  }
0x8a: {  	s1 =	srdreg.scid  }
0x8b: {  	s0 =	sand.u32 $0x1, s1  }
0x8c: {  	s16 =	sshll.u32 s0, $0xA;
	s2 =	sadd.s32 s3, s2  }
0x8d: {  	s2 =	sadd.s32 s2, s16  }
0x8e: {  	[smem:$0x3FBB] =	sst s2  }
0x8f: {  	_ = 	snop  }
0x90: {  	(tm) =	ssettm $0x1  }
0x91: {  	s17 =	sld [smem:$0x3FFB];
	_ =	sdelay $0x3  }
0x92: {  	_ =	strace s17  }
0x93: {  	s2 =	sld [smem:$0x3FFC];
	_ =	sdelay $0x3  }
0x94: {  	_ =	strace s2  }
0x95: {  	s2 =	sld [smem:$0x3FFD];
	_ =	sdelay $0x3  }
0x96: {  	_ =	strace s2  }
0x97: {  	_ =	strace $0x8FFFFFFF  }
0x98: {  	s18 =	sld [smem:$0x3FDB];
	_ =	sdelay $0x1  }
0x99: {  	s19 =	simm.s32 $_scs_section_size  }
0x9a: {  	s4 =	simm.s32 $_size__tile_overlayer_lowered;
	s5 =	simm.s32 $_tile_overlayer_lowered  }
0x9b: {  	s22 =	simm.s32 $0x1BFF;
	s21 =	sshll.u32 s5, $0x1;
	s2 =	sadd.s32 s19, s18  }
0x9c: {  	s6 =	simm.s32 $0x0;
	s20 =	sshll.u32 s4, $0x1;
	s4 =	sadd.s32 s21, s2  }
0x9d: {  	[timem:s6], [sflag:s22] =	dma.local [hbm:s4], s20  }
0x9e: {  	_ =	swait.ge [sflag:s22], s20  }
0x9f: {  	s3 =	ssub.s32 $0x0, s20;
	[sflag:s22] =	ssyncset.done $0x0  }
0xa0: {  	[sflag:s22] =	ssyncadd.s32 s3;
	_ =	sdelay $0x1  }
0xa1: {  	s23 =	simm.s32 $0x1B8B  }
0xa2: {  	_ =	swait.ge [sflag:s23], $0x1  }
0xa3: {  	[sflag:s23] =	ssyncset.done $0x0  }
0xa4: {  	s25 =	simm.s32 $0x1B8E;
	s24 =	sld [smem:$0x3FFE];
	[sflag:s23] =	ssyncadd.s32 $0xFFFFFFFF  }
0xa5: {  	s26 =	simm.s32 $execute0_lowered;
	[smem:$0x3FD2] =	sst s25  }
0xa6: {  	s4 =	sshll.u32 s26, $0x1;
	_ =	strace $0x80000046;
	[dreg:$0x1] =	wrdreg $0xFFFFFFFF  }
0xa7: {  	s28 =	simm.s32 $_size_execute0_lowered;
	s2 =	sadd.s32 s2, s4;
	[dreg:$0x0] =	wrdreg $0x0  }
0xa8: {  	s4 =	sshll.u32 s28, $0x1;
	[dreg:$0x2] =	wrdreg s2  }
0xa9: {  	[dreg:$0x3] =	wrdreg s4  }
0xaa: {  	[dreg:$0x4] =	wrdreg $0xC0  }
0xab: {  	_ =	task [dreg:s6], $0x5FFFF  }
0xac: {  	[dreg:$0x1] =	wrdreg $0xFFFFFFFF  }
0xad: {  	[dreg:$0x0] =	wrdreg $0x60  }
0xae: {  	[dreg:$0x2] =	wrdreg s24  }
0xaf: {  	[dreg:$0x3] =	wrdreg $0x41800  }
0xb0: {  	[dreg:$0x4] =	wrdreg $0x9  }
0xb1: {  	_ =	task.clear_ibuf [dreg:s6], $0x5FFFF;
	_ =	strace $0x90000046  }
0xb2: {  	s29 =	simm.s32 $0x9;
	_ =	strace $0x80000048  }
0xb3: {  	_ =	swait.ge [sflag:s29], $0x1  }
0xb4: {  	[sflag:s29] =	ssyncadd.s32 $0xFFFFFFFF  }
0xb5: {  	_ =	strace $0x90000048  }
0xb6: {  	_ =	sfence  }
0xb7: {  	s30 =	sld [smem:$0x0];
	_ =	sdelay $0x2  }
0xb8: {  	s31 =	sshll.u32 s1, $0xD;
	s1 =	sshrl.u32 s1, $0x2  }
0xb9: {  	s3 =	sand.u32 $0x4000, s31;
	s1 =	sadd.s32 s1, s30  }
0xba: {  	s0 =	sor.u32 s3, s0;
	s1 =	sshll.u32 s1, $0x11  }
0xbb: {  	s0 =	sor.u32 s1, s0  }
0xbc: {  	s0 =	sadd.s32 $0x8F2B, s0  }
0xbd: {  	[sflag:s0] =	ssyncadd.remote.s32 $0x1  }
0xbe: {  	_ =	sfence.sel $0xFFFF  }
0xbf: {  	[dreg:$0x0] =	wrdreg $0xFFFFFFFF;
	(pc) =	sbr.abs _section_cstart, $3  }
0xc0: {  	[dreg:$0x1] =	wrdreg $0xFFFFFFFF  }
0xc1: {  	_ =	task.clear_ibuf [dreg:s6], $0x2FFFF;
	_ =	strace $0x9FFFFFFF  }
0xc2: {  	(tm) =	ssettm $0x7FFFFFFF  }
0xc3: {  	_ =	shalt  }
tec
execute0_lowered:
.L_overlay_start_1:
0x0: {  	(tag) =	ssettag $0x1  }
0x1: {  	s6 =	rddreg [dreg:$0x0]  }
0x2: {  	s2 =	rddreg [dreg:$0x1]  }
0x3: {  	s0 =	rddreg [dreg:$0x2];
	s1 =	stileid.u32  }
0x4: {  	s4 =	srdreg.scid;
	s3 =	simm.s32 $0x0;
	s17 =	simm.s32 $0x6  }
0x5: {  	s18 =	simm.s32 $0x180;
	s19 =	simm.s32 $0x1;
	s20 =	simm.s32 $0x2  }
0x6: {  	s21 =	simm.s32 $0x3;
	s22 =	simm.s32 $0x4;
	s23 =	simm.s32 $0x100  }
0x7: {  	s24 =	simm.s32 $0x10;
	s25 =	simm.s32 $0x5;
	s5 =	smul.u32 $0x278, s1  }
0x8: {  	s7 =	sand.u32 $0x1, s4;
	[smem:$0x7FF] =	sst s3;
	s12 =	smul.u32 $0x2710, s1  }
0x9: {  	s4 =	sadd.s32 $0x3200, s6;
	s31 =	sshll.u32 s1, $0x6;
	s8 =	smul.u32 $0x2710, s7  }
0xa: {  	_ =	strace $0x80000047;
	s10 =	smul.u32 $0x27100, s7;
	s7 =	ssub.s32 $0x2, s7  }
0xb: {  	s9 =	smin.u32 s5, $0x2498;
	s5 =	sadd.s32 $0x34200, s6;
	s28 =	sshrl.u32 s7, $0x1  }
0xc: {  	s11 =	sshll.u32 s9, $0x4;
	s8 =	sadd.s32 s8, s9;
	s14 =	sadd.s32 s12, s10  }
0xd: {  	s13 =	ssub.s32 s7, s28;
	s30 =	sshll.u32 s9, $0x7;
	s9 =	sor.u32 $0x1C06, s31  }
0xe: {  	s11 =	sadd.s32 s11, s6;
	s8 =	sshll.u32 s8, $0x4;
	s29 =	sshrl.u32 s14, $0x3  }
0xf: {  	s16 =	sadd.s32 s30, s2;
	s15 =	sadd.s32 $0x180, s14;
	s12 =	smax.u32 s13, $0x1  }
0x10: {  	s14 =	sadd.s32 $0x100, s14;
	s26 =	sadd.s32 s8, s6;
	s6 =	sadd.s32 s4, s29  }
0x11: {  	s8 =	sadd.s32 $0xD000, s11;
	s15 =	sshrl.u32 s15, $0x3;
	s16 =	sshrl.u32 s16, $0x3  }
0x12: {  	s7 =	sadd.s32 $0x10, s6;
	s10 =	sadd.s32 $0x4E0, s6;
	s11 =	sadd.s32 $0x34A00, s26  }
0x13: {  	s13 =	sadd.s32 s15, s4;
	s15 =	simm.s32 $0x80;
	s26 =	simm.s32 $0x0  }
.LBB2_1:
0x14: {  	[tilespmem:s3], [sflag:$0x1] =	stream.linear.gather [hbm4b:s6+s3], $0x80, $0x38;
	[tilespmem:$0x17A00] =	vst v63  }
0x15: {  	_ = 	snop  }
0x16: {  	[tilespmem:s15], [sflag:$0x2] =	stream.linear.gather [hbm4b:s7+s3], $0x80, $0x38;
	[tilespmem:$0x17A00] =	vst v63  }
0x17: {  	[spmem:s16], [sflag:s9] =	dma.local [hbm:s8], $0x2780  }
0x18: {  	_ =	swait.ge [sflag:s17], $0x2780  }
0x19: {  	[sflag:s17] =	ssyncset.done $0x0  }
0x1a: {  	[sflag:s17] =	ssyncadd.s32 $0xFFFFD880  }
0x1b: {  	[tilespmem:s18], [sflag:$0x6] =	stream.linear.gather [hbm4b:s5+s3], $0x4000, $0x38;
	[tilespmem:$0x17A00] =	vst v63  }
0x1c: {  	_ =	swait.ge [sflag:s17], $0x4000  }
0x1d: {  	[sflag:s17] =	ssyncset.done $0x0  }
0x1e: {  	[sflag:s17] =	ssyncadd.s32 $0xFFFFC000  }
0x1f: {  	[bflag:$0x0] =	sbarrier.arrive $0xFFFF  }
0x20: {  	_ =	swait.ge [sflag:s19], $0x80  }
0x21: {  	[sflag:s19] =	ssyncset.done $0x0  }
0x22: {  	[sflag:s19] =	ssyncadd.s32 $0xFFFFFF80  }
0x23: {  	[spmem:s2] =	stream.indirect.scatter.add.f32 [tilespmem:s18], [sflag:$0x3], $0x80, s3, s15, $0xb8;
	[tilespmem:$0x17A00] =	vst v63  }
0x24: {  	_ =	swait.ge [sflag:s20], $0x80  }
0x25: {  	[sflag:s20] =	ssyncset.done $0x0  }
0x26: {  	[sflag:s20] =	ssyncadd.s32 $0xFFFFFF80  }
0x27: {  	[spmem:s2] =	stream.indirect.scatter.add.f32 [tilespmem:s18], [sflag:$0x4], $0x80, s15, s15, $0xb8;
	[tilespmem:$0x17A00] =	vst v63  }
0x28: {  	_ =	swait.ge [sflag:s21], $0x4000  }
0x29: {  	s28 =	sshrl.u32 s14, $0x3;
	[sflag:s21] =	ssyncset.done $0x0  }
0x2a: {  	s28 =	sadd.s32 s4, s28;
	[sflag:s21] =	ssyncadd.s32 $0xFFFFC000  }
0x2b: {  	[tilespmem:s3], [sflag:$0x1] =	stream.linear.gather [hbm4b:s28+s3], $0x80, $0x38;
	[tilespmem:$0x17A00] =	vst v63  }
0x2c: {  	_ =	swait.ge [sflag:s22], $0x4000  }
0x2d: {  	s30 =	sadd.s32 $0x0, s13;
	[sflag:s22] =	ssyncset.done $0x0  }
0x2e: {  	s29 =	sadd.s32 $0x100, s14;
	s28 =	simm.s32 $0x20;
	[sflag:s22] =	ssyncadd.s32 $0xFFFFC000  }
.LBB2_2:
0x2f: {  	[tilespmem:s15], [sflag:$0x2] =	stream.linear.gather [hbm4b:s30+s3], $0x80, $0x38;
	[tilespmem:$0x17A00] =	vst v63  }
0x30: {  	s30 =	smov.u32 s28  }
0x31: {  	p0 =	sne.s32 s28, $0x4A0;
	s28 =	sadd.s32 $0x20, s28;
	_ =	swait.ge [sflag:s19], $0x80  }
0x32: {  	[sflag:s19] =	ssyncset.done $0x0  }
0x33: {  	[sflag:s19] =	ssyncadd.s32 $0xFFFFFF80  }
0x34: {  	[spmem:s2] =	stream.indirect.scatter.add.f32 [tilespmem:s18], [sflag:$0x3], $0x80, s3, s15, $0xb8;
	[tilespmem:$0x17A00] =	vst v63  }
0x35: {  	_ =	swait.ge [sflag:s20], $0x80  }
0x36: {  	[sflag:s20] =	ssyncset.done $0x0  }
0x37: {  	[sflag:s20] =	ssyncadd.s32 $0xFFFFFF80  }
0x38: {  	[spmem:s2] =	stream.indirect.scatter.add.f32 [tilespmem:s18], [sflag:$0x4], $0x80, s15, s15, $0xb8;
	[tilespmem:$0x17A00] =	vst v63  }
0x39: {  	_ =	swait.ge [sflag:s21], $0x4000  }
0x3a: {  	s31 =	sshrl.u32 s29, $0x3;
	[sflag:s21] =	ssyncset.done $0x0  }
.Ltmp0:
0x3b: {  	s31 =	sadd.s32 s4, s31;
	[sflag:s21] =	ssyncadd.s32 $0xFFFFC000;
	(pc) =	sbr.rel @p0 .LBB2_2-.Ltmp0, $4  }
0x3c: {  	[tilespmem:s3], [sflag:$0x1] =	stream.linear.gather [hbm4b:s31+s3], $0x80, $0x38;
	[tilespmem:$0x17A00] =	vst v63  }
0x3d: {  	_ =	swait.ge [sflag:s22], $0x4000  }
0x3e: {  	[sflag:s22] =	ssyncset.done $0x0  }
0x3f: {  	s29 =	sadd.s32 $0x100, s29;
	s30 =	sadd.s32 s30, s13;
	[sflag:s22] =	ssyncadd.s32 $0xFFFFC000  }
0x40: {  	[tilespmem:s15], [sflag:$0x2] =	stream.linear.gather [hbm4b:s30+s3], $0x80, $0x38;
	[tilespmem:$0x17A00] =	vst v63  }
0x41: {  	_ =	swait.ge [sflag:s19], $0x80  }
0x42: {  	[sflag:s19] =	ssyncset.done $0x0  }
0x43: {  	[sflag:s19] =	ssyncadd.s32 $0xFFFFFF80  }
0x44: {  	[spmem:s2] =	stream.indirect.scatter.add.f32 [tilespmem:s18], [sflag:$0x3], $0x80, s3, s15, $0xb8;
	[tilespmem:$0x17A00] =	vst v63  }
0x45: {  	_ =	swait.ge [sflag:s20], $0x80  }
0x46: {  	[sflag:s20] =	ssyncset.done $0x0  }
0x47: {  	[sflag:s20] =	ssyncadd.s32 $0xFFFFFF80  }
0x48: {  	[spmem:s2] =	stream.indirect.scatter.add.f32 [tilespmem:s18], [sflag:$0x4], $0x80, s15, s15, $0xb8;
	[tilespmem:$0x17A00] =	vst v63  }
0x49: {  	_ = 	snop  }
0x4a: {  	[tilespmem:s23], [sflag:$0x6] =	stream.linear.gather [hbm4b:s10+s3], $0x10, $0x38;
	[tilespmem:$0x17A00] =	vst v63  }
0x4b: {  	_ =	swait.ge [sflag:s17], $0x10  }
0x4c: {  	[sflag:s17] =	ssyncset.done $0x0  }
0x4d: {  	[sflag:s17] =	ssyncadd.s32 $0xFFFFFFF0  }
0x4e: {  	[spmem:s2] =	stream.indirect.scatter.add.f32 [tilespmem:s18], [sflag:$0x5], $0x80, s23, s24, $0xb8;
	[tilespmem:$0x17A00] =	vst v63  }
0x4f: {  	_ =	swait.ge [sflag:s25], $0x800  }
0x50: {  	[sflag:s25] =	ssyncset.done $0x0  }
0x51: {  	[sflag:s25] =	ssyncadd.s32 $0xFFFFF800  }
0x52: {  	_ =	swait.ge [sflag:s21], $0x4000  }
0x53: {  	[sflag:s21] =	ssyncset.done $0x0  }
0x54: {  	[sflag:s21] =	ssyncadd.s32 $0xFFFFC000  }
0x55: {  	_ =	swait.ge [sflag:s22], $0x4000  }
0x56: {  	s26 =	sadd.s32 $0x1, s26;
	[sflag:s22] =	ssyncset.done $0x0  }
0x57: {  	p0 =	sne.s32 s26, s12;
	[sflag:s22] =	ssyncadd.s32 $0xFFFFC000  }
.Ltmp1:
0x58: {  	[bflag:$0x0] =	sbarrier.arrive $0xFFFF;
	(pc) =	sbr.rel @p0 .LBB2_1-.Ltmp1, $4  }
0x59: {  	[hbm:s11], [sflag:s9] =	dma.local [spmem:s16], $0x2780  }
0x5a: {  	_ =	swait.ge [sflag:s17], $0x2780  }
0x5b: {  	[sflag:s17] =	ssyncset.done $0x0  }
0x5c: {  	[sflag:s17] =	ssyncadd.s32 $0xFFFFD880  }
0x5d: {  	_ =	sfence.sel $0x180000  }
0x5e: {  	[bflag:$0x0] =	sbarrier.arrive $0xFFFF  }
0x5f: {  	p0 =	sne.s32 s1, $0x0;
	_ =	strace $0x90000047  }
0x60: {  	s0 =	sadd.s32 @!p0 $0x100000, s0;
	[bflag:$0x2] =	sbarrier.arrive $0xFFFF  }
0x61: {  	[sflag:s0] =	ssyncadd.tile.s32 @!p0 $0x1;
	_ =	shalt  }
.Lfunc_end2:
_tile_overlayer_lowered:
.L_overlay_start_2:
0x62: {  	(tag) =	ssettag $0x2  }
0x63: {  	s0 =	rddreg [dreg:$0x0];
	s2 =	stileid.u32  }
0x64: {  	s1 =	rddreg [dreg:$0x1];
	p0 =	sne.s32 s2, $0x0  }
0x65: {  	s3 =	rddreg [dreg:$0x2];
	[bflag:$0x3] =	sbarrier.arrive $0xFFFF;
	s2 =	simm.s32 @!p0 $0x1C06  }
0x66: {  	[timem:s3], [sflag:s2] =	dma.local @!p0 [hbm:s0], s1  }
0x67: {  	s0 =	simm.s32 @!p0 $0x6  }
0x68: {  	_ =	swait.ge @!p0 [sflag:s0], s1  }
0x69: {  	s1 =	ssub.s32 @!p0 $0x0, s1;
	[sflag:s0] =	ssyncset.done @!p0 $0x0  }
0x6a: {  	[sflag:s0] =	ssyncadd.s32 @!p0 s1  }
0x6b: {  	[bflag:$0x3] =	sbarrier.arrive $0xFFFF  }
0x6c: {  	_ =	shalt  }

// kernel: kernel.14.cloned.1.call-start
scs
__scs_entry_jumppad:
0x0: {  	(pc) =	sbr.rel $0x88, $3  }
0x1: {  	(tag) =	ssettag $0x0;
	lr =	simm.s32 $0x1  }
0x2: {  	[smem:$0x3F94] =	sst lr;
	_ =	strace $0xD0000000  }
0x3: {  	_ = 	snop  }
0x4: {  	_ = 	snop  }
0x5: {  	_ = 	snop  }
0x6: {  	_ = 	snop  }
0x7: {  	_ = 	snop  }
__scs_overlays_trampoline_lowered:
0x8: {  	[smem:$0x3FA3] =	sst s0  }
0x9: {  	[smem:$0x3FA4] =	sst s1  }
0xa: {  	[smem:$0x3FA5] =	sst s2  }
0xb: {  	[smem:$0x3FA6] =	sst s3  }
0xc: {  	[smem:$0x3FA7] =	sst s4  }
0xd: {  	[smem:$0x3FA8] =	sst s5  }
0xe: {  	[smem:$0x3FA9] =	sst s6  }
0xf: {  	[smem:$0x3FAA] =	sst s7  }
0x10: {  	[smem:$0x3FAB] =	sst s8  }
0x11: {  	[smem:$0x3FAC] =	sst s9;
	s0 =	simm.s32 @!p0 $0x0  }
0x12: {  	s1 =	sld [smem:$0x3F92];
	s0 =	simm.s32 @p0 $0x1  }
0x13: {  	[smem:$0x3FAD] =	sst s0;
	s0 =	simm.s32 @!p1 $0x0  }
0x14: {  	s2 =	sld [smem:$0x3F91];
	s0 =	simm.s32 @p1 $0x1  }
0x15: {  	[smem:$0x3FAE] =	sst s0;
	s0 =	simm.s32 @!p2 $0x0  }
0x16: {  	s3 =	sld [smem:$0x3FDB];
	s0 =	simm.s32 @p2 $0x1  }
0x17: {  	s4 =	simm.s32 $0x1BF5;
	[smem:$0x3FB0] =	sst s0  }
0x18: {  	s0 =	sld [smem:$0x3F93];
	_ =	swait.ge [sflag:s4], $0x0  }
0x19: {  	s7 =	sld [smem:$0x3F94]  }
0x1a: {  	s8 =	sadd.s32 $0xFFFFE003, lr  }
0x1b: {  	s9 =	sadd.s32 $0xFFFFFEF7, lr;
	s5 =	simm.s32 $0xFFFFFFFF;
	p2 =	slt.u32 s8, $0xFFFFF086  }
0x1c: {  	p1 =	slt.u32 s9, $0xF7A;
	s5 =	simm.s32 @!p2 $0x0  }
0x1d: {  	s5 =	simm.s32 @p1 $0x1;
	p0 =	seq.s32 s7, s2  }
0x1e: {  	s7 =	smul.u32 @!p0 $0xF7A, s2;
	p2 =	seq.s32 @!p0 s5, $0x0  }
0x1f: {  	s9 =	smul.u32 $0xF7A, s1;
	s8 =	simm.s32 @!p0 $0x1BF5;
	p2 =	por !p2, p0  }
0x20: {  	[sflag:s8] =	ssyncset.s32 @!p0 $0xFFFFF086;
	s6 =	sadd.s32 @!p0 s3, s7;
	s7 =	simm.s32 @!p0 $0x108  }
0x21: {  	s3 =	sadd.s32 s3, s9;
	s6 =	sadd.s32 @!p0 $0x88, s6;
	s7 =	simm.s32 @p2 $0x1082  }
0x22: {  	[simem:s7], [sflag:s8] =	dma.local @!p0 [hbm:s6], $0xF7A  }
0x23: {  	s9 =	sor.u32 $0xD0000000, s2;
	s6 =	simm.s32 $0x108;
	_ =	swait.ge @!p0 [sflag:s8], $0x0  }
0x24: {  	s3 =	sadd.s32 $0x88, s3;
	s6 =	simm.s32 @!p1 $0x1082;
	[sflag:s4] =	ssyncset.s32 $0xFFFFF086  }
0x25: {  	[simem:s6], [sflag:s4] =	dma.local [hbm:s3], $0xF7A  }
0x26: {  	[smem:$0x3F94] =	sst s1;
	(tag) =	ssettag s2;
	_ =	strace s9  }
0x27: {  	s1 =	sld [smem:$0x3FA4]  }
0x28: {  	s2 =	sld [smem:$0x3FA5]  }
0x29: {  	s4 =	sld [smem:$0x3FA7]  }
0x2a: {  	p0 =	seq.s32 s5, $0x0;
	s5 =	sld [smem:$0x3FA8]  }
0x2b: {  	s6 =	sld [smem:$0x3FA9]  }
0x2c: {  	s7 =	sld [smem:$0x3FAA]  }
0x2d: {  	s3 =	simm.s32 $0x108;
	s8 =	sld [smem:$0x3FAB]  }
0x2e: {  	s3 =	simm.s32 @!p0 $0x1082;
	s9 =	sld [smem:$0x3FAC]  }
0x2f: {  	lr =	sadd.s32 s0, s3;
	s0 =	sld [smem:$0x3FA3]  }
0x30: {  	s3 =	sld [smem:$0x3FA6]  }
0x31: {  	[smem:$0x3FAF] =	sst s10  }
0x32: {  	s10 =	sld [smem:$0x3FAD];
	_ =	sdelay $0x3  }
0x33: {  	p0 =	seq.s32 s10, $0x1;
	s10 =	sld [smem:$0x3FAF];
	_ =	sdelay $0x3  }
0x34: {  	[smem:$0x3FAF] =	sst s10  }
0x35: {  	s10 =	sld [smem:$0x3FAE];
	_ =	sdelay $0x3  }
0x36: {  	p1 =	seq.s32 s10, $0x1;
	s10 =	sld [smem:$0x3FAF];
	_ =	sdelay $0x3  }
0x37: {  	[smem:$0x3FAF] =	sst s10  }
0x38: {  	s10 =	sld [smem:$0x3FB0]  }
0x39: {  	_ = 	snop;
	(pc) =	sbr.ind lr, $3  }
0x3a: {  	_ = 	snop  }
0x3b: {  	_ = 	snop  }
0x3c: {  	p2 =	seq.s32 s10, $0x1;
	s10 =	sld [smem:$0x3FAF]  }
0x3d: {  	_ =	shalt  }
0x3e: {  	_ =	shalt  }
0x3f: {  	_ =	shalt  }
0x40: {  	_ =	shalt  }
0x41: {  	_ =	shalt  }
0x42: {  	_ =	shalt  }
0x43: {  	_ =	shalt  }
0x44: {  	_ =	shalt  }
0x45: {  	_ =	shalt  }
0x46: {  	_ =	shalt  }
0x47: {  	_ =	shalt  }
0x48: {  	_ =	shalt  }
0x49: {  	_ =	shalt  }
0x4a: {  	_ =	shalt  }
0x4b: {  	_ =	shalt  }
0x4c: {  	_ =	shalt  }
0x4d: {  	_ =	shalt  }
0x4e: {  	_ =	shalt  }
0x4f: {  	_ =	shalt  }
0x50: {  	_ =	shalt  }
0x51: {  	_ =	shalt  }
0x52: {  	_ =	shalt  }
0x53: {  	_ =	shalt  }
0x54: {  	_ =	shalt  }
0x55: {  	_ =	shalt  }
0x56: {  	_ =	shalt  }
0x57: {  	_ =	shalt  }
0x58: {  	_ =	shalt  }
0x59: {  	_ =	shalt  }
0x5a: {  	_ =	shalt  }
0x5b: {  	_ =	shalt  }
0x5c: {  	_ =	shalt  }
0x5d: {  	_ =	shalt  }
0x5e: {  	_ =	shalt  }
0x5f: {  	_ =	shalt  }
0x60: {  	_ =	shalt  }
0x61: {  	_ =	shalt  }
0x62: {  	_ =	shalt  }
0x63: {  	_ =	shalt  }
0x64: {  	_ =	shalt  }
0x65: {  	_ =	shalt  }
0x66: {  	_ =	shalt  }
0x67: {  	_ =	shalt  }
0x68: {  	_ =	shalt  }
0x69: {  	_ =	shalt  }
0x6a: {  	_ =	shalt  }
0x6b: {  	_ =	shalt  }
0x6c: {  	_ =	shalt  }
0x6d: {  	_ =	shalt  }
0x6e: {  	_ =	shalt  }
0x6f: {  	_ =	shalt  }
0x70: {  	_ =	shalt  }
0x71: {  	_ =	shalt  }
0x72: {  	_ =	shalt  }
0x73: {  	_ =	shalt  }
0x74: {  	_ =	shalt  }
0x75: {  	_ =	shalt  }
0x76: {  	_ =	shalt  }
0x77: {  	_ =	shalt  }
0x78: {  	_ =	shalt  }
0x79: {  	_ =	shalt  }
0x7a: {  	_ =	shalt  }
0x7b: {  	_ =	shalt  }
0x7c: {  	_ =	shalt  }
0x7d: {  	_ =	shalt  }
0x7e: {  	_ =	shalt  }
0x7f: {  	_ =	shalt  }
0x80: {  	_ =	shalt  }
0x81: {  	_ =	shalt  }
0x82: {  	_ =	shalt  }
0x83: {  	_ =	shalt  }
0x84: {  	_ =	shalt  }
0x85: {  	_ =	shalt  }
0x86: {  	_ =	shalt  }
0x87: {  	_ =	shalt  }
.Lfunc_end0:
.L_simem_size_0:
called_computation.1_lowered:
.L_overlay_start_0:
0x88: {  	s2 =	sld [smem:$0x3FD9]  }
0x89: {  	s3 =	sld [smem:$0x3FFE];
	_ =	sdelay $0x1  }
0x8a: {  	s1 =	srdreg.scid  }
0x8b: {  	s0 =	sand.u32 $0x1, s1  }
0x8c: {  	s16 =	sshll.u32 s0, $0xA;
	s2 =	sadd.s32 s3, s2  }
0x8d: {  	s2 =	sadd.s32 s2, s16  }
0x8e: {  	[smem:$0x3FBB] =	sst s2  }
0x8f: {  	_ = 	snop  }
0x90: {  	(tm) =	ssettm $0x1  }
0x91: {  	s17 =	sld [smem:$0x3FFB];
	_ =	sdelay $0x3  }
0x92: {  	_ =	strace s17  }
0x93: {  	s2 =	sld [smem:$0x3FFC];
	_ =	sdelay $0x3  }
0x94: {  	_ =	strace s2  }
0x95: {  	s2 =	sld [smem:$0x3FFD];
	_ =	sdelay $0x3  }
0x96: {  	_ =	strace s2  }
0x97: {  	_ =	strace $0x8FFFFFFF  }
0x98: {  	s18 =	sld [smem:$0x3FDB];
	_ =	sdelay $0x1  }
0x99: {  	s19 =	simm.s32 $_scs_section_size  }
0x9a: {  	s4 =	simm.s32 $_size__tile_overlayer_lowered;
	s5 =	simm.s32 $_tile_overlayer_lowered  }
0x9b: {  	s22 =	simm.s32 $0x1BFF;
	s21 =	sshll.u32 s5, $0x1;
	s2 =	sadd.s32 s19, s18  }
0x9c: {  	s6 =	simm.s32 $0x0;
	s20 =	sshll.u32 s4, $0x1;
	s4 =	sadd.s32 s21, s2  }
0x9d: {  	[timem:s6], [sflag:s22] =	dma.local [hbm:s4], s20  }
0x9e: {  	_ =	swait.ge [sflag:s22], s20  }
0x9f: {  	s3 =	ssub.s32 $0x0, s20;
	[sflag:s22] =	ssyncset.done $0x0  }
0xa0: {  	[sflag:s22] =	ssyncadd.s32 s3;
	_ =	sdelay $0x1  }
0xa1: {  	s23 =	simm.s32 $0x1B8B  }
0xa2: {  	_ =	swait.ge [sflag:s23], $0x1  }
0xa3: {  	[sflag:s23] =	ssyncset.done $0x0  }
0xa4: {  	s25 =	simm.s32 $0x1B8E;
	s24 =	sld [smem:$0x3FFE];
	[sflag:s23] =	ssyncadd.s32 $0xFFFFFFFF  }
0xa5: {  	s26 =	simm.s32 $execute0_lowered;
	[smem:$0x3FD2] =	sst s25  }
0xa6: {  	s4 =	sshll.u32 s26, $0x1;
	_ =	strace $0x80000049;
	[dreg:$0x1] =	wrdreg $0xFFFFFFFF  }
0xa7: {  	s28 =	simm.s32 $_size_execute0_lowered;
	s2 =	sadd.s32 s2, s4;
	[dreg:$0x0] =	wrdreg $0x0  }
0xa8: {  	s4 =	sshll.u32 s28, $0x1;
	[dreg:$0x2] =	wrdreg s2  }
0xa9: {  	[dreg:$0x3] =	wrdreg s4  }
0xaa: {  	[dreg:$0x4] =	wrdreg $0xC0  }
0xab: {  	_ =	task [dreg:s6], $0x5FFFF  }
0xac: {  	[dreg:$0x1] =	wrdreg $0xFFFFFFFF  }
0xad: {  	[dreg:$0x0] =	wrdreg $0x60  }
0xae: {  	[dreg:$0x2] =	wrdreg s24  }
0xaf: {  	[dreg:$0x3] =	wrdreg $0x95000  }
0xb0: {  	[dreg:$0x4] =	wrdreg $0x9  }
0xb1: {  	_ =	task.clear_ibuf [dreg:s6], $0x5FFFF;
	_ =	strace $0x90000049  }
0xb2: {  	s29 =	simm.s32 $0x9;
	_ =	strace $0x8000004B  }
0xb3: {  	_ =	swait.ge [sflag:s29], $0x1  }
0xb4: {  	[sflag:s29] =	ssyncadd.s32 $0xFFFFFFFF  }
0xb5: {  	_ =	strace $0x9000004B  }
0xb6: {  	_ =	sfence  }
0xb7: {  	s30 =	sld [smem:$0x0];
	_ =	sdelay $0x2  }
0xb8: {  	s31 =	sshll.u32 s1, $0xD;
	s1 =	sshrl.u32 s1, $0x2  }
0xb9: {  	s3 =	sand.u32 $0x4000, s31;
	s1 =	sadd.s32 s1, s30  }
0xba: {  	s0 =	sor.u32 s3, s0;
	s1 =	sshll.u32 s1, $0x11  }
0xbb: {  	s0 =	sor.u32 s1, s0  }
0xbc: {  	s0 =	sadd.s32 $0x8F2B, s0  }
0xbd: {  	[sflag:s0] =	ssyncadd.remote.s32 $0x1  }
0xbe: {  	_ =	sfence.sel $0xFFFF  }
0xbf: {  	[dreg:$0x0] =	wrdreg $0xFFFFFFFF;
	(pc) =	sbr.abs _section_cstart, $3  }
0xc0: {  	[dreg:$0x1] =	wrdreg $0xFFFFFFFF  }
0xc1: {  	_ =	task.clear_ibuf [dreg:s6], $0x2FFFF;
	_ =	strace $0x9FFFFFFF  }
0xc2: {  	(tm) =	ssettm $0x7FFFFFFF  }
0xc3: {  	_ =	shalt  }
tec
execute0_lowered:
.L_overlay_start_1:
0x0: {  	(tag) =	ssettag $0x1  }
0x1: {  	s0 =	rddreg [dreg:$0x0]  }
0x2: {  	s2 =	rddreg [dreg:$0x1];
	s12 =	stileid.u32  }
0x3: {  	s1 =	srdreg.scid;
	s4 =	smul.u32 $0x278, s12  }
0x4: {  	s3 =	simm.s32 $0x0;
	s30 =	simm.s32 $0x40;
	s7 =	smul.u32 $0x4E20, s12  }
0x5: {  	s1 =	sand.u32 $0x1, s1;
	[smem:$0x7FF] =	sst s3;
	s17 =	smul.u32 $0x9C4, s12  }
0x6: {  	s29 =	sadd.s32 $0xD0E00, s0;
	s8 =	sadd.s32 $0x3200, s0;
	s6 =	smul.u32 $0x2710, s1  }
0x7: {  	s5 =	sadd.s32 $0x34200, s0;
	_ =	strace $0x8000004A;
	s9 =	smul.u32 $0x4E200, s1  }
0x8: {  	s1 =	ssub.s32 $0x2, s1;
	[dreg:$0x7] =	wrdreg s29;
	s4 =	smin.u32 s4, $0x2498  }
0x9: {  	s11 =	sshrl.u32 s1, $0x1;
	s25 =	sshrl.u32 s7, $0x3;
	s20 =	sadd.s32 s17, s8  }
0xa: {  	s17 =	simm.s32 $0xB;
	s10 =	sshll.u32 s4, $0x4;
	s6 =	sadd.s32 s6, s4  }
0xb: {  	s9 =	sadd.s32 s7, s9;
	s1 =	ssub.s32 s1, s11;
	s4 =	sshll.u32 s4, $0x7  }
0xc: {  	[dreg:$0x3] =	wrdreg s20;
	s7 =	simm.s32 $0xD;
	s20 =	simm.s32 $0xE  }
0xd: {  	s10 =	sadd.s32 s10, s0;
	s6 =	sshll.u32 s6, $0x4;
	s4 =	sadd.s32 s4, s2  }
0xe: {  	s24 =	sshrl.u32 s9, $0x3;
	s19 =	smax.u32 s1, $0x1;
	[dreg:$0x10] =	wrdreg s4  }
0xf: {  	s21 =	sadd.s32 $0x180, s9;
	s16 =	sadd.s32 $0xD000, s10;
	[dreg:$0x15] =	wrdreg s19  }
0x10: {  	s23 =	sadd.s32 $0x140, s9;
	s13 =	sadd.s32 s29, s24;
	[dreg:$0x11] =	wrdreg s16  }
0x11: {  	s0 =	sadd.s32 s6, s0;
	s6 =	sadd.s32 s8, s25;
	[dreg:$0x8] =	wrdreg s13  }
0x12: {  	s22 =	sshrl.u32 s21, $0x3;
	s26 =	sadd.s32 $0x8, s13;
	[dreg:$0x9] =	wrdreg s6  }
0x13: {  	s1 =	sshrl.u32 s23, $0x3;
	s28 =	sadd.s32 $0x8, s6;
	[dreg:$0xa] =	wrdreg s26  }
0x14: {  	s24 =	sadd.s32 $0x1C0, s9;
	s31 =	sadd.s32 $0x10, s13;
	[dreg:$0xb] =	wrdreg s28  }
0x15: {  	s8 =	simm.s32 $0x100;
	s11 =	sadd.s32 $0x10, s6;
	[dreg:$0xc] =	wrdreg s31  }
0x16: {  	s19 =	simm.s32 $0xC;
	s14 =	sadd.s32 $0x18, s13;
	[dreg:$0xd] =	wrdreg s11  }
0x17: {  	s4 =	simm.s32 $0x10;
	s15 =	sadd.s32 $0x18, s6;
	[dreg:$0xe] =	wrdreg s14  }
0x18: {  	s10 =	simm.s32 $0x0;
	s18 =	sadd.s32 $0x9C0, s13;
	[dreg:$0xf] =	wrdreg s15  }
0x19: {  	s6 =	sadd.s32 $0x9C0, s6;
	s0 =	sadd.s32 $0x82400, s0;
	[dreg:$0x12] =	wrdreg s18  }
0x1a: {  	s25 =	sadd.s32 s1, s29;
	s1 =	simm.s32 $0x1;
	[dreg:$0x13] =	wrdreg s6  }
0x1b: {  	s13 =	simm.s32 $0x3;
	s16 =	simm.s32 $0x6;
	[dreg:$0x14] =	wrdreg s0  }
0x1c: {  	s0 =	sadd.s32 s22, s29;
	s26 =	sshrl.u32 s24, $0x3;
	[dreg:$0x5] =	wrdreg s25  }
0x1d: {  	s28 =	sadd.s32 $0x100, s9;
	s22 =	simm.s32 $0x80;
	s9 =	simm.s32 $0x12  }
0x1e: {  	s11 =	simm.s32 $0x2;
	s25 =	simm.s32 $0x4;
	[dreg:$0x4] =	wrdreg s0  }
0x1f: {  	s18 =	simm.s32 $0x7;
	[dreg:$0x16] =	wrdreg s28;
	s31 =	sadd.s32 s26, s29  }
0x20: {  	s6 =	simm.s32 $0x8;
	s0 =	simm.s32 $0xF;
	[dreg:$0x6] =	wrdreg s31  }
.LBB2_1:
0x21: {  	[dreg:$0x17] =	wrdreg s10  }
0x22: {  	s21 =	rddreg [dreg:$0x8]  }
0x23: {  	[tilespmem:s3], [sflag:$0x1] =	stream.linear.gather [hbm4b:s21+s3], $0x40, $0x38;
	[tilespmem:$0x1CD80] =	vst v63  }
0x24: {  	s28 =	rddreg [dreg:$0x9];
	s24 =	simm.s32 $0x200  }
0x25: {  	[tilespmem:s24], [sflag:$0x5] =	stream.linear.gather [hbm4b:s28+s3], $0x40, $0x38;
	[tilespmem:$0x1CD80] =	vst v63  }
0x26: {  	s10 =	rddreg [dreg:$0xa]  }
0x27: {  	[tilespmem:s22], [sflag:$0x2] =	stream.linear.gather [hbm4b:s10+s3], $0x40, $0x38;
	[tilespmem:$0x1CD80] =	vst v63  }
0x28: {  	s12 =	rddreg [dreg:$0xb];
	s26 =	simm.s32 $0x280  }
0x29: {  	[tilespmem:s26], [sflag:$0x6] =	stream.linear.gather [hbm4b:s12+s3], $0x40, $0x38;
	[tilespmem:$0x1CD80] =	vst v63  }
0x2a: {  	s14 =	rddreg [dreg:$0xc]  }
0x2b: {  	[tilespmem:s8], [sflag:$0x3] =	stream.linear.gather [hbm4b:s14+s3], $0x40, $0x38;
	[tilespmem:$0x1CD80] =	vst v63  }
0x2c: {  	s15 =	rddreg [dreg:$0xd];
	s28 =	simm.s32 $0x300  }
0x2d: {  	[tilespmem:s28], [sflag:$0x7] =	stream.linear.gather [hbm4b:s15+s3], $0x40, $0x38;
	[tilespmem:$0x1CD80] =	vst v63  }
0x2e: {  	s23 =	rddreg [dreg:$0xe];
	s12 =	simm.s32 $0x180;
	s15 =	stileid.u32  }
0x2f: {  	[tilespmem:s12], [sflag:$0x4] =	stream.linear.gather [hbm4b:s23+s3], $0x40, $0x38;
	[tilespmem:$0x1CD80] =	vst v63  }
0x30: {  	s10 =	rddreg [dreg:$0xf];
	s14 =	simm.s32 $0x380;
	s21 =	sshll.u32 s15, $0x6  }
0x31: {  	[tilespmem:s14], [sflag:$0x8] =	stream.linear.gather [hbm4b:s10+s3], $0x40, $0x38;
	[tilespmem:$0x1CD80] =	vst v63  }
0x32: {  	s14 =	sor.u32 $0x1C12, s21  }
0x33: {  	_ =	swait.ge [sflag:s1], $0x40;
	[dreg:$0x18] =	wrdreg s14  }
0x34: {  	s10 =	simm.s32 $0x400;
	[sflag:s1] =	ssyncset.done $0x0;
	s23 =	rddreg [dreg:$0x10]  }
0x35: {  	s15 =	rddreg [dreg:$0x11];
	[sflag:s1] =	ssyncadd.s32 $0xFFFFFFC0;
	s23 =	sshrl.u32 s23, $0x3  }
0x36: {  	[tilespmem:s10], [sflag:$0x9] =	stream.indirect.gather [hbm4b:s5+s30], $0x80, s3, s30, $0xb8;
	[tilespmem:$0x1CD80] =	vst v63  }
0x37: {  	[dreg:$0x19] =	wrdreg s23  }
0x38: {  	[spmem:s23], [sflag:s14] =	dma.local [hbm:s15], $0x2780  }
0x39: {  	_ =	swait.ge [sflag:s9], $0x2780  }
0x3a: {  	[sflag:s9] =	ssyncset.done $0x0  }
0x3b: {  	[sflag:s9] =	ssyncadd.s32 $0xFFFFD880  }
0x3c: {  	_ =	swait.ge [sflag:s11], $0x40  }
0x3d: {  	[sflag:s11] =	ssyncset.done $0x0  }
0x3e: {  	s9 =	simm.s32 $0x2400;
	[sflag:s11] =	ssyncadd.s32 $0xFFFFFFC0  }
0x3f: {  	[tilespmem:s9], [sflag:$0xA] =	stream.indirect.gather [hbm4b:s5+s30], $0x80, s22, s30, $0xb8;
	[tilespmem:$0x1CD80] =	vst v63  }
0x40: {  	_ =	swait.ge [sflag:s13], $0x40  }
0x41: {  	[sflag:s13] =	ssyncset.done $0x0  }
0x42: {  	s14 =	simm.s32 $0x4400;
	[sflag:s13] =	ssyncadd.s32 $0xFFFFFFC0  }
0x43: {  	[tilespmem:s14], [sflag:$0xB] =	stream.indirect.gather [hbm4b:s5+s30], $0x80, s8, s30, $0xb8;
	[tilespmem:$0x1CD80] =	vst v63  }
0x44: {  	_ =	swait.ge [sflag:s25], $0x40  }
0x45: {  	[sflag:s25] =	ssyncset.done $0x0  }
0x46: {  	s8 =	simm.s32 $0x6400;
	[sflag:s25] =	ssyncadd.s32 $0xFFFFFFC0  }
0x47: {  	[tilespmem:s8], [sflag:$0xC] =	stream.indirect.gather [hbm4b:s5+s30], $0x80, s12, s30, $0xb8;
	[tilespmem:$0x1CD80] =	vst v63  }
0x48: {  	s15 =	simm.s32 $0x9;
	[bflag:$0x0] =	sbarrier.arrive $0xFFFF  }
0x49: {  	_ =	swait.ge [sflag:s15], $0x2000  }
0x4a: {  	[sflag:s15] =	ssyncset.done $0x0  }
0x4b: {  	s23 =	simm.s32 $0x5;
	[sflag:s15] =	ssyncadd.s32 $0xFFFFE000  }
0x4c: {  	_ =	swait.ge [sflag:s23], $0x40  }
0x4d: {  	[sflag:s23] =	ssyncset.done $0x0  }
0x4e: {  	[sflag:s23] =	ssyncadd.s32 $0xFFFFFFC0;
	s23 =	rddreg [dreg:$0x16]  }
0x4f: {  	s21 =	sshrl.u32 s23, $0x3  }
0x50: {  	[spmem:s2] =	stream.indirect.scatter.add.f32 [tilespmem:s10], [sflag:$0xD], $0x80, s24, s30, $0xb8;
	[tilespmem:$0x1CD80] =	vst v63  }
0x51: {  	s21 =	sadd.s32 s29, s21;
	s29 =	simm.s32 $0xA  }
0x52: {  	[tilespmem:s3], [sflag:$0x1] =	stream.linear.gather [hbm4b:s21+s3], $0x40, $0x38;
	[tilespmem:$0x1CD80] =	vst v63  }
0x53: {  	_ =	swait.ge [sflag:s29], $0x2000  }
0x54: {  	[sflag:s29] =	ssyncset.done $0x0  }
0x55: {  	[sflag:s29] =	ssyncadd.s32 $0xFFFFE000  }
0x56: {  	_ =	swait.ge [sflag:s16], $0x40  }
0x57: {  	[sflag:s16] =	ssyncset.done $0x0  }
0x58: {  	s29 =	rddreg [dreg:$0x5];
	[sflag:s16] =	ssyncadd.s32 $0xFFFFFFC0  }
0x59: {  	[spmem:s2] =	stream.indirect.scatter.add.f32 [tilespmem:s9], [sflag:$0xE], $0x80, s26, s30, $0xb8;
	[tilespmem:$0x1CD80] =	vst v63  }
0x5a: {  	s21 =	sadd.s32 $0x0, s29  }
0x5b: {  	[tilespmem:s22], [sflag:$0x2] =	stream.linear.gather [hbm4b:s21+s3], $0x40, $0x38;
	[tilespmem:$0x1CD80] =	vst v63  }
0x5c: {  	_ =	swait.ge [sflag:s17], $0x2000  }
0x5d: {  	[sflag:s17] =	ssyncset.done $0x0  }
0x5e: {  	[sflag:s17] =	ssyncadd.s32 $0xFFFFE000  }
0x5f: {  	_ =	swait.ge [sflag:s18], $0x40  }
0x60: {  	[sflag:s18] =	ssyncset.done $0x0  }
0x61: {  	s29 =	rddreg [dreg:$0x4];
	[sflag:s18] =	ssyncadd.s32 $0xFFFFFFC0  }
0x62: {  	[spmem:s2] =	stream.indirect.scatter.add.f32 [tilespmem:s14], [sflag:$0xF], $0x80, s28, s30, $0xb8;
	[tilespmem:$0x1CD80] =	vst v63  }
0x63: {  	s15 =	simm.s32 $0x100;
	s21 =	sadd.s32 $0x0, s29  }
0x64: {  	[tilespmem:s15], [sflag:$0x3] =	stream.linear.gather [hbm4b:s21+s3], $0x40, $0x38;
	[tilespmem:$0x1CD80] =	vst v63  }
0x65: {  	_ =	swait.ge [sflag:s19], $0x2000  }
0x66: {  	[sflag:s19] =	ssyncset.done $0x0  }
0x67: {  	[sflag:s19] =	ssyncadd.s32 $0xFFFFE000  }
0x68: {  	_ =	swait.ge [sflag:s6], $0x40  }
0x69: {  	[sflag:s6] =	ssyncset.done $0x0  }
0x6a: {  	s31 =	simm.s32 $0x380;
	s22 =	rddreg [dreg:$0x6];
	[sflag:s6] =	ssyncadd.s32 $0xFFFFFFC0  }
0x6b: {  	[spmem:s2] =	stream.indirect.scatter.add.f32 [tilespmem:s8], [sflag:$0x10], $0x80, s31, s30, $0xb8;
	[tilespmem:$0x1CD80] =	vst v63  }
0x6c: {  	s21 =	sadd.s32 $0x0, s22  }
0x6d: {  	[tilespmem:s12], [sflag:$0x4] =	stream.linear.gather [hbm4b:s21+s3], $0x40, $0x38;
	[tilespmem:$0x1CD80] =	vst v63  }
0x6e: {  	_ =	swait.ge [sflag:s7], $0x2000  }
0x6f: {  	s29 =	rddreg [dreg:$0x3]  }
0x70: {  	[sflag:s7] =	ssyncset.done $0x0;
	s21 =	sadd.s32 $0x0, s29  }
0x71: {  	[sflag:s7] =	ssyncadd.s32 $0xFFFFE000;
	s12 =	sadd.s32 $0x20, s21  }
0x72: {  	[tilespmem:s24], [sflag:$0x5] =	stream.linear.gather [hbm4b:s12+s3], $0x40, $0x38;
	[tilespmem:$0x1CD80] =	vst v63  }
0x73: {  	_ =	swait.ge [sflag:s1], $0x40  }
0x74: {  	[sflag:s1] =	ssyncset.done $0x0  }
0x75: {  	[sflag:s1] =	ssyncadd.s32 $0xFFFFFFC0  }
0x76: {  	[tilespmem:s10], [sflag:$0x9] =	stream.indirect.gather [hbm4b:s5+s30], $0x80, s3, s30, $0xb8;
	[tilespmem:$0x1CD80] =	vst v63  }
0x77: {  	_ =	swait.ge [sflag:s20], $0x2000  }
0x78: {  	[sflag:s20] =	ssyncset.done $0x0  }
0x79: {  	s24 =	sadd.s32 $0x28, s21;
	[sflag:s20] =	ssyncadd.s32 $0xFFFFE000  }
0x7a: {  	[tilespmem:s26], [sflag:$0x6] =	stream.linear.gather [hbm4b:s24+s3], $0x40, $0x38;
	[tilespmem:$0x1CD80] =	vst v63  }
0x7b: {  	_ =	swait.ge [sflag:s11], $0x40  }
0x7c: {  	[sflag:s11] =	ssyncset.done $0x0  }
0x7d: {  	s31 =	simm.s32 $0x80;
	[sflag:s11] =	ssyncadd.s32 $0xFFFFFFC0  }
0x7e: {  	[tilespmem:s9], [sflag:$0xA] =	stream.indirect.gather [hbm4b:s5+s30], $0x80, s31, s30, $0xb8;
	[tilespmem:$0x1CD80] =	vst v63  }
0x7f: {  	_ =	swait.ge [sflag:s0], $0x2000  }
0x80: {  	[sflag:s0] =	ssyncset.done $0x0  }
0x81: {  	s29 =	sadd.s32 $0x30, s21;
	[sflag:s0] =	ssyncadd.s32 $0xFFFFE000  }
0x82: {  	[tilespmem:s28], [sflag:$0x7] =	stream.linear.gather [hbm4b:s29+s3], $0x40, $0x38;
	[tilespmem:$0x1CD80] =	vst v63  }
0x83: {  	_ =	swait.ge [sflag:s13], $0x40  }
0x84: {  	[sflag:s13] =	ssyncset.done $0x0  }
0x85: {  	[sflag:s13] =	ssyncadd.s32 $0xFFFFFFC0  }
0x86: {  	[tilespmem:s14], [sflag:$0xB] =	stream.indirect.gather [hbm4b:s5+s30], $0x80, s15, s30, $0xb8;
	[tilespmem:$0x1CD80] =	vst v63  }
0x87: {  	_ =	swait.ge [sflag:s4], $0x2000  }
0x88: {  	[sflag:s4] =	ssyncset.done $0x0  }
0x89: {  	s8 =	simm.s32 $0x380;
	s21 =	sadd.s32 $0x38, s21;
	[sflag:s4] =	ssyncadd.s32 $0xFFFFE000  }
0x8a: {  	[tilespmem:s8], [sflag:$0x8] =	stream.linear.gather [hbm4b:s21+s3], $0x40, $0x38;
	[tilespmem:$0x1CD80] =	vst v63  }
0x8b: {  	_ =	swait.ge [sflag:s25], $0x40  }
0x8c: {  	s22 =	sadd.s32 $0x100, s23;
	s1 =	simm.s32 $0x1;
	[sflag:s25] =	ssyncset.done $0x0  }
0x8d: {  	s11 =	simm.s32 $0x2;
	s21 =	simm.s32 $0x20;
	[sflag:s25] =	ssyncadd.s32 $0xFFFFFFC0  }
.LBB2_2:
0x8e: {  	s28 =	simm.s32 $0x180;
	s9 =	simm.s32 $0x6400;
	s8 =	simm.s32 $0x9  }
0x8f: {  	[tilespmem:s9], [sflag:$0xC] =	stream.indirect.gather [hbm4b:s5+s30], $0x80, s28, s30, $0xb8;
	[tilespmem:$0x1CD80] =	vst v63  }
0x90: {  	_ =	swait.ge [sflag:s8], $0x2000  }
0x91: {  	[sflag:s8] =	ssyncset.done $0x0  }
0x92: {  	s12 =	simm.s32 $0x5;
	[sflag:s8] =	ssyncadd.s32 $0xFFFFE000  }
0x93: {  	_ =	swait.ge [sflag:s12], $0x40  }
0x94: {  	s24 =	sshrl.u32 s22, $0x3;
	s26 =	simm.s32 $0x200;
	[sflag:s12] =	ssyncset.done $0x0  }
0x95: {  	s10 =	simm.s32 $0x400;
	s13 =	rddreg [dreg:$0x7];
	[sflag:s12] =	ssyncadd.s32 $0xFFFFFFC0  }
0x96: {  	[spmem:s2] =	stream.indirect.scatter.add.f32 [tilespmem:s10], [sflag:$0xD], $0x80, s26, s30, $0xb8;
	[tilespmem:$0x1CD80] =	vst v63  }
0x97: {  	s14 =	simm.s32 $0xA;
	s24 =	sadd.s32 s13, s24  }
0x98: {  	[tilespmem:s3], [sflag:$0x1] =	stream.linear.gather [hbm4b:s24+s3], $0x40, $0x38;
	[tilespmem:$0x1CD80] =	vst v63  }
0x99: {  	_ =	swait.ge [sflag:s14], $0x2000  }
0x9a: {  	[sflag:s14] =	ssyncset.done $0x0  }
0x9b: {  	[sflag:s14] =	ssyncadd.s32 $0xFFFFE000  }
0x9c: {  	_ =	swait.ge [sflag:s16], $0x40  }
0x9d: {  	s23 =	smov.u32 s21;
	s8 =	simm.s32 $0x280;
	[sflag:s16] =	ssyncset.done $0x0  }
0x9e: {  	s13 =	simm.s32 $0x2400;
	s15 =	rddreg [dreg:$0x5];
	[sflag:s16] =	ssyncadd.s32 $0xFFFFFFC0  }
0x9f: {  	[spmem:s2] =	stream.indirect.scatter.add.f32 [tilespmem:s13], [sflag:$0xE], $0x80, s8, s30, $0xb8;
	[tilespmem:$0x1CD80] =	vst v63  }
0xa0: {  	s24 =	sadd.s32 s23, s15  }
0xa1: {  	[tilespmem:s31], [sflag:$0x2] =	stream.linear.gather [hbm4b:s24+s3], $0x40, $0x38;
	[tilespmem:$0x1CD80] =	vst v63  }
0xa2: {  	_ =	swait.ge [sflag:s17], $0x2000  }
0xa3: {  	[sflag:s17] =	ssyncset.done $0x0  }
0xa4: {  	[sflag:s17] =	ssyncadd.s32 $0xFFFFE000  }
0xa5: {  	_ =	swait.ge [sflag:s18], $0x40  }
0xa6: {  	s12 =	simm.s32 $0x300;
	[sflag:s18] =	ssyncset.done $0x0  }
0xa7: {  	s14 =	simm.s32 $0x4400;
	s25 =	rddreg [dreg:$0x4];
	[sflag:s18] =	ssyncadd.s32 $0xFFFFFFC0  }
0xa8: {  	[spmem:s2] =	stream.indirect.scatter.add.f32 [tilespmem:s14], [sflag:$0xF], $0x80, s12, s30, $0xb8;
	[tilespmem:$0x1CD80] =	vst v63  }
0xa9: {  	s15 =	simm.s32 $0x100;
	s24 =	sadd.s32 s23, s25  }
0xaa: {  	[tilespmem:s15], [sflag:$0x3] =	stream.linear.gather [hbm4b:s24+s3], $0x40, $0x38;
	[tilespmem:$0x1CD80] =	vst v63  }
0xab: {  	_ =	swait.ge [sflag:s19], $0x2000  }
0xac: {  	[sflag:s19] =	ssyncset.done $0x0  }
0xad: {  	[sflag:s19] =	ssyncadd.s32 $0xFFFFE000  }
0xae: {  	_ =	swait.ge [sflag:s6], $0x40  }
0xaf: {  	[sflag:s6] =	ssyncset.done $0x0  }
0xb0: {  	s25 =	simm.s32 $0x380;
	s24 =	rddreg [dreg:$0x6];
	[sflag:s6] =	ssyncadd.s32 $0xFFFFFFC0  }
0xb1: {  	[spmem:s2] =	stream.indirect.scatter.add.f32 [tilespmem:s9], [sflag:$0x10], $0x80, s25, s30, $0xb8;
	[tilespmem:$0x1CD80] =	vst v63  }
0xb2: {  	s24 =	sadd.s32 s23, s24  }
0xb3: {  	[tilespmem:s28], [sflag:$0x4] =	stream.linear.gather [hbm4b:s24+s3], $0x40, $0x38;
	[tilespmem:$0x1CD80] =	vst v63  }
0xb4: {  	_ =	swait.ge [sflag:s7], $0x2000  }
0xb5: {  	s9 =	rddreg [dreg:$0x3]  }
0xb6: {  	[sflag:s7] =	ssyncset.done $0x0;
	s23 =	sadd.s32 s23, s9  }
0xb7: {  	[sflag:s7] =	ssyncadd.s32 $0xFFFFE000;
	s24 =	sadd.s32 $0x20, s23  }
0xb8: {  	[tilespmem:s26], [sflag:$0x5] =	stream.linear.gather [hbm4b:s24+s3], $0x40, $0x38;
	[tilespmem:$0x1CD80] =	vst v63  }
0xb9: {  	_ =	swait.ge [sflag:s1], $0x40  }
0xba: {  	[sflag:s1] =	ssyncset.done $0x0  }
0xbb: {  	[sflag:s1] =	ssyncadd.s32 $0xFFFFFFC0  }
0xbc: {  	[tilespmem:s10], [sflag:$0x9] =	stream.indirect.gather [hbm4b:s5+s30], $0x80, s3, s30, $0xb8;
	[tilespmem:$0x1CD80] =	vst v63  }
0xbd: {  	_ =	swait.ge [sflag:s20], $0x2000  }
0xbe: {  	[sflag:s20] =	ssyncset.done $0x0  }
0xbf: {  	s10 =	sadd.s32 $0x28, s23;
	[sflag:s20] =	ssyncadd.s32 $0xFFFFE000  }
0xc0: {  	[tilespmem:s8], [sflag:$0x6] =	stream.linear.gather [hbm4b:s10+s3], $0x40, $0x38;
	[tilespmem:$0x1CD80] =	vst v63  }
0xc1: {  	_ =	swait.ge [sflag:s11], $0x40  }
0xc2: {  	[sflag:s11] =	ssyncset.done $0x0  }
0xc3: {  	[sflag:s11] =	ssyncadd.s32 $0xFFFFFFC0  }
0xc4: {  	[tilespmem:s13], [sflag:$0xA] =	stream.indirect.gather [hbm4b:s5+s30], $0x80, s31, s30, $0xb8;
	[tilespmem:$0x1CD80] =	vst v63  }
0xc5: {  	_ =	swait.ge [sflag:s0], $0x2000  }
0xc6: {  	[sflag:s0] =	ssyncset.done $0x0  }
0xc7: {  	s24 =	sadd.s32 $0x30, s23;
	s13 =	simm.s32 $0x3;
	[sflag:s0] =	ssyncadd.s32 $0xFFFFE000  }
0xc8: {  	[tilespmem:s12], [sflag:$0x7] =	stream.linear.gather [hbm4b:s24+s3], $0x40, $0x38;
	[tilespmem:$0x1CD80] =	vst v63  }
0xc9: {  	_ =	swait.ge [sflag:s13], $0x40  }
0xca: {  	[sflag:s13] =	ssyncset.done $0x0  }
0xcb: {  	[sflag:s13] =	ssyncadd.s32 $0xFFFFFFC0  }
0xcc: {  	[tilespmem:s14], [sflag:$0xB] =	stream.indirect.gather [hbm4b:s5+s30], $0x80, s15, s30, $0xb8;
	[tilespmem:$0x1CD80] =	vst v63  }
0xcd: {  	_ =	swait.ge [sflag:s4], $0x2000  }
0xce: {  	[sflag:s4] =	ssyncset.done $0x0  }
0xcf: {  	p0 =	sne.s32 s21, $0x980;
	s23 =	sadd.s32 $0x38, s23;
	[sflag:s4] =	ssyncadd.s32 $0xFFFFE000  }
0xd0: {  	[tilespmem:s25], [sflag:$0x8] =	stream.linear.gather [hbm4b:s23+s3], $0x40, $0x38;
	[tilespmem:$0x1CD80] =	vst v63  }
.Ltmp0:
0xd1: {  	s21 =	sadd.s32 $0x20, s21;
	s29 =	simm.s32 $0x180;
	(pc) =	sbr.rel @p0 .LBB2_2-.Ltmp0, $4  }
0xd2: {  	s22 =	sadd.s32 $0x100, s22;
	s28 =	simm.s32 $0x200;
	s25 =	simm.s32 $0x4  }
0xd3: {  	s9 =	simm.s32 $0x400;
	s26 =	simm.s32 $0x280;
	_ =	swait.ge [sflag:s25], $0x40  }
0xd4: {  	s10 =	simm.s32 $0x2400;
	s8 =	simm.s32 $0x300;
	[sflag:s25] =	ssyncset.done $0x0  }
0xd5: {  	s24 =	simm.s32 $0x4400;
	s12 =	simm.s32 $0x380;
	[sflag:s25] =	ssyncadd.s32 $0xFFFFFFC0  }
0xd6: {  	s1 =	simm.s32 $0x6400;
	s11 =	simm.s32 $0x9  }
0xd7: {  	[tilespmem:s1], [sflag:$0xC] =	stream.indirect.gather [hbm4b:s5+s30], $0x80, s29, s30, $0xb8;
	[tilespmem:$0x1CD80] =	vst v63  }
0xd8: {  	_ =	swait.ge [sflag:s11], $0x2000  }
0xd9: {  	[sflag:s11] =	ssyncset.done $0x0  }
0xda: {  	s23 =	simm.s32 $0x5;
	[sflag:s11] =	ssyncadd.s32 $0xFFFFE000  }
0xdb: {  	_ =	swait.ge [sflag:s23], $0x40  }
0xdc: {  	[sflag:s23] =	ssyncset.done $0x0  }
0xdd: {  	s31 =	simm.s32 $0xA;
	[sflag:s23] =	ssyncadd.s32 $0xFFFFFFC0  }
0xde: {  	[spmem:s2] =	stream.indirect.scatter.add.f32 [tilespmem:s9], [sflag:$0xD], $0x80, s28, s30, $0xb8;
	[tilespmem:$0x1CD80] =	vst v63  }
0xdf: {  	_ =	swait.ge [sflag:s31], $0x2000  }
0xe0: {  	[sflag:s31] =	ssyncset.done $0x0  }
0xe1: {  	[sflag:s31] =	ssyncadd.s32 $0xFFFFE000  }
0xe2: {  	_ =	swait.ge [sflag:s16], $0x40  }
0xe3: {  	[sflag:s16] =	ssyncset.done $0x0  }
0xe4: {  	[sflag:s16] =	ssyncadd.s32 $0xFFFFFFC0  }
0xe5: {  	[spmem:s2] =	stream.indirect.scatter.add.f32 [tilespmem:s10], [sflag:$0xE], $0x80, s26, s30, $0xb8;
	[tilespmem:$0x1CD80] =	vst v63  }
0xe6: {  	_ =	swait.ge [sflag:s17], $0x2000  }
0xe7: {  	[sflag:s17] =	ssyncset.done $0x0  }
0xe8: {  	[sflag:s17] =	ssyncadd.s32 $0xFFFFE000  }
0xe9: {  	_ =	swait.ge [sflag:s18], $0x40  }
0xea: {  	[sflag:s18] =	ssyncset.done $0x0  }
0xeb: {  	[sflag:s18] =	ssyncadd.s32 $0xFFFFFFC0  }
0xec: {  	[spmem:s2] =	stream.indirect.scatter.add.f32 [tilespmem:s24], [sflag:$0xF], $0x80, s8, s30, $0xb8;
	[tilespmem:$0x1CD80] =	vst v63  }
0xed: {  	_ =	swait.ge [sflag:s19], $0x2000  }
0xee: {  	[sflag:s19] =	ssyncset.done $0x0  }
0xef: {  	[sflag:s19] =	ssyncadd.s32 $0xFFFFE000  }
0xf0: {  	_ =	swait.ge [sflag:s6], $0x40  }
0xf1: {  	[sflag:s6] =	ssyncset.done $0x0  }
0xf2: {  	[sflag:s6] =	ssyncadd.s32 $0xFFFFFFC0  }
0xf3: {  	[spmem:s2] =	stream.indirect.scatter.add.f32 [tilespmem:s1], [sflag:$0x10], $0x80, s12, s30, $0xb8;
	[tilespmem:$0x1CD80] =	vst v63  }
0xf4: {  	s9 =	simm.s32 $0x12;
	s10 =	simm.s32 $0x8400;
	s21 =	rddreg [dreg:$0x12]  }
0xf5: {  	[tilespmem:s10], [sflag:$0x12] =	stream.linear.gather [hbm4b:s21+s3], $0x20, $0x38;
	[tilespmem:$0x1CD80] =	vst v63  }
0xf6: {  	_ =	swait.ge [sflag:s9], $0x20  }
0xf7: {  	s14 =	simm.s32 $0x11;
	[sflag:s9] =	ssyncset.done $0x0  }
0xf8: {  	s11 =	simm.s32 $0x20;
	s12 =	simm.s32 $0x8500;
	[sflag:s9] =	ssyncadd.s32 $0xFFFFFFE0  }
0xf9: {  	[tilespmem:s12], [sflag:$0x11] =	stream.indirect.gather [hbm4b:s5+s11], $0x80, s10, s11, $0xb8;
	[tilespmem:$0x1CD80] =	vst v63  }
0xfa: {  	_ =	swait.ge [sflag:s14], $0x1000  }
0xfb: {  	[sflag:s14] =	ssyncset.done $0x0  }
0xfc: {  	s22 =	simm.s32 $0x8480;
	s15 =	rddreg [dreg:$0x13];
	[sflag:s14] =	ssyncadd.s32 $0xFFFFF000  }
0xfd: {  	[tilespmem:s22], [sflag:$0x12] =	stream.linear.gather [hbm4b:s15+s3], $0x20, $0x38;
	[tilespmem:$0x1CD80] =	vst v63  }
0xfe: {  	_ =	swait.ge [sflag:s9], $0x20  }
0xff: {  	[sflag:s9] =	ssyncset.done $0x0  }
0x100: {  	[sflag:s9] =	ssyncadd.s32 $0xFFFFFFE0  }
0x101: {  	[spmem:s2] =	stream.indirect.scatter.add.f32 [tilespmem:s12], [sflag:$0x11], $0x80, s22, s11, $0xb8;
	[tilespmem:$0x1CD80] =	vst v63  }
0x102: {  	_ =	swait.ge [sflag:s14], $0x1000  }
0x103: {  	[sflag:s14] =	ssyncset.done $0x0  }
0x104: {  	[sflag:s14] =	ssyncadd.s32 $0xFFFFF000  }
0x105: {  	_ =	swait.ge [sflag:s7], $0x2000  }
0x106: {  	[sflag:s7] =	ssyncset.done $0x0  }
0x107: {  	[sflag:s7] =	ssyncadd.s32 $0xFFFFE000  }
0x108: {  	_ =	swait.ge [sflag:s20], $0x2000  }
0x109: {  	[sflag:s20] =	ssyncset.done $0x0  }
0x10a: {  	[sflag:s20] =	ssyncadd.s32 $0xFFFFE000  }
0x10b: {  	_ =	swait.ge [sflag:s0], $0x2000  }
0x10c: {  	[sflag:s0] =	ssyncset.done $0x0  }
0x10d: {  	[sflag:s0] =	ssyncadd.s32 $0xFFFFE000  }
0x10e: {  	_ =	swait.ge [sflag:s4], $0x2000  }
0x10f: {  	[sflag:s4] =	ssyncset.done $0x0  }
0x110: {  	[sflag:s4] =	ssyncadd.s32 $0xFFFFE000  }
0x111: {  	[bflag:$0x0] =	sbarrier.arrive $0xFFFF  }
0x112: {  	s23 =	rddreg [dreg:$0x14]  }
0x113: {  	s24 =	rddreg [dreg:$0x18]  }
0x114: {  	s26 =	rddreg [dreg:$0x19]  }
0x115: {  	[hbm:s23], [sflag:s24] =	dma.local [spmem:s26], $0x2780  }
0x116: {  	_ =	swait.ge [sflag:s9], $0x2780  }
0x117: {  	s28 =	rddreg [dreg:$0x17]  }
0x118: {  	s31 =	rddreg [dreg:$0x15];
	s10 =	sadd.s32 $0x1, s28  }
0x119: {  	p0 =	sne.s32 s10, s31  }
.Ltmp1:
0x11a: {  	_ = 	snop;
	(pc) =	sbr.rel @p0 .LBB2_1-.Ltmp1, $4  }
0x11b: {  	_ = 	snop  }
0x11c: {  	s8 =	simm.s32 $0x100  }
0x11d: {  	s1 =	simm.s32 $0x1;
	s22 =	simm.s32 $0x80;
	[sflag:s9] =	ssyncset.done $0x0  }
0x11e: {  	s11 =	simm.s32 $0x2;
	s29 =	rddreg [dreg:$0x7];
	[sflag:s9] =	ssyncadd.s32 $0xFFFFD880  }
0x11f: {  	_ =	sfence.sel $0x180000  }
0x120: {  	[bflag:$0x0] =	sbarrier.arrive $0xFFFF  }
0x121: {  	_ =	strace $0x9000004A  }
0x122: {  	s0 =	stileid.u32;
	[bflag:$0x2] =	sbarrier.arrive $0xFFFF  }
0x123: {  	p0 =	sne.s32 s0, $0x0;
	s0 =	rddreg [dreg:$0x2]  }
0x124: {  	s0 =	sadd.s32 @!p0 $0x100000, s0  }
0x125: {  	[sflag:s0] =	ssyncadd.tile.s32 @!p0 $0x1;
	_ =	shalt  }
.Lfunc_end2:
_tile_overlayer_lowered:
.L_overlay_start_2:
0x126: {  	(tag) =	ssettag $0x2  }
0x127: {  	s0 =	rddreg [dreg:$0x0];
	s2 =	stileid.u32  }
0x128: {  	s1 =	rddreg [dreg:$0x1];
	p0 =	sne.s32 s2, $0x0  }
0x129: {  	s3 =	rddreg [dreg:$0x2];
	[bflag:$0x3] =	sbarrier.arrive $0xFFFF;
	s2 =	simm.s32 @!p0 $0x1C12  }
0x12a: {  	[timem:s3], [sflag:s2] =	dma.local @!p0 [hbm:s0], s1  }
0x12b: {  	s0 =	simm.s32 @!p0 $0x12  }
0x12c: {  	_ =	swait.ge @!p0 [sflag:s0], s1  }
0x12d: {  	s1 =	ssub.s32 @!p0 $0x0, s1;
	[sflag:s0] =	ssyncset.done @!p0 $0x0  }
0x12e: {  	[sflag:s0] =	ssyncadd.s32 @!p0 s1  }
0x12f: {  	[bflag:$0x3] =	sbarrier.arrive $0xFFFF  }
0x130: {  	_ =	shalt  }

// kernel: kernel.17.cloned.1.call-start
scs
__scs_entry_jumppad:
0x0: {  	(pc) =	sbr.rel $0x88, $3  }
0x1: {  	(tag) =	ssettag $0x0;
	lr =	simm.s32 $0x1  }
0x2: {  	[smem:$0x3F94] =	sst lr;
	_ =	strace $0xD0000000  }
0x3: {  	_ = 	snop  }
0x4: {  	_ = 	snop  }
0x5: {  	_ = 	snop  }
0x6: {  	_ = 	snop  }
0x7: {  	_ = 	snop  }
__scs_overlays_trampoline_lowered:
0x8: {  	[smem:$0x3FA3] =	sst s0  }
0x9: {  	[smem:$0x3FA4] =	sst s1  }
0xa: {  	[smem:$0x3FA5] =	sst s2  }
0xb: {  	[smem:$0x3FA6] =	sst s3  }
0xc: {  	[smem:$0x3FA7] =	sst s4  }
0xd: {  	[smem:$0x3FA8] =	sst s5  }
0xe: {  	[smem:$0x3FA9] =	sst s6  }
0xf: {  	[smem:$0x3FAA] =	sst s7  }
0x10: {  	[smem:$0x3FAB] =	sst s8  }
0x11: {  	[smem:$0x3FAC] =	sst s9;
	s0 =	simm.s32 @!p0 $0x0  }
0x12: {  	s1 =	sld [smem:$0x3F92];
	s0 =	simm.s32 @p0 $0x1  }
0x13: {  	[smem:$0x3FAD] =	sst s0;
	s0 =	simm.s32 @!p1 $0x0  }
0x14: {  	s2 =	sld [smem:$0x3F91];
	s0 =	simm.s32 @p1 $0x1  }
0x15: {  	[smem:$0x3FAE] =	sst s0;
	s0 =	simm.s32 @!p2 $0x0  }
0x16: {  	s3 =	sld [smem:$0x3FDB];
	s0 =	simm.s32 @p2 $0x1  }
0x17: {  	s4 =	simm.s32 $0x1BF5;
	[smem:$0x3FB0] =	sst s0  }
0x18: {  	s0 =	sld [smem:$0x3F93];
	_ =	swait.ge [sflag:s4], $0x0  }
0x19: {  	s7 =	sld [smem:$0x3F94]  }
0x1a: {  	s8 =	sadd.s32 $0xFFFFE003, lr  }
0x1b: {  	s9 =	sadd.s32 $0xFFFFFEF7, lr;
	s5 =	simm.s32 $0xFFFFFFFF;
	p2 =	slt.u32 s8, $0xFFFFF086  }
0x1c: {  	p1 =	slt.u32 s9, $0xF7A;
	s5 =	simm.s32 @!p2 $0x0  }
0x1d: {  	s5 =	simm.s32 @p1 $0x1;
	p0 =	seq.s32 s7, s2  }
0x1e: {  	s7 =	smul.u32 @!p0 $0xF7A, s2;
	p2 =	seq.s32 @!p0 s5, $0x0  }
0x1f: {  	s9 =	smul.u32 $0xF7A, s1;
	s8 =	simm.s32 @!p0 $0x1BF5;
	p2 =	por !p2, p0  }
0x20: {  	[sflag:s8] =	ssyncset.s32 @!p0 $0xFFFFF086;
	s6 =	sadd.s32 @!p0 s3, s7;
	s7 =	simm.s32 @!p0 $0x108  }
0x21: {  	s3 =	sadd.s32 s3, s9;
	s6 =	sadd.s32 @!p0 $0x88, s6;
	s7 =	simm.s32 @p2 $0x1082  }
0x22: {  	[simem:s7], [sflag:s8] =	dma.local @!p0 [hbm:s6], $0xF7A  }
0x23: {  	s9 =	sor.u32 $0xD0000000, s2;
	s6 =	simm.s32 $0x108;
	_ =	swait.ge @!p0 [sflag:s8], $0x0  }
0x24: {  	s3 =	sadd.s32 $0x88, s3;
	s6 =	simm.s32 @!p1 $0x1082;
	[sflag:s4] =	ssyncset.s32 $0xFFFFF086  }
0x25: {  	[simem:s6], [sflag:s4] =	dma.local [hbm:s3], $0xF7A  }
0x26: {  	[smem:$0x3F94] =	sst s1;
	(tag) =	ssettag s2;
	_ =	strace s9  }
0x27: {  	s1 =	sld [smem:$0x3FA4]  }
0x28: {  	s2 =	sld [smem:$0x3FA5]  }
0x29: {  	s4 =	sld [smem:$0x3FA7]  }
0x2a: {  	p0 =	seq.s32 s5, $0x0;
	s5 =	sld [smem:$0x3FA8]  }
0x2b: {  	s6 =	sld [smem:$0x3FA9]  }
0x2c: {  	s7 =	sld [smem:$0x3FAA]  }
0x2d: {  	s3 =	simm.s32 $0x108;
	s8 =	sld [smem:$0x3FAB]  }
0x2e: {  	s3 =	simm.s32 @!p0 $0x1082;
	s9 =	sld [smem:$0x3FAC]  }
0x2f: {  	lr =	sadd.s32 s0, s3;
	s0 =	sld [smem:$0x3FA3]  }
0x30: {  	s3 =	sld [smem:$0x3FA6]  }
0x31: {  	[smem:$0x3FAF] =	sst s10  }
0x32: {  	s10 =	sld [smem:$0x3FAD];
	_ =	sdelay $0x3  }
0x33: {  	p0 =	seq.s32 s10, $0x1;
	s10 =	sld [smem:$0x3FAF];
	_ =	sdelay $0x3  }
0x34: {  	[smem:$0x3FAF] =	sst s10  }
0x35: {  	s10 =	sld [smem:$0x3FAE];
	_ =	sdelay $0x3  }
0x36: {  	p1 =	seq.s32 s10, $0x1;
	s10 =	sld [smem:$0x3FAF];
	_ =	sdelay $0x3  }
0x37: {  	[smem:$0x3FAF] =	sst s10  }
0x38: {  	s10 =	sld [smem:$0x3FB0]  }
0x39: {  	_ = 	snop;
	(pc) =	sbr.ind lr, $3  }
0x3a: {  	_ = 	snop  }
0x3b: {  	_ = 	snop  }
0x3c: {  	p2 =	seq.s32 s10, $0x1;
	s10 =	sld [smem:$0x3FAF]  }
0x3d: {  	_ =	shalt  }
0x3e: {  	_ =	shalt  }
0x3f: {  	_ =	shalt  }
0x40: {  	_ =	shalt  }
0x41: {  	_ =	shalt  }
0x42: {  	_ =	shalt  }
0x43: {  	_ =	shalt  }
0x44: {  	_ =	shalt  }
0x45: {  	_ =	shalt  }
0x46: {  	_ =	shalt  }
0x47: {  	_ =	shalt  }
0x48: {  	_ =	shalt  }
0x49: {  	_ =	shalt  }
0x4a: {  	_ =	shalt  }
0x4b: {  	_ =	shalt  }
0x4c: {  	_ =	shalt  }
0x4d: {  	_ =	shalt  }
0x4e: {  	_ =	shalt  }
0x4f: {  	_ =	shalt  }
0x50: {  	_ =	shalt  }
0x51: {  	_ =	shalt  }
0x52: {  	_ =	shalt  }
0x53: {  	_ =	shalt  }
0x54: {  	_ =	shalt  }
0x55: {  	_ =	shalt  }
0x56: {  	_ =	shalt  }
0x57: {  	_ =	shalt  }
0x58: {  	_ =	shalt  }
0x59: {  	_ =	shalt  }
0x5a: {  	_ =	shalt  }
0x5b: {  	_ =	shalt  }
0x5c: {  	_ =	shalt  }
0x5d: {  	_ =	shalt  }
0x5e: {  	_ =	shalt  }
0x5f: {  	_ =	shalt  }
0x60: {  	_ =	shalt  }
0x61: {  	_ =	shalt  }
0x62: {  	_ =	shalt  }
0x63: {  	_ =	shalt  }
0x64: {  	_ =	shalt  }
0x65: {  	_ =	shalt  }
0x66: {  	_ =	shalt  }
0x67: {  	_ =	shalt  }
0x68: {  	_ =	shalt  }
0x69: {  	_ =	shalt  }
0x6a: {  	_ =	shalt  }
0x6b: {  	_ =	shalt  }
0x6c: {  	_ =	shalt  }
0x6d: {  	_ =	shalt  }
0x6e: {  	_ =	shalt  }
0x6f: {  	_ =	shalt  }
0x70: {  	_ =	shalt  }
0x71: {  	_ =	shalt  }
0x72: {  	_ =	shalt  }
0x73: {  	_ =	shalt  }
0x74: {  	_ =	shalt  }
0x75: {  	_ =	shalt  }
0x76: {  	_ =	shalt  }
0x77: {  	_ =	shalt  }
0x78: {  	_ =	shalt  }
0x79: {  	_ =	shalt  }
0x7a: {  	_ =	shalt  }
0x7b: {  	_ =	shalt  }
0x7c: {  	_ =	shalt  }
0x7d: {  	_ =	shalt  }
0x7e: {  	_ =	shalt  }
0x7f: {  	_ =	shalt  }
0x80: {  	_ =	shalt  }
0x81: {  	_ =	shalt  }
0x82: {  	_ =	shalt  }
0x83: {  	_ =	shalt  }
0x84: {  	_ =	shalt  }
0x85: {  	_ =	shalt  }
0x86: {  	_ =	shalt  }
0x87: {  	_ =	shalt  }
.Lfunc_end0:
.L_simem_size_0:
called_computation.2_lowered:
.L_overlay_start_0:
0x88: {  	s2 =	sld [smem:$0x3FD9]  }
0x89: {  	s3 =	sld [smem:$0x3FFE];
	_ =	sdelay $0x1  }
0x8a: {  	s1 =	srdreg.scid  }
0x8b: {  	s0 =	sand.u32 $0x1, s1  }
0x8c: {  	s16 =	sshll.u32 s0, $0xA;
	s2 =	sadd.s32 s3, s2  }
0x8d: {  	s2 =	sadd.s32 s2, s16  }
0x8e: {  	[smem:$0x3FBB] =	sst s2  }
0x8f: {  	_ = 	snop  }
0x90: {  	(tm) =	ssettm $0x1  }
0x91: {  	s17 =	sld [smem:$0x3FFB];
	_ =	sdelay $0x3  }
0x92: {  	_ =	strace s17  }
0x93: {  	s2 =	sld [smem:$0x3FFC];
	_ =	sdelay $0x3  }
0x94: {  	_ =	strace s2  }
0x95: {  	s2 =	sld [smem:$0x3FFD];
	_ =	sdelay $0x3  }
0x96: {  	_ =	strace s2  }
0x97: {  	_ =	strace $0x8FFFFFFF  }
0x98: {  	s18 =	sld [smem:$0x3FDB];
	_ =	sdelay $0x1  }
0x99: {  	s19 =	simm.s32 $_scs_section_size  }
0x9a: {  	s4 =	simm.s32 $_size__tile_overlayer_lowered;
	s5 =	simm.s32 $_tile_overlayer_lowered  }
0x9b: {  	s22 =	simm.s32 $0x1BFF;
	s21 =	sshll.u32 s5, $0x1;
	s2 =	sadd.s32 s19, s18  }
0x9c: {  	s6 =	simm.s32 $0x0;
	s20 =	sshll.u32 s4, $0x1;
	s4 =	sadd.s32 s21, s2  }
0x9d: {  	[timem:s6], [sflag:s22] =	dma.local [hbm:s4], s20  }
0x9e: {  	_ =	swait.ge [sflag:s22], s20  }
0x9f: {  	s3 =	ssub.s32 $0x0, s20;
	[sflag:s22] =	ssyncset.done $0x0  }
0xa0: {  	[sflag:s22] =	ssyncadd.s32 s3;
	_ =	sdelay $0x1  }
0xa1: {  	s23 =	simm.s32 $0x1B8B  }
0xa2: {  	_ =	swait.ge [sflag:s23], $0x1  }
0xa3: {  	[sflag:s23] =	ssyncset.done $0x0  }
0xa4: {  	s25 =	simm.s32 $0x1B8E;
	s24 =	sld [smem:$0x3FFE];
	[sflag:s23] =	ssyncadd.s32 $0xFFFFFFFF  }
0xa5: {  	s26 =	simm.s32 $execute0_lowered;
	[smem:$0x3FD2] =	sst s25  }
0xa6: {  	s4 =	sshll.u32 s26, $0x1;
	_ =	strace $0x8000004C;
	[dreg:$0x1] =	wrdreg $0xFFFFFFFF  }
0xa7: {  	s28 =	simm.s32 $_size_execute0_lowered;
	s2 =	sadd.s32 s2, s4;
	[dreg:$0x0] =	wrdreg $0x0  }
0xa8: {  	s4 =	sshll.u32 s28, $0x1;
	[dreg:$0x2] =	wrdreg s2  }
0xa9: {  	[dreg:$0x3] =	wrdreg s4  }
0xaa: {  	[dreg:$0x4] =	wrdreg $0xC0  }
0xab: {  	_ =	task [dreg:s6], $0x5FFFF  }
0xac: {  	[dreg:$0x1] =	wrdreg $0xFFFFFFFF  }
0xad: {  	[dreg:$0x0] =	wrdreg $0x60  }
0xae: {  	[dreg:$0x2] =	wrdreg s24  }
0xaf: {  	[dreg:$0x3] =	wrdreg $0x95000  }
0xb0: {  	[dreg:$0x4] =	wrdreg $0x9  }
0xb1: {  	_ =	task.clear_ibuf [dreg:s6], $0x5FFFF;
	_ =	strace $0x9000004C  }
0xb2: {  	s29 =	simm.s32 $0x9;
	_ =	strace $0x8000004E  }
0xb3: {  	_ =	swait.ge [sflag:s29], $0x1  }
0xb4: {  	[sflag:s29] =	ssyncadd.s32 $0xFFFFFFFF  }
0xb5: {  	_ =	strace $0x9000004E  }
0xb6: {  	_ =	sfence  }
0xb7: {  	s30 =	sld [smem:$0x0];
	_ =	sdelay $0x2  }
0xb8: {  	s31 =	sshll.u32 s1, $0xD;
	s1 =	sshrl.u32 s1, $0x2  }
0xb9: {  	s3 =	sand.u32 $0x4000, s31;
	s1 =	sadd.s32 s1, s30  }
0xba: {  	s0 =	sor.u32 s3, s0;
	s1 =	sshll.u32 s1, $0x11  }
0xbb: {  	s0 =	sor.u32 s1, s0  }
0xbc: {  	s0 =	sadd.s32 $0x8F2B, s0  }
0xbd: {  	[sflag:s0] =	ssyncadd.remote.s32 $0x1  }
0xbe: {  	_ =	sfence.sel $0xFFFF  }
0xbf: {  	[dreg:$0x0] =	wrdreg $0xFFFFFFFF;
	(pc) =	sbr.abs _section_cstart, $3  }
0xc0: {  	[dreg:$0x1] =	wrdreg $0xFFFFFFFF  }
0xc1: {  	_ =	task.clear_ibuf [dreg:s6], $0x2FFFF;
	_ =	strace $0x9FFFFFFF  }
0xc2: {  	(tm) =	ssettm $0x7FFFFFFF  }
0xc3: {  	_ =	shalt  }
tec
execute0_lowered:
.L_overlay_start_1:
0x0: {  	(tag) =	ssettag $0x1  }
0x1: {  	s0 =	rddreg [dreg:$0x0]  }
0x2: {  	s2 =	rddreg [dreg:$0x1];
	s12 =	stileid.u32  }
0x3: {  	s1 =	srdreg.scid;
	s4 =	smul.u32 $0x278, s12  }
0x4: {  	s3 =	simm.s32 $0x0;
	s30 =	simm.s32 $0x40;
	s7 =	smul.u32 $0x4E20, s12  }
0x5: {  	s1 =	sand.u32 $0x1, s1;
	[smem:$0x7FF] =	sst s3;
	s17 =	smul.u32 $0x9C4, s12  }
0x6: {  	s29 =	sadd.s32 $0xD0E00, s0;
	s8 =	sadd.s32 $0x3200, s0;
	s6 =	smul.u32 $0x2710, s1  }
0x7: {  	s5 =	sadd.s32 $0x34200, s0;
	_ =	strace $0x8000004D;
	s9 =	smul.u32 $0x4E200, s1  }
0x8: {  	s1 =	ssub.s32 $0x2, s1;
	[dreg:$0x7] =	wrdreg s29;
	s4 =	smin.u32 s4, $0x2498  }
0x9: {  	s11 =	sshrl.u32 s1, $0x1;
	s25 =	sshrl.u32 s7, $0x3;
	s20 =	sadd.s32 s17, s8  }
0xa: {  	s17 =	simm.s32 $0xB;
	s10 =	sshll.u32 s4, $0x4;
	s6 =	sadd.s32 s6, s4  }
0xb: {  	s9 =	sadd.s32 s7, s9;
	s1 =	ssub.s32 s1, s11;
	s4 =	sshll.u32 s4, $0x7  }
0xc: {  	[dreg:$0x3] =	wrdreg s20;
	s7 =	simm.s32 $0xD;
	s20 =	simm.s32 $0xE  }
0xd: {  	s10 =	sadd.s32 s10, s0;
	s6 =	sshll.u32 s6, $0x4;
	s4 =	sadd.s32 s4, s2  }
0xe: {  	s24 =	sshrl.u32 s9, $0x3;
	s19 =	smax.u32 s1, $0x1;
	[dreg:$0x10] =	wrdreg s4  }
0xf: {  	s21 =	sadd.s32 $0x180, s9;
	s16 =	sadd.s32 $0xD000, s10;
	[dreg:$0x15] =	wrdreg s19  }
0x10: {  	s23 =	sadd.s32 $0x140, s9;
	s13 =	sadd.s32 s29, s24;
	[dreg:$0x11] =	wrdreg s16  }
0x11: {  	s0 =	sadd.s32 s6, s0;
	s6 =	sadd.s32 s8, s25;
	[dreg:$0x8] =	wrdreg s13  }
0x12: {  	s22 =	sshrl.u32 s21, $0x3;
	s26 =	sadd.s32 $0x8, s13;
	[dreg:$0x9] =	wrdreg s6  }
0x13: {  	s1 =	sshrl.u32 s23, $0x3;
	s28 =	sadd.s32 $0x8, s6;
	[dreg:$0xa] =	wrdreg s26  }
0x14: {  	s24 =	sadd.s32 $0x1C0, s9;
	s31 =	sadd.s32 $0x10, s13;
	[dreg:$0xb] =	wrdreg s28  }
0x15: {  	s8 =	simm.s32 $0x100;
	s11 =	sadd.s32 $0x10, s6;
	[dreg:$0xc] =	wrdreg s31  }
0x16: {  	s19 =	simm.s32 $0xC;
	s14 =	sadd.s32 $0x18, s13;
	[dreg:$0xd] =	wrdreg s11  }
0x17: {  	s4 =	simm.s32 $0x10;
	s15 =	sadd.s32 $0x18, s6;
	[dreg:$0xe] =	wrdreg s14  }
0x18: {  	s10 =	simm.s32 $0x0;
	s18 =	sadd.s32 $0x9C0, s13;
	[dreg:$0xf] =	wrdreg s15  }
0x19: {  	s6 =	sadd.s32 $0x9C0, s6;
	s0 =	sadd.s32 $0x82400, s0;
	[dreg:$0x12] =	wrdreg s18  }
0x1a: {  	s25 =	sadd.s32 s1, s29;
	s1 =	simm.s32 $0x1;
	[dreg:$0x13] =	wrdreg s6  }
0x1b: {  	s13 =	simm.s32 $0x3;
	s16 =	simm.s32 $0x6;
	[dreg:$0x14] =	wrdreg s0  }
0x1c: {  	s0 =	sadd.s32 s22, s29;
	s26 =	sshrl.u32 s24, $0x3;
	[dreg:$0x5] =	wrdreg s25  }
0x1d: {  	s28 =	sadd.s32 $0x100, s9;
	s22 =	simm.s32 $0x80;
	s9 =	simm.s32 $0x12  }
0x1e: {  	s11 =	simm.s32 $0x2;
	s25 =	simm.s32 $0x4;
	[dreg:$0x4] =	wrdreg s0  }
0x1f: {  	s18 =	simm.s32 $0x7;
	[dreg:$0x16] =	wrdreg s28;
	s31 =	sadd.s32 s26, s29  }
0x20: {  	s6 =	simm.s32 $0x8;
	s0 =	simm.s32 $0xF;
	[dreg:$0x6] =	wrdreg s31  }
.LBB2_1:
0x21: {  	[dreg:$0x17] =	wrdreg s10  }
0x22: {  	s21 =	rddreg [dreg:$0x8]  }
0x23: {  	[tilespmem:s3], [sflag:$0x1] =	stream.linear.gather [hbm4b:s21+s3], $0x40, $0x38;
	[tilespmem:$0x1CD80] =	vst v63  }
0x24: {  	s28 =	rddreg [dreg:$0x9];
	s24 =	simm.s32 $0x200  }
0x25: {  	[tilespmem:s24], [sflag:$0x5] =	stream.linear.gather [hbm4b:s28+s3], $0x40, $0x38;
	[tilespmem:$0x1CD80] =	vst v63  }
0x26: {  	s10 =	rddreg [dreg:$0xa]  }
0x27: {  	[tilespmem:s22], [sflag:$0x2] =	stream.linear.gather [hbm4b:s10+s3], $0x40, $0x38;
	[tilespmem:$0x1CD80] =	vst v63  }
0x28: {  	s12 =	rddreg [dreg:$0xb];
	s26 =	simm.s32 $0x280  }
0x29: {  	[tilespmem:s26], [sflag:$0x6] =	stream.linear.gather [hbm4b:s12+s3], $0x40, $0x38;
	[tilespmem:$0x1CD80] =	vst v63  }
0x2a: {  	s14 =	rddreg [dreg:$0xc]  }
0x2b: {  	[tilespmem:s8], [sflag:$0x3] =	stream.linear.gather [hbm4b:s14+s3], $0x40, $0x38;
	[tilespmem:$0x1CD80] =	vst v63  }
0x2c: {  	s15 =	rddreg [dreg:$0xd];
	s28 =	simm.s32 $0x300  }
0x2d: {  	[tilespmem:s28], [sflag:$0x7] =	stream.linear.gather [hbm4b:s15+s3], $0x40, $0x38;
	[tilespmem:$0x1CD80] =	vst v63  }
0x2e: {  	s23 =	rddreg [dreg:$0xe];
	s12 =	simm.s32 $0x180;
	s15 =	stileid.u32  }
0x2f: {  	[tilespmem:s12], [sflag:$0x4] =	stream.linear.gather [hbm4b:s23+s3], $0x40, $0x38;
	[tilespmem:$0x1CD80] =	vst v63  }
0x30: {  	s10 =	rddreg [dreg:$0xf];
	s14 =	simm.s32 $0x380;
	s21 =	sshll.u32 s15, $0x6  }
0x31: {  	[tilespmem:s14], [sflag:$0x8] =	stream.linear.gather [hbm4b:s10+s3], $0x40, $0x38;
	[tilespmem:$0x1CD80] =	vst v63  }
0x32: {  	s14 =	sor.u32 $0x1C12, s21  }
0x33: {  	_ =	swait.ge [sflag:s1], $0x40;
	[dreg:$0x18] =	wrdreg s14  }
0x34: {  	s10 =	simm.s32 $0x400;
	[sflag:s1] =	ssyncset.done $0x0;
	s23 =	rddreg [dreg:$0x10]  }
0x35: {  	s15 =	rddreg [dreg:$0x11];
	[sflag:s1] =	ssyncadd.s32 $0xFFFFFFC0;
	s23 =	sshrl.u32 s23, $0x3  }
0x36: {  	[tilespmem:s10], [sflag:$0x9] =	stream.indirect.gather [hbm4b:s5+s30], $0x80, s3, s30, $0xb8;
	[tilespmem:$0x1CD80] =	vst v63  }
0x37: {  	[dreg:$0x19] =	wrdreg s23  }
0x38: {  	[spmem:s23], [sflag:s14] =	dma.local [hbm:s15], $0x2780  }
0x39: {  	_ =	swait.ge [sflag:s9], $0x2780  }
0x3a: {  	[sflag:s9] =	ssyncset.done $0x0  }
0x3b: {  	[sflag:s9] =	ssyncadd.s32 $0xFFFFD880  }
0x3c: {  	_ =	swait.ge [sflag:s11], $0x40  }
0x3d: {  	[sflag:s11] =	ssyncset.done $0x0  }
0x3e: {  	s9 =	simm.s32 $0x2400;
	[sflag:s11] =	ssyncadd.s32 $0xFFFFFFC0  }
0x3f: {  	[tilespmem:s9], [sflag:$0xA] =	stream.indirect.gather [hbm4b:s5+s30], $0x80, s22, s30, $0xb8;
	[tilespmem:$0x1CD80] =	vst v63  }
0x40: {  	_ =	swait.ge [sflag:s13], $0x40  }
0x41: {  	[sflag:s13] =	ssyncset.done $0x0  }
0x42: {  	s14 =	simm.s32 $0x4400;
	[sflag:s13] =	ssyncadd.s32 $0xFFFFFFC0  }
0x43: {  	[tilespmem:s14], [sflag:$0xB] =	stream.indirect.gather [hbm4b:s5+s30], $0x80, s8, s30, $0xb8;
	[tilespmem:$0x1CD80] =	vst v63  }
0x44: {  	_ =	swait.ge [sflag:s25], $0x40  }
0x45: {  	[sflag:s25] =	ssyncset.done $0x0  }
0x46: {  	s8 =	simm.s32 $0x6400;
	[sflag:s25] =	ssyncadd.s32 $0xFFFFFFC0  }
0x47: {  	[tilespmem:s8], [sflag:$0xC] =	stream.indirect.gather [hbm4b:s5+s30], $0x80, s12, s30, $0xb8;
	[tilespmem:$0x1CD80] =	vst v63  }
0x48: {  	s15 =	simm.s32 $0x9;
	[bflag:$0x0] =	sbarrier.arrive $0xFFFF  }
0x49: {  	_ =	swait.ge [sflag:s15], $0x2000  }
0x4a: {  	[sflag:s15] =	ssyncset.done $0x0  }
0x4b: {  	s23 =	simm.s32 $0x5;
	[sflag:s15] =	ssyncadd.s32 $0xFFFFE000  }
0x4c: {  	_ =	swait.ge [sflag:s23], $0x40  }
0x4d: {  	[sflag:s23] =	ssyncset.done $0x0  }
0x4e: {  	[sflag:s23] =	ssyncadd.s32 $0xFFFFFFC0;
	s23 =	rddreg [dreg:$0x16]  }
0x4f: {  	s21 =	sshrl.u32 s23, $0x3  }
0x50: {  	[spmem:s2] =	stream.indirect.scatter.add.f32 [tilespmem:s10], [sflag:$0xD], $0x80, s24, s30, $0xb8;
	[tilespmem:$0x1CD80] =	vst v63  }
0x51: {  	s21 =	sadd.s32 s29, s21;
	s29 =	simm.s32 $0xA  }
0x52: {  	[tilespmem:s3], [sflag:$0x1] =	stream.linear.gather [hbm4b:s21+s3], $0x40, $0x38;
	[tilespmem:$0x1CD80] =	vst v63  }
0x53: {  	_ =	swait.ge [sflag:s29], $0x2000  }
0x54: {  	[sflag:s29] =	ssyncset.done $0x0  }
0x55: {  	[sflag:s29] =	ssyncadd.s32 $0xFFFFE000  }
0x56: {  	_ =	swait.ge [sflag:s16], $0x40  }
0x57: {  	[sflag:s16] =	ssyncset.done $0x0  }
0x58: {  	s29 =	rddreg [dreg:$0x5];
	[sflag:s16] =	ssyncadd.s32 $0xFFFFFFC0  }
0x59: {  	[spmem:s2] =	stream.indirect.scatter.add.f32 [tilespmem:s9], [sflag:$0xE], $0x80, s26, s30, $0xb8;
	[tilespmem:$0x1CD80] =	vst v63  }
0x5a: {  	s21 =	sadd.s32 $0x0, s29  }
0x5b: {  	[tilespmem:s22], [sflag:$0x2] =	stream.linear.gather [hbm4b:s21+s3], $0x40, $0x38;
	[tilespmem:$0x1CD80] =	vst v63  }
0x5c: {  	_ =	swait.ge [sflag:s17], $0x2000  }
0x5d: {  	[sflag:s17] =	ssyncset.done $0x0  }
0x5e: {  	[sflag:s17] =	ssyncadd.s32 $0xFFFFE000  }
0x5f: {  	_ =	swait.ge [sflag:s18], $0x40  }
0x60: {  	[sflag:s18] =	ssyncset.done $0x0  }
0x61: {  	s29 =	rddreg [dreg:$0x4];
	[sflag:s18] =	ssyncadd.s32 $0xFFFFFFC0  }
0x62: {  	[spmem:s2] =	stream.indirect.scatter.add.f32 [tilespmem:s14], [sflag:$0xF], $0x80, s28, s30, $0xb8;
	[tilespmem:$0x1CD80] =	vst v63  }
0x63: {  	s15 =	simm.s32 $0x100;
	s21 =	sadd.s32 $0x0, s29  }
0x64: {  	[tilespmem:s15], [sflag:$0x3] =	stream.linear.gather [hbm4b:s21+s3], $0x40, $0x38;
	[tilespmem:$0x1CD80] =	vst v63  }
0x65: {  	_ =	swait.ge [sflag:s19], $0x2000  }
0x66: {  	[sflag:s19] =	ssyncset.done $0x0  }
0x67: {  	[sflag:s19] =	ssyncadd.s32 $0xFFFFE000  }
0x68: {  	_ =	swait.ge [sflag:s6], $0x40  }
0x69: {  	[sflag:s6] =	ssyncset.done $0x0  }
0x6a: {  	s31 =	simm.s32 $0x380;
	s22 =	rddreg [dreg:$0x6];
	[sflag:s6] =	ssyncadd.s32 $0xFFFFFFC0  }
0x6b: {  	[spmem:s2] =	stream.indirect.scatter.add.f32 [tilespmem:s8], [sflag:$0x10], $0x80, s31, s30, $0xb8;
	[tilespmem:$0x1CD80] =	vst v63  }
0x6c: {  	s21 =	sadd.s32 $0x0, s22  }
0x6d: {  	[tilespmem:s12], [sflag:$0x4] =	stream.linear.gather [hbm4b:s21+s3], $0x40, $0x38;
	[tilespmem:$0x1CD80] =	vst v63  }
0x6e: {  	_ =	swait.ge [sflag:s7], $0x2000  }
0x6f: {  	s29 =	rddreg [dreg:$0x3]  }
0x70: {  	[sflag:s7] =	ssyncset.done $0x0;
	s21 =	sadd.s32 $0x0, s29  }
0x71: {  	[sflag:s7] =	ssyncadd.s32 $0xFFFFE000;
	s12 =	sadd.s32 $0x20, s21  }
0x72: {  	[tilespmem:s24], [sflag:$0x5] =	stream.linear.gather [hbm4b:s12+s3], $0x40, $0x38;
	[tilespmem:$0x1CD80] =	vst v63  }
0x73: {  	_ =	swait.ge [sflag:s1], $0x40  }
0x74: {  	[sflag:s1] =	ssyncset.done $0x0  }
0x75: {  	[sflag:s1] =	ssyncadd.s32 $0xFFFFFFC0  }
0x76: {  	[tilespmem:s10], [sflag:$0x9] =	stream.indirect.gather [hbm4b:s5+s30], $0x80, s3, s30, $0xb8;
	[tilespmem:$0x1CD80] =	vst v63  }
0x77: {  	_ =	swait.ge [sflag:s20], $0x2000  }
0x78: {  	[sflag:s20] =	ssyncset.done $0x0  }
0x79: {  	s24 =	sadd.s32 $0x28, s21;
	[sflag:s20] =	ssyncadd.s32 $0xFFFFE000  }
0x7a: {  	[tilespmem:s26], [sflag:$0x6] =	stream.linear.gather [hbm4b:s24+s3], $0x40, $0x38;
	[tilespmem:$0x1CD80] =	vst v63  }
0x7b: {  	_ =	swait.ge [sflag:s11], $0x40  }
0x7c: {  	[sflag:s11] =	ssyncset.done $0x0  }
0x7d: {  	s31 =	simm.s32 $0x80;
	[sflag:s11] =	ssyncadd.s32 $0xFFFFFFC0  }
0x7e: {  	[tilespmem:s9], [sflag:$0xA] =	stream.indirect.gather [hbm4b:s5+s30], $0x80, s31, s30, $0xb8;
	[tilespmem:$0x1CD80] =	vst v63  }
0x7f: {  	_ =	swait.ge [sflag:s0], $0x2000  }
0x80: {  	[sflag:s0] =	ssyncset.done $0x0  }
0x81: {  	s29 =	sadd.s32 $0x30, s21;
	[sflag:s0] =	ssyncadd.s32 $0xFFFFE000  }
0x82: {  	[tilespmem:s28], [sflag:$0x7] =	stream.linear.gather [hbm4b:s29+s3], $0x40, $0x38;
	[tilespmem:$0x1CD80] =	vst v63  }
0x83: {  	_ =	swait.ge [sflag:s13], $0x40  }
0x84: {  	[sflag:s13] =	ssyncset.done $0x0  }
0x85: {  	[sflag:s13] =	ssyncadd.s32 $0xFFFFFFC0  }
0x86: {  	[tilespmem:s14], [sflag:$0xB] =	stream.indirect.gather [hbm4b:s5+s30], $0x80, s15, s30, $0xb8;
	[tilespmem:$0x1CD80] =	vst v63  }
0x87: {  	_ =	swait.ge [sflag:s4], $0x2000  }
0x88: {  	[sflag:s4] =	ssyncset.done $0x0  }
0x89: {  	s8 =	simm.s32 $0x380;
	s21 =	sadd.s32 $0x38, s21;
	[sflag:s4] =	ssyncadd.s32 $0xFFFFE000  }
0x8a: {  	[tilespmem:s8], [sflag:$0x8] =	stream.linear.gather [hbm4b:s21+s3], $0x40, $0x38;
	[tilespmem:$0x1CD80] =	vst v63  }
0x8b: {  	_ =	swait.ge [sflag:s25], $0x40  }
0x8c: {  	s22 =	sadd.s32 $0x100, s23;
	s1 =	simm.s32 $0x1;
	[sflag:s25] =	ssyncset.done $0x0  }
0x8d: {  	s11 =	simm.s32 $0x2;
	s21 =	simm.s32 $0x20;
	[sflag:s25] =	ssyncadd.s32 $0xFFFFFFC0  }
.LBB2_2:
0x8e: {  	s28 =	simm.s32 $0x180;
	s9 =	simm.s32 $0x6400;
	s8 =	simm.s32 $0x9  }
0x8f: {  	[tilespmem:s9], [sflag:$0xC] =	stream.indirect.gather [hbm4b:s5+s30], $0x80, s28, s30, $0xb8;
	[tilespmem:$0x1CD80] =	vst v63  }
0x90: {  	_ =	swait.ge [sflag:s8], $0x2000  }
0x91: {  	[sflag:s8] =	ssyncset.done $0x0  }
0x92: {  	s12 =	simm.s32 $0x5;
	[sflag:s8] =	ssyncadd.s32 $0xFFFFE000  }
0x93: {  	_ =	swait.ge [sflag:s12], $0x40  }
0x94: {  	s24 =	sshrl.u32 s22, $0x3;
	s26 =	simm.s32 $0x200;
	[sflag:s12] =	ssyncset.done $0x0  }
0x95: {  	s10 =	simm.s32 $0x400;
	s13 =	rddreg [dreg:$0x7];
	[sflag:s12] =	ssyncadd.s32 $0xFFFFFFC0  }
0x96: {  	[spmem:s2] =	stream.indirect.scatter.add.f32 [tilespmem:s10], [sflag:$0xD], $0x80, s26, s30, $0xb8;
	[tilespmem:$0x1CD80] =	vst v63  }
0x97: {  	s14 =	simm.s32 $0xA;
	s24 =	sadd.s32 s13, s24  }
0x98: {  	[tilespmem:s3], [sflag:$0x1] =	stream.linear.gather [hbm4b:s24+s3], $0x40, $0x38;
	[tilespmem:$0x1CD80] =	vst v63  }
0x99: {  	_ =	swait.ge [sflag:s14], $0x2000  }
0x9a: {  	[sflag:s14] =	ssyncset.done $0x0  }
0x9b: {  	[sflag:s14] =	ssyncadd.s32 $0xFFFFE000  }
0x9c: {  	_ =	swait.ge [sflag:s16], $0x40  }
0x9d: {  	s23 =	smov.u32 s21;
	s8 =	simm.s32 $0x280;
	[sflag:s16] =	ssyncset.done $0x0  }
0x9e: {  	s13 =	simm.s32 $0x2400;
	s15 =	rddreg [dreg:$0x5];
	[sflag:s16] =	ssyncadd.s32 $0xFFFFFFC0  }
0x9f: {  	[spmem:s2] =	stream.indirect.scatter.add.f32 [tilespmem:s13], [sflag:$0xE], $0x80, s8, s30, $0xb8;
	[tilespmem:$0x1CD80] =	vst v63  }
0xa0: {  	s24 =	sadd.s32 s23, s15  }
0xa1: {  	[tilespmem:s31], [sflag:$0x2] =	stream.linear.gather [hbm4b:s24+s3], $0x40, $0x38;
	[tilespmem:$0x1CD80] =	vst v63  }
0xa2: {  	_ =	swait.ge [sflag:s17], $0x2000  }
0xa3: {  	[sflag:s17] =	ssyncset.done $0x0  }
0xa4: {  	[sflag:s17] =	ssyncadd.s32 $0xFFFFE000  }
0xa5: {  	_ =	swait.ge [sflag:s18], $0x40  }
0xa6: {  	s12 =	simm.s32 $0x300;
	[sflag:s18] =	ssyncset.done $0x0  }
0xa7: {  	s14 =	simm.s32 $0x4400;
	s25 =	rddreg [dreg:$0x4];
	[sflag:s18] =	ssyncadd.s32 $0xFFFFFFC0  }
0xa8: {  	[spmem:s2] =	stream.indirect.scatter.add.f32 [tilespmem:s14], [sflag:$0xF], $0x80, s12, s30, $0xb8;
	[tilespmem:$0x1CD80] =	vst v63  }
0xa9: {  	s15 =	simm.s32 $0x100;
	s24 =	sadd.s32 s23, s25  }
0xaa: {  	[tilespmem:s15], [sflag:$0x3] =	stream.linear.gather [hbm4b:s24+s3], $0x40, $0x38;
	[tilespmem:$0x1CD80] =	vst v63  }
0xab: {  	_ =	swait.ge [sflag:s19], $0x2000  }
0xac: {  	[sflag:s19] =	ssyncset.done $0x0  }
0xad: {  	[sflag:s19] =	ssyncadd.s32 $0xFFFFE000  }
0xae: {  	_ =	swait.ge [sflag:s6], $0x40  }
0xaf: {  	[sflag:s6] =	ssyncset.done $0x0  }
0xb0: {  	s25 =	simm.s32 $0x380;
	s24 =	rddreg [dreg:$0x6];
	[sflag:s6] =	ssyncadd.s32 $0xFFFFFFC0  }
0xb1: {  	[spmem:s2] =	stream.indirect.scatter.add.f32 [tilespmem:s9], [sflag:$0x10], $0x80, s25, s30, $0xb8;
	[tilespmem:$0x1CD80] =	vst v63  }
0xb2: {  	s24 =	sadd.s32 s23, s24  }
0xb3: {  	[tilespmem:s28], [sflag:$0x4] =	stream.linear.gather [hbm4b:s24+s3], $0x40, $0x38;
	[tilespmem:$0x1CD80] =	vst v63  }
0xb4: {  	_ =	swait.ge [sflag:s7], $0x2000  }
0xb5: {  	s9 =	rddreg [dreg:$0x3]  }
0xb6: {  	[sflag:s7] =	ssyncset.done $0x0;
	s23 =	sadd.s32 s23, s9  }
0xb7: {  	[sflag:s7] =	ssyncadd.s32 $0xFFFFE000;
	s24 =	sadd.s32 $0x20, s23  }
0xb8: {  	[tilespmem:s26], [sflag:$0x5] =	stream.linear.gather [hbm4b:s24+s3], $0x40, $0x38;
	[tilespmem:$0x1CD80] =	vst v63  }
0xb9: {  	_ =	swait.ge [sflag:s1], $0x40  }
0xba: {  	[sflag:s1] =	ssyncset.done $0x0  }
0xbb: {  	[sflag:s1] =	ssyncadd.s32 $0xFFFFFFC0  }
0xbc: {  	[tilespmem:s10], [sflag:$0x9] =	stream.indirect.gather [hbm4b:s5+s30], $0x80, s3, s30, $0xb8;
	[tilespmem:$0x1CD80] =	vst v63  }
0xbd: {  	_ =	swait.ge [sflag:s20], $0x2000  }
0xbe: {  	[sflag:s20] =	ssyncset.done $0x0  }
0xbf: {  	s10 =	sadd.s32 $0x28, s23;
	[sflag:s20] =	ssyncadd.s32 $0xFFFFE000  }
0xc0: {  	[tilespmem:s8], [sflag:$0x6] =	stream.linear.gather [hbm4b:s10+s3], $0x40, $0x38;
	[tilespmem:$0x1CD80] =	vst v63  }
0xc1: {  	_ =	swait.ge [sflag:s11], $0x40  }
0xc2: {  	[sflag:s11] =	ssyncset.done $0x0  }
0xc3: {  	[sflag:s11] =	ssyncadd.s32 $0xFFFFFFC0  }
0xc4: {  	[tilespmem:s13], [sflag:$0xA] =	stream.indirect.gather [hbm4b:s5+s30], $0x80, s31, s30, $0xb8;
	[tilespmem:$0x1CD80] =	vst v63  }
0xc5: {  	_ =	swait.ge [sflag:s0], $0x2000  }
0xc6: {  	[sflag:s0] =	ssyncset.done $0x0  }
0xc7: {  	s24 =	sadd.s32 $0x30, s23;
	s13 =	simm.s32 $0x3;
	[sflag:s0] =	ssyncadd.s32 $0xFFFFE000  }
0xc8: {  	[tilespmem:s12], [sflag:$0x7] =	stream.linear.gather [hbm4b:s24+s3], $0x40, $0x38;
	[tilespmem:$0x1CD80] =	vst v63  }
0xc9: {  	_ =	swait.ge [sflag:s13], $0x40  }
0xca: {  	[sflag:s13] =	ssyncset.done $0x0  }
0xcb: {  	[sflag:s13] =	ssyncadd.s32 $0xFFFFFFC0  }
0xcc: {  	[tilespmem:s14], [sflag:$0xB] =	stream.indirect.gather [hbm4b:s5+s30], $0x80, s15, s30, $0xb8;
	[tilespmem:$0x1CD80] =	vst v63  }
0xcd: {  	_ =	swait.ge [sflag:s4], $0x2000  }
0xce: {  	[sflag:s4] =	ssyncset.done $0x0  }
0xcf: {  	p0 =	sne.s32 s21, $0x980;
	s23 =	sadd.s32 $0x38, s23;
	[sflag:s4] =	ssyncadd.s32 $0xFFFFE000  }
0xd0: {  	[tilespmem:s25], [sflag:$0x8] =	stream.linear.gather [hbm4b:s23+s3], $0x40, $0x38;
	[tilespmem:$0x1CD80] =	vst v63  }
.Ltmp0:
0xd1: {  	s21 =	sadd.s32 $0x20, s21;
	s29 =	simm.s32 $0x180;
	(pc) =	sbr.rel @p0 .LBB2_2-.Ltmp0, $4  }
0xd2: {  	s22 =	sadd.s32 $0x100, s22;
	s28 =	simm.s32 $0x200;
	s25 =	simm.s32 $0x4  }
0xd3: {  	s9 =	simm.s32 $0x400;
	s26 =	simm.s32 $0x280;
	_ =	swait.ge [sflag:s25], $0x40  }
0xd4: {  	s10 =	simm.s32 $0x2400;
	s8 =	simm.s32 $0x300;
	[sflag:s25] =	ssyncset.done $0x0  }
0xd5: {  	s24 =	simm.s32 $0x4400;
	s12 =	simm.s32 $0x380;
	[sflag:s25] =	ssyncadd.s32 $0xFFFFFFC0  }
0xd6: {  	s1 =	simm.s32 $0x6400;
	s11 =	simm.s32 $0x9  }
0xd7: {  	[tilespmem:s1], [sflag:$0xC] =	stream.indirect.gather [hbm4b:s5+s30], $0x80, s29, s30, $0xb8;
	[tilespmem:$0x1CD80] =	vst v63  }
0xd8: {  	_ =	swait.ge [sflag:s11], $0x2000  }
0xd9: {  	[sflag:s11] =	ssyncset.done $0x0  }
0xda: {  	s23 =	simm.s32 $0x5;
	[sflag:s11] =	ssyncadd.s32 $0xFFFFE000  }
0xdb: {  	_ =	swait.ge [sflag:s23], $0x40  }
0xdc: {  	[sflag:s23] =	ssyncset.done $0x0  }
0xdd: {  	s31 =	simm.s32 $0xA;
	[sflag:s23] =	ssyncadd.s32 $0xFFFFFFC0  }
0xde: {  	[spmem:s2] =	stream.indirect.scatter.add.f32 [tilespmem:s9], [sflag:$0xD], $0x80, s28, s30, $0xb8;
	[tilespmem:$0x1CD80] =	vst v63  }
0xdf: {  	_ =	swait.ge [sflag:s31], $0x2000  }
0xe0: {  	[sflag:s31] =	ssyncset.done $0x0  }
0xe1: {  	[sflag:s31] =	ssyncadd.s32 $0xFFFFE000  }
0xe2: {  	_ =	swait.ge [sflag:s16], $0x40  }
0xe3: {  	[sflag:s16] =	ssyncset.done $0x0  }
0xe4: {  	[sflag:s16] =	ssyncadd.s32 $0xFFFFFFC0  }
0xe5: {  	[spmem:s2] =	stream.indirect.scatter.add.f32 [tilespmem:s10], [sflag:$0xE], $0x80, s26, s30, $0xb8;
	[tilespmem:$0x1CD80] =	vst v63  }
0xe6: {  	_ =	swait.ge [sflag:s17], $0x2000  }
0xe7: {  	[sflag:s17] =	ssyncset.done $0x0  }
0xe8: {  	[sflag:s17] =	ssyncadd.s32 $0xFFFFE000  }
0xe9: {  	_ =	swait.ge [sflag:s18], $0x40  }
0xea: {  	[sflag:s18] =	ssyncset.done $0x0  }
0xeb: {  	[sflag:s18] =	ssyncadd.s32 $0xFFFFFFC0  }
0xec: {  	[spmem:s2] =	stream.indirect.scatter.add.f32 [tilespmem:s24], [sflag:$0xF], $0x80, s8, s30, $0xb8;
	[tilespmem:$0x1CD80] =	vst v63  }
0xed: {  	_ =	swait.ge [sflag:s19], $0x2000  }
0xee: {  	[sflag:s19] =	ssyncset.done $0x0  }
0xef: {  	[sflag:s19] =	ssyncadd.s32 $0xFFFFE000  }
0xf0: {  	_ =	swait.ge [sflag:s6], $0x40  }
0xf1: {  	[sflag:s6] =	ssyncset.done $0x0  }
0xf2: {  	[sflag:s6] =	ssyncadd.s32 $0xFFFFFFC0  }
0xf3: {  	[spmem:s2] =	stream.indirect.scatter.add.f32 [tilespmem:s1], [sflag:$0x10], $0x80, s12, s30, $0xb8;
	[tilespmem:$0x1CD80] =	vst v63  }
0xf4: {  	s9 =	simm.s32 $0x12;
	s10 =	simm.s32 $0x8400;
	s21 =	rddreg [dreg:$0x12]  }
0xf5: {  	[tilespmem:s10], [sflag:$0x12] =	stream.linear.gather [hbm4b:s21+s3], $0x20, $0x38;
	[tilespmem:$0x1CD80] =	vst v63  }
0xf6: {  	_ =	swait.ge [sflag:s9], $0x20  }
0xf7: {  	s14 =	simm.s32 $0x11;
	[sflag:s9] =	ssyncset.done $0x0  }
0xf8: {  	s11 =	simm.s32 $0x20;
	s12 =	simm.s32 $0x8500;
	[sflag:s9] =	ssyncadd.s32 $0xFFFFFFE0  }
0xf9: {  	[tilespmem:s12], [sflag:$0x11] =	stream.indirect.gather [hbm4b:s5+s11], $0x80, s10, s11, $0xb8;
	[tilespmem:$0x1CD80] =	vst v63  }
0xfa: {  	_ =	swait.ge [sflag:s14], $0x1000  }
0xfb: {  	[sflag:s14] =	ssyncset.done $0x0  }
0xfc: {  	s22 =	simm.s32 $0x8480;
	s15 =	rddreg [dreg:$0x13];
	[sflag:s14] =	ssyncadd.s32 $0xFFFFF000  }
0xfd: {  	[tilespmem:s22], [sflag:$0x12] =	stream.linear.gather [hbm4b:s15+s3], $0x20, $0x38;
	[tilespmem:$0x1CD80] =	vst v63  }
0xfe: {  	_ =	swait.ge [sflag:s9], $0x20  }
0xff: {  	[sflag:s9] =	ssyncset.done $0x0  }
0x100: {  	[sflag:s9] =	ssyncadd.s32 $0xFFFFFFE0  }
0x101: {  	[spmem:s2] =	stream.indirect.scatter.add.f32 [tilespmem:s12], [sflag:$0x11], $0x80, s22, s11, $0xb8;
	[tilespmem:$0x1CD80] =	vst v63  }
0x102: {  	_ =	swait.ge [sflag:s14], $0x1000  }
0x103: {  	[sflag:s14] =	ssyncset.done $0x0  }
0x104: {  	[sflag:s14] =	ssyncadd.s32 $0xFFFFF000  }
0x105: {  	_ =	swait.ge [sflag:s7], $0x2000  }
0x106: {  	[sflag:s7] =	ssyncset.done $0x0  }
0x107: {  	[sflag:s7] =	ssyncadd.s32 $0xFFFFE000  }
0x108: {  	_ =	swait.ge [sflag:s20], $0x2000  }
0x109: {  	[sflag:s20] =	ssyncset.done $0x0  }
0x10a: {  	[sflag:s20] =	ssyncadd.s32 $0xFFFFE000  }
0x10b: {  	_ =	swait.ge [sflag:s0], $0x2000  }
0x10c: {  	[sflag:s0] =	ssyncset.done $0x0  }
0x10d: {  	[sflag:s0] =	ssyncadd.s32 $0xFFFFE000  }
0x10e: {  	_ =	swait.ge [sflag:s4], $0x2000  }
0x10f: {  	[sflag:s4] =	ssyncset.done $0x0  }
0x110: {  	[sflag:s4] =	ssyncadd.s32 $0xFFFFE000  }
0x111: {  	[bflag:$0x0] =	sbarrier.arrive $0xFFFF  }
0x112: {  	s23 =	rddreg [dreg:$0x14]  }
0x113: {  	s24 =	rddreg [dreg:$0x18]  }
0x114: {  	s26 =	rddreg [dreg:$0x19]  }
0x115: {  	[hbm:s23], [sflag:s24] =	dma.local [spmem:s26], $0x2780  }
0x116: {  	_ =	swait.ge [sflag:s9], $0x2780  }
0x117: {  	s28 =	rddreg [dreg:$0x17]  }
0x118: {  	s31 =	rddreg [dreg:$0x15];
	s10 =	sadd.s32 $0x1, s28  }
0x119: {  	p0 =	sne.s32 s10, s31  }
.Ltmp1:
0x11a: {  	_ = 	snop;
	(pc) =	sbr.rel @p0 .LBB2_1-.Ltmp1, $4  }
0x11b: {  	_ = 	snop  }
0x11c: {  	s8 =	simm.s32 $0x100  }
0x11d: {  	s1 =	simm.s32 $0x1;
	s22 =	simm.s32 $0x80;
	[sflag:s9] =	ssyncset.done $0x0  }
0x11e: {  	s11 =	simm.s32 $0x2;
	s29 =	rddreg [dreg:$0x7];
	[sflag:s9] =	ssyncadd.s32 $0xFFFFD880  }
0x11f: {  	_ =	sfence.sel $0x180000  }
0x120: {  	[bflag:$0x0] =	sbarrier.arrive $0xFFFF  }
0x121: {  	_ =	strace $0x9000004D  }
0x122: {  	s0 =	stileid.u32;
	[bflag:$0x2] =	sbarrier.arrive $0xFFFF  }
0x123: {  	p0 =	sne.s32 s0, $0x0;
	s0 =	rddreg [dreg:$0x2]  }
0x124: {  	s0 =	sadd.s32 @!p0 $0x100000, s0  }
0x125: {  	[sflag:s0] =	ssyncadd.tile.s32 @!p0 $0x1;
	_ =	shalt  }
.Lfunc_end2:
_tile_overlayer_lowered:
.L_overlay_start_2:
0x126: {  	(tag) =	ssettag $0x2  }
0x127: {  	s0 =	rddreg [dreg:$0x0];
	s2 =	stileid.u32  }
0x128: {  	s1 =	rddreg [dreg:$0x1];
	p0 =	sne.s32 s2, $0x0  }
0x129: {  	s3 =	rddreg [dreg:$0x2];
	[bflag:$0x3] =	sbarrier.arrive $0xFFFF;
	s2 =	simm.s32 @!p0 $0x1C12  }
0x12a: {  	[timem:s3], [sflag:s2] =	dma.local @!p0 [hbm:s0], s1  }
0x12b: {  	s0 =	simm.s32 @!p0 $0x12  }
0x12c: {  	_ =	swait.ge @!p0 [sflag:s0], s1  }
0x12d: {  	s1 =	ssub.s32 @!p0 $0x0, s1;
	[sflag:s0] =	ssyncset.done @!p0 $0x0  }
0x12e: {  	[sflag:s0] =	ssyncadd.s32 @!p0 s1  }
0x12f: {  	[bflag:$0x3] =	sbarrier.arrive $0xFFFF  }
0x130: {  	_ =	shalt  }

// kernel: kernel.20.cloned.1.call-start
scs
__scs_entry_jumppad:
0x0: {  	(pc) =	sbr.rel $0x88, $3  }
0x1: {  	(tag) =	ssettag $0x0;
	lr =	simm.s32 $0x1  }
0x2: {  	[smem:$0x3F94] =	sst lr;
	_ =	strace $0xD0000000  }
0x3: {  	_ = 	snop  }
0x4: {  	_ = 	snop  }
0x5: {  	_ = 	snop  }
0x6: {  	_ = 	snop  }
0x7: {  	_ = 	snop  }
__scs_overlays_trampoline_lowered:
0x8: {  	[smem:$0x3FA3] =	sst s0  }
0x9: {  	[smem:$0x3FA4] =	sst s1  }
0xa: {  	[smem:$0x3FA5] =	sst s2  }
0xb: {  	[smem:$0x3FA6] =	sst s3  }
0xc: {  	[smem:$0x3FA7] =	sst s4  }
0xd: {  	[smem:$0x3FA8] =	sst s5  }
0xe: {  	[smem:$0x3FA9] =	sst s6  }
0xf: {  	[smem:$0x3FAA] =	sst s7  }
0x10: {  	[smem:$0x3FAB] =	sst s8  }
0x11: {  	[smem:$0x3FAC] =	sst s9;
	s0 =	simm.s32 @!p0 $0x0  }
0x12: {  	s1 =	sld [smem:$0x3F92];
	s0 =	simm.s32 @p0 $0x1  }
0x13: {  	[smem:$0x3FAD] =	sst s0;
	s0 =	simm.s32 @!p1 $0x0  }
0x14: {  	s2 =	sld [smem:$0x3F91];
	s0 =	simm.s32 @p1 $0x1  }
0x15: {  	[smem:$0x3FAE] =	sst s0;
	s0 =	simm.s32 @!p2 $0x0  }
0x16: {  	s3 =	sld [smem:$0x3FDB];
	s0 =	simm.s32 @p2 $0x1  }
0x17: {  	s4 =	simm.s32 $0x1BF5;
	[smem:$0x3FB0] =	sst s0  }
0x18: {  	s0 =	sld [smem:$0x3F93];
	_ =	swait.ge [sflag:s4], $0x0  }
0x19: {  	s7 =	sld [smem:$0x3F94]  }
0x1a: {  	s8 =	sadd.s32 $0xFFFFE003, lr  }
0x1b: {  	s9 =	sadd.s32 $0xFFFFFEF7, lr;
	s5 =	simm.s32 $0xFFFFFFFF;
	p2 =	slt.u32 s8, $0xFFFFF086  }
0x1c: {  	p1 =	slt.u32 s9, $0xF7A;
	s5 =	simm.s32 @!p2 $0x0  }
0x1d: {  	s5 =	simm.s32 @p1 $0x1;
	p0 =	seq.s32 s7, s2  }
0x1e: {  	s7 =	smul.u32 @!p0 $0xF7A, s2;
	p2 =	seq.s32 @!p0 s5, $0x0  }
0x1f: {  	s9 =	smul.u32 $0xF7A, s1;
	s8 =	simm.s32 @!p0 $0x1BF5;
	p2 =	por !p2, p0  }
0x20: {  	[sflag:s8] =	ssyncset.s32 @!p0 $0xFFFFF086;
	s6 =	sadd.s32 @!p0 s3, s7;
	s7 =	simm.s32 @!p0 $0x108  }
0x21: {  	s3 =	sadd.s32 s3, s9;
	s6 =	sadd.s32 @!p0 $0x88, s6;
	s7 =	simm.s32 @p2 $0x1082  }
0x22: {  	[simem:s7], [sflag:s8] =	dma.local @!p0 [hbm:s6], $0xF7A  }
0x23: {  	s9 =	sor.u32 $0xD0000000, s2;
	s6 =	simm.s32 $0x108;
	_ =	swait.ge @!p0 [sflag:s8], $0x0  }
0x24: {  	s3 =	sadd.s32 $0x88, s3;
	s6 =	simm.s32 @!p1 $0x1082;
	[sflag:s4] =	ssyncset.s32 $0xFFFFF086  }
0x25: {  	[simem:s6], [sflag:s4] =	dma.local [hbm:s3], $0xF7A  }
0x26: {  	[smem:$0x3F94] =	sst s1;
	(tag) =	ssettag s2;
	_ =	strace s9  }
0x27: {  	s1 =	sld [smem:$0x3FA4]  }
0x28: {  	s2 =	sld [smem:$0x3FA5]  }
0x29: {  	s4 =	sld [smem:$0x3FA7]  }
0x2a: {  	p0 =	seq.s32 s5, $0x0;
	s5 =	sld [smem:$0x3FA8]  }
0x2b: {  	s6 =	sld [smem:$0x3FA9]  }
0x2c: {  	s7 =	sld [smem:$0x3FAA]  }
0x2d: {  	s3 =	simm.s32 $0x108;
	s8 =	sld [smem:$0x3FAB]  }
0x2e: {  	s3 =	simm.s32 @!p0 $0x1082;
	s9 =	sld [smem:$0x3FAC]  }
0x2f: {  	lr =	sadd.s32 s0, s3;
	s0 =	sld [smem:$0x3FA3]  }
0x30: {  	s3 =	sld [smem:$0x3FA6]  }
0x31: {  	[smem:$0x3FAF] =	sst s10  }
0x32: {  	s10 =	sld [smem:$0x3FAD];
	_ =	sdelay $0x3  }
0x33: {  	p0 =	seq.s32 s10, $0x1;
	s10 =	sld [smem:$0x3FAF];
	_ =	sdelay $0x3  }
0x34: {  	[smem:$0x3FAF] =	sst s10  }
0x35: {  	s10 =	sld [smem:$0x3FAE];
	_ =	sdelay $0x3  }
0x36: {  	p1 =	seq.s32 s10, $0x1;
	s10 =	sld [smem:$0x3FAF];
	_ =	sdelay $0x3  }
0x37: {  	[smem:$0x3FAF] =	sst s10  }
0x38: {  	s10 =	sld [smem:$0x3FB0]  }
0x39: {  	_ = 	snop;
	(pc) =	sbr.ind lr, $3  }
0x3a: {  	_ = 	snop  }
0x3b: {  	_ = 	snop  }
0x3c: {  	p2 =	seq.s32 s10, $0x1;
	s10 =	sld [smem:$0x3FAF]  }
0x3d: {  	_ =	shalt  }
0x3e: {  	_ =	shalt  }
0x3f: {  	_ =	shalt  }
0x40: {  	_ =	shalt  }
0x41: {  	_ =	shalt  }
0x42: {  	_ =	shalt  }
0x43: {  	_ =	shalt  }
0x44: {  	_ =	shalt  }
0x45: {  	_ =	shalt  }
0x46: {  	_ =	shalt  }
0x47: {  	_ =	shalt  }
0x48: {  	_ =	shalt  }
0x49: {  	_ =	shalt  }
0x4a: {  	_ =	shalt  }
0x4b: {  	_ =	shalt  }
0x4c: {  	_ =	shalt  }
0x4d: {  	_ =	shalt  }
0x4e: {  	_ =	shalt  }
0x4f: {  	_ =	shalt  }
0x50: {  	_ =	shalt  }
0x51: {  	_ =	shalt  }
0x52: {  	_ =	shalt  }
0x53: {  	_ =	shalt  }
0x54: {  	_ =	shalt  }
0x55: {  	_ =	shalt  }
0x56: {  	_ =	shalt  }
0x57: {  	_ =	shalt  }
0x58: {  	_ =	shalt  }
0x59: {  	_ =	shalt  }
0x5a: {  	_ =	shalt  }
0x5b: {  	_ =	shalt  }
0x5c: {  	_ =	shalt  }
0x5d: {  	_ =	shalt  }
0x5e: {  	_ =	shalt  }
0x5f: {  	_ =	shalt  }
0x60: {  	_ =	shalt  }
0x61: {  	_ =	shalt  }
0x62: {  	_ =	shalt  }
0x63: {  	_ =	shalt  }
0x64: {  	_ =	shalt  }
0x65: {  	_ =	shalt  }
0x66: {  	_ =	shalt  }
0x67: {  	_ =	shalt  }
0x68: {  	_ =	shalt  }
0x69: {  	_ =	shalt  }
0x6a: {  	_ =	shalt  }
0x6b: {  	_ =	shalt  }
0x6c: {  	_ =	shalt  }
0x6d: {  	_ =	shalt  }
0x6e: {  	_ =	shalt  }
0x6f: {  	_ =	shalt  }
0x70: {  	_ =	shalt  }
0x71: {  	_ =	shalt  }
0x72: {  	_ =	shalt  }
0x73: {  	_ =	shalt  }
0x74: {  	_ =	shalt  }
0x75: {  	_ =	shalt  }
0x76: {  	_ =	shalt  }
0x77: {  	_ =	shalt  }
0x78: {  	_ =	shalt  }
0x79: {  	_ =	shalt  }
0x7a: {  	_ =	shalt  }
0x7b: {  	_ =	shalt  }
0x7c: {  	_ =	shalt  }
0x7d: {  	_ =	shalt  }
0x7e: {  	_ =	shalt  }
0x7f: {  	_ =	shalt  }
0x80: {  	_ =	shalt  }
0x81: {  	_ =	shalt  }
0x82: {  	_ =	shalt  }
0x83: {  	_ =	shalt  }
0x84: {  	_ =	shalt  }
0x85: {  	_ =	shalt  }
0x86: {  	_ =	shalt  }
0x87: {  	_ =	shalt  }
.Lfunc_end0:
.L_simem_size_0:
called_computation.3_lowered:
.L_overlay_start_0:
0x88: {  	s2 =	sld [smem:$0x3FD9]  }
0x89: {  	s3 =	sld [smem:$0x3FFE];
	_ =	sdelay $0x1  }
0x8a: {  	s1 =	srdreg.scid  }
0x8b: {  	s0 =	sand.u32 $0x1, s1  }
0x8c: {  	s16 =	sshll.u32 s0, $0xA;
	s2 =	sadd.s32 s3, s2  }
0x8d: {  	s2 =	sadd.s32 s2, s16  }
0x8e: {  	[smem:$0x3FBB] =	sst s2  }
0x8f: {  	_ = 	snop  }
0x90: {  	(tm) =	ssettm $0x1  }
0x91: {  	s17 =	sld [smem:$0x3FFB];
	_ =	sdelay $0x3  }
0x92: {  	_ =	strace s17  }
0x93: {  	s2 =	sld [smem:$0x3FFC];
	_ =	sdelay $0x3  }
0x94: {  	_ =	strace s2  }
0x95: {  	s2 =	sld [smem:$0x3FFD];
	_ =	sdelay $0x3  }
0x96: {  	_ =	strace s2  }
0x97: {  	_ =	strace $0x8FFFFFFF  }
0x98: {  	s18 =	sld [smem:$0x3FDB];
	_ =	sdelay $0x1  }
0x99: {  	s19 =	simm.s32 $_scs_section_size  }
0x9a: {  	s4 =	simm.s32 $_size__tile_overlayer_lowered;
	s5 =	simm.s32 $_tile_overlayer_lowered  }
0x9b: {  	s22 =	simm.s32 $0x1BFF;
	s21 =	sshll.u32 s5, $0x1;
	s2 =	sadd.s32 s19, s18  }
0x9c: {  	s6 =	simm.s32 $0x0;
	s20 =	sshll.u32 s4, $0x1;
	s4 =	sadd.s32 s21, s2  }
0x9d: {  	[timem:s6], [sflag:s22] =	dma.local [hbm:s4], s20  }
0x9e: {  	_ =	swait.ge [sflag:s22], s20  }
0x9f: {  	s3 =	ssub.s32 $0x0, s20;
	[sflag:s22] =	ssyncset.done $0x0  }
0xa0: {  	[sflag:s22] =	ssyncadd.s32 s3;
	_ =	sdelay $0x1  }
0xa1: {  	s23 =	simm.s32 $0x1B8B  }
0xa2: {  	_ =	swait.ge [sflag:s23], $0x1  }
0xa3: {  	[sflag:s23] =	ssyncset.done $0x0  }
0xa4: {  	s25 =	simm.s32 $0x1B8E;
	s24 =	sld [smem:$0x3FFE];
	[sflag:s23] =	ssyncadd.s32 $0xFFFFFFFF  }
0xa5: {  	s26 =	simm.s32 $execute0_lowered;
	[smem:$0x3FD2] =	sst s25  }
0xa6: {  	s4 =	sshll.u32 s26, $0x1;
	_ =	strace $0x8000004F;
	[dreg:$0x1] =	wrdreg $0xFFFFFFFF  }
0xa7: {  	s28 =	simm.s32 $_size_execute0_lowered;
	s2 =	sadd.s32 s2, s4;
	[dreg:$0x0] =	wrdreg $0x0  }
0xa8: {  	s4 =	sshll.u32 s28, $0x1;
	[dreg:$0x2] =	wrdreg s2  }
0xa9: {  	[dreg:$0x3] =	wrdreg s4  }
0xaa: {  	[dreg:$0x4] =	wrdreg $0xC0  }
0xab: {  	_ =	task [dreg:s6], $0x5FFFF  }
0xac: {  	[dreg:$0x1] =	wrdreg $0xFFFFFFFF  }
0xad: {  	[dreg:$0x0] =	wrdreg $0x60  }
0xae: {  	[dreg:$0x2] =	wrdreg s24  }
0xaf: {  	[dreg:$0x3] =	wrdreg $0x95000  }
0xb0: {  	[dreg:$0x4] =	wrdreg $0x9  }
0xb1: {  	_ =	task.clear_ibuf [dreg:s6], $0x5FFFF;
	_ =	strace $0x9000004F  }
0xb2: {  	s29 =	simm.s32 $0x9;
	_ =	strace $0x80000051  }
0xb3: {  	_ =	swait.ge [sflag:s29], $0x1  }
0xb4: {  	[sflag:s29] =	ssyncadd.s32 $0xFFFFFFFF  }
0xb5: {  	_ =	strace $0x90000051  }
0xb6: {  	_ =	sfence  }
0xb7: {  	s30 =	sld [smem:$0x0];
	_ =	sdelay $0x2  }
0xb8: {  	s31 =	sshll.u32 s1, $0xD;
	s1 =	sshrl.u32 s1, $0x2  }
0xb9: {  	s3 =	sand.u32 $0x4000, s31;
	s1 =	sadd.s32 s1, s30  }
0xba: {  	s0 =	sor.u32 s3, s0;
	s1 =	sshll.u32 s1, $0x11  }
0xbb: {  	s0 =	sor.u32 s1, s0  }
0xbc: {  	s0 =	sadd.s32 $0x8F2B, s0  }
0xbd: {  	[sflag:s0] =	ssyncadd.remote.s32 $0x1  }
0xbe: {  	_ =	sfence.sel $0xFFFF  }
0xbf: {  	[dreg:$0x0] =	wrdreg $0xFFFFFFFF;
	(pc) =	sbr.abs _section_cstart, $3  }
0xc0: {  	[dreg:$0x1] =	wrdreg $0xFFFFFFFF  }
0xc1: {  	_ =	task.clear_ibuf [dreg:s6], $0x2FFFF;
	_ =	strace $0x9FFFFFFF  }
0xc2: {  	(tm) =	ssettm $0x7FFFFFFF  }
0xc3: {  	_ =	shalt  }
tec
execute0_lowered:
.L_overlay_start_1:
0x0: {  	(tag) =	ssettag $0x1  }
0x1: {  	s0 =	rddreg [dreg:$0x0]  }
0x2: {  	s2 =	rddreg [dreg:$0x1];
	s12 =	stileid.u32  }
0x3: {  	s1 =	srdreg.scid;
	s4 =	smul.u32 $0x278, s12  }
0x4: {  	s3 =	simm.s32 $0x0;
	s30 =	simm.s32 $0x40;
	s7 =	smul.u32 $0x4E20, s12  }
0x5: {  	s1 =	sand.u32 $0x1, s1;
	[smem:$0x7FF] =	sst s3;
	s17 =	smul.u32 $0x9C4, s12  }
0x6: {  	s29 =	sadd.s32 $0xD0E00, s0;
	s8 =	sadd.s32 $0x3200, s0;
	s6 =	smul.u32 $0x2710, s1  }
0x7: {  	s5 =	sadd.s32 $0x34200, s0;
	_ =	strace $0x80000050;
	s9 =	smul.u32 $0x4E200, s1  }
0x8: {  	s1 =	ssub.s32 $0x2, s1;
	[dreg:$0x7] =	wrdreg s29;
	s4 =	smin.u32 s4, $0x2498  }
0x9: {  	s11 =	sshrl.u32 s1, $0x1;
	s25 =	sshrl.u32 s7, $0x3;
	s20 =	sadd.s32 s17, s8  }
0xa: {  	s17 =	simm.s32 $0xB;
	s10 =	sshll.u32 s4, $0x4;
	s6 =	sadd.s32 s6, s4  }
0xb: {  	s9 =	sadd.s32 s7, s9;
	s1 =	ssub.s32 s1, s11;
	s4 =	sshll.u32 s4, $0x7  }
0xc: {  	[dreg:$0x3] =	wrdreg s20;
	s7 =	simm.s32 $0xD;
	s20 =	simm.s32 $0xE  }
0xd: {  	s10 =	sadd.s32 s10, s0;
	s6 =	sshll.u32 s6, $0x4;
	s4 =	sadd.s32 s4, s2  }
0xe: {  	s24 =	sshrl.u32 s9, $0x3;
	s19 =	smax.u32 s1, $0x1;
	[dreg:$0x10] =	wrdreg s4  }
0xf: {  	s21 =	sadd.s32 $0x180, s9;
	s16 =	sadd.s32 $0xD000, s10;
	[dreg:$0x15] =	wrdreg s19  }
0x10: {  	s23 =	sadd.s32 $0x140, s9;
	s13 =	sadd.s32 s29, s24;
	[dreg:$0x11] =	wrdreg s16  }
0x11: {  	s0 =	sadd.s32 s6, s0;
	s6 =	sadd.s32 s8, s25;
	[dreg:$0x8] =	wrdreg s13  }
0x12: {  	s22 =	sshrl.u32 s21, $0x3;
	s26 =	sadd.s32 $0x8, s13;
	[dreg:$0x9] =	wrdreg s6  }
0x13: {  	s1 =	sshrl.u32 s23, $0x3;
	s28 =	sadd.s32 $0x8, s6;
	[dreg:$0xa] =	wrdreg s26  }
0x14: {  	s24 =	sadd.s32 $0x1C0, s9;
	s31 =	sadd.s32 $0x10, s13;
	[dreg:$0xb] =	wrdreg s28  }
0x15: {  	s8 =	simm.s32 $0x100;
	s11 =	sadd.s32 $0x10, s6;
	[dreg:$0xc] =	wrdreg s31  }
0x16: {  	s19 =	simm.s32 $0xC;
	s14 =	sadd.s32 $0x18, s13;
	[dreg:$0xd] =	wrdreg s11  }
0x17: {  	s4 =	simm.s32 $0x10;
	s15 =	sadd.s32 $0x18, s6;
	[dreg:$0xe] =	wrdreg s14  }
0x18: {  	s10 =	simm.s32 $0x0;
	s18 =	sadd.s32 $0x9C0, s13;
	[dreg:$0xf] =	wrdreg s15  }
0x19: {  	s6 =	sadd.s32 $0x9C0, s6;
	s0 =	sadd.s32 $0x82400, s0;
	[dreg:$0x12] =	wrdreg s18  }
0x1a: {  	s25 =	sadd.s32 s1, s29;
	s1 =	simm.s32 $0x1;
	[dreg:$0x13] =	wrdreg s6  }
0x1b: {  	s13 =	simm.s32 $0x3;
	s16 =	simm.s32 $0x6;
	[dreg:$0x14] =	wrdreg s0  }
0x1c: {  	s0 =	sadd.s32 s22, s29;
	s26 =	sshrl.u32 s24, $0x3;
	[dreg:$0x5] =	wrdreg s25  }
0x1d: {  	s28 =	sadd.s32 $0x100, s9;
	s22 =	simm.s32 $0x80;
	s9 =	simm.s32 $0x12  }
0x1e: {  	s11 =	simm.s32 $0x2;
	s25 =	simm.s32 $0x4;
	[dreg:$0x4] =	wrdreg s0  }
0x1f: {  	s18 =	simm.s32 $0x7;
	[dreg:$0x16] =	wrdreg s28;
	s31 =	sadd.s32 s26, s29  }
0x20: {  	s6 =	simm.s32 $0x8;
	s0 =	simm.s32 $0xF;
	[dreg:$0x6] =	wrdreg s31  }
.LBB2_1:
0x21: {  	[dreg:$0x17] =	wrdreg s10  }
0x22: {  	s21 =	rddreg [dreg:$0x8]  }
0x23: {  	[tilespmem:s3], [sflag:$0x1] =	stream.linear.gather [hbm4b:s21+s3], $0x40, $0x38;
	[tilespmem:$0x1CD80] =	vst v63  }
0x24: {  	s28 =	rddreg [dreg:$0x9];
	s24 =	simm.s32 $0x200  }
0x25: {  	[tilespmem:s24], [sflag:$0x5] =	stream.linear.gather [hbm4b:s28+s3], $0x40, $0x38;
	[tilespmem:$0x1CD80] =	vst v63  }
0x26: {  	s10 =	rddreg [dreg:$0xa]  }
0x27: {  	[tilespmem:s22], [sflag:$0x2] =	stream.linear.gather [hbm4b:s10+s3], $0x40, $0x38;
	[tilespmem:$0x1CD80] =	vst v63  }
0x28: {  	s12 =	rddreg [dreg:$0xb];
	s26 =	simm.s32 $0x280  }
0x29: {  	[tilespmem:s26], [sflag:$0x6] =	stream.linear.gather [hbm4b:s12+s3], $0x40, $0x38;
	[tilespmem:$0x1CD80] =	vst v63  }
0x2a: {  	s14 =	rddreg [dreg:$0xc]  }
0x2b: {  	[tilespmem:s8], [sflag:$0x3] =	stream.linear.gather [hbm4b:s14+s3], $0x40, $0x38;
	[tilespmem:$0x1CD80] =	vst v63  }
0x2c: {  	s15 =	rddreg [dreg:$0xd];
	s28 =	simm.s32 $0x300  }
0x2d: {  	[tilespmem:s28], [sflag:$0x7] =	stream.linear.gather [hbm4b:s15+s3], $0x40, $0x38;
	[tilespmem:$0x1CD80] =	vst v63  }
0x2e: {  	s23 =	rddreg [dreg:$0xe];
	s12 =	simm.s32 $0x180;
	s15 =	stileid.u32  }
0x2f: {  	[tilespmem:s12], [sflag:$0x4] =	stream.linear.gather [hbm4b:s23+s3], $0x40, $0x38;
	[tilespmem:$0x1CD80] =	vst v63  }
0x30: {  	s10 =	rddreg [dreg:$0xf];
	s14 =	simm.s32 $0x380;
	s21 =	sshll.u32 s15, $0x6  }
0x31: {  	[tilespmem:s14], [sflag:$0x8] =	stream.linear.gather [hbm4b:s10+s3], $0x40, $0x38;
	[tilespmem:$0x1CD80] =	vst v63  }
0x32: {  	s14 =	sor.u32 $0x1C12, s21  }
0x33: {  	_ =	swait.ge [sflag:s1], $0x40;
	[dreg:$0x18] =	wrdreg s14  }
0x34: {  	s10 =	simm.s32 $0x400;
	[sflag:s1] =	ssyncset.done $0x0;
	s23 =	rddreg [dreg:$0x10]  }
0x35: {  	s15 =	rddreg [dreg:$0x11];
	[sflag:s1] =	ssyncadd.s32 $0xFFFFFFC0;
	s23 =	sshrl.u32 s23, $0x3  }
0x36: {  	[tilespmem:s10], [sflag:$0x9] =	stream.indirect.gather [hbm4b:s5+s30], $0x80, s3, s30, $0xb8;
	[tilespmem:$0x1CD80] =	vst v63  }
0x37: {  	[dreg:$0x19] =	wrdreg s23  }
0x38: {  	[spmem:s23], [sflag:s14] =	dma.local [hbm:s15], $0x2780  }
0x39: {  	_ =	swait.ge [sflag:s9], $0x2780  }
0x3a: {  	[sflag:s9] =	ssyncset.done $0x0  }
0x3b: {  	[sflag:s9] =	ssyncadd.s32 $0xFFFFD880  }
0x3c: {  	_ =	swait.ge [sflag:s11], $0x40  }
0x3d: {  	[sflag:s11] =	ssyncset.done $0x0  }
0x3e: {  	s9 =	simm.s32 $0x2400;
	[sflag:s11] =	ssyncadd.s32 $0xFFFFFFC0  }
0x3f: {  	[tilespmem:s9], [sflag:$0xA] =	stream.indirect.gather [hbm4b:s5+s30], $0x80, s22, s30, $0xb8;
	[tilespmem:$0x1CD80] =	vst v63  }
0x40: {  	_ =	swait.ge [sflag:s13], $0x40  }
0x41: {  	[sflag:s13] =	ssyncset.done $0x0  }
0x42: {  	s14 =	simm.s32 $0x4400;
	[sflag:s13] =	ssyncadd.s32 $0xFFFFFFC0  }
0x43: {  	[tilespmem:s14], [sflag:$0xB] =	stream.indirect.gather [hbm4b:s5+s30], $0x80, s8, s30, $0xb8;
	[tilespmem:$0x1CD80] =	vst v63  }
0x44: {  	_ =	swait.ge [sflag:s25], $0x40  }
0x45: {  	[sflag:s25] =	ssyncset.done $0x0  }
0x46: {  	s8 =	simm.s32 $0x6400;
	[sflag:s25] =	ssyncadd.s32 $0xFFFFFFC0  }
0x47: {  	[tilespmem:s8], [sflag:$0xC] =	stream.indirect.gather [hbm4b:s5+s30], $0x80, s12, s30, $0xb8;
	[tilespmem:$0x1CD80] =	vst v63  }
0x48: {  	s15 =	simm.s32 $0x9;
	[bflag:$0x0] =	sbarrier.arrive $0xFFFF  }
0x49: {  	_ =	swait.ge [sflag:s15], $0x2000  }
0x4a: {  	[sflag:s15] =	ssyncset.done $0x0  }
0x4b: {  	s23 =	simm.s32 $0x5;
	[sflag:s15] =	ssyncadd.s32 $0xFFFFE000  }
0x4c: {  	_ =	swait.ge [sflag:s23], $0x40  }
0x4d: {  	[sflag:s23] =	ssyncset.done $0x0  }
0x4e: {  	[sflag:s23] =	ssyncadd.s32 $0xFFFFFFC0;
	s23 =	rddreg [dreg:$0x16]  }
0x4f: {  	s21 =	sshrl.u32 s23, $0x3  }
0x50: {  	[spmem:s2] =	stream.indirect.scatter.add.f32 [tilespmem:s10], [sflag:$0xD], $0x80, s24, s30, $0xb8;
	[tilespmem:$0x1CD80] =	vst v63  }
0x51: {  	s21 =	sadd.s32 s29, s21;
	s29 =	simm.s32 $0xA  }
0x52: {  	[tilespmem:s3], [sflag:$0x1] =	stream.linear.gather [hbm4b:s21+s3], $0x40, $0x38;
	[tilespmem:$0x1CD80] =	vst v63  }
0x53: {  	_ =	swait.ge [sflag:s29], $0x2000  }
0x54: {  	[sflag:s29] =	ssyncset.done $0x0  }
0x55: {  	[sflag:s29] =	ssyncadd.s32 $0xFFFFE000  }
0x56: {  	_ =	swait.ge [sflag:s16], $0x40  }
0x57: {  	[sflag:s16] =	ssyncset.done $0x0  }
0x58: {  	s29 =	rddreg [dreg:$0x5];
	[sflag:s16] =	ssyncadd.s32 $0xFFFFFFC0  }
0x59: {  	[spmem:s2] =	stream.indirect.scatter.add.f32 [tilespmem:s9], [sflag:$0xE], $0x80, s26, s30, $0xb8;
	[tilespmem:$0x1CD80] =	vst v63  }
0x5a: {  	s21 =	sadd.s32 $0x0, s29  }
0x5b: {  	[tilespmem:s22], [sflag:$0x2] =	stream.linear.gather [hbm4b:s21+s3], $0x40, $0x38;
	[tilespmem:$0x1CD80] =	vst v63  }
0x5c: {  	_ =	swait.ge [sflag:s17], $0x2000  }
0x5d: {  	[sflag:s17] =	ssyncset.done $0x0  }
0x5e: {  	[sflag:s17] =	ssyncadd.s32 $0xFFFFE000  }
0x5f: {  	_ =	swait.ge [sflag:s18], $0x40  }
0x60: {  	[sflag:s18] =	ssyncset.done $0x0  }
0x61: {  	s29 =	rddreg [dreg:$0x4];
	[sflag:s18] =	ssyncadd.s32 $0xFFFFFFC0  }
0x62: {  	[spmem:s2] =	stream.indirect.scatter.add.f32 [tilespmem:s14], [sflag:$0xF], $0x80, s28, s30, $0xb8;
	[tilespmem:$0x1CD80] =	vst v63  }
0x63: {  	s15 =	simm.s32 $0x100;
	s21 =	sadd.s32 $0x0, s29  }
0x64: {  	[tilespmem:s15], [sflag:$0x3] =	stream.linear.gather [hbm4b:s21+s3], $0x40, $0x38;
	[tilespmem:$0x1CD80] =	vst v63  }
0x65: {  	_ =	swait.ge [sflag:s19], $0x2000  }
0x66: {  	[sflag:s19] =	ssyncset.done $0x0  }
0x67: {  	[sflag:s19] =	ssyncadd.s32 $0xFFFFE000  }
0x68: {  	_ =	swait.ge [sflag:s6], $0x40  }
0x69: {  	[sflag:s6] =	ssyncset.done $0x0  }
0x6a: {  	s31 =	simm.s32 $0x380;
	s22 =	rddreg [dreg:$0x6];
	[sflag:s6] =	ssyncadd.s32 $0xFFFFFFC0  }
0x6b: {  	[spmem:s2] =	stream.indirect.scatter.add.f32 [tilespmem:s8], [sflag:$0x10], $0x80, s31, s30, $0xb8;
	[tilespmem:$0x1CD80] =	vst v63  }
0x6c: {  	s21 =	sadd.s32 $0x0, s22  }
0x6d: {  	[tilespmem:s12], [sflag:$0x4] =	stream.linear.gather [hbm4b:s21+s3], $0x40, $0x38;
	[tilespmem:$0x1CD80] =	vst v63  }
0x6e: {  	_ =	swait.ge [sflag:s7], $0x2000  }
0x6f: {  	s29 =	rddreg [dreg:$0x3]  }
0x70: {  	[sflag:s7] =	ssyncset.done $0x0;
	s21 =	sadd.s32 $0x0, s29  }
0x71: {  	[sflag:s7] =	ssyncadd.s32 $0xFFFFE000;
	s12 =	sadd.s32 $0x20, s21  }
0x72: {  	[tilespmem:s24], [sflag:$0x5] =	stream.linear.gather [hbm4b:s12+s3], $0x40, $0x38;
	[tilespmem:$0x1CD80] =	vst v63  }
0x73: {  	_ =	swait.ge [sflag:s1], $0x40  }
0x74: {  	[sflag:s1] =	ssyncset.done $0x0  }
0x75: {  	[sflag:s1] =	ssyncadd.s32 $0xFFFFFFC0  }
0x76: {  	[tilespmem:s10], [sflag:$0x9] =	stream.indirect.gather [hbm4b:s5+s30], $0x80, s3, s30, $0xb8;
	[tilespmem:$0x1CD80] =	vst v63  }
0x77: {  	_ =	swait.ge [sflag:s20], $0x2000  }
0x78: {  	[sflag:s20] =	ssyncset.done $0x0  }
0x79: {  	s24 =	sadd.s32 $0x28, s21;
	[sflag:s20] =	ssyncadd.s32 $0xFFFFE000  }
0x7a: {  	[tilespmem:s26], [sflag:$0x6] =	stream.linear.gather [hbm4b:s24+s3], $0x40, $0x38;
	[tilespmem:$0x1CD80] =	vst v63  }
0x7b: {  	_ =	swait.ge [sflag:s11], $0x40  }
0x7c: {  	[sflag:s11] =	ssyncset.done $0x0  }
0x7d: {  	s31 =	simm.s32 $0x80;
	[sflag:s11] =	ssyncadd.s32 $0xFFFFFFC0  }
0x7e: {  	[tilespmem:s9], [sflag:$0xA] =	stream.indirect.gather [hbm4b:s5+s30], $0x80, s31, s30, $0xb8;
	[tilespmem:$0x1CD80] =	vst v63  }
0x7f: {  	_ =	swait.ge [sflag:s0], $0x2000  }
0x80: {  	[sflag:s0] =	ssyncset.done $0x0  }
0x81: {  	s29 =	sadd.s32 $0x30, s21;
	[sflag:s0] =	ssyncadd.s32 $0xFFFFE000  }
0x82: {  	[tilespmem:s28], [sflag:$0x7] =	stream.linear.gather [hbm4b:s29+s3], $0x40, $0x38;
	[tilespmem:$0x1CD80] =	vst v63  }
0x83: {  	_ =	swait.ge [sflag:s13], $0x40  }
0x84: {  	[sflag:s13] =	ssyncset.done $0x0  }
0x85: {  	[sflag:s13] =	ssyncadd.s32 $0xFFFFFFC0  }
0x86: {  	[tilespmem:s14], [sflag:$0xB] =	stream.indirect.gather [hbm4b:s5+s30], $0x80, s15, s30, $0xb8;
	[tilespmem:$0x1CD80] =	vst v63  }
0x87: {  	_ =	swait.ge [sflag:s4], $0x2000  }
0x88: {  	[sflag:s4] =	ssyncset.done $0x0  }
0x89: {  	s8 =	simm.s32 $0x380;
	s21 =	sadd.s32 $0x38, s21;
	[sflag:s4] =	ssyncadd.s32 $0xFFFFE000  }
0x8a: {  	[tilespmem:s8], [sflag:$0x8] =	stream.linear.gather [hbm4b:s21+s3], $0x40, $0x38;
	[tilespmem:$0x1CD80] =	vst v63  }
0x8b: {  	_ =	swait.ge [sflag:s25], $0x40  }
0x8c: {  	s22 =	sadd.s32 $0x100, s23;
	s1 =	simm.s32 $0x1;
	[sflag:s25] =	ssyncset.done $0x0  }
0x8d: {  	s11 =	simm.s32 $0x2;
	s21 =	simm.s32 $0x20;
	[sflag:s25] =	ssyncadd.s32 $0xFFFFFFC0  }
.LBB2_2:
0x8e: {  	s28 =	simm.s32 $0x180;
	s9 =	simm.s32 $0x6400;
	s8 =	simm.s32 $0x9  }
0x8f: {  	[tilespmem:s9], [sflag:$0xC] =	stream.indirect.gather [hbm4b:s5+s30], $0x80, s28, s30, $0xb8;
	[tilespmem:$0x1CD80] =	vst v63  }
0x90: {  	_ =	swait.ge [sflag:s8], $0x2000  }
0x91: {  	[sflag:s8] =	ssyncset.done $0x0  }
0x92: {  	s12 =	simm.s32 $0x5;
	[sflag:s8] =	ssyncadd.s32 $0xFFFFE000  }
0x93: {  	_ =	swait.ge [sflag:s12], $0x40  }
0x94: {  	s24 =	sshrl.u32 s22, $0x3;
	s26 =	simm.s32 $0x200;
	[sflag:s12] =	ssyncset.done $0x0  }
0x95: {  	s10 =	simm.s32 $0x400;
	s13 =	rddreg [dreg:$0x7];
	[sflag:s12] =	ssyncadd.s32 $0xFFFFFFC0  }
0x96: {  	[spmem:s2] =	stream.indirect.scatter.add.f32 [tilespmem:s10], [sflag:$0xD], $0x80, s26, s30, $0xb8;
	[tilespmem:$0x1CD80] =	vst v63  }
0x97: {  	s14 =	simm.s32 $0xA;
	s24 =	sadd.s32 s13, s24  }
0x98: {  	[tilespmem:s3], [sflag:$0x1] =	stream.linear.gather [hbm4b:s24+s3], $0x40, $0x38;
	[tilespmem:$0x1CD80] =	vst v63  }
0x99: {  	_ =	swait.ge [sflag:s14], $0x2000  }
0x9a: {  	[sflag:s14] =	ssyncset.done $0x0  }
0x9b: {  	[sflag:s14] =	ssyncadd.s32 $0xFFFFE000  }
0x9c: {  	_ =	swait.ge [sflag:s16], $0x40  }
0x9d: {  	s23 =	smov.u32 s21;
	s8 =	simm.s32 $0x280;
	[sflag:s16] =	ssyncset.done $0x0  }
0x9e: {  	s13 =	simm.s32 $0x2400;
	s15 =	rddreg [dreg:$0x5];
	[sflag:s16] =	ssyncadd.s32 $0xFFFFFFC0  }
0x9f: {  	[spmem:s2] =	stream.indirect.scatter.add.f32 [tilespmem:s13], [sflag:$0xE], $0x80, s8, s30, $0xb8;
	[tilespmem:$0x1CD80] =	vst v63  }
0xa0: {  	s24 =	sadd.s32 s23, s15  }
0xa1: {  	[tilespmem:s31], [sflag:$0x2] =	stream.linear.gather [hbm4b:s24+s3], $0x40, $0x38;
	[tilespmem:$0x1CD80] =	vst v63  }
0xa2: {  	_ =	swait.ge [sflag:s17], $0x2000  }
0xa3: {  	[sflag:s17] =	ssyncset.done $0x0  }
0xa4: {  	[sflag:s17] =	ssyncadd.s32 $0xFFFFE000  }
0xa5: {  	_ =	swait.ge [sflag:s18], $0x40  }
0xa6: {  	s12 =	simm.s32 $0x300;
	[sflag:s18] =	ssyncset.done $0x0  }
0xa7: {  	s14 =	simm.s32 $0x4400;
	s25 =	rddreg [dreg:$0x4];
	[sflag:s18] =	ssyncadd.s32 $0xFFFFFFC0  }
0xa8: {  	[spmem:s2] =	stream.indirect.scatter.add.f32 [tilespmem:s14], [sflag:$0xF], $0x80, s12, s30, $0xb8;
	[tilespmem:$0x1CD80] =	vst v63  }
0xa9: {  	s15 =	simm.s32 $0x100;
	s24 =	sadd.s32 s23, s25  }
0xaa: {  	[tilespmem:s15], [sflag:$0x3] =	stream.linear.gather [hbm4b:s24+s3], $0x40, $0x38;
	[tilespmem:$0x1CD80] =	vst v63  }
0xab: {  	_ =	swait.ge [sflag:s19], $0x2000  }
0xac: {  	[sflag:s19] =	ssyncset.done $0x0  }
0xad: {  	[sflag:s19] =	ssyncadd.s32 $0xFFFFE000  }
0xae: {  	_ =	swait.ge [sflag:s6], $0x40  }
0xaf: {  	[sflag:s6] =	ssyncset.done $0x0  }
0xb0: {  	s25 =	simm.s32 $0x380;
	s24 =	rddreg [dreg:$0x6];
	[sflag:s6] =	ssyncadd.s32 $0xFFFFFFC0  }
0xb1: {  	[spmem:s2] =	stream.indirect.scatter.add.f32 [tilespmem:s9], [sflag:$0x10], $0x80, s25, s30, $0xb8;
	[tilespmem:$0x1CD80] =	vst v63  }
0xb2: {  	s24 =	sadd.s32 s23, s24  }
0xb3: {  	[tilespmem:s28], [sflag:$0x4] =	stream.linear.gather [hbm4b:s24+s3], $0x40, $0x38;
	[tilespmem:$0x1CD80] =	vst v63  }
0xb4: {  	_ =	swait.ge [sflag:s7], $0x2000  }
0xb5: {  	s9 =	rddreg [dreg:$0x3]  }
0xb6: {  	[sflag:s7] =	ssyncset.done $0x0;
	s23 =	sadd.s32 s23, s9  }
0xb7: {  	[sflag:s7] =	ssyncadd.s32 $0xFFFFE000;
	s24 =	sadd.s32 $0x20, s23  }
0xb8: {  	[tilespmem:s26], [sflag:$0x5] =	stream.linear.gather [hbm4b:s24+s3], $0x40, $0x38;
	[tilespmem:$0x1CD80] =	vst v63  }
0xb9: {  	_ =	swait.ge [sflag:s1], $0x40  }
0xba: {  	[sflag:s1] =	ssyncset.done $0x0  }
0xbb: {  	[sflag:s1] =	ssyncadd.s32 $0xFFFFFFC0  }
0xbc: {  	[tilespmem:s10], [sflag:$0x9] =	stream.indirect.gather [hbm4b:s5+s30], $0x80, s3, s30, $0xb8;
	[tilespmem:$0x1CD80] =	vst v63  }
0xbd: {  	_ =	swait.ge [sflag:s20], $0x2000  }
0xbe: {  	[sflag:s20] =	ssyncset.done $0x0  }
0xbf: {  	s10 =	sadd.s32 $0x28, s23;
	[sflag:s20] =	ssyncadd.s32 $0xFFFFE000  }
0xc0: {  	[tilespmem:s8], [sflag:$0x6] =	stream.linear.gather [hbm4b:s10+s3], $0x40, $0x38;
	[tilespmem:$0x1CD80] =	vst v63  }
0xc1: {  	_ =	swait.ge [sflag:s11], $0x40  }
0xc2: {  	[sflag:s11] =	ssyncset.done $0x0  }
0xc3: {  	[sflag:s11] =	ssyncadd.s32 $0xFFFFFFC0  }
0xc4: {  	[tilespmem:s13], [sflag:$0xA] =	stream.indirect.gather [hbm4b:s5+s30], $0x80, s31, s30, $0xb8;
	[tilespmem:$0x1CD80] =	vst v63  }
0xc5: {  	_ =	swait.ge [sflag:s0], $0x2000  }
0xc6: {  	[sflag:s0] =	ssyncset.done $0x0  }
0xc7: {  	s24 =	sadd.s32 $0x30, s23;
	s13 =	simm.s32 $0x3;
	[sflag:s0] =	ssyncadd.s32 $0xFFFFE000  }
0xc8: {  	[tilespmem:s12], [sflag:$0x7] =	stream.linear.gather [hbm4b:s24+s3], $0x40, $0x38;
	[tilespmem:$0x1CD80] =	vst v63  }
0xc9: {  	_ =	swait.ge [sflag:s13], $0x40  }
0xca: {  	[sflag:s13] =	ssyncset.done $0x0  }
0xcb: {  	[sflag:s13] =	ssyncadd.s32 $0xFFFFFFC0  }
0xcc: {  	[tilespmem:s14], [sflag:$0xB] =	stream.indirect.gather [hbm4b:s5+s30], $0x80, s15, s30, $0xb8;
	[tilespmem:$0x1CD80] =	vst v63  }
0xcd: {  	_ =	swait.ge [sflag:s4], $0x2000  }
0xce: {  	[sflag:s4] =	ssyncset.done $0x0  }
0xcf: {  	p0 =	sne.s32 s21, $0x980;
	s23 =	sadd.s32 $0x38, s23;
	[sflag:s4] =	ssyncadd.s32 $0xFFFFE000  }
0xd0: {  	[tilespmem:s25], [sflag:$0x8] =	stream.linear.gather [hbm4b:s23+s3], $0x40, $0x38;
	[tilespmem:$0x1CD80] =	vst v63  }
.Ltmp0:
0xd1: {  	s21 =	sadd.s32 $0x20, s21;
	s29 =	simm.s32 $0x180;
	(pc) =	sbr.rel @p0 .LBB2_2-.Ltmp0, $4  }
0xd2: {  	s22 =	sadd.s32 $0x100, s22;
	s28 =	simm.s32 $0x200;
	s25 =	simm.s32 $0x4  }
0xd3: {  	s9 =	simm.s32 $0x400;
	s26 =	simm.s32 $0x280;
	_ =	swait.ge [sflag:s25], $0x40  }
0xd4: {  	s10 =	simm.s32 $0x2400;
	s8 =	simm.s32 $0x300;
	[sflag:s25] =	ssyncset.done $0x0  }
0xd5: {  	s24 =	simm.s32 $0x4400;
	s12 =	simm.s32 $0x380;
	[sflag:s25] =	ssyncadd.s32 $0xFFFFFFC0  }
0xd6: {  	s1 =	simm.s32 $0x6400;
	s11 =	simm.s32 $0x9  }
0xd7: {  	[tilespmem:s1], [sflag:$0xC] =	stream.indirect.gather [hbm4b:s5+s30], $0x80, s29, s30, $0xb8;
	[tilespmem:$0x1CD80] =	vst v63  }
0xd8: {  	_ =	swait.ge [sflag:s11], $0x2000  }
0xd9: {  	[sflag:s11] =	ssyncset.done $0x0  }
0xda: {  	s23 =	simm.s32 $0x5;
	[sflag:s11] =	ssyncadd.s32 $0xFFFFE000  }
0xdb: {  	_ =	swait.ge [sflag:s23], $0x40  }
0xdc: {  	[sflag:s23] =	ssyncset.done $0x0  }
0xdd: {  	s31 =	simm.s32 $0xA;
	[sflag:s23] =	ssyncadd.s32 $0xFFFFFFC0  }
0xde: {  	[spmem:s2] =	stream.indirect.scatter.add.f32 [tilespmem:s9], [sflag:$0xD], $0x80, s28, s30, $0xb8;
	[tilespmem:$0x1CD80] =	vst v63  }
0xdf: {  	_ =	swait.ge [sflag:s31], $0x2000  }
0xe0: {  	[sflag:s31] =	ssyncset.done $0x0  }
0xe1: {  	[sflag:s31] =	ssyncadd.s32 $0xFFFFE000  }
0xe2: {  	_ =	swait.ge [sflag:s16], $0x40  }
0xe3: {  	[sflag:s16] =	ssyncset.done $0x0  }
0xe4: {  	[sflag:s16] =	ssyncadd.s32 $0xFFFFFFC0  }
0xe5: {  	[spmem:s2] =	stream.indirect.scatter.add.f32 [tilespmem:s10], [sflag:$0xE], $0x80, s26, s30, $0xb8;
	[tilespmem:$0x1CD80] =	vst v63  }
0xe6: {  	_ =	swait.ge [sflag:s17], $0x2000  }
0xe7: {  	[sflag:s17] =	ssyncset.done $0x0  }
0xe8: {  	[sflag:s17] =	ssyncadd.s32 $0xFFFFE000  }
0xe9: {  	_ =	swait.ge [sflag:s18], $0x40  }
0xea: {  	[sflag:s18] =	ssyncset.done $0x0  }
0xeb: {  	[sflag:s18] =	ssyncadd.s32 $0xFFFFFFC0  }
0xec: {  	[spmem:s2] =	stream.indirect.scatter.add.f32 [tilespmem:s24], [sflag:$0xF], $0x80, s8, s30, $0xb8;
	[tilespmem:$0x1CD80] =	vst v63  }
0xed: {  	_ =	swait.ge [sflag:s19], $0x2000  }
0xee: {  	[sflag:s19] =	ssyncset.done $0x0  }
0xef: {  	[sflag:s19] =	ssyncadd.s32 $0xFFFFE000  }
0xf0: {  	_ =	swait.ge [sflag:s6], $0x40  }
0xf1: {  	[sflag:s6] =	ssyncset.done $0x0  }
0xf2: {  	[sflag:s6] =	ssyncadd.s32 $0xFFFFFFC0  }
0xf3: {  	[spmem:s2] =	stream.indirect.scatter.add.f32 [tilespmem:s1], [sflag:$0x10], $0x80, s12, s30, $0xb8;
	[tilespmem:$0x1CD80] =	vst v63  }
0xf4: {  	s9 =	simm.s32 $0x12;
	s10 =	simm.s32 $0x8400;
	s21 =	rddreg [dreg:$0x12]  }
0xf5: {  	[tilespmem:s10], [sflag:$0x12] =	stream.linear.gather [hbm4b:s21+s3], $0x20, $0x38;
	[tilespmem:$0x1CD80] =	vst v63  }
0xf6: {  	_ =	swait.ge [sflag:s9], $0x20  }
0xf7: {  	s14 =	simm.s32 $0x11;
	[sflag:s9] =	ssyncset.done $0x0  }
0xf8: {  	s11 =	simm.s32 $0x20;
	s12 =	simm.s32 $0x8500;
	[sflag:s9] =	ssyncadd.s32 $0xFFFFFFE0  }
0xf9: {  	[tilespmem:s12], [sflag:$0x11] =	stream.indirect.gather [hbm4b:s5+s11], $0x80, s10, s11, $0xb8;
	[tilespmem:$0x1CD80] =	vst v63  }
0xfa: {  	_ =	swait.ge [sflag:s14], $0x1000  }
0xfb: {  	[sflag:s14] =	ssyncset.done $0x0  }
0xfc: {  	s22 =	simm.s32 $0x8480;
	s15 =	rddreg [dreg:$0x13];
	[sflag:s14] =	ssyncadd.s32 $0xFFFFF000  }
0xfd: {  	[tilespmem:s22], [sflag:$0x12] =	stream.linear.gather [hbm4b:s15+s3], $0x20, $0x38;
	[tilespmem:$0x1CD80] =	vst v63  }
0xfe: {  	_ =	swait.ge [sflag:s9], $0x20  }
0xff: {  	[sflag:s9] =	ssyncset.done $0x0  }
0x100: {  	[sflag:s9] =	ssyncadd.s32 $0xFFFFFFE0  }
0x101: {  	[spmem:s2] =	stream.indirect.scatter.add.f32 [tilespmem:s12], [sflag:$0x11], $0x80, s22, s11, $0xb8;
	[tilespmem:$0x1CD80] =	vst v63  }
0x102: {  	_ =	swait.ge [sflag:s14], $0x1000  }
0x103: {  	[sflag:s14] =	ssyncset.done $0x0  }
0x104: {  	[sflag:s14] =	ssyncadd.s32 $0xFFFFF000  }
0x105: {  	_ =	swait.ge [sflag:s7], $0x2000  }
0x106: {  	[sflag:s7] =	ssyncset.done $0x0  }
0x107: {  	[sflag:s7] =	ssyncadd.s32 $0xFFFFE000  }
0x108: {  	_ =	swait.ge [sflag:s20], $0x2000  }
0x109: {  	[sflag:s20] =	ssyncset.done $0x0  }
0x10a: {  	[sflag:s20] =	ssyncadd.s32 $0xFFFFE000  }
0x10b: {  	_ =	swait.ge [sflag:s0], $0x2000  }
0x10c: {  	[sflag:s0] =	ssyncset.done $0x0  }
0x10d: {  	[sflag:s0] =	ssyncadd.s32 $0xFFFFE000  }
0x10e: {  	_ =	swait.ge [sflag:s4], $0x2000  }
0x10f: {  	[sflag:s4] =	ssyncset.done $0x0  }
0x110: {  	[sflag:s4] =	ssyncadd.s32 $0xFFFFE000  }
0x111: {  	[bflag:$0x0] =	sbarrier.arrive $0xFFFF  }
0x112: {  	s23 =	rddreg [dreg:$0x14]  }
0x113: {  	s24 =	rddreg [dreg:$0x18]  }
0x114: {  	s26 =	rddreg [dreg:$0x19]  }
0x115: {  	[hbm:s23], [sflag:s24] =	dma.local [spmem:s26], $0x2780  }
0x116: {  	_ =	swait.ge [sflag:s9], $0x2780  }
0x117: {  	s28 =	rddreg [dreg:$0x17]  }
0x118: {  	s31 =	rddreg [dreg:$0x15];
	s10 =	sadd.s32 $0x1, s28  }
0x119: {  	p0 =	sne.s32 s10, s31  }
.Ltmp1:
0x11a: {  	_ = 	snop;
	(pc) =	sbr.rel @p0 .LBB2_1-.Ltmp1, $4  }
0x11b: {  	_ = 	snop  }
0x11c: {  	s8 =	simm.s32 $0x100  }
0x11d: {  	s1 =	simm.s32 $0x1;
	s22 =	simm.s32 $0x80;
	[sflag:s9] =	ssyncset.done $0x0  }
0x11e: {  	s11 =	simm.s32 $0x2;
	s29 =	rddreg [dreg:$0x7];
	[sflag:s9] =	ssyncadd.s32 $0xFFFFD880  }
0x11f: {  	_ =	sfence.sel $0x180000  }
0x120: {  	[bflag:$0x0] =	sbarrier.arrive $0xFFFF  }
0x121: {  	_ =	strace $0x90000050  }
0x122: {  	s0 =	stileid.u32;
	[bflag:$0x2] =	sbarrier.arrive $0xFFFF  }
0x123: {  	p0 =	sne.s32 s0, $0x0;
	s0 =	rddreg [dreg:$0x2]  }
0x124: {  	s0 =	sadd.s32 @!p0 $0x100000, s0  }
0x125: {  	[sflag:s0] =	ssyncadd.tile.s32 @!p0 $0x1;
	_ =	shalt  }
.Lfunc_end2:
_tile_overlayer_lowered:
.L_overlay_start_2:
0x126: {  	(tag) =	ssettag $0x2  }
0x127: {  	s0 =	rddreg [dreg:$0x0];
	s2 =	stileid.u32  }
0x128: {  	s1 =	rddreg [dreg:$0x1];
	p0 =	sne.s32 s2, $0x0  }
0x129: {  	s3 =	rddreg [dreg:$0x2];
	[bflag:$0x3] =	sbarrier.arrive $0xFFFF;
	s2 =	simm.s32 @!p0 $0x1C12  }
0x12a: {  	[timem:s3], [sflag:s2] =	dma.local @!p0 [hbm:s0], s1  }
0x12b: {  	s0 =	simm.s32 @!p0 $0x12  }
0x12c: {  	_ =	swait.ge @!p0 [sflag:s0], s1  }
0x12d: {  	s1 =	ssub.s32 @!p0 $0x0, s1;
	[sflag:s0] =	ssyncset.done @!p0 $0x0  }
0x12e: {  	[sflag:s0] =	ssyncadd.s32 @!p0 s1  }
0x12f: {  	[bflag:$0x3] =	sbarrier.arrive $0xFFFF  }
0x130: {  	_ =	shalt  }

</sc_bundles>
